<compile_context>
chip_gen: v7x
topology: tpu7x:2x2x1
jax: 0.10.2.dev20260603
libtpu: 0.0.44.dev20260713+nightly
codegen_flags: <defaults>
</compile_context>

<pallas_src>
import functools

import jax
import jax.numpy as jnp
from jax import lax
from jax.experimental import pallas as pl
from jax.experimental.pallas import tpu as pltpu
from jax.experimental.pallas import tpu_sc as plsc

N_NODES = 10000
D = 128
NP = 10240
NC = 2
NS = 16
NW = NC * NS
CH = 128
NCHUNK = 80
EPT = CH * NCHUNK
EPAD = EPT * NW
NCH0 = 160
NCH1 = 0
NQ = 5
QC = NCH0 // NQ
NCH1_SEC = 16
PAD_NODE = N_NODES + 100
ACC_R = NP
ZPT = ACC_R // NS
RPT = ACC_R // NS

_mesh = plsc.VectorSubcoreMesh(
    core_axis_name="c", subcore_axis_name="s", num_cores=NC, num_subcores=NS)


@functools.partial(
    pl.kernel,
    out_type=(jax.ShapeDtypeStruct((NW, NP), jnp.float32),
              jax.ShapeDtypeStruct((NW, NP), jnp.float32)),
    mesh=_mesh,
    scratch_types=[
        pltpu.VMEM((EPT,), jnp.int32),
        pltpu.VMEM((EPT,), jnp.int32),
        pltpu.VMEM((NP,), jnp.float32),
        pltpu.VMEM((NP,), jnp.float32),
    ],
    compiler_params=pltpu.CompilerParams(needs_layout_passes=False),
)
def _deg_kernel(src_hbm, dst_hbm, osrc_hbm, odst_hbm, src_v, dst_v, dsrc, ddst):
    c = lax.axis_index("c")
    s = lax.axis_index("s")
    w = s * NC + c
    pltpu.sync_copy(src_hbm.at[w], src_v)
    pltpu.sync_copy(dst_hbm.at[w], dst_v)

    zero16 = jnp.zeros((16,), jnp.float32)

    def zbody(i, _):
        dsrc[pl.ds(i * 16, 16)] = zero16
        ddst[pl.ds(i * 16, 16)] = zero16
        return 0

    lax.fori_loop(0, NP // 16, zbody, 0)

    ones16 = jnp.ones((16,), jnp.float32)

    def ebody(i, _):
        si = src_v[pl.ds(i * 16, 16)]
        plsc.addupdate_scatter(dsrc, [si], ones16)
        di = dst_v[pl.ds(i * 16, 16)]
        plsc.addupdate_scatter(ddst, [di], ones16)
        return 0

    lax.fori_loop(0, EPT // 16, ebody, 0)

    pltpu.sync_copy(dsrc, osrc_hbm.at[w])
    pltpu.sync_copy(ddst, odst_hbm.at[w])


@functools.partial(
    pl.kernel,
    out_type=jax.ShapeDtypeStruct((NC, NP, D), jnp.float32),
    mesh=_mesh,
    scratch_types=[
        pltpu.VMEM((QC, CH), jnp.int32),
        pltpu.VMEM((QC, CH), jnp.int32),
        pltpu.VMEM((CH, D), jnp.float32),
        pltpu.VMEM((CH, D), jnp.float32),
        pltpu.VMEM_SHARED((ACC_R, D), jnp.float32),
        pltpu.SemaphoreType.DMA,
        pltpu.SemaphoreType.DMA,
        pltpu.SemaphoreType.DMA,
        pltpu.SemaphoreType.DMA,
    ],
)
def _msg_kernel(h_hbm, src_hbm, dst_hbm, zero_hbm, out_hbm,
                src_v, dst_v, buf0, buf1, acc, sem0, sem1, sem2, sem3):
    c = lax.axis_index("c")
    s = lax.axis_index("s")
    pltpu.sync_copy(zero_hbm, acc.at[pl.ds(s * ZPT, ZPT)])
    plsc.subcore_barrier()

    for q in range(NQ):
        npairs = jnp.where(c == 0, NCH0 // NQ // 2,
                           NCH1_SEC // 2 if q * NCH1_SEC < NCH1 else 0)
        pltpu.sync_copy(src_hbm.at[s, q], src_v)
        pltpu.sync_copy(dst_hbm.at[s, q], dst_v)

        @pl.when(npairs > 0)
        def _():
            pltpu.async_copy(h_hbm.at[src_v.at[0]], buf0, sem0)
            pltpu.async_copy(h_hbm.at[src_v.at[1]], buf1, sem1)

        def body(jj, _):
            j0 = 2 * jj
            pltpu.make_async_copy(h_hbm.at[src_v.at[j0]], buf0, sem0).wait()
            pltpu.sync_copy(buf0, acc.at[dst_v.at[j0]], add=True)

            @pl.when(jj < npairs - 1)
            def _():
                pltpu.async_copy(h_hbm.at[src_v.at[j0 + 2]], buf0, sem0)

            pltpu.make_async_copy(h_hbm.at[src_v.at[j0 + 1]], buf1, sem1).wait()
            pltpu.sync_copy(buf1, acc.at[dst_v.at[j0 + 1]], add=True)

            @pl.when(jj < npairs - 1)
            def _():
                pltpu.async_copy(h_hbm.at[src_v.at[j0 + 3]], buf1, sem1)

            return 0

        lax.fori_loop(0, npairs, body, 0)

    plsc.subcore_barrier()
    pltpu.sync_copy(acc.at[pl.ds(s * RPT, RPT)], out_hbm.at[c, pl.ds(s * RPT, RPT)])


def _norm_body(s_ref, d_ref, ns_ref, nd_ref):
    sdeg = jnp.sum(s_ref[...], axis=0, keepdims=True)
    ddeg = jnp.sum(d_ref[...], axis=0, keepdims=True)
    ns_ref[...] = lax.rsqrt(jnp.clip(sdeg, 1.0, None)).T
    nd_ref[...] = lax.rsqrt(jnp.clip(ddeg, 1.0, None)).T


_norm_tc = pl.pallas_call(
    _norm_body,
    out_shape=(jax.ShapeDtypeStruct((NP, 1), jnp.float32),
               jax.ShapeDtypeStruct((NP, 1), jnp.float32)),
)


def _scale_body(x_ref, n_ref, o_ref):
    o_ref[...] = x_ref[...] * n_ref[...]


_BLK = 1024


def _scale_tc(x, n_col):
    return pl.pallas_call(
        _scale_body,
        grid=(NP // _BLK,),
        in_specs=[pl.BlockSpec((_BLK, D), lambda i: (i, 0)),
                  pl.BlockSpec((_BLK, 1), lambda i: (i, 0))],
        out_specs=pl.BlockSpec((_BLK, D), lambda i: (i, 0)),
        out_shape=jax.ShapeDtypeStruct((NP, D), jnp.float32),
    )(x, n_col)


def _mid_body(acc_ref, nd_ref, ns_ref, w_ref, b_ref, o_ref):
    agg = acc_ref[0] * nd_ref[...]
    y = jnp.dot(agg, w_ref[...], preferred_element_type=jnp.float32) + b_ref[...]
    o_ref[...] = jax.nn.relu(y) * ns_ref[...]


_MBLK = 1024


def _mid_tc(acc, nd_col, ns_col, w, b_row):
    return pl.pallas_call(
        _mid_body,
        grid=(NP // _MBLK,),
        in_specs=[pl.BlockSpec((1, _MBLK, D), lambda i: (0, i, 0)),
                  pl.BlockSpec((_MBLK, 1), lambda i: (i, 0)),
                  pl.BlockSpec((_MBLK, 1), lambda i: (i, 0)),
                  pl.BlockSpec((D, D), lambda i: (0, 0)),
                  pl.BlockSpec((1, D), lambda i: (0, 0))],
        out_specs=pl.BlockSpec((_MBLK, D), lambda i: (i, 0)),
        out_shape=jax.ShapeDtypeStruct((NP, D), jnp.float32),
    )(acc, nd_col, ns_col, w, b_row)


def _fin_body(acc_ref, nd_ref, w_ref, b_ref, o_ref):
    agg = acc_ref[0] * nd_ref[...]
    o_ref[...] = jnp.dot(agg, w_ref[...], preferred_element_type=jnp.float32) + b_ref[...]


_FBLK = 2000


def _fin_tc(acc, nd_col, w, b_row):
    return pl.pallas_call(
        _fin_body,
        grid=(N_NODES // _FBLK,),
        in_specs=[pl.BlockSpec((1, _FBLK, D), lambda i: (0, i, 0)),
                  pl.BlockSpec((_FBLK, 1), lambda i: (i, 0)),
                  pl.BlockSpec((D, D), lambda i: (0, 0)),
                  pl.BlockSpec((1, D), lambda i: (0, 0))],
        out_specs=pl.BlockSpec((_FBLK, D), lambda i: (i, 0)),
        out_shape=jax.ShapeDtypeStruct((N_NODES, D), jnp.float32),
    )(acc, nd_col, w, b_row)


def kernel(features, edge_index, W1, b1, W2, b2):
    feat = features.astype(jnp.float32)
    ei = edge_index.astype(jnp.int32)
    n_edges = ei.shape[1]
    pad = EPAD - n_edges
    src_deg = jnp.concatenate(
        [ei[0], jnp.full((pad,), PAD_NODE, jnp.int32)]).reshape(NW, EPT)
    dst_deg = jnp.concatenate(
        [ei[1], jnp.full((pad,), PAD_NODE, jnp.int32)]).reshape(NW, EPT)
    src3 = src_deg.reshape(NS, NQ, QC, CH)
    dst3 = dst_deg.reshape(NS, NQ, QC, CH)

    feat_p = jnp.pad(feat, ((0, NP - N_NODES), (0, 0)))
    zrows = jnp.zeros((ZPT, D), jnp.float32)
    b1r = b1.reshape(1, D)
    b2r = b2.reshape(1, D)

    dsrc_p, ddst_p = _deg_kernel(src_deg, dst_deg)
    ns_col, nd_col = _norm_tc(dsrc_p, ddst_p)

    h1 = _scale_tc(feat_p, ns_col)
    acc1 = _msg_kernel(h1, src3, dst3, zrows)
    h2 = _mid_tc(acc1, nd_col, ns_col, W1, b1r)
    acc2 = _msg_kernel(h2, src3, dst3, zrows)
    return _fin_tc(acc2, nd_col, W2, b2r)

# --- scband reference (transcript-rebuilt; emitter-appended) ---
"""Pipeline reference for scband-gcn-755914244198 (READ-ONLY COPY).

The authoritative reference and input builder live on the scoring server;
editing this copy changes nothing except your own understanding.
"""

import jax, jax.numpy as jnp
import numpy as np

N_NODES = 10000
N_EDGES = 320000
IN_SIZE = 128
HID_SIZE = 128
OUT_SIZE = 128


def setup_inputs(seed: int = 0) -> dict:
    key = jax.random.key(seed)
    k1, k2, k3, k4, k5, k6 = jax.random.split(key, 6)
    features = jax.random.normal(k1, (N_NODES, IN_SIZE), dtype=jnp.float32)
    edge_index = jax.random.randint(k2, (2, N_EDGES), 0, N_NODES, dtype=jnp.int64)
    # GraphConv (DGL-style, norm='both') weights, Glorot init
    lim1 = float(np.sqrt(6.0 / (IN_SIZE + HID_SIZE)))
    W1 = jax.random.uniform(k3, (IN_SIZE, HID_SIZE), minval=-lim1, maxval=lim1, dtype=jnp.float32)
    b1 = jnp.zeros((HID_SIZE,), dtype=jnp.float32)
    lim2 = float(np.sqrt(6.0 / (HID_SIZE + OUT_SIZE)))
    W2 = jax.random.uniform(k4, (HID_SIZE, OUT_SIZE), minval=-lim2, maxval=lim2, dtype=jnp.float32)
    b2 = jnp.zeros((OUT_SIZE,), dtype=jnp.float32)
    return {"features": features, "edge_index": edge_index, "W1": W1, "b1": b1, "W2": W2, "b2": b2}


def _graph_conv(x, src, dst, W, b, activation=None):
    # DGL GraphConv with norm='both':
    # h = D_dst^{-1/2} * A^T * (D_src^{-1/2} * x) @ W + b
    n = x.shape[0]
    ones = jnp.ones((src.shape[0],), dtype=x.dtype)
    out_deg = jnp.zeros((n,), dtype=x.dtype).at[src].add(ones)
    in_deg = jnp.zeros((n,), dtype=x.dtype).at[dst].add(ones)
    norm_src = jax.lax.rsqrt(jnp.clip(out_deg, 1.0, None))
    norm_dst = jax.lax.rsqrt(jnp.clip(in_deg, 1.0, None))
    h = x * norm_src[:, None]
    # mult W first when in_feats > out_feats would be equivalent; here sizes equal
    msg = jnp.take(h, src, axis=0)
    agg = jnp.zeros((n, h.shape[1]), dtype=x.dtype).at[dst].add(msg)
    agg = agg * norm_dst[:, None]
    out = agg @ W + b
    if activation is not None:
        out = activation(out)
    return out


def reference(features, edge_index, W1, b1, W2, b2):
    src = edge_index[0]
    dst = edge_index[1]
    h = _graph_conv(features, src, dst, W1, b1, activation=jax.nn.relu)
    # dropout(p=0.5) in eval mode is identity
    h = _graph_conv(h, src, dst, W2, b2, activation=None)
    return h

if __name__ == "__main__":
    import jax
    _d = setup_inputs()
    print(jax.jit(kernel)(*tuple(_d.values())))

</pallas_src>

<mosaic_0001>
#map = affine_map<(d0, d1) -> (0, 0)>
#map1 = affine_map<(d0, d1) -> (0, 0, 0, 0)>
#map2 = affine_map<(d0, d1) -> (0, 0, 0)>
module attributes {stable_mosaic.version = 14 : i64} {
  func.func @_msg_kernel(%arg0: i32, %arg1: i32, %arg2: memref<10240x128xf32, #tpu.memory_space<hbm>>, %arg3: memref<16x5x32x128xi32, #tpu.memory_space<hbm>>, %arg4: memref<16x5x32x128xi32, #tpu.memory_space<hbm>>, %arg5: memref<640x128xf32, #tpu.memory_space<hbm>>, %arg6: memref<2x10240x128xf32, #tpu.memory_space<hbm>>, %arg7: memref<32x128xi32, #tpu.memory_space<vmem>>, %arg8: memref<32x128xi32, #tpu.memory_space<vmem>>, %arg9: memref<128x128xf32, #tpu.memory_space<vmem>>, %arg10: memref<128x128xf32, #tpu.memory_space<vmem>>, %arg11: memref<10240x128xf32, #tpu.memory_space<vmem_shared>>, %arg12: memref<!tpu.dma_semaphore, #tpu.memory_space<semaphore_mem>>, %arg13: memref<!tpu.dma_semaphore, #tpu.memory_space<semaphore_mem>>, %arg14: memref<!tpu.dma_semaphore, #tpu.memory_space<semaphore_mem>>, %arg15: memref<!tpu.dma_semaphore, #tpu.memory_space<semaphore_mem>>) attributes {dimension_semantics = [#tpu.dimension_semantics<core_parallel>, #tpu.dimension_semantics<subcore_parallel>], iteration_bounds = array<i64: 2, 16>, scalar_prefetch = 0 : i64, scratch_operands = 9 : i64, tpu.core_type = #tpu.core_type<sc_vector_subcore>, window_params = [{transform_indices = #map}, {transform_indices = #map1}, {transform_indices = #map1}, {transform_indices = #map}, {transform_indices = #map2}]} {
    %mul3A = arith.constant 640 : i32
    %mul3A_0 = arith.muli %arg1, %mul3A : i32
    "tpu.region"() ({
      %run_scoped3A_118 = tpu.sem_alloc : memref<!tpu.dma_semaphore, #tpu.memory_space<semaphore_mem>>
      %dma_start3A = arith.constant 0 : i32
      %dma_start3A_119 = tpu.memref_slice %arg11[%mul3A_0, %dma_start3A] : memref<10240x128xf32, #tpu.memory_space<vmem_shared>> -> memref<640x128xf32, #tpu.memory_space<vmem_shared>>
      tpu.enqueue_dma source(%arg5 : memref<640x128xf32, #tpu.memory_space<hbm>>) target(%dma_start3A_119 : memref<640x128xf32, #tpu.memory_space<vmem_shared>>) target_semaphore(%run_scoped3A_118 : memref<!tpu.dma_semaphore, #tpu.memory_space<semaphore_mem>>)
      %dma_wait3A = arith.constant 0 : i32
      %dma_wait3A_120 = tpu.memref_slice %arg11[%mul3A_0, %dma_wait3A] : memref<10240x128xf32, #tpu.memory_space<vmem_shared>> -> memref<640x128xf32, #tpu.memory_space<vmem_shared>>
      tpu.wait_dma2 semaphore(%run_scoped3A_118 : memref<!tpu.dma_semaphore, #tpu.memory_space<semaphore_mem>>) src(%arg5 : memref<640x128xf32, #tpu.memory_space<hbm>>) dst(%dma_wait3A_120 : memref<640x128xf32, #tpu.memory_space<vmem_shared>>)
      tpu.yield
    }) : () -> ()
    %barrier3A = arith.constant 0 : index
    tpu.barrier barrier_id(%barrier3A)
    %eq3A = arith.constant 0 : i32
    %eq3A_1 = arith.cmpi eq, %arg0, %eq3A : i32
    %jit3A = arith.constant 16 : i32
    %jit3A_2 = arith.constant 0 : i32
    %select_n3A = arith.select %eq3A_1, %jit3A, %jit3A_2 : i32
    %run_scoped3A = arith.constant 0 : i32
    "tpu.region"() ({
      %run_scoped3A_118 = tpu.sem_alloc : memref<!tpu.dma_semaphore, #tpu.memory_space<semaphore_mem>>
      %dma_start3A = arith.constant 0 : i32
      %dma_start3A_119 = arith.constant 0 : i32
      %dma_start3A_120 = tpu.memref_slice %arg3[%arg1, %run_scoped3A, %dma_start3A, %dma_start3A_119] : memref<16x5x32x128xi32, #tpu.memory_space<hbm>> -> memref<1x1x32x128xi32, #tpu.memory_space<hbm>>
      %dma_start3A_121 = tpu.memref_squeeze %dma_start3A_120 : memref<1x1x32x128xi32, #tpu.memory_space<hbm>> -> memref<32x128xi32, #tpu.memory_space<hbm>>
      %dma_start3A_122 = arith.constant 0 : i32
      %dma_start3A_123 = arith.constant 0 : i32
      %dma_start3A_124 = tpu.memref_slice %arg3[%arg1, %run_scoped3A, %dma_start3A_122, %dma_start3A_123] : memref<16x5x32x128xi32, #tpu.memory_space<hbm>> -> memref<1x1x32x128xi32, #tpu.memory_space<hbm>>
      %dma_start3A_125 = tpu.memref_squeeze %dma_start3A_124 : memref<1x1x32x128xi32, #tpu.memory_space<hbm>> -> memref<32x128xi32, #tpu.memory_space<hbm>>
      tpu.enqueue_dma source(%dma_start3A_125 : memref<32x128xi32, #tpu.memory_space<hbm>>) target(%arg7 : memref<32x128xi32, #tpu.memory_space<vmem>>) target_semaphore(%run_scoped3A_118 : memref<!tpu.dma_semaphore, #tpu.memory_space<semaphore_mem>>)
      %dma_wait3A = arith.constant 0 : i32
      %dma_wait3A_126 = arith.constant 0 : i32
      %dma_wait3A_127 = tpu.memref_slice %arg3[%arg1, %run_scoped3A, %dma_wait3A, %dma_wait3A_126] : memref<16x5x32x128xi32, #tpu.memory_space<hbm>> -> memref<1x1x32x128xi32, #tpu.memory_space<hbm>>
      %dma_wait3A_128 = tpu.memref_squeeze %dma_wait3A_127 : memref<1x1x32x128xi32, #tpu.memory_space<hbm>> -> memref<32x128xi32, #tpu.memory_space<hbm>>
      %dma_wait3A_129 = arith.constant 0 : i32
      %dma_wait3A_130 = arith.constant 0 : i32
      %dma_wait3A_131 = tpu.memref_slice %arg3[%arg1, %run_scoped3A, %dma_wait3A_129, %dma_wait3A_130] : memref<16x5x32x128xi32, #tpu.memory_space<hbm>> -> memref<1x1x32x128xi32, #tpu.memory_space<hbm>>
      %dma_wait3A_132 = tpu.memref_squeeze %dma_wait3A_131 : memref<1x1x32x128xi32, #tpu.memory_space<hbm>> -> memref<32x128xi32, #tpu.memory_space<hbm>>
      tpu.wait_dma2 semaphore(%run_scoped3A_118 : memref<!tpu.dma_semaphore, #tpu.memory_space<semaphore_mem>>) src(%dma_wait3A_132 : memref<32x128xi32, #tpu.memory_space<hbm>>) dst(%arg7 : memref<32x128xi32, #tpu.memory_space<vmem>>)
      tpu.yield
    }) : () -> ()
    %run_scoped3A_3 = arith.constant 0 : i32
    "tpu.region"() ({
      %run_scoped3A_118 = tpu.sem_alloc : memref<!tpu.dma_semaphore, #tpu.memory_space<semaphore_mem>>
      %dma_start3A = arith.constant 0 : i32
      %dma_start3A_119 = arith.constant 0 : i32
      %dma_start3A_120 = tpu.memref_slice %arg4[%arg1, %run_scoped3A_3, %dma_start3A, %dma_start3A_119] : memref<16x5x32x128xi32, #tpu.memory_space<hbm>> -> memref<1x1x32x128xi32, #tpu.memory_space<hbm>>
      %dma_start3A_121 = tpu.memref_squeeze %dma_start3A_120 : memref<1x1x32x128xi32, #tpu.memory_space<hbm>> -> memref<32x128xi32, #tpu.memory_space<hbm>>
      %dma_start3A_122 = arith.constant 0 : i32
      %dma_start3A_123 = arith.constant 0 : i32
      %dma_start3A_124 = tpu.memref_slice %arg4[%arg1, %run_scoped3A_3, %dma_start3A_122, %dma_start3A_123] : memref<16x5x32x128xi32, #tpu.memory_space<hbm>> -> memref<1x1x32x128xi32, #tpu.memory_space<hbm>>
      %dma_start3A_125 = tpu.memref_squeeze %dma_start3A_124 : memref<1x1x32x128xi32, #tpu.memory_space<hbm>> -> memref<32x128xi32, #tpu.memory_space<hbm>>
      tpu.enqueue_dma source(%dma_start3A_125 : memref<32x128xi32, #tpu.memory_space<hbm>>) target(%arg8 : memref<32x128xi32, #tpu.memory_space<vmem>>) target_semaphore(%run_scoped3A_118 : memref<!tpu.dma_semaphore, #tpu.memory_space<semaphore_mem>>)
      %dma_wait3A = arith.constant 0 : i32
      %dma_wait3A_126 = arith.constant 0 : i32
      %dma_wait3A_127 = tpu.memref_slice %arg4[%arg1, %run_scoped3A_3, %dma_wait3A, %dma_wait3A_126] : memref<16x5x32x128xi32, #tpu.memory_space<hbm>> -> memref<1x1x32x128xi32, #tpu.memory_space<hbm>>
      %dma_wait3A_128 = tpu.memref_squeeze %dma_wait3A_127 : memref<1x1x32x128xi32, #tpu.memory_space<hbm>> -> memref<32x128xi32, #tpu.memory_space<hbm>>
      %dma_wait3A_129 = arith.constant 0 : i32
      %dma_wait3A_130 = arith.constant 0 : i32
      %dma_wait3A_131 = tpu.memref_slice %arg4[%arg1, %run_scoped3A_3, %dma_wait3A_129, %dma_wait3A_130] : memref<16x5x32x128xi32, #tpu.memory_space<hbm>> -> memref<1x1x32x128xi32, #tpu.memory_space<hbm>>
      %dma_wait3A_132 = tpu.memref_squeeze %dma_wait3A_131 : memref<1x1x32x128xi32, #tpu.memory_space<hbm>> -> memref<32x128xi32, #tpu.memory_space<hbm>>
      tpu.wait_dma2 semaphore(%run_scoped3A_118 : memref<!tpu.dma_semaphore, #tpu.memory_space<semaphore_mem>>) src(%dma_wait3A_132 : memref<32x128xi32, #tpu.memory_space<hbm>>) dst(%arg8 : memref<32x128xi32, #tpu.memory_space<vmem>>)
      tpu.yield
    }) : () -> ()
    %gt3A = arith.constant 0 : i32
    %gt3A_4 = arith.cmpi sgt, %select_n3A, %gt3A : i32
    %convert_element_type3A = arith.extui %gt3A_4 : i1 to i32
    %cond3A = arith.constant 0 : i32
    %cond3A_5 = arith.cmpi ne, %convert_element_type3A, %cond3A : i32
    scf.if %cond3A_5 {
      %dma_start3A = arith.constant 0 : i32
      %dma_start3A_118 = arith.constant 0 : i32
      %dma_start3A_119 = tpu.memref_slice %arg7[%dma_start3A, %dma_start3A_118] : memref<32x128xi32, #tpu.memory_space<vmem>> -> memref<1x128xi32, #tpu.memory_space<vmem>>
      %dma_start3A_120 = tpu.memref_squeeze %dma_start3A_119 : memref<1x128xi32, #tpu.memory_space<vmem>> -> memref<128xi32, #tpu.memory_space<vmem>>
      %dma_start3A_121 = arith.constant 0 : i32
      %dma_start3A_122 = arith.constant 0 : i32
      %dma_start3A_123 = tpu.memref_slice %arg2[%dma_start3A_121, %dma_start3A_122] : memref<10240x128xf32, #tpu.memory_space<hbm>> -> memref<10240x128xf32, #tpu.memory_space<hbm>>
      tpu.enqueue_indirect_dma source(%dma_start3A_123 : memref<10240x128xf32, #tpu.memory_space<hbm>>) target(%arg9 : memref<128x128xf32, #tpu.memory_space<vmem>>) offsets(%dma_start3A_120 : memref<128xi32, #tpu.memory_space<vmem>>) semaphore(%arg12 : memref<!tpu.dma_semaphore, #tpu.memory_space<semaphore_mem>>)
      %dma_start3A_124 = arith.constant 1 : i32
      %dma_start3A_125 = arith.constant 0 : i32
      %dma_start3A_126 = tpu.memref_slice %arg7[%dma_start3A_124, %dma_start3A_125] : memref<32x128xi32, #tpu.memory_space<vmem>> -> memref<1x128xi32, #tpu.memory_space<vmem>>
      %dma_start3A_127 = tpu.memref_squeeze %dma_start3A_126 : memref<1x128xi32, #tpu.memory_space<vmem>> -> memref<128xi32, #tpu.memory_space<vmem>>
      %dma_start3A_128 = arith.constant 0 : i32
      %dma_start3A_129 = arith.constant 0 : i32
      %dma_start3A_130 = tpu.memref_slice %arg2[%dma_start3A_128, %dma_start3A_129] : memref<10240x128xf32, #tpu.memory_space<hbm>> -> memref<10240x128xf32, #tpu.memory_space<hbm>>
      tpu.enqueue_indirect_dma source(%dma_start3A_130 : memref<10240x128xf32, #tpu.memory_space<hbm>>) target(%arg10 : memref<128x128xf32, #tpu.memory_space<vmem>>) offsets(%dma_start3A_127 : memref<128xi32, #tpu.memory_space<vmem>>) semaphore(%arg13 : memref<!tpu.dma_semaphore, #tpu.memory_space<semaphore_mem>>)
    } else {
    }
    %while3A = arith.constant 0 : i32
    %while3A_6 = arith.constant 0 : i32
    %while3A_7 = arith.subi %select_n3A, %while3A : i32
    %while3A_8 = arith.addi %while3A, %while3A_7 : i32
    %while3A_9 = arith.constant 1 : i32
    %while3A_10 = arith.divsi %while3A_7, %while3A_9 : i32
    %while3A_11 = arith.muli %while3A_10, %while3A_9 : i32
    %while3A_12 = arith.addi %while3A, %while3A_11 : i32
    %while3A_13 = arith.constant 1 : i32
    %while3A_14 = scf.for %while3A_118 = %while3A to %while3A_12 step %while3A_13 iter_args(%while3A_119 = %while3A_6) -> (i32)  : i32 {
      %mul3A_120 = arith.constant 2 : i32
      %mul3A_121 = arith.muli %mul3A_120, %while3A_118 : i32
      %dma_wait3A = arith.constant 0 : i32
      %dma_wait3A_122 = tpu.memref_slice %arg7[%mul3A_121, %dma_wait3A] : memref<32x128xi32, #tpu.memory_space<vmem>> -> memref<1x128xi32, #tpu.memory_space<vmem>>
      %dma_wait3A_123 = tpu.memref_squeeze %dma_wait3A_122 : memref<1x128xi32, #tpu.memory_space<vmem>> -> memref<128xi32, #tpu.memory_space<vmem>>
      %dma_wait3A_124 = arith.constant 0 : i32
      %dma_wait3A_125 = arith.constant 0 : i32
      %dma_wait3A_126 = tpu.memref_slice %arg2[%dma_wait3A_124, %dma_wait3A_125] : memref<10240x128xf32, #tpu.memory_space<hbm>> -> memref<10240x128xf32, #tpu.memory_space<hbm>>
      tpu.wait_indirect_dma semaphore(%arg12 : memref<!tpu.dma_semaphore, #tpu.memory_space<semaphore_mem>>) src(%dma_wait3A_126 : memref<10240x128xf32, #tpu.memory_space<hbm>>) dst(%arg9 : memref<128x128xf32, #tpu.memory_space<vmem>>)
      "tpu.region"() ({
        %run_scoped3A_147 = tpu.sem_alloc : memref<!tpu.dma_semaphore, #tpu.memory_space<semaphore_mem>>
        %dma_start3A = arith.constant 0 : i32
        %dma_start3A_148 = tpu.memref_slice %arg8[%mul3A_121, %dma_start3A] : memref<32x128xi32, #tpu.memory_space<vmem>> -> memref<1x128xi32, #tpu.memory_space<vmem>>
        %dma_start3A_149 = tpu.memref_squeeze %dma_start3A_148 : memref<1x128xi32, #tpu.memory_space<vmem>> -> memref<128xi32, #tpu.memory_space<vmem>>
        %dma_start3A_150 = arith.constant 0 : i32
        %dma_start3A_151 = arith.constant 0 : i32
        %dma_start3A_152 = tpu.memref_slice %arg11[%dma_start3A_150, %dma_start3A_151] : memref<10240x128xf32, #tpu.memory_space<vmem_shared>> -> memref<10240x128xf32, #tpu.memory_space<vmem_shared>>
        tpu.enqueue_indirect_dma source(%arg9 : memref<128x128xf32, #tpu.memory_space<vmem>>) target(%dma_start3A_152 : memref<10240x128xf32, #tpu.memory_space<vmem_shared>>) offsets(%dma_start3A_149 : memref<128xi32, #tpu.memory_space<vmem>>) semaphore(%run_scoped3A_147 : memref<!tpu.dma_semaphore, #tpu.memory_space<semaphore_mem>>) {add = true}
        %dma_wait3A_153 = arith.constant 0 : i32
        %dma_wait3A_154 = tpu.memref_slice %arg8[%mul3A_121, %dma_wait3A_153] : memref<32x128xi32, #tpu.memory_space<vmem>> -> memref<1x128xi32, #tpu.memory_space<vmem>>
        %dma_wait3A_155 = tpu.memref_squeeze %dma_wait3A_154 : memref<1x128xi32, #tpu.memory_space<vmem>> -> memref<128xi32, #tpu.memory_space<vmem>>
        %dma_wait3A_156 = arith.constant 0 : i32
        %dma_wait3A_157 = arith.constant 0 : i32
        %dma_wait3A_158 = tpu.memref_slice %arg11[%dma_wait3A_156, %dma_wait3A_157] : memref<10240x128xf32, #tpu.memory_space<vmem_shared>> -> memref<10240x128xf32, #tpu.memory_space<vmem_shared>>
        tpu.wait_indirect_dma semaphore(%run_scoped3A_147 : memref<!tpu.dma_semaphore, #tpu.memory_space<semaphore_mem>>) src(%arg9 : memref<128x128xf32, #tpu.memory_space<vmem>>) dst(%dma_wait3A_158 : memref<10240x128xf32, #tpu.memory_space<vmem_shared>>)
        tpu.yield
      }) : () -> ()
      %sub3A = arith.constant 1 : i32
      %sub3A_127 = arith.subi %select_n3A, %sub3A : i32
      %lt3A = arith.cmpi slt, %while3A_118, %sub3A_127 : i32
      %convert_element_type3A_128 = arith.extui %lt3A : i1 to i32
      %cond3A_129 = arith.constant 0 : i32
      %cond3A_130 = arith.cmpi ne, %convert_element_type3A_128, %cond3A_129 : i32
      scf.if %cond3A_130 {
        %add3A_147 = arith.constant 2 : i32
        %add3A_148 = arith.addi %mul3A_121, %add3A_147 : i32
        %dma_start3A = arith.constant 0 : i32
        %dma_start3A_149 = tpu.memref_slice %arg7[%add3A_148, %dma_start3A] : memref<32x128xi32, #tpu.memory_space<vmem>> -> memref<1x128xi32, #tpu.memory_space<vmem>>
        %dma_start3A_150 = tpu.memref_squeeze %dma_start3A_149 : memref<1x128xi32, #tpu.memory_space<vmem>> -> memref<128xi32, #tpu.memory_space<vmem>>
        %dma_start3A_151 = arith.constant 0 : i32
        %dma_start3A_152 = arith.constant 0 : i32
        %dma_start3A_153 = tpu.memref_slice %arg2[%dma_start3A_151, %dma_start3A_152] : memref<10240x128xf32, #tpu.memory_space<hbm>> -> memref<10240x128xf32, #tpu.memory_space<hbm>>
        tpu.enqueue_indirect_dma source(%dma_start3A_153 : memref<10240x128xf32, #tpu.memory_space<hbm>>) target(%arg9 : memref<128x128xf32, #tpu.memory_space<vmem>>) offsets(%dma_start3A_150 : memref<128xi32, #tpu.memory_space<vmem>>) semaphore(%arg12 : memref<!tpu.dma_semaphore, #tpu.memory_space<semaphore_mem>>)
      } else {
      }
      %add3A = arith.constant 1 : i32
      %add3A_131 = arith.addi %mul3A_121, %add3A : i32
      %dma_wait3A_132 = arith.constant 0 : i32
      %dma_wait3A_133 = tpu.memref_slice %arg7[%add3A_131, %dma_wait3A_132] : memref<32x128xi32, #tpu.memory_space<vmem>> -> memref<1x128xi32, #tpu.memory_space<vmem>>
      %dma_wait3A_134 = tpu.memref_squeeze %dma_wait3A_133 : memref<1x128xi32, #tpu.memory_space<vmem>> -> memref<128xi32, #tpu.memory_space<vmem>>
      %dma_wait3A_135 = arith.constant 0 : i32
      %dma_wait3A_136 = arith.constant 0 : i32
      %dma_wait3A_137 = tpu.memref_slice %arg2[%dma_wait3A_135, %dma_wait3A_136] : memref<10240x128xf32, #tpu.memory_space<hbm>> -> memref<10240x128xf32, #tpu.memory_space<hbm>>
      tpu.wait_indirect_dma semaphore(%arg13 : memref<!tpu.dma_semaphore, #tpu.memory_space<semaphore_mem>>) src(%dma_wait3A_137 : memref<10240x128xf32, #tpu.memory_space<hbm>>) dst(%arg10 : memref<128x128xf32, #tpu.memory_space<vmem>>)
      %add3A_138 = arith.constant 1 : i32
      %add3A_139 = arith.addi %mul3A_121, %add3A_138 : i32
      "tpu.region"() ({
        %run_scoped3A_147 = tpu.sem_alloc : memref<!tpu.dma_semaphore, #tpu.memory_space<semaphore_mem>>
        %dma_start3A = arith.constant 0 : i32
        %dma_start3A_148 = tpu.memref_slice %arg8[%add3A_139, %dma_start3A] : memref<32x128xi32, #tpu.memory_space<vmem>> -> memref<1x128xi32, #tpu.memory_space<vmem>>
        %dma_start3A_149 = tpu.memref_squeeze %dma_start3A_148 : memref<1x128xi32, #tpu.memory_space<vmem>> -> memref<128xi32, #tpu.memory_space<vmem>>
        %dma_start3A_150 = arith.constant 0 : i32
        %dma_start3A_151 = arith.constant 0 : i32
        %dma_start3A_152 = tpu.memref_slice %arg11[%dma_start3A_150, %dma_start3A_151] : memref<10240x128xf32, #tpu.memory_space<vmem_shared>> -> memref<10240x128xf32, #tpu.memory_space<vmem_shared>>
        tpu.enqueue_indirect_dma source(%arg10 : memref<128x128xf32, #tpu.memory_space<vmem>>) target(%dma_start3A_152 : memref<10240x128xf32, #tpu.memory_space<vmem_shared>>) offsets(%dma_start3A_149 : memref<128xi32, #tpu.memory_space<vmem>>) semaphore(%run_scoped3A_147 : memref<!tpu.dma_semaphore, #tpu.memory_space<semaphore_mem>>) {add = true}
        %dma_wait3A_153 = arith.constant 0 : i32
        %dma_wait3A_154 = tpu.memref_slice %arg8[%add3A_139, %dma_wait3A_153] : memref<32x128xi32, #tpu.memory_space<vmem>> -> memref<1x128xi32, #tpu.memory_space<vmem>>
        %dma_wait3A_155 = tpu.memref_squeeze %dma_wait3A_154 : memref<1x128xi32, #tpu.memory_space<vmem>> -> memref<128xi32, #tpu.memory_space<vmem>>
        %dma_wait3A_156 = arith.constant 0 : i32
        %dma_wait3A_157 = arith.constant 0 : i32
        %dma_wait3A_158 = tpu.memref_slice %arg11[%dma_wait3A_156, %dma_wait3A_157] : memref<10240x128xf32, #tpu.memory_space<vmem_shared>> -> memref<10240x128xf32, #tpu.memory_space<vmem_shared>>
        tpu.wait_indirect_dma semaphore(%run_scoped3A_147 : memref<!tpu.dma_semaphore, #tpu.memory_space<semaphore_mem>>) src(%arg10 : memref<128x128xf32, #tpu.memory_space<vmem>>) dst(%dma_wait3A_158 : memref<10240x128xf32, #tpu.memory_space<vmem_shared>>)
        tpu.yield
      }) : () -> ()
      %sub3A_140 = arith.constant 1 : i32
      %sub3A_141 = arith.subi %select_n3A, %sub3A_140 : i32
      %lt3A_142 = arith.cmpi slt, %while3A_118, %sub3A_141 : i32
      %convert_element_type3A_143 = arith.extui %lt3A_142 : i1 to i32
      %cond3A_144 = arith.constant 0 : i32
      %cond3A_145 = arith.cmpi ne, %convert_element_type3A_143, %cond3A_144 : i32
      scf.if %cond3A_145 {
        %add3A_147 = arith.constant 3 : i32
        %add3A_148 = arith.addi %mul3A_121, %add3A_147 : i32
        %dma_start3A = arith.constant 0 : i32
        %dma_start3A_149 = tpu.memref_slice %arg7[%add3A_148, %dma_start3A] : memref<32x128xi32, #tpu.memory_space<vmem>> -> memref<1x128xi32, #tpu.memory_space<vmem>>
        %dma_start3A_150 = tpu.memref_squeeze %dma_start3A_149 : memref<1x128xi32, #tpu.memory_space<vmem>> -> memref<128xi32, #tpu.memory_space<vmem>>
        %dma_start3A_151 = arith.constant 0 : i32
        %dma_start3A_152 = arith.constant 0 : i32
        %dma_start3A_153 = tpu.memref_slice %arg2[%dma_start3A_151, %dma_start3A_152] : memref<10240x128xf32, #tpu.memory_space<hbm>> -> memref<10240x128xf32, #tpu.memory_space<hbm>>
        tpu.enqueue_indirect_dma source(%dma_start3A_153 : memref<10240x128xf32, #tpu.memory_space<hbm>>) target(%arg10 : memref<128x128xf32, #tpu.memory_space<vmem>>) offsets(%dma_start3A_150 : memref<128xi32, #tpu.memory_space<vmem>>) semaphore(%arg13 : memref<!tpu.dma_semaphore, #tpu.memory_space<semaphore_mem>>)
      } else {
      }
      %while3A_146 = arith.constant 0 : i32
      scf.yield %while3A_146 : i32
    }
    %while3A_15 = arith.constant 1 : i32
    %while3A_16 = scf.for %while3A_118 = %while3A_12 to %while3A_8 step %while3A_15 iter_args(%while3A_119 = %while3A_14) -> (i32)  : i32 {
      %mul3A_120 = arith.constant 2 : i32
      %mul3A_121 = arith.muli %mul3A_120, %while3A_118 : i32
      %dma_wait3A = arith.constant 0 : i32
      %dma_wait3A_122 = tpu.memref_slice %arg7[%mul3A_121, %dma_wait3A] : memref<32x128xi32, #tpu.memory_space<vmem>> -> memref<1x128xi32, #tpu.memory_space<vmem>>
      %dma_wait3A_123 = tpu.memref_squeeze %dma_wait3A_122 : memref<1x128xi32, #tpu.memory_space<vmem>> -> memref<128xi32, #tpu.memory_space<vmem>>
      %dma_wait3A_124 = arith.constant 0 : i32
      %dma_wait3A_125 = arith.constant 0 : i32
      %dma_wait3A_126 = tpu.memref_slice %arg2[%dma_wait3A_124, %dma_wait3A_125] : memref<10240x128xf32, #tpu.memory_space<hbm>> -> memref<10240x128xf32, #tpu.memory_space<hbm>>
      tpu.wait_indirect_dma semaphore(%arg12 : memref<!tpu.dma_semaphore, #tpu.memory_space<semaphore_mem>>) src(%dma_wait3A_126 : memref<10240x128xf32, #tpu.memory_space<hbm>>) dst(%arg9 : memref<128x128xf32, #tpu.memory_space<vmem>>)
      "tpu.region"() ({
        %run_scoped3A_147 = tpu.sem_alloc : memref<!tpu.dma_semaphore, #tpu.memory_space<semaphore_mem>>
        %dma_start3A = arith.constant 0 : i32
        %dma_start3A_148 = tpu.memref_slice %arg8[%mul3A_121, %dma_start3A] : memref<32x128xi32, #tpu.memory_space<vmem>> -> memref<1x128xi32, #tpu.memory_space<vmem>>
        %dma_start3A_149 = tpu.memref_squeeze %dma_start3A_148 : memref<1x128xi32, #tpu.memory_space<vmem>> -> memref<128xi32, #tpu.memory_space<vmem>>
        %dma_start3A_150 = arith.constant 0 : i32
        %dma_start3A_151 = arith.constant 0 : i32
        %dma_start3A_152 = tpu.memref_slice %arg11[%dma_start3A_150, %dma_start3A_151] : memref<10240x128xf32, #tpu.memory_space<vmem_shared>> -> memref<10240x128xf32, #tpu.memory_space<vmem_shared>>
        tpu.enqueue_indirect_dma source(%arg9 : memref<128x128xf32, #tpu.memory_space<vmem>>) target(%dma_start3A_152 : memref<10240x128xf32, #tpu.memory_space<vmem_shared>>) offsets(%dma_start3A_149 : memref<128xi32, #tpu.memory_space<vmem>>) semaphore(%run_scoped3A_147 : memref<!tpu.dma_semaphore, #tpu.memory_space<semaphore_mem>>) {add = true}
        %dma_wait3A_153 = arith.constant 0 : i32
        %dma_wait3A_154 = tpu.memref_slice %arg8[%mul3A_121, %dma_wait3A_153] : memref<32x128xi32, #tpu.memory_space<vmem>> -> memref<1x128xi32, #tpu.memory_space<vmem>>
        %dma_wait3A_155 = tpu.memref_squeeze %dma_wait3A_154 : memref<1x128xi32, #tpu.memory_space<vmem>> -> memref<128xi32, #tpu.memory_space<vmem>>
        %dma_wait3A_156 = arith.constant 0 : i32
        %dma_wait3A_157 = arith.constant 0 : i32
        %dma_wait3A_158 = tpu.memref_slice %arg11[%dma_wait3A_156, %dma_wait3A_157] : memref<10240x128xf32, #tpu.memory_space<vmem_shared>> -> memref<10240x128xf32, #tpu.memory_space<vmem_shared>>
        tpu.wait_indirect_dma semaphore(%run_scoped3A_147 : memref<!tpu.dma_semaphore, #tpu.memory_space<semaphore_mem>>) src(%arg9 : memref<128x128xf32, #tpu.memory_space<vmem>>) dst(%dma_wait3A_158 : memref<10240x128xf32, #tpu.memory_space<vmem_shared>>)
        tpu.yield
      }) : () -> ()
      %sub3A = arith.constant 1 : i32
      %sub3A_127 = arith.subi %select_n3A, %sub3A : i32
      %lt3A = arith.cmpi slt, %while3A_118, %sub3A_127 : i32
      %convert_element_type3A_128 = arith.extui %lt3A : i1 to i32
      %cond3A_129 = arith.constant 0 : i32
      %cond3A_130 = arith.cmpi ne, %convert_element_type3A_128, %cond3A_129 : i32
      scf.if %cond3A_130 {
        %add3A_147 = arith.constant 2 : i32
        %add3A_148 = arith.addi %mul3A_121, %add3A_147 : i32
        %dma_start3A = arith.constant 0 : i32
        %dma_start3A_149 = tpu.memref_slice %arg7[%add3A_148, %dma_start3A] : memref<32x128xi32, #tpu.memory_space<vmem>> -> memref<1x128xi32, #tpu.memory_space<vmem>>
        %dma_start3A_150 = tpu.memref_squeeze %dma_start3A_149 : memref<1x128xi32, #tpu.memory_space<vmem>> -> memref<128xi32, #tpu.memory_space<vmem>>
        %dma_start3A_151 = arith.constant 0 : i32
        %dma_start3A_152 = arith.constant 0 : i32
        %dma_start3A_153 = tpu.memref_slice %arg2[%dma_start3A_151, %dma_start3A_152] : memref<10240x128xf32, #tpu.memory_space<hbm>> -> memref<10240x128xf32, #tpu.memory_space<hbm>>
        tpu.enqueue_indirect_dma source(%dma_start3A_153 : memref<10240x128xf32, #tpu.memory_space<hbm>>) target(%arg9 : memref<128x128xf32, #tpu.memory_space<vmem>>) offsets(%dma_start3A_150 : memref<128xi32, #tpu.memory_space<vmem>>) semaphore(%arg12 : memref<!tpu.dma_semaphore, #tpu.memory_space<semaphore_mem>>)
      } else {
      }
      %add3A = arith.constant 1 : i32
      %add3A_131 = arith.addi %mul3A_121, %add3A : i32
      %dma_wait3A_132 = arith.constant 0 : i32
      %dma_wait3A_133 = tpu.memref_slice %arg7[%add3A_131, %dma_wait3A_132] : memref<32x128xi32, #tpu.memory_space<vmem>> -> memref<1x128xi32, #tpu.memory_space<vmem>>
      %dma_wait3A_134 = tpu.memref_squeeze %dma_wait3A_133 : memref<1x128xi32, #tpu.memory_space<vmem>> -> memref<128xi32, #tpu.memory_space<vmem>>
      %dma_wait3A_135 = arith.constant 0 : i32
      %dma_wait3A_136 = arith.constant 0 : i32
      %dma_wait3A_137 = tpu.memref_slice %arg2[%dma_wait3A_135, %dma_wait3A_136] : memref<10240x128xf32, #tpu.memory_space<hbm>> -> memref<10240x128xf32, #tpu.memory_space<hbm>>
      tpu.wait_indirect_dma semaphore(%arg13 : memref<!tpu.dma_semaphore, #tpu.memory_space<semaphore_mem>>) src(%dma_wait3A_137 : memref<10240x128xf32, #tpu.memory_space<hbm>>) dst(%arg10 : memref<128x128xf32, #tpu.memory_space<vmem>>)
      %add3A_138 = arith.constant 1 : i32
      %add3A_139 = arith.addi %mul3A_121, %add3A_138 : i32
      "tpu.region"() ({
        %run_scoped3A_147 = tpu.sem_alloc : memref<!tpu.dma_semaphore, #tpu.memory_space<semaphore_mem>>
        %dma_start3A = arith.constant 0 : i32
        %dma_start3A_148 = tpu.memref_slice %arg8[%add3A_139, %dma_start3A] : memref<32x128xi32, #tpu.memory_space<vmem>> -> memref<1x128xi32, #tpu.memory_space<vmem>>
        %dma_start3A_149 = tpu.memref_squeeze %dma_start3A_148 : memref<1x128xi32, #tpu.memory_space<vmem>> -> memref<128xi32, #tpu.memory_space<vmem>>
        %dma_start3A_150 = arith.constant 0 : i32
        %dma_start3A_151 = arith.constant 0 : i32
        %dma_start3A_152 = tpu.memref_slice %arg11[%dma_start3A_150, %dma_start3A_151] : memref<10240x128xf32, #tpu.memory_space<vmem_shared>> -> memref<10240x128xf32, #tpu.memory_space<vmem_shared>>
        tpu.enqueue_indirect_dma source(%arg10 : memref<128x128xf32, #tpu.memory_space<vmem>>) target(%dma_start3A_152 : memref<10240x128xf32, #tpu.memory_space<vmem_shared>>) offsets(%dma_start3A_149 : memref<128xi32, #tpu.memory_space<vmem>>) semaphore(%run_scoped3A_147 : memref<!tpu.dma_semaphore, #tpu.memory_space<semaphore_mem>>) {add = true}
        %dma_wait3A_153 = arith.constant 0 : i32
        %dma_wait3A_154 = tpu.memref_slice %arg8[%add3A_139, %dma_wait3A_153] : memref<32x128xi32, #tpu.memory_space<vmem>> -> memref<1x128xi32, #tpu.memory_space<vmem>>
        %dma_wait3A_155 = tpu.memref_squeeze %dma_wait3A_154 : memref<1x128xi32, #tpu.memory_space<vmem>> -> memref<128xi32, #tpu.memory_space<vmem>>
        %dma_wait3A_156 = arith.constant 0 : i32
        %dma_wait3A_157 = arith.constant 0 : i32
        %dma_wait3A_158 = tpu.memref_slice %arg11[%dma_wait3A_156, %dma_wait3A_157] : memref<10240x128xf32, #tpu.memory_space<vmem_shared>> -> memref<10240x128xf32, #tpu.memory_space<vmem_shared>>
        tpu.wait_indirect_dma semaphore(%run_scoped3A_147 : memref<!tpu.dma_semaphore, #tpu.memory_space<semaphore_mem>>) src(%arg10 : memref<128x128xf32, #tpu.memory_space<vmem>>) dst(%dma_wait3A_158 : memref<10240x128xf32, #tpu.memory_space<vmem_shared>>)
        tpu.yield
      }) : () -> ()
      %sub3A_140 = arith.constant 1 : i32
      %sub3A_141 = arith.subi %select_n3A, %sub3A_140 : i32
      %lt3A_142 = arith.cmpi slt, %while3A_118, %sub3A_141 : i32
      %convert_element_type3A_143 = arith.extui %lt3A_142 : i1 to i32
      %cond3A_144 = arith.constant 0 : i32
      %cond3A_145 = arith.cmpi ne, %convert_element_type3A_143, %cond3A_144 : i32
      scf.if %cond3A_145 {
        %add3A_147 = arith.constant 3 : i32
        %add3A_148 = arith.addi %mul3A_121, %add3A_147 : i32
        %dma_start3A = arith.constant 0 : i32
        %dma_start3A_149 = tpu.memref_slice %arg7[%add3A_148, %dma_start3A] : memref<32x128xi32, #tpu.memory_space<vmem>> -> memref<1x128xi32, #tpu.memory_space<vmem>>
        %dma_start3A_150 = tpu.memref_squeeze %dma_start3A_149 : memref<1x128xi32, #tpu.memory_space<vmem>> -> memref<128xi32, #tpu.memory_space<vmem>>
        %dma_start3A_151 = arith.constant 0 : i32
        %dma_start3A_152 = arith.constant 0 : i32
        %dma_start3A_153 = tpu.memref_slice %arg2[%dma_start3A_151, %dma_start3A_152] : memref<10240x128xf32, #tpu.memory_space<hbm>> -> memref<10240x128xf32, #tpu.memory_space<hbm>>
        tpu.enqueue_indirect_dma source(%dma_start3A_153 : memref<10240x128xf32, #tpu.memory_space<hbm>>) target(%arg10 : memref<128x128xf32, #tpu.memory_space<vmem>>) offsets(%dma_start3A_150 : memref<128xi32, #tpu.memory_space<vmem>>) semaphore(%arg13 : memref<!tpu.dma_semaphore, #tpu.memory_space<semaphore_mem>>)
      } else {
      }
      %while3A_146 = arith.constant 0 : i32
      scf.yield %while3A_146 : i32
    }
    %eq3A_17 = arith.constant 0 : i32
    %eq3A_18 = arith.cmpi eq, %arg0, %eq3A_17 : i32
    %jit3A_19 = arith.constant 16 : i32
    %jit3A_20 = arith.constant 0 : i32
    %select_n3A_21 = arith.select %eq3A_18, %jit3A_19, %jit3A_20 : i32
    %run_scoped3A_22 = arith.constant 1 : i32
    "tpu.region"() ({
      %run_scoped3A_118 = tpu.sem_alloc : memref<!tpu.dma_semaphore, #tpu.memory_space<semaphore_mem>>
      %dma_start3A = arith.constant 0 : i32
      %dma_start3A_119 = arith.constant 0 : i32
      %dma_start3A_120 = tpu.memref_slice %arg3[%arg1, %run_scoped3A_22, %dma_start3A, %dma_start3A_119] : memref<16x5x32x128xi32, #tpu.memory_space<hbm>> -> memref<1x1x32x128xi32, #tpu.memory_space<hbm>>
      %dma_start3A_121 = tpu.memref_squeeze %dma_start3A_120 : memref<1x1x32x128xi32, #tpu.memory_space<hbm>> -> memref<32x128xi32, #tpu.memory_space<hbm>>
      %dma_start3A_122 = arith.constant 0 : i32
      %dma_start3A_123 = arith.constant 0 : i32
      %dma_start3A_124 = tpu.memref_slice %arg3[%arg1, %run_scoped3A_22, %dma_start3A_122, %dma_start3A_123] : memref<16x5x32x128xi32, #tpu.memory_space<hbm>> -> memref<1x1x32x128xi32, #tpu.memory_space<hbm>>
      %dma_start3A_125 = tpu.memref_squeeze %dma_start3A_124 : memref<1x1x32x128xi32, #tpu.memory_space<hbm>> -> memref<32x128xi32, #tpu.memory_space<hbm>>
      tpu.enqueue_dma source(%dma_start3A_125 : memref<32x128xi32, #tpu.memory_space<hbm>>) target(%arg7 : memref<32x128xi32, #tpu.memory_space<vmem>>) target_semaphore(%run_scoped3A_118 : memref<!tpu.dma_semaphore, #tpu.memory_space<semaphore_mem>>)
      %dma_wait3A = arith.constant 0 : i32
      %dma_wait3A_126 = arith.constant 0 : i32
      %dma_wait3A_127 = tpu.memref_slice %arg3[%arg1, %run_scoped3A_22, %dma_wait3A, %dma_wait3A_126] : memref<16x5x32x128xi32, #tpu.memory_space<hbm>> -> memref<1x1x32x128xi32, #tpu.memory_space<hbm>>
      %dma_wait3A_128 = tpu.memref_squeeze %dma_wait3A_127 : memref<1x1x32x128xi32, #tpu.memory_space<hbm>> -> memref<32x128xi32, #tpu.memory_space<hbm>>
      %dma_wait3A_129 = arith.constant 0 : i32
      %dma_wait3A_130 = arith.constant 0 : i32
      %dma_wait3A_131 = tpu.memref_slice %arg3[%arg1, %run_scoped3A_22, %dma_wait3A_129, %dma_wait3A_130] : memref<16x5x32x128xi32, #tpu.memory_space<hbm>> -> memref<1x1x32x128xi32, #tpu.memory_space<hbm>>
      %dma_wait3A_132 = tpu.memref_squeeze %dma_wait3A_131 : memref<1x1x32x128xi32, #tpu.memory_space<hbm>> -> memref<32x128xi32, #tpu.memory_space<hbm>>
      tpu.wait_dma2 semaphore(%run_scoped3A_118 : memref<!tpu.dma_semaphore, #tpu.memory_space<semaphore_mem>>) src(%dma_wait3A_132 : memref<32x128xi32, #tpu.memory_space<hbm>>) dst(%arg7 : memref<32x128xi32, #tpu.memory_space<vmem>>)
      tpu.yield
    }) : () -> ()
    %run_scoped3A_23 = arith.constant 1 : i32
    "tpu.region"() ({
      %run_scoped3A_118 = tpu.sem_alloc : memref<!tpu.dma_semaphore, #tpu.memory_space<semaphore_mem>>
      %dma_start3A = arith.constant 0 : i32
      %dma_start3A_119 = arith.constant 0 : i32
      %dma_start3A_120 = tpu.memref_slice %arg4[%arg1, %run_scoped3A_23, %dma_start3A, %dma_start3A_119] : memref<16x5x32x128xi32, #tpu.memory_space<hbm>> -> memref<1x1x32x128xi32, #tpu.memory_space<hbm>>
      %dma_start3A_121 = tpu.memref_squeeze %dma_start3A_120 : memref<1x1x32x128xi32, #tpu.memory_space<hbm>> -> memref<32x128xi32, #tpu.memory_space<hbm>>
      %dma_start3A_122 = arith.constant 0 : i32
      %dma_start3A_123 = arith.constant 0 : i32
      %dma_start3A_124 = tpu.memref_slice %arg4[%arg1, %run_scoped3A_23, %dma_start3A_122, %dma_start3A_123] : memref<16x5x32x128xi32, #tpu.memory_space<hbm>> -> memref<1x1x32x128xi32, #tpu.memory_space<hbm>>
      %dma_start3A_125 = tpu.memref_squeeze %dma_start3A_124 : memref<1x1x32x128xi32, #tpu.memory_space<hbm>> -> memref<32x128xi32, #tpu.memory_space<hbm>>
      tpu.enqueue_dma source(%dma_start3A_125 : memref<32x128xi32, #tpu.memory_space<hbm>>) target(%arg8 : memref<32x128xi32, #tpu.memory_space<vmem>>) target_semaphore(%run_scoped3A_118 : memref<!tpu.dma_semaphore, #tpu.memory_space<semaphore_mem>>)
      %dma_wait3A = arith.constant 0 : i32
      %dma_wait3A_126 = arith.constant 0 : i32
      %dma_wait3A_127 = tpu.memref_slice %arg4[%arg1, %run_scoped3A_23, %dma_wait3A, %dma_wait3A_126] : memref<16x5x32x128xi32, #tpu.memory_space<hbm>> -> memref<1x1x32x128xi32, #tpu.memory_space<hbm>>
      %dma_wait3A_128 = tpu.memref_squeeze %dma_wait3A_127 : memref<1x1x32x128xi32, #tpu.memory_space<hbm>> -> memref<32x128xi32, #tpu.memory_space<hbm>>
      %dma_wait3A_129 = arith.constant 0 : i32
      %dma_wait3A_130 = arith.constant 0 : i32
      %dma_wait3A_131 = tpu.memref_slice %arg4[%arg1, %run_scoped3A_23, %dma_wait3A_129, %dma_wait3A_130] : memref<16x5x32x128xi32, #tpu.memory_space<hbm>> -> memref<1x1x32x128xi32, #tpu.memory_space<hbm>>
      %dma_wait3A_132 = tpu.memref_squeeze %dma_wait3A_131 : memref<1x1x32x128xi32, #tpu.memory_space<hbm>> -> memref<32x128xi32, #tpu.memory_space<hbm>>
      tpu.wait_dma2 semaphore(%run_scoped3A_118 : memref<!tpu.dma_semaphore, #tpu.memory_space<semaphore_mem>>) src(%dma_wait3A_132 : memref<32x128xi32, #tpu.memory_space<hbm>>) dst(%arg8 : memref<32x128xi32, #tpu.memory_space<vmem>>)
      tpu.yield
    }) : () -> ()
    %gt3A_24 = arith.constant 0 : i32
    %gt3A_25 = arith.cmpi sgt, %select_n3A_21, %gt3A_24 : i32
    %convert_element_type3A_26 = arith.extui %gt3A_25 : i1 to i32
    %cond3A_27 = arith.constant 0 : i32
    %cond3A_28 = arith.cmpi ne, %convert_element_type3A_26, %cond3A_27 : i32
    scf.if %cond3A_28 {
      %dma_start3A = arith.constant 0 : i32
      %dma_start3A_118 = arith.constant 0 : i32
      %dma_start3A_119 = tpu.memref_slice %arg7[%dma_start3A, %dma_start3A_118] : memref<32x128xi32, #tpu.memory_space<vmem>> -> memref<1x128xi32, #tpu.memory_space<vmem>>
      %dma_start3A_120 = tpu.memref_squeeze %dma_start3A_119 : memref<1x128xi32, #tpu.memory_space<vmem>> -> memref<128xi32, #tpu.memory_space<vmem>>
      %dma_start3A_121 = arith.constant 0 : i32
      %dma_start3A_122 = arith.constant 0 : i32
      %dma_start3A_123 = tpu.memref_slice %arg2[%dma_start3A_121, %dma_start3A_122] : memref<10240x128xf32, #tpu.memory_space<hbm>> -> memref<10240x128xf32, #tpu.memory_space<hbm>>
      tpu.enqueue_indirect_dma source(%dma_start3A_123 : memref<10240x128xf32, #tpu.memory_space<hbm>>) target(%arg9 : memref<128x128xf32, #tpu.memory_space<vmem>>) offsets(%dma_start3A_120 : memref<128xi32, #tpu.memory_space<vmem>>) semaphore(%arg12 : memref<!tpu.dma_semaphore, #tpu.memory_space<semaphore_mem>>)
      %dma_start3A_124 = arith.constant 1 : i32
      %dma_start3A_125 = arith.constant 0 : i32
      %dma_start3A_126 = tpu.memref_slice %arg7[%dma_start3A_124, %dma_start3A_125] : memref<32x128xi32, #tpu.memory_space<vmem>> -> memref<1x128xi32, #tpu.memory_space<vmem>>
      %dma_start3A_127 = tpu.memref_squeeze %dma_start3A_126 : memref<1x128xi32, #tpu.memory_space<vmem>> -> memref<128xi32, #tpu.memory_space<vmem>>
      %dma_start3A_128 = arith.constant 0 : i32
      %dma_start3A_129 = arith.constant 0 : i32
      %dma_start3A_130 = tpu.memref_slice %arg2[%dma_start3A_128, %dma_start3A_129] : memref<10240x128xf32, #tpu.memory_space<hbm>> -> memref<10240x128xf32, #tpu.memory_space<hbm>>
      tpu.enqueue_indirect_dma source(%dma_start3A_130 : memref<10240x128xf32, #tpu.memory_space<hbm>>) target(%arg10 : memref<128x128xf32, #tpu.memory_space<vmem>>) offsets(%dma_start3A_127 : memref<128xi32, #tpu.memory_space<vmem>>) semaphore(%arg13 : memref<!tpu.dma_semaphore, #tpu.memory_space<semaphore_mem>>)
    } else {
    }
    %while3A_29 = arith.constant 0 : i32
    %while3A_30 = arith.constant 0 : i32
    %while3A_31 = arith.subi %select_n3A_21, %while3A_29 : i32
    %while3A_32 = arith.addi %while3A_29, %while3A_31 : i32
    %while3A_33 = arith.constant 1 : i32
    %while3A_34 = arith.divsi %while3A_31, %while3A_33 : i32
    %while3A_35 = arith.muli %while3A_34, %while3A_33 : i32
    %while3A_36 = arith.addi %while3A_29, %while3A_35 : i32
    %while3A_37 = arith.constant 1 : i32
    %while3A_38 = scf.for %while3A_118 = %while3A_29 to %while3A_36 step %while3A_37 iter_args(%while3A_119 = %while3A_30) -> (i32)  : i32 {
      %mul3A_120 = arith.constant 2 : i32
      %mul3A_121 = arith.muli %mul3A_120, %while3A_118 : i32
      %dma_wait3A = arith.constant 0 : i32
      %dma_wait3A_122 = tpu.memref_slice %arg7[%mul3A_121, %dma_wait3A] : memref<32x128xi32, #tpu.memory_space<vmem>> -> memref<1x128xi32, #tpu.memory_space<vmem>>
      %dma_wait3A_123 = tpu.memref_squeeze %dma_wait3A_122 : memref<1x128xi32, #tpu.memory_space<vmem>> -> memref<128xi32, #tpu.memory_space<vmem>>
      %dma_wait3A_124 = arith.constant 0 : i32
      %dma_wait3A_125 = arith.constant 0 : i32
      %dma_wait3A_126 = tpu.memref_slice %arg2[%dma_wait3A_124, %dma_wait3A_125] : memref<10240x128xf32, #tpu.memory_space<hbm>> -> memref<10240x128xf32, #tpu.memory_space<hbm>>
      tpu.wait_indirect_dma semaphore(%arg12 : memref<!tpu.dma_semaphore, #tpu.memory_space<semaphore_mem>>) src(%dma_wait3A_126 : memref<10240x128xf32, #tpu.memory_space<hbm>>) dst(%arg9 : memref<128x128xf32, #tpu.memory_space<vmem>>)
      "tpu.region"() ({
        %run_scoped3A_147 = tpu.sem_alloc : memref<!tpu.dma_semaphore, #tpu.memory_space<semaphore_mem>>
        %dma_start3A = arith.constant 0 : i32
        %dma_start3A_148 = tpu.memref_slice %arg8[%mul3A_121, %dma_start3A] : memref<32x128xi32, #tpu.memory_space<vmem>> -> memref<1x128xi32, #tpu.memory_space<vmem>>
        %dma_start3A_149 = tpu.memref_squeeze %dma_start3A_148 : memref<1x128xi32, #tpu.memory_space<vmem>> -> memref<128xi32, #tpu.memory_space<vmem>>
        %dma_start3A_150 = arith.constant 0 : i32
        %dma_start3A_151 = arith.constant 0 : i32
        %dma_start3A_152 = tpu.memref_slice %arg11[%dma_start3A_150, %dma_start3A_151] : memref<10240x128xf32, #tpu.memory_space<vmem_shared>> -> memref<10240x128xf32, #tpu.memory_space<vmem_shared>>
        tpu.enqueue_indirect_dma source(%arg9 : memref<128x128xf32, #tpu.memory_space<vmem>>) target(%dma_start3A_152 : memref<10240x128xf32, #tpu.memory_space<vmem_shared>>) offsets(%dma_start3A_149 : memref<128xi32, #tpu.memory_space<vmem>>) semaphore(%run_scoped3A_147 : memref<!tpu.dma_semaphore, #tpu.memory_space<semaphore_mem>>) {add = true}
        %dma_wait3A_153 = arith.constant 0 : i32
        %dma_wait3A_154 = tpu.memref_slice %arg8[%mul3A_121, %dma_wait3A_153] : memref<32x128xi32, #tpu.memory_space<vmem>> -> memref<1x128xi32, #tpu.memory_space<vmem>>
        %dma_wait3A_155 = tpu.memref_squeeze %dma_wait3A_154 : memref<1x128xi32, #tpu.memory_space<vmem>> -> memref<128xi32, #tpu.memory_space<vmem>>
        %dma_wait3A_156 = arith.constant 0 : i32
        %dma_wait3A_157 = arith.constant 0 : i32
        %dma_wait3A_158 = tpu.memref_slice %arg11[%dma_wait3A_156, %dma_wait3A_157] : memref<10240x128xf32, #tpu.memory_space<vmem_shared>> -> memref<10240x128xf32, #tpu.memory_space<vmem_shared>>
        tpu.wait_indirect_dma semaphore(%run_scoped3A_147 : memref<!tpu.dma_semaphore, #tpu.memory_space<semaphore_mem>>) src(%arg9 : memref<128x128xf32, #tpu.memory_space<vmem>>) dst(%dma_wait3A_158 : memref<10240x128xf32, #tpu.memory_space<vmem_shared>>)
        tpu.yield
      }) : () -> ()
      %sub3A = arith.constant 1 : i32
      %sub3A_127 = arith.subi %select_n3A_21, %sub3A : i32
      %lt3A = arith.cmpi slt, %while3A_118, %sub3A_127 : i32
      %convert_element_type3A_128 = arith.extui %lt3A : i1 to i32
      %cond3A_129 = arith.constant 0 : i32
      %cond3A_130 = arith.cmpi ne, %convert_element_type3A_128, %cond3A_129 : i32
      scf.if %cond3A_130 {
        %add3A_147 = arith.constant 2 : i32
        %add3A_148 = arith.addi %mul3A_121, %add3A_147 : i32
        %dma_start3A = arith.constant 0 : i32
        %dma_start3A_149 = tpu.memref_slice %arg7[%add3A_148, %dma_start3A] : memref<32x128xi32, #tpu.memory_space<vmem>> -> memref<1x128xi32, #tpu.memory_space<vmem>>
        %dma_start3A_150 = tpu.memref_squeeze %dma_start3A_149 : memref<1x128xi32, #tpu.memory_space<vmem>> -> memref<128xi32, #tpu.memory_space<vmem>>
        %dma_start3A_151 = arith.constant 0 : i32
        %dma_start3A_152 = arith.constant 0 : i32
        %dma_start3A_153 = tpu.memref_slice %arg2[%dma_start3A_151, %dma_start3A_152] : memref<10240x128xf32, #tpu.memory_space<hbm>> -> memref<10240x128xf32, #tpu.memory_space<hbm>>
        tpu.enqueue_indirect_dma source(%dma_start3A_153 : memref<10240x128xf32, #tpu.memory_space<hbm>>) target(%arg9 : memref<128x128xf32, #tpu.memory_space<vmem>>) offsets(%dma_start3A_150 : memref<128xi32, #tpu.memory_space<vmem>>) semaphore(%arg12 : memref<!tpu.dma_semaphore, #tpu.memory_space<semaphore_mem>>)
      } else {
      }
      %add3A = arith.constant 1 : i32
      %add3A_131 = arith.addi %mul3A_121, %add3A : i32
      %dma_wait3A_132 = arith.constant 0 : i32
      %dma_wait3A_133 = tpu.memref_slice %arg7[%add3A_131, %dma_wait3A_132] : memref<32x128xi32, #tpu.memory_space<vmem>> -> memref<1x128xi32, #tpu.memory_space<vmem>>
      %dma_wait3A_134 = tpu.memref_squeeze %dma_wait3A_133 : memref<1x128xi32, #tpu.memory_space<vmem>> -> memref<128xi32, #tpu.memory_space<vmem>>
      %dma_wait3A_135 = arith.constant 0 : i32
      %dma_wait3A_136 = arith.constant 0 : i32
      %dma_wait3A_137 = tpu.memref_slice %arg2[%dma_wait3A_135, %dma_wait3A_136] : memref<10240x128xf32, #tpu.memory_space<hbm>> -> memref<10240x128xf32, #tpu.memory_space<hbm>>
      tpu.wait_indirect_dma semaphore(%arg13 : memref<!tpu.dma_semaphore, #tpu.memory_space<semaphore_mem>>) src(%dma_wait3A_137 : memref<10240x128xf32, #tpu.memory_space<hbm>>) dst(%arg10 : memref<128x128xf32, #tpu.memory_space<vmem>>)
      %add3A_138 = arith.constant 1 : i32
      %add3A_139 = arith.addi %mul3A_121, %add3A_138 : i32
      "tpu.region"() ({
        %run_scoped3A_147 = tpu.sem_alloc : memref<!tpu.dma_semaphore, #tpu.memory_space<semaphore_mem>>
        %dma_start3A = arith.constant 0 : i32
        %dma_start3A_148 = tpu.memref_slice %arg8[%add3A_139, %dma_start3A] : memref<32x128xi32, #tpu.memory_space<vmem>> -> memref<1x128xi32, #tpu.memory_space<vmem>>
        %dma_start3A_149 = tpu.memref_squeeze %dma_start3A_148 : memref<1x128xi32, #tpu.memory_space<vmem>> -> memref<128xi32, #tpu.memory_space<vmem>>
        %dma_start3A_150 = arith.constant 0 : i32
        %dma_start3A_151 = arith.constant 0 : i32
        %dma_start3A_152 = tpu.memref_slice %arg11[%dma_start3A_150, %dma_start3A_151] : memref<10240x128xf32, #tpu.memory_space<vmem_shared>> -> memref<10240x128xf32, #tpu.memory_space<vmem_shared>>
        tpu.enqueue_indirect_dma source(%arg10 : memref<128x128xf32, #tpu.memory_space<vmem>>) target(%dma_start3A_152 : memref<10240x128xf32, #tpu.memory_space<vmem_shared>>) offsets(%dma_start3A_149 : memref<128xi32, #tpu.memory_space<vmem>>) semaphore(%run_scoped3A_147 : memref<!tpu.dma_semaphore, #tpu.memory_space<semaphore_mem>>) {add = true}
        %dma_wait3A_153 = arith.constant 0 : i32
        %dma_wait3A_154 = tpu.memref_slice %arg8[%add3A_139, %dma_wait3A_153] : memref<32x128xi32, #tpu.memory_space<vmem>> -> memref<1x128xi32, #tpu.memory_space<vmem>>
        %dma_wait3A_155 = tpu.memref_squeeze %dma_wait3A_154 : memref<1x128xi32, #tpu.memory_space<vmem>> -> memref<128xi32, #tpu.memory_space<vmem>>
        %dma_wait3A_156 = arith.constant 0 : i32
        %dma_wait3A_157 = arith.constant 0 : i32
        %dma_wait3A_158 = tpu.memref_slice %arg11[%dma_wait3A_156, %dma_wait3A_157] : memref<10240x128xf32, #tpu.memory_space<vmem_shared>> -> memref<10240x128xf32, #tpu.memory_space<vmem_shared>>
        tpu.wait_indirect_dma semaphore(%run_scoped3A_147 : memref<!tpu.dma_semaphore, #tpu.memory_space<semaphore_mem>>) src(%arg10 : memref<128x128xf32, #tpu.memory_space<vmem>>) dst(%dma_wait3A_158 : memref<10240x128xf32, #tpu.memory_space<vmem_shared>>)
        tpu.yield
      }) : () -> ()
      %sub3A_140 = arith.constant 1 : i32
      %sub3A_141 = arith.subi %select_n3A_21, %sub3A_140 : i32
      %lt3A_142 = arith.cmpi slt, %while3A_118, %sub3A_141 : i32
      %convert_element_type3A_143 = arith.extui %lt3A_142 : i1 to i32
      %cond3A_144 = arith.constant 0 : i32
      %cond3A_145 = arith.cmpi ne, %convert_element_type3A_143, %cond3A_144 : i32
      scf.if %cond3A_145 {
        %add3A_147 = arith.constant 3 : i32
        %add3A_148 = arith.addi %mul3A_121, %add3A_147 : i32
        %dma_start3A = arith.constant 0 : i32
        %dma_start3A_149 = tpu.memref_slice %arg7[%add3A_148, %dma_start3A] : memref<32x128xi32, #tpu.memory_space<vmem>> -> memref<1x128xi32, #tpu.memory_space<vmem>>
        %dma_start3A_150 = tpu.memref_squeeze %dma_start3A_149 : memref<1x128xi32, #tpu.memory_space<vmem>> -> memref<128xi32, #tpu.memory_space<vmem>>
        %dma_start3A_151 = arith.constant 0 : i32
        %dma_start3A_152 = arith.constant 0 : i32
        %dma_start3A_153 = tpu.memref_slice %arg2[%dma_start3A_151, %dma_start3A_152] : memref<10240x128xf32, #tpu.memory_space<hbm>> -> memref<10240x128xf32, #tpu.memory_space<hbm>>
        tpu.enqueue_indirect_dma source(%dma_start3A_153 : memref<10240x128xf32, #tpu.memory_space<hbm>>) target(%arg10 : memref<128x128xf32, #tpu.memory_space<vmem>>) offsets(%dma_start3A_150 : memref<128xi32, #tpu.memory_space<vmem>>) semaphore(%arg13 : memref<!tpu.dma_semaphore, #tpu.memory_space<semaphore_mem>>)
      } else {
      }
      %while3A_146 = arith.constant 0 : i32
      scf.yield %while3A_146 : i32
    }
    %while3A_39 = arith.constant 1 : i32
    %while3A_40 = scf.for %while3A_118 = %while3A_36 to %while3A_32 step %while3A_39 iter_args(%while3A_119 = %while3A_38) -> (i32)  : i32 {
      %mul3A_120 = arith.constant 2 : i32
      %mul3A_121 = arith.muli %mul3A_120, %while3A_118 : i32
      %dma_wait3A = arith.constant 0 : i32
      %dma_wait3A_122 = tpu.memref_slice %arg7[%mul3A_121, %dma_wait3A] : memref<32x128xi32, #tpu.memory_space<vmem>> -> memref<1x128xi32, #tpu.memory_space<vmem>>
      %dma_wait3A_123 = tpu.memref_squeeze %dma_wait3A_122 : memref<1x128xi32, #tpu.memory_space<vmem>> -> memref<128xi32, #tpu.memory_space<vmem>>
      %dma_wait3A_124 = arith.constant 0 : i32
      %dma_wait3A_125 = arith.constant 0 : i32
      %dma_wait3A_126 = tpu.memref_slice %arg2[%dma_wait3A_124, %dma_wait3A_125] : memref<10240x128xf32, #tpu.memory_space<hbm>> -> memref<10240x128xf32, #tpu.memory_space<hbm>>
      tpu.wait_indirect_dma semaphore(%arg12 : memref<!tpu.dma_semaphore, #tpu.memory_space<semaphore_mem>>) src(%dma_wait3A_126 : memref<10240x128xf32, #tpu.memory_space<hbm>>) dst(%arg9 : memref<128x128xf32, #tpu.memory_space<vmem>>)
      "tpu.region"() ({
        %run_scoped3A_147 = tpu.sem_alloc : memref<!tpu.dma_semaphore, #tpu.memory_space<semaphore_mem>>
        %dma_start3A = arith.constant 0 : i32
        %dma_start3A_148 = tpu.memref_slice %arg8[%mul3A_121, %dma_start3A] : memref<32x128xi32, #tpu.memory_space<vmem>> -> memref<1x128xi32, #tpu.memory_space<vmem>>
        %dma_start3A_149 = tpu.memref_squeeze %dma_start3A_148 : memref<1x128xi32, #tpu.memory_space<vmem>> -> memref<128xi32, #tpu.memory_space<vmem>>
        %dma_start3A_150 = arith.constant 0 : i32
        %dma_start3A_151 = arith.constant 0 : i32
        %dma_start3A_152 = tpu.memref_slice %arg11[%dma_start3A_150, %dma_start3A_151] : memref<10240x128xf32, #tpu.memory_space<vmem_shared>> -> memref<10240x128xf32, #tpu.memory_space<vmem_shared>>
        tpu.enqueue_indirect_dma source(%arg9 : memref<128x128xf32, #tpu.memory_space<vmem>>) target(%dma_start3A_152 : memref<10240x128xf32, #tpu.memory_space<vmem_shared>>) offsets(%dma_start3A_149 : memref<128xi32, #tpu.memory_space<vmem>>) semaphore(%run_scoped3A_147 : memref<!tpu.dma_semaphore, #tpu.memory_space<semaphore_mem>>) {add = true}
        %dma_wait3A_153 = arith.constant 0 : i32
        %dma_wait3A_154 = tpu.memref_slice %arg8[%mul3A_121, %dma_wait3A_153] : memref<32x128xi32, #tpu.memory_space<vmem>> -> memref<1x128xi32, #tpu.memory_space<vmem>>
        %dma_wait3A_155 = tpu.memref_squeeze %dma_wait3A_154 : memref<1x128xi32, #tpu.memory_space<vmem>> -> memref<128xi32, #tpu.memory_space<vmem>>
        %dma_wait3A_156 = arith.constant 0 : i32
        %dma_wait3A_157 = arith.constant 0 : i32
        %dma_wait3A_158 = tpu.memref_slice %arg11[%dma_wait3A_156, %dma_wait3A_157] : memref<10240x128xf32, #tpu.memory_space<vmem_shared>> -> memref<10240x128xf32, #tpu.memory_space<vmem_shared>>
        tpu.wait_indirect_dma semaphore(%run_scoped3A_147 : memref<!tpu.dma_semaphore, #tpu.memory_space<semaphore_mem>>) src(%arg9 : memref<128x128xf32, #tpu.memory_space<vmem>>) dst(%dma_wait3A_158 : memref<10240x128xf32, #tpu.memory_space<vmem_shared>>)
        tpu.yield
      }) : () -> ()
      %sub3A = arith.constant 1 : i32
      %sub3A_127 = arith.subi %select_n3A_21, %sub3A : i32
      %lt3A = arith.cmpi slt, %while3A_118, %sub3A_127 : i32
      %convert_element_type3A_128 = arith.extui %lt3A : i1 to i32
      %cond3A_129 = arith.constant 0 : i32
      %cond3A_130 = arith.cmpi ne, %convert_element_type3A_128, %cond3A_129 : i32
      scf.if %cond3A_130 {
        %add3A_147 = arith.constant 2 : i32
        %add3A_148 = arith.addi %mul3A_121, %add3A_147 : i32
        %dma_start3A = arith.constant 0 : i32
        %dma_start3A_149 = tpu.memref_slice %arg7[%add3A_148, %dma_start3A] : memref<32x128xi32, #tpu.memory_space<vmem>> -> memref<1x128xi32, #tpu.memory_space<vmem>>
        %dma_start3A_150 = tpu.memref_squeeze %dma_start3A_149 : memref<1x128xi32, #tpu.memory_space<vmem>> -> memref<128xi32, #tpu.memory_space<vmem>>
        %dma_start3A_151 = arith.constant 0 : i32
        %dma_start3A_152 = arith.constant 0 : i32
        %dma_start3A_153 = tpu.memref_slice %arg2[%dma_start3A_151, %dma_start3A_152] : memref<10240x128xf32, #tpu.memory_space<hbm>> -> memref<10240x128xf32, #tpu.memory_space<hbm>>
        tpu.enqueue_indirect_dma source(%dma_start3A_153 : memref<10240x128xf32, #tpu.memory_space<hbm>>) target(%arg9 : memref<128x128xf32, #tpu.memory_space<vmem>>) offsets(%dma_start3A_150 : memref<128xi32, #tpu.memory_space<vmem>>) semaphore(%arg12 : memref<!tpu.dma_semaphore, #tpu.memory_space<semaphore_mem>>)
      } else {
      }
      %add3A = arith.constant 1 : i32
      %add3A_131 = arith.addi %mul3A_121, %add3A : i32
      %dma_wait3A_132 = arith.constant 0 : i32
      %dma_wait3A_133 = tpu.memref_slice %arg7[%add3A_131, %dma_wait3A_132] : memref<32x128xi32, #tpu.memory_space<vmem>> -> memref<1x128xi32, #tpu.memory_space<vmem>>
      %dma_wait3A_134 = tpu.memref_squeeze %dma_wait3A_133 : memref<1x128xi32, #tpu.memory_space<vmem>> -> memref<128xi32, #tpu.memory_space<vmem>>
      %dma_wait3A_135 = arith.constant 0 : i32
      %dma_wait3A_136 = arith.constant 0 : i32
      %dma_wait3A_137 = tpu.memref_slice %arg2[%dma_wait3A_135, %dma_wait3A_136] : memref<10240x128xf32, #tpu.memory_space<hbm>> -> memref<10240x128xf32, #tpu.memory_space<hbm>>
      tpu.wait_indirect_dma semaphore(%arg13 : memref<!tpu.dma_semaphore, #tpu.memory_space<semaphore_mem>>) src(%dma_wait3A_137 : memref<10240x128xf32, #tpu.memory_space<hbm>>) dst(%arg10 : memref<128x128xf32, #tpu.memory_space<vmem>>)
      %add3A_138 = arith.constant 1 : i32
      %add3A_139 = arith.addi %mul3A_121, %add3A_138 : i32
      "tpu.region"() ({
        %run_scoped3A_147 = tpu.sem_alloc : memref<!tpu.dma_semaphore, #tpu.memory_space<semaphore_mem>>
        %dma_start3A = arith.constant 0 : i32
        %dma_start3A_148 = tpu.memref_slice %arg8[%add3A_139, %dma_start3A] : memref<32x128xi32, #tpu.memory_space<vmem>> -> memref<1x128xi32, #tpu.memory_space<vmem>>
        %dma_start3A_149 = tpu.memref_squeeze %dma_start3A_148 : memref<1x128xi32, #tpu.memory_space<vmem>> -> memref<128xi32, #tpu.memory_space<vmem>>
        %dma_start3A_150 = arith.constant 0 : i32
        %dma_start3A_151 = arith.constant 0 : i32
        %dma_start3A_152 = tpu.memref_slice %arg11[%dma_start3A_150, %dma_start3A_151] : memref<10240x128xf32, #tpu.memory_space<vmem_shared>> -> memref<10240x128xf32, #tpu.memory_space<vmem_shared>>
        tpu.enqueue_indirect_dma source(%arg10 : memref<128x128xf32, #tpu.memory_space<vmem>>) target(%dma_start3A_152 : memref<10240x128xf32, #tpu.memory_space<vmem_shared>>) offsets(%dma_start3A_149 : memref<128xi32, #tpu.memory_space<vmem>>) semaphore(%run_scoped3A_147 : memref<!tpu.dma_semaphore, #tpu.memory_space<semaphore_mem>>) {add = true}
        %dma_wait3A_153 = arith.constant 0 : i32
        %dma_wait3A_154 = tpu.memref_slice %arg8[%add3A_139, %dma_wait3A_153] : memref<32x128xi32, #tpu.memory_space<vmem>> -> memref<1x128xi32, #tpu.memory_space<vmem>>
        %dma_wait3A_155 = tpu.memref_squeeze %dma_wait3A_154 : memref<1x128xi32, #tpu.memory_space<vmem>> -> memref<128xi32, #tpu.memory_space<vmem>>
        %dma_wait3A_156 = arith.constant 0 : i32
        %dma_wait3A_157 = arith.constant 0 : i32
        %dma_wait3A_158 = tpu.memref_slice %arg11[%dma_wait3A_156, %dma_wait3A_157] : memref<10240x128xf32, #tpu.memory_space<vmem_shared>> -> memref<10240x128xf32, #tpu.memory_space<vmem_shared>>
        tpu.wait_indirect_dma semaphore(%run_scoped3A_147 : memref<!tpu.dma_semaphore, #tpu.memory_space<semaphore_mem>>) src(%arg10 : memref<128x128xf32, #tpu.memory_space<vmem>>) dst(%dma_wait3A_158 : memref<10240x128xf32, #tpu.memory_space<vmem_shared>>)
        tpu.yield
      }) : () -> ()
      %sub3A_140 = arith.constant 1 : i32
      %sub3A_141 = arith.subi %select_n3A_21, %sub3A_140 : i32
      %lt3A_142 = arith.cmpi slt, %while3A_118, %sub3A_141 : i32
      %convert_element_type3A_143 = arith.extui %lt3A_142 : i1 to i32
      %cond3A_144 = arith.constant 0 : i32
      %cond3A_145 = arith.cmpi ne, %convert_element_type3A_143, %cond3A_144 : i32
      scf.if %cond3A_145 {
        %add3A_147 = arith.constant 3 : i32
        %add3A_148 = arith.addi %mul3A_121, %add3A_147 : i32
        %dma_start3A = arith.constant 0 : i32
        %dma_start3A_149 = tpu.memref_slice %arg7[%add3A_148, %dma_start3A] : memref<32x128xi32, #tpu.memory_space<vmem>> -> memref<1x128xi32, #tpu.memory_space<vmem>>
        %dma_start3A_150 = tpu.memref_squeeze %dma_start3A_149 : memref<1x128xi32, #tpu.memory_space<vmem>> -> memref<128xi32, #tpu.memory_space<vmem>>
        %dma_start3A_151 = arith.constant 0 : i32
        %dma_start3A_152 = arith.constant 0 : i32
        %dma_start3A_153 = tpu.memref_slice %arg2[%dma_start3A_151, %dma_start3A_152] : memref<10240x128xf32, #tpu.memory_space<hbm>> -> memref<10240x128xf32, #tpu.memory_space<hbm>>
        tpu.enqueue_indirect_dma source(%dma_start3A_153 : memref<10240x128xf32, #tpu.memory_space<hbm>>) target(%arg10 : memref<128x128xf32, #tpu.memory_space<vmem>>) offsets(%dma_start3A_150 : memref<128xi32, #tpu.memory_space<vmem>>) semaphore(%arg13 : memref<!tpu.dma_semaphore, #tpu.memory_space<semaphore_mem>>)
      } else {
      }
      %while3A_146 = arith.constant 0 : i32
      scf.yield %while3A_146 : i32
    }
    %eq3A_41 = arith.constant 0 : i32
    %eq3A_42 = arith.cmpi eq, %arg0, %eq3A_41 : i32
    %jit3A_43 = arith.constant 16 : i32
    %jit3A_44 = arith.constant 0 : i32
    %select_n3A_45 = arith.select %eq3A_42, %jit3A_43, %jit3A_44 : i32
    %run_scoped3A_46 = arith.constant 2 : i32
    "tpu.region"() ({
      %run_scoped3A_118 = tpu.sem_alloc : memref<!tpu.dma_semaphore, #tpu.memory_space<semaphore_mem>>
      %dma_start3A = arith.constant 0 : i32
      %dma_start3A_119 = arith.constant 0 : i32
      %dma_start3A_120 = tpu.memref_slice %arg3[%arg1, %run_scoped3A_46, %dma_start3A, %dma_start3A_119] : memref<16x5x32x128xi32, #tpu.memory_space<hbm>> -> memref<1x1x32x128xi32, #tpu.memory_space<hbm>>
      %dma_start3A_121 = tpu.memref_squeeze %dma_start3A_120 : memref<1x1x32x128xi32, #tpu.memory_space<hbm>> -> memref<32x128xi32, #tpu.memory_space<hbm>>
      %dma_start3A_122 = arith.constant 0 : i32
      %dma_start3A_123 = arith.constant 0 : i32
      %dma_start3A_124 = tpu.memref_slice %arg3[%arg1, %run_scoped3A_46, %dma_start3A_122, %dma_start3A_123] : memref<16x5x32x128xi32, #tpu.memory_space<hbm>> -> memref<1x1x32x128xi32, #tpu.memory_space<hbm>>
      %dma_start3A_125 = tpu.memref_squeeze %dma_start3A_124 : memref<1x1x32x128xi32, #tpu.memory_space<hbm>> -> memref<32x128xi32, #tpu.memory_space<hbm>>
      tpu.enqueue_dma source(%dma_start3A_125 : memref<32x128xi32, #tpu.memory_space<hbm>>) target(%arg7 : memref<32x128xi32, #tpu.memory_space<vmem>>) target_semaphore(%run_scoped3A_118 : memref<!tpu.dma_semaphore, #tpu.memory_space<semaphore_mem>>)
      %dma_wait3A = arith.constant 0 : i32
      %dma_wait3A_126 = arith.constant 0 : i32
      %dma_wait3A_127 = tpu.memref_slice %arg3[%arg1, %run_scoped3A_46, %dma_wait3A, %dma_wait3A_126] : memref<16x5x32x128xi32, #tpu.memory_space<hbm>> -> memref<1x1x32x128xi32, #tpu.memory_space<hbm>>
      %dma_wait3A_128 = tpu.memref_squeeze %dma_wait3A_127 : memref<1x1x32x128xi32, #tpu.memory_space<hbm>> -> memref<32x128xi32, #tpu.memory_space<hbm>>
      %dma_wait3A_129 = arith.constant 0 : i32
      %dma_wait3A_130 = arith.constant 0 : i32
      %dma_wait3A_131 = tpu.memref_slice %arg3[%arg1, %run_scoped3A_46, %dma_wait3A_129, %dma_wait3A_130] : memref<16x5x32x128xi32, #tpu.memory_space<hbm>> -> memref<1x1x32x128xi32, #tpu.memory_space<hbm>>
      %dma_wait3A_132 = tpu.memref_squeeze %dma_wait3A_131 : memref<1x1x32x128xi32, #tpu.memory_space<hbm>> -> memref<32x128xi32, #tpu.memory_space<hbm>>
      tpu.wait_dma2 semaphore(%run_scoped3A_118 : memref<!tpu.dma_semaphore, #tpu.memory_space<semaphore_mem>>) src(%dma_wait3A_132 : memref<32x128xi32, #tpu.memory_space<hbm>>) dst(%arg7 : memref<32x128xi32, #tpu.memory_space<vmem>>)
      tpu.yield
    }) : () -> ()
    %run_scoped3A_47 = arith.constant 2 : i32
    "tpu.region"() ({
      %run_scoped3A_118 = tpu.sem_alloc : memref<!tpu.dma_semaphore, #tpu.memory_space<semaphore_mem>>
      %dma_start3A = arith.constant 0 : i32
      %dma_start3A_119 = arith.constant 0 : i32
      %dma_start3A_120 = tpu.memref_slice %arg4[%arg1, %run_scoped3A_47, %dma_start3A, %dma_start3A_119] : memref<16x5x32x128xi32, #tpu.memory_space<hbm>> -> memref<1x1x32x128xi32, #tpu.memory_space<hbm>>
      %dma_start3A_121 = tpu.memref_squeeze %dma_start3A_120 : memref<1x1x32x128xi32, #tpu.memory_space<hbm>> -> memref<32x128xi32, #tpu.memory_space<hbm>>
      %dma_start3A_122 = arith.constant 0 : i32
      %dma_start3A_123 = arith.constant 0 : i32
      %dma_start3A_124 = tpu.memref_slice %arg4[%arg1, %run_scoped3A_47, %dma_start3A_122, %dma_start3A_123] : memref<16x5x32x128xi32, #tpu.memory_space<hbm>> -> memref<1x1x32x128xi32, #tpu.memory_space<hbm>>
      %dma_start3A_125 = tpu.memref_squeeze %dma_start3A_124 : memref<1x1x32x128xi32, #tpu.memory_space<hbm>> -> memref<32x128xi32, #tpu.memory_space<hbm>>
      tpu.enqueue_dma source(%dma_start3A_125 : memref<32x128xi32, #tpu.memory_space<hbm>>) target(%arg8 : memref<32x128xi32, #tpu.memory_space<vmem>>) target_semaphore(%run_scoped3A_118 : memref<!tpu.dma_semaphore, #tpu.memory_space<semaphore_mem>>)
      %dma_wait3A = arith.constant 0 : i32
      %dma_wait3A_126 = arith.constant 0 : i32
      %dma_wait3A_127 = tpu.memref_slice %arg4[%arg1, %run_scoped3A_47, %dma_wait3A, %dma_wait3A_126] : memref<16x5x32x128xi32, #tpu.memory_space<hbm>> -> memref<1x1x32x128xi32, #tpu.memory_space<hbm>>
      %dma_wait3A_128 = tpu.memref_squeeze %dma_wait3A_127 : memref<1x1x32x128xi32, #tpu.memory_space<hbm>> -> memref<32x128xi32, #tpu.memory_space<hbm>>
      %dma_wait3A_129 = arith.constant 0 : i32
      %dma_wait3A_130 = arith.constant 0 : i32
      %dma_wait3A_131 = tpu.memref_slice %arg4[%arg1, %run_scoped3A_47, %dma_wait3A_129, %dma_wait3A_130] : memref<16x5x32x128xi32, #tpu.memory_space<hbm>> -> memref<1x1x32x128xi32, #tpu.memory_space<hbm>>
      %dma_wait3A_132 = tpu.memref_squeeze %dma_wait3A_131 : memref<1x1x32x128xi32, #tpu.memory_space<hbm>> -> memref<32x128xi32, #tpu.memory_space<hbm>>
      tpu.wait_dma2 semaphore(%run_scoped3A_118 : memref<!tpu.dma_semaphore, #tpu.memory_space<semaphore_mem>>) src(%dma_wait3A_132 : memref<32x128xi32, #tpu.memory_space<hbm>>) dst(%arg8 : memref<32x128xi32, #tpu.memory_space<vmem>>)
      tpu.yield
    }) : () -> ()
    %gt3A_48 = arith.constant 0 : i32
    %gt3A_49 = arith.cmpi sgt, %select_n3A_45, %gt3A_48 : i32
    %convert_element_type3A_50 = arith.extui %gt3A_49 : i1 to i32
    %cond3A_51 = arith.constant 0 : i32
    %cond3A_52 = arith.cmpi ne, %convert_element_type3A_50, %cond3A_51 : i32
    scf.if %cond3A_52 {
      %dma_start3A = arith.constant 0 : i32
      %dma_start3A_118 = arith.constant 0 : i32
      %dma_start3A_119 = tpu.memref_slice %arg7[%dma_start3A, %dma_start3A_118] : memref<32x128xi32, #tpu.memory_space<vmem>> -> memref<1x128xi32, #tpu.memory_space<vmem>>
      %dma_start3A_120 = tpu.memref_squeeze %dma_start3A_119 : memref<1x128xi32, #tpu.memory_space<vmem>> -> memref<128xi32, #tpu.memory_space<vmem>>
      %dma_start3A_121 = arith.constant 0 : i32
      %dma_start3A_122 = arith.constant 0 : i32
      %dma_start3A_123 = tpu.memref_slice %arg2[%dma_start3A_121, %dma_start3A_122] : memref<10240x128xf32, #tpu.memory_space<hbm>> -> memref<10240x128xf32, #tpu.memory_space<hbm>>
      tpu.enqueue_indirect_dma source(%dma_start3A_123 : memref<10240x128xf32, #tpu.memory_space<hbm>>) target(%arg9 : memref<128x128xf32, #tpu.memory_space<vmem>>) offsets(%dma_start3A_120 : memref<128xi32, #tpu.memory_space<vmem>>) semaphore(%arg12 : memref<!tpu.dma_semaphore, #tpu.memory_space<semaphore_mem>>)
      %dma_start3A_124 = arith.constant 1 : i32
      %dma_start3A_125 = arith.constant 0 : i32
      %dma_start3A_126 = tpu.memref_slice %arg7[%dma_start3A_124, %dma_start3A_125] : memref<32x128xi32, #tpu.memory_space<vmem>> -> memref<1x128xi32, #tpu.memory_space<vmem>>
      %dma_start3A_127 = tpu.memref_squeeze %dma_start3A_126 : memref<1x128xi32, #tpu.memory_space<vmem>> -> memref<128xi32, #tpu.memory_space<vmem>>
      %dma_start3A_128 = arith.constant 0 : i32
      %dma_start3A_129 = arith.constant 0 : i32
      %dma_start3A_130 = tpu.memref_slice %arg2[%dma_start3A_128, %dma_start3A_129] : memref<10240x128xf32, #tpu.memory_space<hbm>> -> memref<10240x128xf32, #tpu.memory_space<hbm>>
      tpu.enqueue_indirect_dma source(%dma_start3A_130 : memref<10240x128xf32, #tpu.memory_space<hbm>>) target(%arg10 : memref<128x128xf32, #tpu.memory_space<vmem>>) offsets(%dma_start3A_127 : memref<128xi32, #tpu.memory_space<vmem>>) semaphore(%arg13 : memref<!tpu.dma_semaphore, #tpu.memory_space<semaphore_mem>>)
    } else {
    }
    %while3A_53 = arith.constant 0 : i32
    %while3A_54 = arith.constant 0 : i32
    %while3A_55 = arith.subi %select_n3A_45, %while3A_53 : i32
    %while3A_56 = arith.addi %while3A_53, %while3A_55 : i32
    %while3A_57 = arith.constant 1 : i32
    %while3A_58 = arith.divsi %while3A_55, %while3A_57 : i32
    %while3A_59 = arith.muli %while3A_58, %while3A_57 : i32
    %while3A_60 = arith.addi %while3A_53, %while3A_59 : i32
    %while3A_61 = arith.constant 1 : i32
    %while3A_62 = scf.for %while3A_118 = %while3A_53 to %while3A_60 step %while3A_61 iter_args(%while3A_119 = %while3A_54) -> (i32)  : i32 {
      %mul3A_120 = arith.constant 2 : i32
      %mul3A_121 = arith.muli %mul3A_120, %while3A_118 : i32
      %dma_wait3A = arith.constant 0 : i32
      %dma_wait3A_122 = tpu.memref_slice %arg7[%mul3A_121, %dma_wait3A] : memref<32x128xi32, #tpu.memory_space<vmem>> -> memref<1x128xi32, #tpu.memory_space<vmem>>
      %dma_wait3A_123 = tpu.memref_squeeze %dma_wait3A_122 : memref<1x128xi32, #tpu.memory_space<vmem>> -> memref<128xi32, #tpu.memory_space<vmem>>
      %dma_wait3A_124 = arith.constant 0 : i32
      %dma_wait3A_125 = arith.constant 0 : i32
      %dma_wait3A_126 = tpu.memref_slice %arg2[%dma_wait3A_124, %dma_wait3A_125] : memref<10240x128xf32, #tpu.memory_space<hbm>> -> memref<10240x128xf32, #tpu.memory_space<hbm>>
      tpu.wait_indirect_dma semaphore(%arg12 : memref<!tpu.dma_semaphore, #tpu.memory_space<semaphore_mem>>) src(%dma_wait3A_126 : memref<10240x128xf32, #tpu.memory_space<hbm>>) dst(%arg9 : memref<128x128xf32, #tpu.memory_space<vmem>>)
      "tpu.region"() ({
        %run_scoped3A_147 = tpu.sem_alloc : memref<!tpu.dma_semaphore, #tpu.memory_space<semaphore_mem>>
        %dma_start3A = arith.constant 0 : i32
        %dma_start3A_148 = tpu.memref_slice %arg8[%mul3A_121, %dma_start3A] : memref<32x128xi32, #tpu.memory_space<vmem>> -> memref<1x128xi32, #tpu.memory_space<vmem>>
        %dma_start3A_149 = tpu.memref_squeeze %dma_start3A_148 : memref<1x128xi32, #tpu.memory_space<vmem>> -> memref<128xi32, #tpu.memory_space<vmem>>
        %dma_start3A_150 = arith.constant 0 : i32
        %dma_start3A_151 = arith.constant 0 : i32
        %dma_start3A_152 = tpu.memref_slice %arg11[%dma_start3A_150, %dma_start3A_151] : memref<10240x128xf32, #tpu.memory_space<vmem_shared>> -> memref<10240x128xf32, #tpu.memory_space<vmem_shared>>
        tpu.enqueue_indirect_dma source(%arg9 : memref<128x128xf32, #tpu.memory_space<vmem>>) target(%dma_start3A_152 : memref<10240x128xf32, #tpu.memory_space<vmem_shared>>) offsets(%dma_start3A_149 : memref<128xi32, #tpu.memory_space<vmem>>) semaphore(%run_scoped3A_147 : memref<!tpu.dma_semaphore, #tpu.memory_space<semaphore_mem>>) {add = true}
        %dma_wait3A_153 = arith.constant 0 : i32
        %dma_wait3A_154 = tpu.memref_slice %arg8[%mul3A_121, %dma_wait3A_153] : memref<32x128xi32, #tpu.memory_space<vmem>> -> memref<1x128xi32, #tpu.memory_space<vmem>>
        %dma_wait3A_155 = tpu.memref_squeeze %dma_wait3A_154 : memref<1x128xi32, #tpu.memory_space<vmem>> -> memref<128xi32, #tpu.memory_space<vmem>>
        %dma_wait3A_156 = arith.constant 0 : i32
        %dma_wait3A_157 = arith.constant 0 : i32
        %dma_wait3A_158 = tpu.memref_slice %arg11[%dma_wait3A_156, %dma_wait3A_157] : memref<10240x128xf32, #tpu.memory_space<vmem_shared>> -> memref<10240x128xf32, #tpu.memory_space<vmem_shared>>
        tpu.wait_indirect_dma semaphore(%run_scoped3A_147 : memref<!tpu.dma_semaphore, #tpu.memory_space<semaphore_mem>>) src(%arg9 : memref<128x128xf32, #tpu.memory_space<vmem>>) dst(%dma_wait3A_158 : memref<10240x128xf32, #tpu.memory_space<vmem_shared>>)
        tpu.yield
      }) : () -> ()
      %sub3A = arith.constant 1 : i32
      %sub3A_127 = arith.subi %select_n3A_45, %sub3A : i32
      %lt3A = arith.cmpi slt, %while3A_118, %sub3A_127 : i32
      %convert_element_type3A_128 = arith.extui %lt3A : i1 to i32
      %cond3A_129 = arith.constant 0 : i32
      %cond3A_130 = arith.cmpi ne, %convert_element_type3A_128, %cond3A_129 : i32
      scf.if %cond3A_130 {
        %add3A_147 = arith.constant 2 : i32
        %add3A_148 = arith.addi %mul3A_121, %add3A_147 : i32
        %dma_start3A = arith.constant 0 : i32
        %dma_start3A_149 = tpu.memref_slice %arg7[%add3A_148, %dma_start3A] : memref<32x128xi32, #tpu.memory_space<vmem>> -> memref<1x128xi32, #tpu.memory_space<vmem>>
        %dma_start3A_150 = tpu.memref_squeeze %dma_start3A_149 : memref<1x128xi32, #tpu.memory_space<vmem>> -> memref<128xi32, #tpu.memory_space<vmem>>
        %dma_start3A_151 = arith.constant 0 : i32
        %dma_start3A_152 = arith.constant 0 : i32
        %dma_start3A_153 = tpu.memref_slice %arg2[%dma_start3A_151, %dma_start3A_152] : memref<10240x128xf32, #tpu.memory_space<hbm>> -> memref<10240x128xf32, #tpu.memory_space<hbm>>
        tpu.enqueue_indirect_dma source(%dma_start3A_153 : memref<10240x128xf32, #tpu.memory_space<hbm>>) target(%arg9 : memref<128x128xf32, #tpu.memory_space<vmem>>) offsets(%dma_start3A_150 : memref<128xi32, #tpu.memory_space<vmem>>) semaphore(%arg12 : memref<!tpu.dma_semaphore, #tpu.memory_space<semaphore_mem>>)
      } else {
      }
      %add3A = arith.constant 1 : i32
      %add3A_131 = arith.addi %mul3A_121, %add3A : i32
      %dma_wait3A_132 = arith.constant 0 : i32
      %dma_wait3A_133 = tpu.memref_slice %arg7[%add3A_131, %dma_wait3A_132] : memref<32x128xi32, #tpu.memory_space<vmem>> -> memref<1x128xi32, #tpu.memory_space<vmem>>
      %dma_wait3A_134 = tpu.memref_squeeze %dma_wait3A_133 : memref<1x128xi32, #tpu.memory_space<vmem>> -> memref<128xi32, #tpu.memory_space<vmem>>
      %dma_wait3A_135 = arith.constant 0 : i32
      %dma_wait3A_136 = arith.constant 0 : i32
      %dma_wait3A_137 = tpu.memref_slice %arg2[%dma_wait3A_135, %dma_wait3A_136] : memref<10240x128xf32, #tpu.memory_space<hbm>> -> memref<10240x128xf32, #tpu.memory_space<hbm>>
      tpu.wait_indirect_dma semaphore(%arg13 : memref<!tpu.dma_semaphore, #tpu.memory_space<semaphore_mem>>) src(%dma_wait3A_137 : memref<10240x128xf32, #tpu.memory_space<hbm>>) dst(%arg10 : memref<128x128xf32, #tpu.memory_space<vmem>>)
      %add3A_138 = arith.constant 1 : i32
      %add3A_139 = arith.addi %mul3A_121, %add3A_138 : i32
      "tpu.region"() ({
        %run_scoped3A_147 = tpu.sem_alloc : memref<!tpu.dma_semaphore, #tpu.memory_space<semaphore_mem>>
        %dma_start3A = arith.constant 0 : i32
        %dma_start3A_148 = tpu.memref_slice %arg8[%add3A_139, %dma_start3A] : memref<32x128xi32, #tpu.memory_space<vmem>> -> memref<1x128xi32, #tpu.memory_space<vmem>>
        %dma_start3A_149 = tpu.memref_squeeze %dma_start3A_148 : memref<1x128xi32, #tpu.memory_space<vmem>> -> memref<128xi32, #tpu.memory_space<vmem>>
        %dma_start3A_150 = arith.constant 0 : i32
        %dma_start3A_151 = arith.constant 0 : i32
        %dma_start3A_152 = tpu.memref_slice %arg11[%dma_start3A_150, %dma_start3A_151] : memref<10240x128xf32, #tpu.memory_space<vmem_shared>> -> memref<10240x128xf32, #tpu.memory_space<vmem_shared>>
        tpu.enqueue_indirect_dma source(%arg10 : memref<128x128xf32, #tpu.memory_space<vmem>>) target(%dma_start3A_152 : memref<10240x128xf32, #tpu.memory_space<vmem_shared>>) offsets(%dma_start3A_149 : memref<128xi32, #tpu.memory_space<vmem>>) semaphore(%run_scoped3A_147 : memref<!tpu.dma_semaphore, #tpu.memory_space<semaphore_mem>>) {add = true}
        %dma_wait3A_153 = arith.constant 0 : i32
        %dma_wait3A_154 = tpu.memref_slice %arg8[%add3A_139, %dma_wait3A_153] : memref<32x128xi32, #tpu.memory_space<vmem>> -> memref<1x128xi32, #tpu.memory_space<vmem>>
        %dma_wait3A_155 = tpu.memref_squeeze %dma_wait3A_154 : memref<1x128xi32, #tpu.memory_space<vmem>> -> memref<128xi32, #tpu.memory_space<vmem>>
        %dma_wait3A_156 = arith.constant 0 : i32
        %dma_wait3A_157 = arith.constant 0 : i32
        %dma_wait3A_158 = tpu.memref_slice %arg11[%dma_wait3A_156, %dma_wait3A_157] : memref<10240x128xf32, #tpu.memory_space<vmem_shared>> -> memref<10240x128xf32, #tpu.memory_space<vmem_shared>>
        tpu.wait_indirect_dma semaphore(%run_scoped3A_147 : memref<!tpu.dma_semaphore, #tpu.memory_space<semaphore_mem>>) src(%arg10 : memref<128x128xf32, #tpu.memory_space<vmem>>) dst(%dma_wait3A_158 : memref<10240x128xf32, #tpu.memory_space<vmem_shared>>)
        tpu.yield
      }) : () -> ()
      %sub3A_140 = arith.constant 1 : i32
      %sub3A_141 = arith.subi %select_n3A_45, %sub3A_140 : i32
      %lt3A_142 = arith.cmpi slt, %while3A_118, %sub3A_141 : i32
      %convert_element_type3A_143 = arith.extui %lt3A_142 : i1 to i32
      %cond3A_144 = arith.constant 0 : i32
      %cond3A_145 = arith.cmpi ne, %convert_element_type3A_143, %cond3A_144 : i32
      scf.if %cond3A_145 {
        %add3A_147 = arith.constant 3 : i32
        %add3A_148 = arith.addi %mul3A_121, %add3A_147 : i32
        %dma_start3A = arith.constant 0 : i32
        %dma_start3A_149 = tpu.memref_slice %arg7[%add3A_148, %dma_start3A] : memref<32x128xi32, #tpu.memory_space<vmem>> -> memref<1x128xi32, #tpu.memory_space<vmem>>
        %dma_start3A_150 = tpu.memref_squeeze %dma_start3A_149 : memref<1x128xi32, #tpu.memory_space<vmem>> -> memref<128xi32, #tpu.memory_space<vmem>>
        %dma_start3A_151 = arith.constant 0 : i32
        %dma_start3A_152 = arith.constant 0 : i32
        %dma_start3A_153 = tpu.memref_slice %arg2[%dma_start3A_151, %dma_start3A_152] : memref<10240x128xf32, #tpu.memory_space<hbm>> -> memref<10240x128xf32, #tpu.memory_space<hbm>>
        tpu.enqueue_indirect_dma source(%dma_start3A_153 : memref<10240x128xf32, #tpu.memory_space<hbm>>) target(%arg10 : memref<128x128xf32, #tpu.memory_space<vmem>>) offsets(%dma_start3A_150 : memref<128xi32, #tpu.memory_space<vmem>>) semaphore(%arg13 : memref<!tpu.dma_semaphore, #tpu.memory_space<semaphore_mem>>)
      } else {
      }
      %while3A_146 = arith.constant 0 : i32
      scf.yield %while3A_146 : i32
    }
    %while3A_63 = arith.constant 1 : i32
    %while3A_64 = scf.for %while3A_118 = %while3A_60 to %while3A_56 step %while3A_63 iter_args(%while3A_119 = %while3A_62) -> (i32)  : i32 {
      %mul3A_120 = arith.constant 2 : i32
      %mul3A_121 = arith.muli %mul3A_120, %while3A_118 : i32
      %dma_wait3A = arith.constant 0 : i32
      %dma_wait3A_122 = tpu.memref_slice %arg7[%mul3A_121, %dma_wait3A] : memref<32x128xi32, #tpu.memory_space<vmem>> -> memref<1x128xi32, #tpu.memory_space<vmem>>
      %dma_wait3A_123 = tpu.memref_squeeze %dma_wait3A_122 : memref<1x128xi32, #tpu.memory_space<vmem>> -> memref<128xi32, #tpu.memory_space<vmem>>
      %dma_wait3A_124 = arith.constant 0 : i32
      %dma_wait3A_125 = arith.constant 0 : i32
      %dma_wait3A_126 = tpu.memref_slice %arg2[%dma_wait3A_124, %dma_wait3A_125] : memref<10240x128xf32, #tpu.memory_space<hbm>> -> memref<10240x128xf32, #tpu.memory_space<hbm>>
      tpu.wait_indirect_dma semaphore(%arg12 : memref<!tpu.dma_semaphore, #tpu.memory_space<semaphore_mem>>) src(%dma_wait3A_126 : memref<10240x128xf32, #tpu.memory_space<hbm>>) dst(%arg9 : memref<128x128xf32, #tpu.memory_space<vmem>>)
      "tpu.region"() ({
        %run_scoped3A_147 = tpu.sem_alloc : memref<!tpu.dma_semaphore, #tpu.memory_space<semaphore_mem>>
        %dma_start3A = arith.constant 0 : i32
        %dma_start3A_148 = tpu.memref_slice %arg8[%mul3A_121, %dma_start3A] : memref<32x128xi32, #tpu.memory_space<vmem>> -> memref<1x128xi32, #tpu.memory_space<vmem>>
        %dma_start3A_149 = tpu.memref_squeeze %dma_start3A_148 : memref<1x128xi32, #tpu.memory_space<vmem>> -> memref<128xi32, #tpu.memory_space<vmem>>
        %dma_start3A_150 = arith.constant 0 : i32
        %dma_start3A_151 = arith.constant 0 : i32
        %dma_start3A_152 = tpu.memref_slice %arg11[%dma_start3A_150, %dma_start3A_151] : memref<10240x128xf32, #tpu.memory_space<vmem_shared>> -> memref<10240x128xf32, #tpu.memory_space<vmem_shared>>
        tpu.enqueue_indirect_dma source(%arg9 : memref<128x128xf32, #tpu.memory_space<vmem>>) target(%dma_start3A_152 : memref<10240x128xf32, #tpu.memory_space<vmem_shared>>) offsets(%dma_start3A_149 : memref<128xi32, #tpu.memory_space<vmem>>) semaphore(%run_scoped3A_147 : memref<!tpu.dma_semaphore, #tpu.memory_space<semaphore_mem>>) {add = true}
        %dma_wait3A_153 = arith.constant 0 : i32
        %dma_wait3A_154 = tpu.memref_slice %arg8[%mul3A_121, %dma_wait3A_153] : memref<32x128xi32, #tpu.memory_space<vmem>> -> memref<1x128xi32, #tpu.memory_space<vmem>>
        %dma_wait3A_155 = tpu.memref_squeeze %dma_wait3A_154 : memref<1x128xi32, #tpu.memory_space<vmem>> -> memref<128xi32, #tpu.memory_space<vmem>>
        %dma_wait3A_156 = arith.constant 0 : i32
        %dma_wait3A_157 = arith.constant 0 : i32
        %dma_wait3A_158 = tpu.memref_slice %arg11[%dma_wait3A_156, %dma_wait3A_157] : memref<10240x128xf32, #tpu.memory_space<vmem_shared>> -> memref<10240x128xf32, #tpu.memory_space<vmem_shared>>
        tpu.wait_indirect_dma semaphore(%run_scoped3A_147 : memref<!tpu.dma_semaphore, #tpu.memory_space<semaphore_mem>>) src(%arg9 : memref<128x128xf32, #tpu.memory_space<vmem>>) dst(%dma_wait3A_158 : memref<10240x128xf32, #tpu.memory_space<vmem_shared>>)
        tpu.yield
      }) : () -> ()
      %sub3A = arith.constant 1 : i32
      %sub3A_127 = arith.subi %select_n3A_45, %sub3A : i32
      %lt3A = arith.cmpi slt, %while3A_118, %sub3A_127 : i32
      %convert_element_type3A_128 = arith.extui %lt3A : i1 to i32
      %cond3A_129 = arith.constant 0 : i32
      %cond3A_130 = arith.cmpi ne, %convert_element_type3A_128, %cond3A_129 : i32
      scf.if %cond3A_130 {
        %add3A_147 = arith.constant 2 : i32
        %add3A_148 = arith.addi %mul3A_121, %add3A_147 : i32
        %dma_start3A = arith.constant 0 : i32
        %dma_start3A_149 = tpu.memref_slice %arg7[%add3A_148, %dma_start3A] : memref<32x128xi32, #tpu.memory_space<vmem>> -> memref<1x128xi32, #tpu.memory_space<vmem>>
        %dma_start3A_150 = tpu.memref_squeeze %dma_start3A_149 : memref<1x128xi32, #tpu.memory_space<vmem>> -> memref<128xi32, #tpu.memory_space<vmem>>
        %dma_start3A_151 = arith.constant 0 : i32
        %dma_start3A_152 = arith.constant 0 : i32
        %dma_start3A_153 = tpu.memref_slice %arg2[%dma_start3A_151, %dma_start3A_152] : memref<10240x128xf32, #tpu.memory_space<hbm>> -> memref<10240x128xf32, #tpu.memory_space<hbm>>
        tpu.enqueue_indirect_dma source(%dma_start3A_153 : memref<10240x128xf32, #tpu.memory_space<hbm>>) target(%arg9 : memref<128x128xf32, #tpu.memory_space<vmem>>) offsets(%dma_start3A_150 : memref<128xi32, #tpu.memory_space<vmem>>) semaphore(%arg12 : memref<!tpu.dma_semaphore, #tpu.memory_space<semaphore_mem>>)
      } else {
      }
      %add3A = arith.constant 1 : i32
      %add3A_131 = arith.addi %mul3A_121, %add3A : i32
      %dma_wait3A_132 = arith.constant 0 : i32
      %dma_wait3A_133 = tpu.memref_slice %arg7[%add3A_131, %dma_wait3A_132] : memref<32x128xi32, #tpu.memory_space<vmem>> -> memref<1x128xi32, #tpu.memory_space<vmem>>
      %dma_wait3A_134 = tpu.memref_squeeze %dma_wait3A_133 : memref<1x128xi32, #tpu.memory_space<vmem>> -> memref<128xi32, #tpu.memory_space<vmem>>
      %dma_wait3A_135 = arith.constant 0 : i32
      %dma_wait3A_136 = arith.constant 0 : i32
      %dma_wait3A_137 = tpu.memref_slice %arg2[%dma_wait3A_135, %dma_wait3A_136] : memref<10240x128xf32, #tpu.memory_space<hbm>> -> memref<10240x128xf32, #tpu.memory_space<hbm>>
      tpu.wait_indirect_dma semaphore(%arg13 : memref<!tpu.dma_semaphore, #tpu.memory_space<semaphore_mem>>) src(%dma_wait3A_137 : memref<10240x128xf32, #tpu.memory_space<hbm>>) dst(%arg10 : memref<128x128xf32, #tpu.memory_space<vmem>>)
      %add3A_138 = arith.constant 1 : i32
      %add3A_139 = arith.addi %mul3A_121, %add3A_138 : i32
      "tpu.region"() ({
        %run_scoped3A_147 = tpu.sem_alloc : memref<!tpu.dma_semaphore, #tpu.memory_space<semaphore_mem>>
        %dma_start3A = arith.constant 0 : i32
        %dma_start3A_148 = tpu.memref_slice %arg8[%add3A_139, %dma_start3A] : memref<32x128xi32, #tpu.memory_space<vmem>> -> memref<1x128xi32, #tpu.memory_space<vmem>>
        %dma_start3A_149 = tpu.memref_squeeze %dma_start3A_148 : memref<1x128xi32, #tpu.memory_space<vmem>> -> memref<128xi32, #tpu.memory_space<vmem>>
        %dma_start3A_150 = arith.constant 0 : i32
        %dma_start3A_151 = arith.constant 0 : i32
        %dma_start3A_152 = tpu.memref_slice %arg11[%dma_start3A_150, %dma_start3A_151] : memref<10240x128xf32, #tpu.memory_space<vmem_shared>> -> memref<10240x128xf32, #tpu.memory_space<vmem_shared>>
        tpu.enqueue_indirect_dma source(%arg10 : memref<128x128xf32, #tpu.memory_space<vmem>>) target(%dma_start3A_152 : memref<10240x128xf32, #tpu.memory_space<vmem_shared>>) offsets(%dma_start3A_149 : memref<128xi32, #tpu.memory_space<vmem>>) semaphore(%run_scoped3A_147 : memref<!tpu.dma_semaphore, #tpu.memory_space<semaphore_mem>>) {add = true}
        %dma_wait3A_153 = arith.constant 0 : i32
        %dma_wait3A_154 = tpu.memref_slice %arg8[%add3A_139, %dma_wait3A_153] : memref<32x128xi32, #tpu.memory_space<vmem>> -> memref<1x128xi32, #tpu.memory_space<vmem>>
        %dma_wait3A_155 = tpu.memref_squeeze %dma_wait3A_154 : memref<1x128xi32, #tpu.memory_space<vmem>> -> memref<128xi32, #tpu.memory_space<vmem>>
        %dma_wait3A_156 = arith.constant 0 : i32
        %dma_wait3A_157 = arith.constant 0 : i32
        %dma_wait3A_158 = tpu.memref_slice %arg11[%dma_wait3A_156, %dma_wait3A_157] : memref<10240x128xf32, #tpu.memory_space<vmem_shared>> -> memref<10240x128xf32, #tpu.memory_space<vmem_shared>>
        tpu.wait_indirect_dma semaphore(%run_scoped3A_147 : memref<!tpu.dma_semaphore, #tpu.memory_space<semaphore_mem>>) src(%arg10 : memref<128x128xf32, #tpu.memory_space<vmem>>) dst(%dma_wait3A_158 : memref<10240x128xf32, #tpu.memory_space<vmem_shared>>)
        tpu.yield
      }) : () -> ()
      %sub3A_140 = arith.constant 1 : i32
      %sub3A_141 = arith.subi %select_n3A_45, %sub3A_140 : i32
      %lt3A_142 = arith.cmpi slt, %while3A_118, %sub3A_141 : i32
      %convert_element_type3A_143 = arith.extui %lt3A_142 : i1 to i32
      %cond3A_144 = arith.constant 0 : i32
      %cond3A_145 = arith.cmpi ne, %convert_element_type3A_143, %cond3A_144 : i32
      scf.if %cond3A_145 {
        %add3A_147 = arith.constant 3 : i32
        %add3A_148 = arith.addi %mul3A_121, %add3A_147 : i32
        %dma_start3A = arith.constant 0 : i32
        %dma_start3A_149 = tpu.memref_slice %arg7[%add3A_148, %dma_start3A] : memref<32x128xi32, #tpu.memory_space<vmem>> -> memref<1x128xi32, #tpu.memory_space<vmem>>
        %dma_start3A_150 = tpu.memref_squeeze %dma_start3A_149 : memref<1x128xi32, #tpu.memory_space<vmem>> -> memref<128xi32, #tpu.memory_space<vmem>>
        %dma_start3A_151 = arith.constant 0 : i32
        %dma_start3A_152 = arith.constant 0 : i32
        %dma_start3A_153 = tpu.memref_slice %arg2[%dma_start3A_151, %dma_start3A_152] : memref<10240x128xf32, #tpu.memory_space<hbm>> -> memref<10240x128xf32, #tpu.memory_space<hbm>>
        tpu.enqueue_indirect_dma source(%dma_start3A_153 : memref<10240x128xf32, #tpu.memory_space<hbm>>) target(%arg10 : memref<128x128xf32, #tpu.memory_space<vmem>>) offsets(%dma_start3A_150 : memref<128xi32, #tpu.memory_space<vmem>>) semaphore(%arg13 : memref<!tpu.dma_semaphore, #tpu.memory_space<semaphore_mem>>)
      } else {
      }
      %while3A_146 = arith.constant 0 : i32
      scf.yield %while3A_146 : i32
    }
    %eq3A_65 = arith.constant 0 : i32
    %eq3A_66 = arith.cmpi eq, %arg0, %eq3A_65 : i32
    %jit3A_67 = arith.constant 16 : i32
    %jit3A_68 = arith.constant 0 : i32
    %select_n3A_69 = arith.select %eq3A_66, %jit3A_67, %jit3A_68 : i32
    %run_scoped3A_70 = arith.constant 3 : i32
    "tpu.region"() ({
      %run_scoped3A_118 = tpu.sem_alloc : memref<!tpu.dma_semaphore, #tpu.memory_space<semaphore_mem>>
      %dma_start3A = arith.constant 0 : i32
      %dma_start3A_119 = arith.constant 0 : i32
      %dma_start3A_120 = tpu.memref_slice %arg3[%arg1, %run_scoped3A_70, %dma_start3A, %dma_start3A_119] : memref<16x5x32x128xi32, #tpu.memory_space<hbm>> -> memref<1x1x32x128xi32, #tpu.memory_space<hbm>>
      %dma_start3A_121 = tpu.memref_squeeze %dma_start3A_120 : memref<1x1x32x128xi32, #tpu.memory_space<hbm>> -> memref<32x128xi32, #tpu.memory_space<hbm>>
      %dma_start3A_122 = arith.constant 0 : i32
      %dma_start3A_123 = arith.constant 0 : i32
      %dma_start3A_124 = tpu.memref_slice %arg3[%arg1, %run_scoped3A_70, %dma_start3A_122, %dma_start3A_123] : memref<16x5x32x128xi32, #tpu.memory_space<hbm>> -> memref<1x1x32x128xi32, #tpu.memory_space<hbm>>
      %dma_start3A_125 = tpu.memref_squeeze %dma_start3A_124 : memref<1x1x32x128xi32, #tpu.memory_space<hbm>> -> memref<32x128xi32, #tpu.memory_space<hbm>>
      tpu.enqueue_dma source(%dma_start3A_125 : memref<32x128xi32, #tpu.memory_space<hbm>>) target(%arg7 : memref<32x128xi32, #tpu.memory_space<vmem>>) target_semaphore(%run_scoped3A_118 : memref<!tpu.dma_semaphore, #tpu.memory_space<semaphore_mem>>)
      %dma_wait3A = arith.constant 0 : i32
      %dma_wait3A_126 = arith.constant 0 : i32
      %dma_wait3A_127 = tpu.memref_slice %arg3[%arg1, %run_scoped3A_70, %dma_wait3A, %dma_wait3A_126] : memref<16x5x32x128xi32, #tpu.memory_space<hbm>> -> memref<1x1x32x128xi32, #tpu.memory_space<hbm>>
      %dma_wait3A_128 = tpu.memref_squeeze %dma_wait3A_127 : memref<1x1x32x128xi32, #tpu.memory_space<hbm>> -> memref<32x128xi32, #tpu.memory_space<hbm>>
      %dma_wait3A_129 = arith.constant 0 : i32
      %dma_wait3A_130 = arith.constant 0 : i32
      %dma_wait3A_131 = tpu.memref_slice %arg3[%arg1, %run_scoped3A_70, %dma_wait3A_129, %dma_wait3A_130] : memref<16x5x32x128xi32, #tpu.memory_space<hbm>> -> memref<1x1x32x128xi32, #tpu.memory_space<hbm>>
      %dma_wait3A_132 = tpu.memref_squeeze %dma_wait3A_131 : memref<1x1x32x128xi32, #tpu.memory_space<hbm>> -> memref<32x128xi32, #tpu.memory_space<hbm>>
      tpu.wait_dma2 semaphore(%run_scoped3A_118 : memref<!tpu.dma_semaphore, #tpu.memory_space<semaphore_mem>>) src(%dma_wait3A_132 : memref<32x128xi32, #tpu.memory_space<hbm>>) dst(%arg7 : memref<32x128xi32, #tpu.memory_space<vmem>>)
      tpu.yield
    }) : () -> ()
    %run_scoped3A_71 = arith.constant 3 : i32
    "tpu.region"() ({
      %run_scoped3A_118 = tpu.sem_alloc : memref<!tpu.dma_semaphore, #tpu.memory_space<semaphore_mem>>
      %dma_start3A = arith.constant 0 : i32
      %dma_start3A_119 = arith.constant 0 : i32
      %dma_start3A_120 = tpu.memref_slice %arg4[%arg1, %run_scoped3A_71, %dma_start3A, %dma_start3A_119] : memref<16x5x32x128xi32, #tpu.memory_space<hbm>> -> memref<1x1x32x128xi32, #tpu.memory_space<hbm>>
      %dma_start3A_121 = tpu.memref_squeeze %dma_start3A_120 : memref<1x1x32x128xi32, #tpu.memory_space<hbm>> -> memref<32x128xi32, #tpu.memory_space<hbm>>
      %dma_start3A_122 = arith.constant 0 : i32
      %dma_start3A_123 = arith.constant 0 : i32
      %dma_start3A_124 = tpu.memref_slice %arg4[%arg1, %run_scoped3A_71, %dma_start3A_122, %dma_start3A_123] : memref<16x5x32x128xi32, #tpu.memory_space<hbm>> -> memref<1x1x32x128xi32, #tpu.memory_space<hbm>>
      %dma_start3A_125 = tpu.memref_squeeze %dma_start3A_124 : memref<1x1x32x128xi32, #tpu.memory_space<hbm>> -> memref<32x128xi32, #tpu.memory_space<hbm>>
      tpu.enqueue_dma source(%dma_start3A_125 : memref<32x128xi32, #tpu.memory_space<hbm>>) target(%arg8 : memref<32x128xi32, #tpu.memory_space<vmem>>) target_semaphore(%run_scoped3A_118 : memref<!tpu.dma_semaphore, #tpu.memory_space<semaphore_mem>>)
      %dma_wait3A = arith.constant 0 : i32
      %dma_wait3A_126 = arith.constant 0 : i32
      %dma_wait3A_127 = tpu.memref_slice %arg4[%arg1, %run_scoped3A_71, %dma_wait3A, %dma_wait3A_126] : memref<16x5x32x128xi32, #tpu.memory_space<hbm>> -> memref<1x1x32x128xi32, #tpu.memory_space<hbm>>
      %dma_wait3A_128 = tpu.memref_squeeze %dma_wait3A_127 : memref<1x1x32x128xi32, #tpu.memory_space<hbm>> -> memref<32x128xi32, #tpu.memory_space<hbm>>
      %dma_wait3A_129 = arith.constant 0 : i32
      %dma_wait3A_130 = arith.constant 0 : i32
      %dma_wait3A_131 = tpu.memref_slice %arg4[%arg1, %run_scoped3A_71, %dma_wait3A_129, %dma_wait3A_130] : memref<16x5x32x128xi32, #tpu.memory_space<hbm>> -> memref<1x1x32x128xi32, #tpu.memory_space<hbm>>
      %dma_wait3A_132 = tpu.memref_squeeze %dma_wait3A_131 : memref<1x1x32x128xi32, #tpu.memory_space<hbm>> -> memref<32x128xi32, #tpu.memory_space<hbm>>
      tpu.wait_dma2 semaphore(%run_scoped3A_118 : memref<!tpu.dma_semaphore, #tpu.memory_space<semaphore_mem>>) src(%dma_wait3A_132 : memref<32x128xi32, #tpu.memory_space<hbm>>) dst(%arg8 : memref<32x128xi32, #tpu.memory_space<vmem>>)
      tpu.yield
    }) : () -> ()
    %gt3A_72 = arith.constant 0 : i32
    %gt3A_73 = arith.cmpi sgt, %select_n3A_69, %gt3A_72 : i32
    %convert_element_type3A_74 = arith.extui %gt3A_73 : i1 to i32
    %cond3A_75 = arith.constant 0 : i32
    %cond3A_76 = arith.cmpi ne, %convert_element_type3A_74, %cond3A_75 : i32
    scf.if %cond3A_76 {
      %dma_start3A = arith.constant 0 : i32
      %dma_start3A_118 = arith.constant 0 : i32
      %dma_start3A_119 = tpu.memref_slice %arg7[%dma_start3A, %dma_start3A_118] : memref<32x128xi32, #tpu.memory_space<vmem>> -> memref<1x128xi32, #tpu.memory_space<vmem>>
      %dma_start3A_120 = tpu.memref_squeeze %dma_start3A_119 : memref<1x128xi32, #tpu.memory_space<vmem>> -> memref<128xi32, #tpu.memory_space<vmem>>
      %dma_start3A_121 = arith.constant 0 : i32
      %dma_start3A_122 = arith.constant 0 : i32
      %dma_start3A_123 = tpu.memref_slice %arg2[%dma_start3A_121, %dma_start3A_122] : memref<10240x128xf32, #tpu.memory_space<hbm>> -> memref<10240x128xf32, #tpu.memory_space<hbm>>
      tpu.enqueue_indirect_dma source(%dma_start3A_123 : memref<10240x128xf32, #tpu.memory_space<hbm>>) target(%arg9 : memref<128x128xf32, #tpu.memory_space<vmem>>) offsets(%dma_start3A_120 : memref<128xi32, #tpu.memory_space<vmem>>) semaphore(%arg12 : memref<!tpu.dma_semaphore, #tpu.memory_space<semaphore_mem>>)
      %dma_start3A_124 = arith.constant 1 : i32
      %dma_start3A_125 = arith.constant 0 : i32
      %dma_start3A_126 = tpu.memref_slice %arg7[%dma_start3A_124, %dma_start3A_125] : memref<32x128xi32, #tpu.memory_space<vmem>> -> memref<1x128xi32, #tpu.memory_space<vmem>>
      %dma_start3A_127 = tpu.memref_squeeze %dma_start3A_126 : memref<1x128xi32, #tpu.memory_space<vmem>> -> memref<128xi32, #tpu.memory_space<vmem>>
      %dma_start3A_128 = arith.constant 0 : i32
      %dma_start3A_129 = arith.constant 0 : i32
      %dma_start3A_130 = tpu.memref_slice %arg2[%dma_start3A_128, %dma_start3A_129] : memref<10240x128xf32, #tpu.memory_space<hbm>> -> memref<10240x128xf32, #tpu.memory_space<hbm>>
      tpu.enqueue_indirect_dma source(%dma_start3A_130 : memref<10240x128xf32, #tpu.memory_space<hbm>>) target(%arg10 : memref<128x128xf32, #tpu.memory_space<vmem>>) offsets(%dma_start3A_127 : memref<128xi32, #tpu.memory_space<vmem>>) semaphore(%arg13 : memref<!tpu.dma_semaphore, #tpu.memory_space<semaphore_mem>>)
    } else {
    }
    %while3A_77 = arith.constant 0 : i32
    %while3A_78 = arith.constant 0 : i32
    %while3A_79 = arith.subi %select_n3A_69, %while3A_77 : i32
    %while3A_80 = arith.addi %while3A_77, %while3A_79 : i32
    %while3A_81 = arith.constant 1 : i32
    %while3A_82 = arith.divsi %while3A_79, %while3A_81 : i32
    %while3A_83 = arith.muli %while3A_82, %while3A_81 : i32
    %while3A_84 = arith.addi %while3A_77, %while3A_83 : i32
    %while3A_85 = arith.constant 1 : i32
    %while3A_86 = scf.for %while3A_118 = %while3A_77 to %while3A_84 step %while3A_85 iter_args(%while3A_119 = %while3A_78) -> (i32)  : i32 {
      %mul3A_120 = arith.constant 2 : i32
      %mul3A_121 = arith.muli %mul3A_120, %while3A_118 : i32
      %dma_wait3A = arith.constant 0 : i32
      %dma_wait3A_122 = tpu.memref_slice %arg7[%mul3A_121, %dma_wait3A] : memref<32x128xi32, #tpu.memory_space<vmem>> -> memref<1x128xi32, #tpu.memory_space<vmem>>
      %dma_wait3A_123 = tpu.memref_squeeze %dma_wait3A_122 : memref<1x128xi32, #tpu.memory_space<vmem>> -> memref<128xi32, #tpu.memory_space<vmem>>
      %dma_wait3A_124 = arith.constant 0 : i32
      %dma_wait3A_125 = arith.constant 0 : i32
      %dma_wait3A_126 = tpu.memref_slice %arg2[%dma_wait3A_124, %dma_wait3A_125] : memref<10240x128xf32, #tpu.memory_space<hbm>> -> memref<10240x128xf32, #tpu.memory_space<hbm>>
      tpu.wait_indirect_dma semaphore(%arg12 : memref<!tpu.dma_semaphore, #tpu.memory_space<semaphore_mem>>) src(%dma_wait3A_126 : memref<10240x128xf32, #tpu.memory_space<hbm>>) dst(%arg9 : memref<128x128xf32, #tpu.memory_space<vmem>>)
      "tpu.region"() ({
        %run_scoped3A_147 = tpu.sem_alloc : memref<!tpu.dma_semaphore, #tpu.memory_space<semaphore_mem>>
        %dma_start3A = arith.constant 0 : i32
        %dma_start3A_148 = tpu.memref_slice %arg8[%mul3A_121, %dma_start3A] : memref<32x128xi32, #tpu.memory_space<vmem>> -> memref<1x128xi32, #tpu.memory_space<vmem>>
        %dma_start3A_149 = tpu.memref_squeeze %dma_start3A_148 : memref<1x128xi32, #tpu.memory_space<vmem>> -> memref<128xi32, #tpu.memory_space<vmem>>
        %dma_start3A_150 = arith.constant 0 : i32
        %dma_start3A_151 = arith.constant 0 : i32
        %dma_start3A_152 = tpu.memref_slice %arg11[%dma_start3A_150, %dma_start3A_151] : memref<10240x128xf32, #tpu.memory_space<vmem_shared>> -> memref<10240x128xf32, #tpu.memory_space<vmem_shared>>
        tpu.enqueue_indirect_dma source(%arg9 : memref<128x128xf32, #tpu.memory_space<vmem>>) target(%dma_start3A_152 : memref<10240x128xf32, #tpu.memory_space<vmem_shared>>) offsets(%dma_start3A_149 : memref<128xi32, #tpu.memory_space<vmem>>) semaphore(%run_scoped3A_147 : memref<!tpu.dma_semaphore, #tpu.memory_space<semaphore_mem>>) {add = true}
        %dma_wait3A_153 = arith.constant 0 : i32
        %dma_wait3A_154 = tpu.memref_slice %arg8[%mul3A_121, %dma_wait3A_153] : memref<32x128xi32, #tpu.memory_space<vmem>> -> memref<1x128xi32, #tpu.memory_space<vmem>>
        %dma_wait3A_155 = tpu.memref_squeeze %dma_wait3A_154 : memref<1x128xi32, #tpu.memory_space<vmem>> -> memref<128xi32, #tpu.memory_space<vmem>>
        %dma_wait3A_156 = arith.constant 0 : i32
        %dma_wait3A_157 = arith.constant 0 : i32
        %dma_wait3A_158 = tpu.memref_slice %arg11[%dma_wait3A_156, %dma_wait3A_157] : memref<10240x128xf32, #tpu.memory_space<vmem_shared>> -> memref<10240x128xf32, #tpu.memory_space<vmem_shared>>
        tpu.wait_indirect_dma semaphore(%run_scoped3A_147 : memref<!tpu.dma_semaphore, #tpu.memory_space<semaphore_mem>>) src(%arg9 : memref<128x128xf32, #tpu.memory_space<vmem>>) dst(%dma_wait3A_158 : memref<10240x128xf32, #tpu.memory_space<vmem_shared>>)
        tpu.yield
      }) : () -> ()
      %sub3A = arith.constant 1 : i32
      %sub3A_127 = arith.subi %select_n3A_69, %sub3A : i32
      %lt3A = arith.cmpi slt, %while3A_118, %sub3A_127 : i32
      %convert_element_type3A_128 = arith.extui %lt3A : i1 to i32
      %cond3A_129 = arith.constant 0 : i32
      %cond3A_130 = arith.cmpi ne, %convert_element_type3A_128, %cond3A_129 : i32
      scf.if %cond3A_130 {
        %add3A_147 = arith.constant 2 : i32
        %add3A_148 = arith.addi %mul3A_121, %add3A_147 : i32
        %dma_start3A = arith.constant 0 : i32
        %dma_start3A_149 = tpu.memref_slice %arg7[%add3A_148, %dma_start3A] : memref<32x128xi32, #tpu.memory_space<vmem>> -> memref<1x128xi32, #tpu.memory_space<vmem>>
        %dma_start3A_150 = tpu.memref_squeeze %dma_start3A_149 : memref<1x128xi32, #tpu.memory_space<vmem>> -> memref<128xi32, #tpu.memory_space<vmem>>
        %dma_start3A_151 = arith.constant 0 : i32
        %dma_start3A_152 = arith.constant 0 : i32
        %dma_start3A_153 = tpu.memref_slice %arg2[%dma_start3A_151, %dma_start3A_152] : memref<10240x128xf32, #tpu.memory_space<hbm>> -> memref<10240x128xf32, #tpu.memory_space<hbm>>
        tpu.enqueue_indirect_dma source(%dma_start3A_153 : memref<10240x128xf32, #tpu.memory_space<hbm>>) target(%arg9 : memref<128x128xf32, #tpu.memory_space<vmem>>) offsets(%dma_start3A_150 : memref<128xi32, #tpu.memory_space<vmem>>) semaphore(%arg12 : memref<!tpu.dma_semaphore, #tpu.memory_space<semaphore_mem>>)
      } else {
      }
      %add3A = arith.constant 1 : i32
      %add3A_131 = arith.addi %mul3A_121, %add3A : i32
      %dma_wait3A_132 = arith.constant 0 : i32
      %dma_wait3A_133 = tpu.memref_slice %arg7[%add3A_131, %dma_wait3A_132] : memref<32x128xi32, #tpu.memory_space<vmem>> -> memref<1x128xi32, #tpu.memory_space<vmem>>
      %dma_wait3A_134 = tpu.memref_squeeze %dma_wait3A_133 : memref<1x128xi32, #tpu.memory_space<vmem>> -> memref<128xi32, #tpu.memory_space<vmem>>
      %dma_wait3A_135 = arith.constant 0 : i32
      %dma_wait3A_136 = arith.constant 0 : i32
      %dma_wait3A_137 = tpu.memref_slice %arg2[%dma_wait3A_135, %dma_wait3A_136] : memref<10240x128xf32, #tpu.memory_space<hbm>> -> memref<10240x128xf32, #tpu.memory_space<hbm>>
      tpu.wait_indirect_dma semaphore(%arg13 : memref<!tpu.dma_semaphore, #tpu.memory_space<semaphore_mem>>) src(%dma_wait3A_137 : memref<10240x128xf32, #tpu.memory_space<hbm>>) dst(%arg10 : memref<128x128xf32, #tpu.memory_space<vmem>>)
      %add3A_138 = arith.constant 1 : i32
      %add3A_139 = arith.addi %mul3A_121, %add3A_138 : i32
      "tpu.region"() ({
        %run_scoped3A_147 = tpu.sem_alloc : memref<!tpu.dma_semaphore, #tpu.memory_space<semaphore_mem>>
        %dma_start3A = arith.constant 0 : i32
        %dma_start3A_148 = tpu.memref_slice %arg8[%add3A_139, %dma_start3A] : memref<32x128xi32, #tpu.memory_space<vmem>> -> memref<1x128xi32, #tpu.memory_space<vmem>>
        %dma_start3A_149 = tpu.memref_squeeze %dma_start3A_148 : memref<1x128xi32, #tpu.memory_space<vmem>> -> memref<128xi32, #tpu.memory_space<vmem>>
        %dma_start3A_150 = arith.constant 0 : i32
        %dma_start3A_151 = arith.constant 0 : i32
        %dma_start3A_152 = tpu.memref_slice %arg11[%dma_start3A_150, %dma_start3A_151] : memref<10240x128xf32, #tpu.memory_space<vmem_shared>> -> memref<10240x128xf32, #tpu.memory_space<vmem_shared>>
        tpu.enqueue_indirect_dma source(%arg10 : memref<128x128xf32, #tpu.memory_space<vmem>>) target(%dma_start3A_152 : memref<10240x128xf32, #tpu.memory_space<vmem_shared>>) offsets(%dma_start3A_149 : memref<128xi32, #tpu.memory_space<vmem>>) semaphore(%run_scoped3A_147 : memref<!tpu.dma_semaphore, #tpu.memory_space<semaphore_mem>>) {add = true}
        %dma_wait3A_153 = arith.constant 0 : i32
        %dma_wait3A_154 = tpu.memref_slice %arg8[%add3A_139, %dma_wait3A_153] : memref<32x128xi32, #tpu.memory_space<vmem>> -> memref<1x128xi32, #tpu.memory_space<vmem>>
        %dma_wait3A_155 = tpu.memref_squeeze %dma_wait3A_154 : memref<1x128xi32, #tpu.memory_space<vmem>> -> memref<128xi32, #tpu.memory_space<vmem>>
        %dma_wait3A_156 = arith.constant 0 : i32
        %dma_wait3A_157 = arith.constant 0 : i32
        %dma_wait3A_158 = tpu.memref_slice %arg11[%dma_wait3A_156, %dma_wait3A_157] : memref<10240x128xf32, #tpu.memory_space<vmem_shared>> -> memref<10240x128xf32, #tpu.memory_space<vmem_shared>>
        tpu.wait_indirect_dma semaphore(%run_scoped3A_147 : memref<!tpu.dma_semaphore, #tpu.memory_space<semaphore_mem>>) src(%arg10 : memref<128x128xf32, #tpu.memory_space<vmem>>) dst(%dma_wait3A_158 : memref<10240x128xf32, #tpu.memory_space<vmem_shared>>)
        tpu.yield
      }) : () -> ()
      %sub3A_140 = arith.constant 1 : i32
      %sub3A_141 = arith.subi %select_n3A_69, %sub3A_140 : i32
      %lt3A_142 = arith.cmpi slt, %while3A_118, %sub3A_141 : i32
      %convert_element_type3A_143 = arith.extui %lt3A_142 : i1 to i32
      %cond3A_144 = arith.constant 0 : i32
      %cond3A_145 = arith.cmpi ne, %convert_element_type3A_143, %cond3A_144 : i32
      scf.if %cond3A_145 {
        %add3A_147 = arith.constant 3 : i32
        %add3A_148 = arith.addi %mul3A_121, %add3A_147 : i32
        %dma_start3A = arith.constant 0 : i32
        %dma_start3A_149 = tpu.memref_slice %arg7[%add3A_148, %dma_start3A] : memref<32x128xi32, #tpu.memory_space<vmem>> -> memref<1x128xi32, #tpu.memory_space<vmem>>
        %dma_start3A_150 = tpu.memref_squeeze %dma_start3A_149 : memref<1x128xi32, #tpu.memory_space<vmem>> -> memref<128xi32, #tpu.memory_space<vmem>>
        %dma_start3A_151 = arith.constant 0 : i32
        %dma_start3A_152 = arith.constant 0 : i32
        %dma_start3A_153 = tpu.memref_slice %arg2[%dma_start3A_151, %dma_start3A_152] : memref<10240x128xf32, #tpu.memory_space<hbm>> -> memref<10240x128xf32, #tpu.memory_space<hbm>>
        tpu.enqueue_indirect_dma source(%dma_start3A_153 : memref<10240x128xf32, #tpu.memory_space<hbm>>) target(%arg10 : memref<128x128xf32, #tpu.memory_space<vmem>>) offsets(%dma_start3A_150 : memref<128xi32, #tpu.memory_space<vmem>>) semaphore(%arg13 : memref<!tpu.dma_semaphore, #tpu.memory_space<semaphore_mem>>)
      } else {
      }
      %while3A_146 = arith.constant 0 : i32
      scf.yield %while3A_146 : i32
    }
    %while3A_87 = arith.constant 1 : i32
    %while3A_88 = scf.for %while3A_118 = %while3A_84 to %while3A_80 step %while3A_87 iter_args(%while3A_119 = %while3A_86) -> (i32)  : i32 {
      %mul3A_120 = arith.constant 2 : i32
      %mul3A_121 = arith.muli %mul3A_120, %while3A_118 : i32
      %dma_wait3A = arith.constant 0 : i32
      %dma_wait3A_122 = tpu.memref_slice %arg7[%mul3A_121, %dma_wait3A] : memref<32x128xi32, #tpu.memory_space<vmem>> -> memref<1x128xi32, #tpu.memory_space<vmem>>
      %dma_wait3A_123 = tpu.memref_squeeze %dma_wait3A_122 : memref<1x128xi32, #tpu.memory_space<vmem>> -> memref<128xi32, #tpu.memory_space<vmem>>
      %dma_wait3A_124 = arith.constant 0 : i32
      %dma_wait3A_125 = arith.constant 0 : i32
      %dma_wait3A_126 = tpu.memref_slice %arg2[%dma_wait3A_124, %dma_wait3A_125] : memref<10240x128xf32, #tpu.memory_space<hbm>> -> memref<10240x128xf32, #tpu.memory_space<hbm>>
      tpu.wait_indirect_dma semaphore(%arg12 : memref<!tpu.dma_semaphore, #tpu.memory_space<semaphore_mem>>) src(%dma_wait3A_126 : memref<10240x128xf32, #tpu.memory_space<hbm>>) dst(%arg9 : memref<128x128xf32, #tpu.memory_space<vmem>>)
      "tpu.region"() ({
        %run_scoped3A_147 = tpu.sem_alloc : memref<!tpu.dma_semaphore, #tpu.memory_space<semaphore_mem>>
        %dma_start3A = arith.constant 0 : i32
        %dma_start3A_148 = tpu.memref_slice %arg8[%mul3A_121, %dma_start3A] : memref<32x128xi32, #tpu.memory_space<vmem>> -> memref<1x128xi32, #tpu.memory_space<vmem>>
        %dma_start3A_149 = tpu.memref_squeeze %dma_start3A_148 : memref<1x128xi32, #tpu.memory_space<vmem>> -> memref<128xi32, #tpu.memory_space<vmem>>
        %dma_start3A_150 = arith.constant 0 : i32
        %dma_start3A_151 = arith.constant 0 : i32
        %dma_start3A_152 = tpu.memref_slice %arg11[%dma_start3A_150, %dma_start3A_151] : memref<10240x128xf32, #tpu.memory_space<vmem_shared>> -> memref<10240x128xf32, #tpu.memory_space<vmem_shared>>
        tpu.enqueue_indirect_dma source(%arg9 : memref<128x128xf32, #tpu.memory_space<vmem>>) target(%dma_start3A_152 : memref<10240x128xf32, #tpu.memory_space<vmem_shared>>) offsets(%dma_start3A_149 : memref<128xi32, #tpu.memory_space<vmem>>) semaphore(%run_scoped3A_147 : memref<!tpu.dma_semaphore, #tpu.memory_space<semaphore_mem>>) {add = true}
        %dma_wait3A_153 = arith.constant 0 : i32
        %dma_wait3A_154 = tpu.memref_slice %arg8[%mul3A_121, %dma_wait3A_153] : memref<32x128xi32, #tpu.memory_space<vmem>> -> memref<1x128xi32, #tpu.memory_space<vmem>>
        %dma_wait3A_155 = tpu.memref_squeeze %dma_wait3A_154 : memref<1x128xi32, #tpu.memory_space<vmem>> -> memref<128xi32, #tpu.memory_space<vmem>>
        %dma_wait3A_156 = arith.constant 0 : i32
        %dma_wait3A_157 = arith.constant 0 : i32
        %dma_wait3A_158 = tpu.memref_slice %arg11[%dma_wait3A_156, %dma_wait3A_157] : memref<10240x128xf32, #tpu.memory_space<vmem_shared>> -> memref<10240x128xf32, #tpu.memory_space<vmem_shared>>
        tpu.wait_indirect_dma semaphore(%run_scoped3A_147 : memref<!tpu.dma_semaphore, #tpu.memory_space<semaphore_mem>>) src(%arg9 : memref<128x128xf32, #tpu.memory_space<vmem>>) dst(%dma_wait3A_158 : memref<10240x128xf32, #tpu.memory_space<vmem_shared>>)
        tpu.yield
      }) : () -> ()
      %sub3A = arith.constant 1 : i32
      %sub3A_127 = arith.subi %select_n3A_69, %sub3A : i32
      %lt3A = arith.cmpi slt, %while3A_118, %sub3A_127 : i32
      %convert_element_type3A_128 = arith.extui %lt3A : i1 to i32
      %cond3A_129 = arith.constant 0 : i32
      %cond3A_130 = arith.cmpi ne, %convert_element_type3A_128, %cond3A_129 : i32
      scf.if %cond3A_130 {
        %add3A_147 = arith.constant 2 : i32
        %add3A_148 = arith.addi %mul3A_121, %add3A_147 : i32
        %dma_start3A = arith.constant 0 : i32
        %dma_start3A_149 = tpu.memref_slice %arg7[%add3A_148, %dma_start3A] : memref<32x128xi32, #tpu.memory_space<vmem>> -> memref<1x128xi32, #tpu.memory_space<vmem>>
        %dma_start3A_150 = tpu.memref_squeeze %dma_start3A_149 : memref<1x128xi32, #tpu.memory_space<vmem>> -> memref<128xi32, #tpu.memory_space<vmem>>
        %dma_start3A_151 = arith.constant 0 : i32
        %dma_start3A_152 = arith.constant 0 : i32
        %dma_start3A_153 = tpu.memref_slice %arg2[%dma_start3A_151, %dma_start3A_152] : memref<10240x128xf32, #tpu.memory_space<hbm>> -> memref<10240x128xf32, #tpu.memory_space<hbm>>
        tpu.enqueue_indirect_dma source(%dma_start3A_153 : memref<10240x128xf32, #tpu.memory_space<hbm>>) target(%arg9 : memref<128x128xf32, #tpu.memory_space<vmem>>) offsets(%dma_start3A_150 : memref<128xi32, #tpu.memory_space<vmem>>) semaphore(%arg12 : memref<!tpu.dma_semaphore, #tpu.memory_space<semaphore_mem>>)
      } else {
      }
      %add3A = arith.constant 1 : i32
      %add3A_131 = arith.addi %mul3A_121, %add3A : i32
      %dma_wait3A_132 = arith.constant 0 : i32
      %dma_wait3A_133 = tpu.memref_slice %arg7[%add3A_131, %dma_wait3A_132] : memref<32x128xi32, #tpu.memory_space<vmem>> -> memref<1x128xi32, #tpu.memory_space<vmem>>
      %dma_wait3A_134 = tpu.memref_squeeze %dma_wait3A_133 : memref<1x128xi32, #tpu.memory_space<vmem>> -> memref<128xi32, #tpu.memory_space<vmem>>
      %dma_wait3A_135 = arith.constant 0 : i32
      %dma_wait3A_136 = arith.constant 0 : i32
      %dma_wait3A_137 = tpu.memref_slice %arg2[%dma_wait3A_135, %dma_wait3A_136] : memref<10240x128xf32, #tpu.memory_space<hbm>> -> memref<10240x128xf32, #tpu.memory_space<hbm>>
      tpu.wait_indirect_dma semaphore(%arg13 : memref<!tpu.dma_semaphore, #tpu.memory_space<semaphore_mem>>) src(%dma_wait3A_137 : memref<10240x128xf32, #tpu.memory_space<hbm>>) dst(%arg10 : memref<128x128xf32, #tpu.memory_space<vmem>>)
      %add3A_138 = arith.constant 1 : i32
      %add3A_139 = arith.addi %mul3A_121, %add3A_138 : i32
      "tpu.region"() ({
        %run_scoped3A_147 = tpu.sem_alloc : memref<!tpu.dma_semaphore, #tpu.memory_space<semaphore_mem>>
        %dma_start3A = arith.constant 0 : i32
        %dma_start3A_148 = tpu.memref_slice %arg8[%add3A_139, %dma_start3A] : memref<32x128xi32, #tpu.memory_space<vmem>> -> memref<1x128xi32, #tpu.memory_space<vmem>>
        %dma_start3A_149 = tpu.memref_squeeze %dma_start3A_148 : memref<1x128xi32, #tpu.memory_space<vmem>> -> memref<128xi32, #tpu.memory_space<vmem>>
        %dma_start3A_150 = arith.constant 0 : i32
        %dma_start3A_151 = arith.constant 0 : i32
        %dma_start3A_152 = tpu.memref_slice %arg11[%dma_start3A_150, %dma_start3A_151] : memref<10240x128xf32, #tpu.memory_space<vmem_shared>> -> memref<10240x128xf32, #tpu.memory_space<vmem_shared>>
        tpu.enqueue_indirect_dma source(%arg10 : memref<128x128xf32, #tpu.memory_space<vmem>>) target(%dma_start3A_152 : memref<10240x128xf32, #tpu.memory_space<vmem_shared>>) offsets(%dma_start3A_149 : memref<128xi32, #tpu.memory_space<vmem>>) semaphore(%run_scoped3A_147 : memref<!tpu.dma_semaphore, #tpu.memory_space<semaphore_mem>>) {add = true}
        %dma_wait3A_153 = arith.constant 0 : i32
        %dma_wait3A_154 = tpu.memref_slice %arg8[%add3A_139, %dma_wait3A_153] : memref<32x128xi32, #tpu.memory_space<vmem>> -> memref<1x128xi32, #tpu.memory_space<vmem>>
        %dma_wait3A_155 = tpu.memref_squeeze %dma_wait3A_154 : memref<1x128xi32, #tpu.memory_space<vmem>> -> memref<128xi32, #tpu.memory_space<vmem>>
        %dma_wait3A_156 = arith.constant 0 : i32
        %dma_wait3A_157 = arith.constant 0 : i32
        %dma_wait3A_158 = tpu.memref_slice %arg11[%dma_wait3A_156, %dma_wait3A_157] : memref<10240x128xf32, #tpu.memory_space<vmem_shared>> -> memref<10240x128xf32, #tpu.memory_space<vmem_shared>>
        tpu.wait_indirect_dma semaphore(%run_scoped3A_147 : memref<!tpu.dma_semaphore, #tpu.memory_space<semaphore_mem>>) src(%arg10 : memref<128x128xf32, #tpu.memory_space<vmem>>) dst(%dma_wait3A_158 : memref<10240x128xf32, #tpu.memory_space<vmem_shared>>)
        tpu.yield
      }) : () -> ()
      %sub3A_140 = arith.constant 1 : i32
      %sub3A_141 = arith.subi %select_n3A_69, %sub3A_140 : i32
      %lt3A_142 = arith.cmpi slt, %while3A_118, %sub3A_141 : i32
      %convert_element_type3A_143 = arith.extui %lt3A_142 : i1 to i32
      %cond3A_144 = arith.constant 0 : i32
      %cond3A_145 = arith.cmpi ne, %convert_element_type3A_143, %cond3A_144 : i32
      scf.if %cond3A_145 {
        %add3A_147 = arith.constant 3 : i32
        %add3A_148 = arith.addi %mul3A_121, %add3A_147 : i32
        %dma_start3A = arith.constant 0 : i32
        %dma_start3A_149 = tpu.memref_slice %arg7[%add3A_148, %dma_start3A] : memref<32x128xi32, #tpu.memory_space<vmem>> -> memref<1x128xi32, #tpu.memory_space<vmem>>
        %dma_start3A_150 = tpu.memref_squeeze %dma_start3A_149 : memref<1x128xi32, #tpu.memory_space<vmem>> -> memref<128xi32, #tpu.memory_space<vmem>>
        %dma_start3A_151 = arith.constant 0 : i32
        %dma_start3A_152 = arith.constant 0 : i32
        %dma_start3A_153 = tpu.memref_slice %arg2[%dma_start3A_151, %dma_start3A_152] : memref<10240x128xf32, #tpu.memory_space<hbm>> -> memref<10240x128xf32, #tpu.memory_space<hbm>>
        tpu.enqueue_indirect_dma source(%dma_start3A_153 : memref<10240x128xf32, #tpu.memory_space<hbm>>) target(%arg10 : memref<128x128xf32, #tpu.memory_space<vmem>>) offsets(%dma_start3A_150 : memref<128xi32, #tpu.memory_space<vmem>>) semaphore(%arg13 : memref<!tpu.dma_semaphore, #tpu.memory_space<semaphore_mem>>)
      } else {
      }
      %while3A_146 = arith.constant 0 : i32
      scf.yield %while3A_146 : i32
    }
    %eq3A_89 = arith.constant 0 : i32
    %eq3A_90 = arith.cmpi eq, %arg0, %eq3A_89 : i32
    %jit3A_91 = arith.constant 16 : i32
    %jit3A_92 = arith.constant 0 : i32
    %select_n3A_93 = arith.select %eq3A_90, %jit3A_91, %jit3A_92 : i32
    %run_scoped3A_94 = arith.constant 4 : i32
    "tpu.region"() ({
      %run_scoped3A_118 = tpu.sem_alloc : memref<!tpu.dma_semaphore, #tpu.memory_space<semaphore_mem>>
      %dma_start3A = arith.constant 0 : i32
      %dma_start3A_119 = arith.constant 0 : i32
      %dma_start3A_120 = tpu.memref_slice %arg3[%arg1, %run_scoped3A_94, %dma_start3A, %dma_start3A_119] : memref<16x5x32x128xi32, #tpu.memory_space<hbm>> -> memref<1x1x32x128xi32, #tpu.memory_space<hbm>>
      %dma_start3A_121 = tpu.memref_squeeze %dma_start3A_120 : memref<1x1x32x128xi32, #tpu.memory_space<hbm>> -> memref<32x128xi32, #tpu.memory_space<hbm>>
      %dma_start3A_122 = arith.constant 0 : i32
      %dma_start3A_123 = arith.constant 0 : i32
      %dma_start3A_124 = tpu.memref_slice %arg3[%arg1, %run_scoped3A_94, %dma_start3A_122, %dma_start3A_123] : memref<16x5x32x128xi32, #tpu.memory_space<hbm>> -> memref<1x1x32x128xi32, #tpu.memory_space<hbm>>
      %dma_start3A_125 = tpu.memref_squeeze %dma_start3A_124 : memref<1x1x32x128xi32, #tpu.memory_space<hbm>> -> memref<32x128xi32, #tpu.memory_space<hbm>>
      tpu.enqueue_dma source(%dma_start3A_125 : memref<32x128xi32, #tpu.memory_space<hbm>>) target(%arg7 : memref<32x128xi32, #tpu.memory_space<vmem>>) target_semaphore(%run_scoped3A_118 : memref<!tpu.dma_semaphore, #tpu.memory_space<semaphore_mem>>)
      %dma_wait3A = arith.constant 0 : i32
      %dma_wait3A_126 = arith.constant 0 : i32
      %dma_wait3A_127 = tpu.memref_slice %arg3[%arg1, %run_scoped3A_94, %dma_wait3A, %dma_wait3A_126] : memref<16x5x32x128xi32, #tpu.memory_space<hbm>> -> memref<1x1x32x128xi32, #tpu.memory_space<hbm>>
      %dma_wait3A_128 = tpu.memref_squeeze %dma_wait3A_127 : memref<1x1x32x128xi32, #tpu.memory_space<hbm>> -> memref<32x128xi32, #tpu.memory_space<hbm>>
      %dma_wait3A_129 = arith.constant 0 : i32
      %dma_wait3A_130 = arith.constant 0 : i32
      %dma_wait3A_131 = tpu.memref_slice %arg3[%arg1, %run_scoped3A_94, %dma_wait3A_129, %dma_wait3A_130] : memref<16x5x32x128xi32, #tpu.memory_space<hbm>> -> memref<1x1x32x128xi32, #tpu.memory_space<hbm>>
      %dma_wait3A_132 = tpu.memref_squeeze %dma_wait3A_131 : memref<1x1x32x128xi32, #tpu.memory_space<hbm>> -> memref<32x128xi32, #tpu.memory_space<hbm>>
      tpu.wait_dma2 semaphore(%run_scoped3A_118 : memref<!tpu.dma_semaphore, #tpu.memory_space<semaphore_mem>>) src(%dma_wait3A_132 : memref<32x128xi32, #tpu.memory_space<hbm>>) dst(%arg7 : memref<32x128xi32, #tpu.memory_space<vmem>>)
      tpu.yield
    }) : () -> ()
    %run_scoped3A_95 = arith.constant 4 : i32
    "tpu.region"() ({
      %run_scoped3A_118 = tpu.sem_alloc : memref<!tpu.dma_semaphore, #tpu.memory_space<semaphore_mem>>
      %dma_start3A = arith.constant 0 : i32
      %dma_start3A_119 = arith.constant 0 : i32
      %dma_start3A_120 = tpu.memref_slice %arg4[%arg1, %run_scoped3A_95, %dma_start3A, %dma_start3A_119] : memref<16x5x32x128xi32, #tpu.memory_space<hbm>> -> memref<1x1x32x128xi32, #tpu.memory_space<hbm>>
      %dma_start3A_121 = tpu.memref_squeeze %dma_start3A_120 : memref<1x1x32x128xi32, #tpu.memory_space<hbm>> -> memref<32x128xi32, #tpu.memory_space<hbm>>
      %dma_start3A_122 = arith.constant 0 : i32
      %dma_start3A_123 = arith.constant 0 : i32
      %dma_start3A_124 = tpu.memref_slice %arg4[%arg1, %run_scoped3A_95, %dma_start3A_122, %dma_start3A_123] : memref<16x5x32x128xi32, #tpu.memory_space<hbm>> -> memref<1x1x32x128xi32, #tpu.memory_space<hbm>>
      %dma_start3A_125 = tpu.memref_squeeze %dma_start3A_124 : memref<1x1x32x128xi32, #tpu.memory_space<hbm>> -> memref<32x128xi32, #tpu.memory_space<hbm>>
      tpu.enqueue_dma source(%dma_start3A_125 : memref<32x128xi32, #tpu.memory_space<hbm>>) target(%arg8 : memref<32x128xi32, #tpu.memory_space<vmem>>) target_semaphore(%run_scoped3A_118 : memref<!tpu.dma_semaphore, #tpu.memory_space<semaphore_mem>>)
      %dma_wait3A = arith.constant 0 : i32
      %dma_wait3A_126 = arith.constant 0 : i32
      %dma_wait3A_127 = tpu.memref_slice %arg4[%arg1, %run_scoped3A_95, %dma_wait3A, %dma_wait3A_126] : memref<16x5x32x128xi32, #tpu.memory_space<hbm>> -> memref<1x1x32x128xi32, #tpu.memory_space<hbm>>
      %dma_wait3A_128 = tpu.memref_squeeze %dma_wait3A_127 : memref<1x1x32x128xi32, #tpu.memory_space<hbm>> -> memref<32x128xi32, #tpu.memory_space<hbm>>
      %dma_wait3A_129 = arith.constant 0 : i32
      %dma_wait3A_130 = arith.constant 0 : i32
      %dma_wait3A_131 = tpu.memref_slice %arg4[%arg1, %run_scoped3A_95, %dma_wait3A_129, %dma_wait3A_130] : memref<16x5x32x128xi32, #tpu.memory_space<hbm>> -> memref<1x1x32x128xi32, #tpu.memory_space<hbm>>
      %dma_wait3A_132 = tpu.memref_squeeze %dma_wait3A_131 : memref<1x1x32x128xi32, #tpu.memory_space<hbm>> -> memref<32x128xi32, #tpu.memory_space<hbm>>
      tpu.wait_dma2 semaphore(%run_scoped3A_118 : memref<!tpu.dma_semaphore, #tpu.memory_space<semaphore_mem>>) src(%dma_wait3A_132 : memref<32x128xi32, #tpu.memory_space<hbm>>) dst(%arg8 : memref<32x128xi32, #tpu.memory_space<vmem>>)
      tpu.yield
    }) : () -> ()
    %gt3A_96 = arith.constant 0 : i32
    %gt3A_97 = arith.cmpi sgt, %select_n3A_93, %gt3A_96 : i32
    %convert_element_type3A_98 = arith.extui %gt3A_97 : i1 to i32
    %cond3A_99 = arith.constant 0 : i32
    %cond3A_100 = arith.cmpi ne, %convert_element_type3A_98, %cond3A_99 : i32
    scf.if %cond3A_100 {
      %dma_start3A = arith.constant 0 : i32
      %dma_start3A_118 = arith.constant 0 : i32
      %dma_start3A_119 = tpu.memref_slice %arg7[%dma_start3A, %dma_start3A_118] : memref<32x128xi32, #tpu.memory_space<vmem>> -> memref<1x128xi32, #tpu.memory_space<vmem>>
      %dma_start3A_120 = tpu.memref_squeeze %dma_start3A_119 : memref<1x128xi32, #tpu.memory_space<vmem>> -> memref<128xi32, #tpu.memory_space<vmem>>
      %dma_start3A_121 = arith.constant 0 : i32
      %dma_start3A_122 = arith.constant 0 : i32
      %dma_start3A_123 = tpu.memref_slice %arg2[%dma_start3A_121, %dma_start3A_122] : memref<10240x128xf32, #tpu.memory_space<hbm>> -> memref<10240x128xf32, #tpu.memory_space<hbm>>
      tpu.enqueue_indirect_dma source(%dma_start3A_123 : memref<10240x128xf32, #tpu.memory_space<hbm>>) target(%arg9 : memref<128x128xf32, #tpu.memory_space<vmem>>) offsets(%dma_start3A_120 : memref<128xi32, #tpu.memory_space<vmem>>) semaphore(%arg12 : memref<!tpu.dma_semaphore, #tpu.memory_space<semaphore_mem>>)
      %dma_start3A_124 = arith.constant 1 : i32
      %dma_start3A_125 = arith.constant 0 : i32
      %dma_start3A_126 = tpu.memref_slice %arg7[%dma_start3A_124, %dma_start3A_125] : memref<32x128xi32, #tpu.memory_space<vmem>> -> memref<1x128xi32, #tpu.memory_space<vmem>>
      %dma_start3A_127 = tpu.memref_squeeze %dma_start3A_126 : memref<1x128xi32, #tpu.memory_space<vmem>> -> memref<128xi32, #tpu.memory_space<vmem>>
      %dma_start3A_128 = arith.constant 0 : i32
      %dma_start3A_129 = arith.constant 0 : i32
      %dma_start3A_130 = tpu.memref_slice %arg2[%dma_start3A_128, %dma_start3A_129] : memref<10240x128xf32, #tpu.memory_space<hbm>> -> memref<10240x128xf32, #tpu.memory_space<hbm>>
      tpu.enqueue_indirect_dma source(%dma_start3A_130 : memref<10240x128xf32, #tpu.memory_space<hbm>>) target(%arg10 : memref<128x128xf32, #tpu.memory_space<vmem>>) offsets(%dma_start3A_127 : memref<128xi32, #tpu.memory_space<vmem>>) semaphore(%arg13 : memref<!tpu.dma_semaphore, #tpu.memory_space<semaphore_mem>>)
    } else {
    }
    %while3A_101 = arith.constant 0 : i32
    %while3A_102 = arith.constant 0 : i32
    %while3A_103 = arith.subi %select_n3A_93, %while3A_101 : i32
    %while3A_104 = arith.addi %while3A_101, %while3A_103 : i32
    %while3A_105 = arith.constant 1 : i32
    %while3A_106 = arith.divsi %while3A_103, %while3A_105 : i32
    %while3A_107 = arith.muli %while3A_106, %while3A_105 : i32
    %while3A_108 = arith.addi %while3A_101, %while3A_107 : i32
    %while3A_109 = arith.constant 1 : i32
    %while3A_110 = scf.for %while3A_118 = %while3A_101 to %while3A_108 step %while3A_109 iter_args(%while3A_119 = %while3A_102) -> (i32)  : i32 {
      %mul3A_120 = arith.constant 2 : i32
      %mul3A_121 = arith.muli %mul3A_120, %while3A_118 : i32
      %dma_wait3A = arith.constant 0 : i32
      %dma_wait3A_122 = tpu.memref_slice %arg7[%mul3A_121, %dma_wait3A] : memref<32x128xi32, #tpu.memory_space<vmem>> -> memref<1x128xi32, #tpu.memory_space<vmem>>
      %dma_wait3A_123 = tpu.memref_squeeze %dma_wait3A_122 : memref<1x128xi32, #tpu.memory_space<vmem>> -> memref<128xi32, #tpu.memory_space<vmem>>
      %dma_wait3A_124 = arith.constant 0 : i32
      %dma_wait3A_125 = arith.constant 0 : i32
      %dma_wait3A_126 = tpu.memref_slice %arg2[%dma_wait3A_124, %dma_wait3A_125] : memref<10240x128xf32, #tpu.memory_space<hbm>> -> memref<10240x128xf32, #tpu.memory_space<hbm>>
      tpu.wait_indirect_dma semaphore(%arg12 : memref<!tpu.dma_semaphore, #tpu.memory_space<semaphore_mem>>) src(%dma_wait3A_126 : memref<10240x128xf32, #tpu.memory_space<hbm>>) dst(%arg9 : memref<128x128xf32, #tpu.memory_space<vmem>>)
      "tpu.region"() ({
        %run_scoped3A_147 = tpu.sem_alloc : memref<!tpu.dma_semaphore, #tpu.memory_space<semaphore_mem>>
        %dma_start3A = arith.constant 0 : i32
        %dma_start3A_148 = tpu.memref_slice %arg8[%mul3A_121, %dma_start3A] : memref<32x128xi32, #tpu.memory_space<vmem>> -> memref<1x128xi32, #tpu.memory_space<vmem>>
        %dma_start3A_149 = tpu.memref_squeeze %dma_start3A_148 : memref<1x128xi32, #tpu.memory_space<vmem>> -> memref<128xi32, #tpu.memory_space<vmem>>
        %dma_start3A_150 = arith.constant 0 : i32
        %dma_start3A_151 = arith.constant 0 : i32
        %dma_start3A_152 = tpu.memref_slice %arg11[%dma_start3A_150, %dma_start3A_151] : memref<10240x128xf32, #tpu.memory_space<vmem_shared>> -> memref<10240x128xf32, #tpu.memory_space<vmem_shared>>
        tpu.enqueue_indirect_dma source(%arg9 : memref<128x128xf32, #tpu.memory_space<vmem>>) target(%dma_start3A_152 : memref<10240x128xf32, #tpu.memory_space<vmem_shared>>) offsets(%dma_start3A_149 : memref<128xi32, #tpu.memory_space<vmem>>) semaphore(%run_scoped3A_147 : memref<!tpu.dma_semaphore, #tpu.memory_space<semaphore_mem>>) {add = true}
        %dma_wait3A_153 = arith.constant 0 : i32
        %dma_wait3A_154 = tpu.memref_slice %arg8[%mul3A_121, %dma_wait3A_153] : memref<32x128xi32, #tpu.memory_space<vmem>> -> memref<1x128xi32, #tpu.memory_space<vmem>>
        %dma_wait3A_155 = tpu.memref_squeeze %dma_wait3A_154 : memref<1x128xi32, #tpu.memory_space<vmem>> -> memref<128xi32, #tpu.memory_space<vmem>>
        %dma_wait3A_156 = arith.constant 0 : i32
        %dma_wait3A_157 = arith.constant 0 : i32
        %dma_wait3A_158 = tpu.memref_slice %arg11[%dma_wait3A_156, %dma_wait3A_157] : memref<10240x128xf32, #tpu.memory_space<vmem_shared>> -> memref<10240x128xf32, #tpu.memory_space<vmem_shared>>
        tpu.wait_indirect_dma semaphore(%run_scoped3A_147 : memref<!tpu.dma_semaphore, #tpu.memory_space<semaphore_mem>>) src(%arg9 : memref<128x128xf32, #tpu.memory_space<vmem>>) dst(%dma_wait3A_158 : memref<10240x128xf32, #tpu.memory_space<vmem_shared>>)
        tpu.yield
      }) : () -> ()
      %sub3A = arith.constant 1 : i32
      %sub3A_127 = arith.subi %select_n3A_93, %sub3A : i32
      %lt3A = arith.cmpi slt, %while3A_118, %sub3A_127 : i32
      %convert_element_type3A_128 = arith.extui %lt3A : i1 to i32
      %cond3A_129 = arith.constant 0 : i32
      %cond3A_130 = arith.cmpi ne, %convert_element_type3A_128, %cond3A_129 : i32
      scf.if %cond3A_130 {
        %add3A_147 = arith.constant 2 : i32
        %add3A_148 = arith.addi %mul3A_121, %add3A_147 : i32
        %dma_start3A = arith.constant 0 : i32
        %dma_start3A_149 = tpu.memref_slice %arg7[%add3A_148, %dma_start3A] : memref<32x128xi32, #tpu.memory_space<vmem>> -> memref<1x128xi32, #tpu.memory_space<vmem>>
        %dma_start3A_150 = tpu.memref_squeeze %dma_start3A_149 : memref<1x128xi32, #tpu.memory_space<vmem>> -> memref<128xi32, #tpu.memory_space<vmem>>
        %dma_start3A_151 = arith.constant 0 : i32
        %dma_start3A_152 = arith.constant 0 : i32
        %dma_start3A_153 = tpu.memref_slice %arg2[%dma_start3A_151, %dma_start3A_152] : memref<10240x128xf32, #tpu.memory_space<hbm>> -> memref<10240x128xf32, #tpu.memory_space<hbm>>
        tpu.enqueue_indirect_dma source(%dma_start3A_153 : memref<10240x128xf32, #tpu.memory_space<hbm>>) target(%arg9 : memref<128x128xf32, #tpu.memory_space<vmem>>) offsets(%dma_start3A_150 : memref<128xi32, #tpu.memory_space<vmem>>) semaphore(%arg12 : memref<!tpu.dma_semaphore, #tpu.memory_space<semaphore_mem>>)
      } else {
      }
      %add3A = arith.constant 1 : i32
      %add3A_131 = arith.addi %mul3A_121, %add3A : i32
      %dma_wait3A_132 = arith.constant 0 : i32
      %dma_wait3A_133 = tpu.memref_slice %arg7[%add3A_131, %dma_wait3A_132] : memref<32x128xi32, #tpu.memory_space<vmem>> -> memref<1x128xi32, #tpu.memory_space<vmem>>
      %dma_wait3A_134 = tpu.memref_squeeze %dma_wait3A_133 : memref<1x128xi32, #tpu.memory_space<vmem>> -> memref<128xi32, #tpu.memory_space<vmem>>
      %dma_wait3A_135 = arith.constant 0 : i32
      %dma_wait3A_136 = arith.constant 0 : i32
      %dma_wait3A_137 = tpu.memref_slice %arg2[%dma_wait3A_135, %dma_wait3A_136] : memref<10240x128xf32, #tpu.memory_space<hbm>> -> memref<10240x128xf32, #tpu.memory_space<hbm>>
      tpu.wait_indirect_dma semaphore(%arg13 : memref<!tpu.dma_semaphore, #tpu.memory_space<semaphore_mem>>) src(%dma_wait3A_137 : memref<10240x128xf32, #tpu.memory_space<hbm>>) dst(%arg10 : memref<128x128xf32, #tpu.memory_space<vmem>>)
      %add3A_138 = arith.constant 1 : i32
      %add3A_139 = arith.addi %mul3A_121, %add3A_138 : i32
      "tpu.region"() ({
        %run_scoped3A_147 = tpu.sem_alloc : memref<!tpu.dma_semaphore, #tpu.memory_space<semaphore_mem>>
        %dma_start3A = arith.constant 0 : i32
        %dma_start3A_148 = tpu.memref_slice %arg8[%add3A_139, %dma_start3A] : memref<32x128xi32, #tpu.memory_space<vmem>> -> memref<1x128xi32, #tpu.memory_space<vmem>>
        %dma_start3A_149 = tpu.memref_squeeze %dma_start3A_148 : memref<1x128xi32, #tpu.memory_space<vmem>> -> memref<128xi32, #tpu.memory_space<vmem>>
        %dma_start3A_150 = arith.constant 0 : i32
        %dma_start3A_151 = arith.constant 0 : i32
        %dma_start3A_152 = tpu.memref_slice %arg11[%dma_start3A_150, %dma_start3A_151] : memref<10240x128xf32, #tpu.memory_space<vmem_shared>> -> memref<10240x128xf32, #tpu.memory_space<vmem_shared>>
        tpu.enqueue_indirect_dma source(%arg10 : memref<128x128xf32, #tpu.memory_space<vmem>>) target(%dma_start3A_152 : memref<10240x128xf32, #tpu.memory_space<vmem_shared>>) offsets(%dma_start3A_149 : memref<128xi32, #tpu.memory_space<vmem>>) semaphore(%run_scoped3A_147 : memref<!tpu.dma_semaphore, #tpu.memory_space<semaphore_mem>>) {add = true}
        %dma_wait3A_153 = arith.constant 0 : i32
        %dma_wait3A_154 = tpu.memref_slice %arg8[%add3A_139, %dma_wait3A_153] : memref<32x128xi32, #tpu.memory_space<vmem>> -> memref<1x128xi32, #tpu.memory_space<vmem>>
        %dma_wait3A_155 = tpu.memref_squeeze %dma_wait3A_154 : memref<1x128xi32, #tpu.memory_space<vmem>> -> memref<128xi32, #tpu.memory_space<vmem>>
        %dma_wait3A_156 = arith.constant 0 : i32
        %dma_wait3A_157 = arith.constant 0 : i32
        %dma_wait3A_158 = tpu.memref_slice %arg11[%dma_wait3A_156, %dma_wait3A_157] : memref<10240x128xf32, #tpu.memory_space<vmem_shared>> -> memref<10240x128xf32, #tpu.memory_space<vmem_shared>>
        tpu.wait_indirect_dma semaphore(%run_scoped3A_147 : memref<!tpu.dma_semaphore, #tpu.memory_space<semaphore_mem>>) src(%arg10 : memref<128x128xf32, #tpu.memory_space<vmem>>) dst(%dma_wait3A_158 : memref<10240x128xf32, #tpu.memory_space<vmem_shared>>)
        tpu.yield
      }) : () -> ()
      %sub3A_140 = arith.constant 1 : i32
      %sub3A_141 = arith.subi %select_n3A_93, %sub3A_140 : i32
      %lt3A_142 = arith.cmpi slt, %while3A_118, %sub3A_141 : i32
      %convert_element_type3A_143 = arith.extui %lt3A_142 : i1 to i32
      %cond3A_144 = arith.constant 0 : i32
      %cond3A_145 = arith.cmpi ne, %convert_element_type3A_143, %cond3A_144 : i32
      scf.if %cond3A_145 {
        %add3A_147 = arith.constant 3 : i32
        %add3A_148 = arith.addi %mul3A_121, %add3A_147 : i32
        %dma_start3A = arith.constant 0 : i32
        %dma_start3A_149 = tpu.memref_slice %arg7[%add3A_148, %dma_start3A] : memref<32x128xi32, #tpu.memory_space<vmem>> -> memref<1x128xi32, #tpu.memory_space<vmem>>
        %dma_start3A_150 = tpu.memref_squeeze %dma_start3A_149 : memref<1x128xi32, #tpu.memory_space<vmem>> -> memref<128xi32, #tpu.memory_space<vmem>>
        %dma_start3A_151 = arith.constant 0 : i32
        %dma_start3A_152 = arith.constant 0 : i32
        %dma_start3A_153 = tpu.memref_slice %arg2[%dma_start3A_151, %dma_start3A_152] : memref<10240x128xf32, #tpu.memory_space<hbm>> -> memref<10240x128xf32, #tpu.memory_space<hbm>>
        tpu.enqueue_indirect_dma source(%dma_start3A_153 : memref<10240x128xf32, #tpu.memory_space<hbm>>) target(%arg10 : memref<128x128xf32, #tpu.memory_space<vmem>>) offsets(%dma_start3A_150 : memref<128xi32, #tpu.memory_space<vmem>>) semaphore(%arg13 : memref<!tpu.dma_semaphore, #tpu.memory_space<semaphore_mem>>)
      } else {
      }
      %while3A_146 = arith.constant 0 : i32
      scf.yield %while3A_146 : i32
    }
    %while3A_111 = arith.constant 1 : i32
    %while3A_112 = scf.for %while3A_118 = %while3A_108 to %while3A_104 step %while3A_111 iter_args(%while3A_119 = %while3A_110) -> (i32)  : i32 {
      %mul3A_120 = arith.constant 2 : i32
      %mul3A_121 = arith.muli %mul3A_120, %while3A_118 : i32
      %dma_wait3A = arith.constant 0 : i32
      %dma_wait3A_122 = tpu.memref_slice %arg7[%mul3A_121, %dma_wait3A] : memref<32x128xi32, #tpu.memory_space<vmem>> -> memref<1x128xi32, #tpu.memory_space<vmem>>
      %dma_wait3A_123 = tpu.memref_squeeze %dma_wait3A_122 : memref<1x128xi32, #tpu.memory_space<vmem>> -> memref<128xi32, #tpu.memory_space<vmem>>
      %dma_wait3A_124 = arith.constant 0 : i32
      %dma_wait3A_125 = arith.constant 0 : i32
      %dma_wait3A_126 = tpu.memref_slice %arg2[%dma_wait3A_124, %dma_wait3A_125] : memref<10240x128xf32, #tpu.memory_space<hbm>> -> memref<10240x128xf32, #tpu.memory_space<hbm>>
      tpu.wait_indirect_dma semaphore(%arg12 : memref<!tpu.dma_semaphore, #tpu.memory_space<semaphore_mem>>) src(%dma_wait3A_126 : memref<10240x128xf32, #tpu.memory_space<hbm>>) dst(%arg9 : memref<128x128xf32, #tpu.memory_space<vmem>>)
      "tpu.region"() ({
        %run_scoped3A_147 = tpu.sem_alloc : memref<!tpu.dma_semaphore, #tpu.memory_space<semaphore_mem>>
        %dma_start3A = arith.constant 0 : i32
        %dma_start3A_148 = tpu.memref_slice %arg8[%mul3A_121, %dma_start3A] : memref<32x128xi32, #tpu.memory_space<vmem>> -> memref<1x128xi32, #tpu.memory_space<vmem>>
        %dma_start3A_149 = tpu.memref_squeeze %dma_start3A_148 : memref<1x128xi32, #tpu.memory_space<vmem>> -> memref<128xi32, #tpu.memory_space<vmem>>
        %dma_start3A_150 = arith.constant 0 : i32
        %dma_start3A_151 = arith.constant 0 : i32
        %dma_start3A_152 = tpu.memref_slice %arg11[%dma_start3A_150, %dma_start3A_151] : memref<10240x128xf32, #tpu.memory_space<vmem_shared>> -> memref<10240x128xf32, #tpu.memory_space<vmem_shared>>
        tpu.enqueue_indirect_dma source(%arg9 : memref<128x128xf32, #tpu.memory_space<vmem>>) target(%dma_start3A_152 : memref<10240x128xf32, #tpu.memory_space<vmem_shared>>) offsets(%dma_start3A_149 : memref<128xi32, #tpu.memory_space<vmem>>) semaphore(%run_scoped3A_147 : memref<!tpu.dma_semaphore, #tpu.memory_space<semaphore_mem>>) {add = true}
        %dma_wait3A_153 = arith.constant 0 : i32
        %dma_wait3A_154 = tpu.memref_slice %arg8[%mul3A_121, %dma_wait3A_153] : memref<32x128xi32, #tpu.memory_space<vmem>> -> memref<1x128xi32, #tpu.memory_space<vmem>>
        %dma_wait3A_155 = tpu.memref_squeeze %dma_wait3A_154 : memref<1x128xi32, #tpu.memory_space<vmem>> -> memref<128xi32, #tpu.memory_space<vmem>>
        %dma_wait3A_156 = arith.constant 0 : i32
        %dma_wait3A_157 = arith.constant 0 : i32
        %dma_wait3A_158 = tpu.memref_slice %arg11[%dma_wait3A_156, %dma_wait3A_157] : memref<10240x128xf32, #tpu.memory_space<vmem_shared>> -> memref<10240x128xf32, #tpu.memory_space<vmem_shared>>
        tpu.wait_indirect_dma semaphore(%run_scoped3A_147 : memref<!tpu.dma_semaphore, #tpu.memory_space<semaphore_mem>>) src(%arg9 : memref<128x128xf32, #tpu.memory_space<vmem>>) dst(%dma_wait3A_158 : memref<10240x128xf32, #tpu.memory_space<vmem_shared>>)
        tpu.yield
      }) : () -> ()
      %sub3A = arith.constant 1 : i32
      %sub3A_127 = arith.subi %select_n3A_93, %sub3A : i32
      %lt3A = arith.cmpi slt, %while3A_118, %sub3A_127 : i32
      %convert_element_type3A_128 = arith.extui %lt3A : i1 to i32
      %cond3A_129 = arith.constant 0 : i32
      %cond3A_130 = arith.cmpi ne, %convert_element_type3A_128, %cond3A_129 : i32
      scf.if %cond3A_130 {
        %add3A_147 = arith.constant 2 : i32
        %add3A_148 = arith.addi %mul3A_121, %add3A_147 : i32
        %dma_start3A = arith.constant 0 : i32
        %dma_start3A_149 = tpu.memref_slice %arg7[%add3A_148, %dma_start3A] : memref<32x128xi32, #tpu.memory_space<vmem>> -> memref<1x128xi32, #tpu.memory_space<vmem>>
        %dma_start3A_150 = tpu.memref_squeeze %dma_start3A_149 : memref<1x128xi32, #tpu.memory_space<vmem>> -> memref<128xi32, #tpu.memory_space<vmem>>
        %dma_start3A_151 = arith.constant 0 : i32
        %dma_start3A_152 = arith.constant 0 : i32
        %dma_start3A_153 = tpu.memref_slice %arg2[%dma_start3A_151, %dma_start3A_152] : memref<10240x128xf32, #tpu.memory_space<hbm>> -> memref<10240x128xf32, #tpu.memory_space<hbm>>
        tpu.enqueue_indirect_dma source(%dma_start3A_153 : memref<10240x128xf32, #tpu.memory_space<hbm>>) target(%arg9 : memref<128x128xf32, #tpu.memory_space<vmem>>) offsets(%dma_start3A_150 : memref<128xi32, #tpu.memory_space<vmem>>) semaphore(%arg12 : memref<!tpu.dma_semaphore, #tpu.memory_space<semaphore_mem>>)
      } else {
      }
      %add3A = arith.constant 1 : i32
      %add3A_131 = arith.addi %mul3A_121, %add3A : i32
      %dma_wait3A_132 = arith.constant 0 : i32
      %dma_wait3A_133 = tpu.memref_slice %arg7[%add3A_131, %dma_wait3A_132] : memref<32x128xi32, #tpu.memory_space<vmem>> -> memref<1x128xi32, #tpu.memory_space<vmem>>
      %dma_wait3A_134 = tpu.memref_squeeze %dma_wait3A_133 : memref<1x128xi32, #tpu.memory_space<vmem>> -> memref<128xi32, #tpu.memory_space<vmem>>
      %dma_wait3A_135 = arith.constant 0 : i32
      %dma_wait3A_136 = arith.constant 0 : i32
      %dma_wait3A_137 = tpu.memref_slice %arg2[%dma_wait3A_135, %dma_wait3A_136] : memref<10240x128xf32, #tpu.memory_space<hbm>> -> memref<10240x128xf32, #tpu.memory_space<hbm>>
      tpu.wait_indirect_dma semaphore(%arg13 : memref<!tpu.dma_semaphore, #tpu.memory_space<semaphore_mem>>) src(%dma_wait3A_137 : memref<10240x128xf32, #tpu.memory_space<hbm>>) dst(%arg10 : memref<128x128xf32, #tpu.memory_space<vmem>>)
      %add3A_138 = arith.constant 1 : i32
      %add3A_139 = arith.addi %mul3A_121, %add3A_138 : i32
      "tpu.region"() ({
        %run_scoped3A_147 = tpu.sem_alloc : memref<!tpu.dma_semaphore, #tpu.memory_space<semaphore_mem>>
        %dma_start3A = arith.constant 0 : i32
        %dma_start3A_148 = tpu.memref_slice %arg8[%add3A_139, %dma_start3A] : memref<32x128xi32, #tpu.memory_space<vmem>> -> memref<1x128xi32, #tpu.memory_space<vmem>>
        %dma_start3A_149 = tpu.memref_squeeze %dma_start3A_148 : memref<1x128xi32, #tpu.memory_space<vmem>> -> memref<128xi32, #tpu.memory_space<vmem>>
        %dma_start3A_150 = arith.constant 0 : i32
        %dma_start3A_151 = arith.constant 0 : i32
        %dma_start3A_152 = tpu.memref_slice %arg11[%dma_start3A_150, %dma_start3A_151] : memref<10240x128xf32, #tpu.memory_space<vmem_shared>> -> memref<10240x128xf32, #tpu.memory_space<vmem_shared>>
        tpu.enqueue_indirect_dma source(%arg10 : memref<128x128xf32, #tpu.memory_space<vmem>>) target(%dma_start3A_152 : memref<10240x128xf32, #tpu.memory_space<vmem_shared>>) offsets(%dma_start3A_149 : memref<128xi32, #tpu.memory_space<vmem>>) semaphore(%run_scoped3A_147 : memref<!tpu.dma_semaphore, #tpu.memory_space<semaphore_mem>>) {add = true}
        %dma_wait3A_153 = arith.constant 0 : i32
        %dma_wait3A_154 = tpu.memref_slice %arg8[%add3A_139, %dma_wait3A_153] : memref<32x128xi32, #tpu.memory_space<vmem>> -> memref<1x128xi32, #tpu.memory_space<vmem>>
        %dma_wait3A_155 = tpu.memref_squeeze %dma_wait3A_154 : memref<1x128xi32, #tpu.memory_space<vmem>> -> memref<128xi32, #tpu.memory_space<vmem>>
        %dma_wait3A_156 = arith.constant 0 : i32
        %dma_wait3A_157 = arith.constant 0 : i32
        %dma_wait3A_158 = tpu.memref_slice %arg11[%dma_wait3A_156, %dma_wait3A_157] : memref<10240x128xf32, #tpu.memory_space<vmem_shared>> -> memref<10240x128xf32, #tpu.memory_space<vmem_shared>>
        tpu.wait_indirect_dma semaphore(%run_scoped3A_147 : memref<!tpu.dma_semaphore, #tpu.memory_space<semaphore_mem>>) src(%arg10 : memref<128x128xf32, #tpu.memory_space<vmem>>) dst(%dma_wait3A_158 : memref<10240x128xf32, #tpu.memory_space<vmem_shared>>)
        tpu.yield
      }) : () -> ()
      %sub3A_140 = arith.constant 1 : i32
      %sub3A_141 = arith.subi %select_n3A_93, %sub3A_140 : i32
      %lt3A_142 = arith.cmpi slt, %while3A_118, %sub3A_141 : i32
      %convert_element_type3A_143 = arith.extui %lt3A_142 : i1 to i32
      %cond3A_144 = arith.constant 0 : i32
      %cond3A_145 = arith.cmpi ne, %convert_element_type3A_143, %cond3A_144 : i32
      scf.if %cond3A_145 {
        %add3A_147 = arith.constant 3 : i32
        %add3A_148 = arith.addi %mul3A_121, %add3A_147 : i32
        %dma_start3A = arith.constant 0 : i32
        %dma_start3A_149 = tpu.memref_slice %arg7[%add3A_148, %dma_start3A] : memref<32x128xi32, #tpu.memory_space<vmem>> -> memref<1x128xi32, #tpu.memory_space<vmem>>
        %dma_start3A_150 = tpu.memref_squeeze %dma_start3A_149 : memref<1x128xi32, #tpu.memory_space<vmem>> -> memref<128xi32, #tpu.memory_space<vmem>>
        %dma_start3A_151 = arith.constant 0 : i32
        %dma_start3A_152 = arith.constant 0 : i32
        %dma_start3A_153 = tpu.memref_slice %arg2[%dma_start3A_151, %dma_start3A_152] : memref<10240x128xf32, #tpu.memory_space<hbm>> -> memref<10240x128xf32, #tpu.memory_space<hbm>>
        tpu.enqueue_indirect_dma source(%dma_start3A_153 : memref<10240x128xf32, #tpu.memory_space<hbm>>) target(%arg10 : memref<128x128xf32, #tpu.memory_space<vmem>>) offsets(%dma_start3A_150 : memref<128xi32, #tpu.memory_space<vmem>>) semaphore(%arg13 : memref<!tpu.dma_semaphore, #tpu.memory_space<semaphore_mem>>)
      } else {
      }
      %while3A_146 = arith.constant 0 : i32
      scf.yield %while3A_146 : i32
    }
    %barrier3A_113 = arith.constant 0 : index
    tpu.barrier barrier_id(%barrier3A_113)
    %mul3A_114 = arith.constant 640 : i32
    %mul3A_115 = arith.muli %arg1, %mul3A_114 : i32
    %mul3A_116 = arith.constant 640 : i32
    %mul3A_117 = arith.muli %arg1, %mul3A_116 : i32
    "tpu.region"() ({
      %run_scoped3A_118 = tpu.sem_alloc : memref<!tpu.dma_semaphore, #tpu.memory_space<semaphore_mem>>
      %dma_start3A = arith.constant 0 : i32
      %dma_start3A_119 = tpu.memref_slice %arg6[%arg0, %mul3A_117, %dma_start3A] : memref<2x10240x128xf32, #tpu.memory_space<hbm>> -> memref<1x640x128xf32, #tpu.memory_space<hbm>>
      %dma_start3A_120 = tpu.memref_squeeze %dma_start3A_119 : memref<1x640x128xf32, #tpu.memory_space<hbm>> -> memref<640x128xf32, #tpu.memory_space<hbm>>
      %dma_start3A_121 = arith.constant 0 : i32
      %dma_start3A_122 = tpu.memref_slice %arg11[%mul3A_115, %dma_start3A_121] : memref<10240x128xf32, #tpu.memory_space<vmem_shared>> -> memref<640x128xf32, #tpu.memory_space<vmem_shared>>
      tpu.enqueue_dma source(%dma_start3A_122 : memref<640x128xf32, #tpu.memory_space<vmem_shared>>) target(%dma_start3A_120 : memref<640x128xf32, #tpu.memory_space<hbm>>) target_semaphore(%run_scoped3A_118 : memref<!tpu.dma_semaphore, #tpu.memory_space<semaphore_mem>>)
      %dma_wait3A = arith.constant 0 : i32
      %dma_wait3A_123 = tpu.memref_slice %arg6[%arg0, %mul3A_117, %dma_wait3A] : memref<2x10240x128xf32, #tpu.memory_space<hbm>> -> memref<1x640x128xf32, #tpu.memory_space<hbm>>
      %dma_wait3A_124 = tpu.memref_squeeze %dma_wait3A_123 : memref<1x640x128xf32, #tpu.memory_space<hbm>> -> memref<640x128xf32, #tpu.memory_space<hbm>>
      %dma_wait3A_125 = arith.constant 0 : i32
      %dma_wait3A_126 = tpu.memref_slice %arg11[%mul3A_115, %dma_wait3A_125] : memref<10240x128xf32, #tpu.memory_space<vmem_shared>> -> memref<640x128xf32, #tpu.memory_space<vmem_shared>>
      tpu.wait_dma2 semaphore(%run_scoped3A_118 : memref<!tpu.dma_semaphore, #tpu.memory_space<semaphore_mem>>) src(%dma_wait3A_126 : memref<640x128xf32, #tpu.memory_space<vmem_shared>>) dst(%dma_wait3A_124 : memref<640x128xf32, #tpu.memory_space<hbm>>)
      tpu.yield
    }) : () -> ()
    return
  }
}

#map = affine_map<(d0, d1) -> (0, 0)>
module attributes {stable_mosaic.version = 14 : i64} {
  func.func @_deg_kernel(%arg0: i32, %arg1: i32, %arg2: memref<32x10240xi32, #tpu.memory_space<hbm>>, %arg3: memref<32x10240xi32, #tpu.memory_space<hbm>>, %arg4: memref<32x10240xf32, #tpu.memory_space<hbm>>, %arg5: memref<32x10240xf32, #tpu.memory_space<hbm>>, %arg6: memref<10240xi32, #tpu.memory_space<vmem>>, %arg7: memref<10240xi32, #tpu.memory_space<vmem>>, %arg8: memref<10240xf32, #tpu.memory_space<vmem>>, %arg9: memref<10240xf32, #tpu.memory_space<vmem>>) attributes {dimension_semantics = [#tpu.dimension_semantics<core_parallel>, #tpu.dimension_semantics<subcore_parallel>], iteration_bounds = array<i64: 2, 16>, scalar_prefetch = 0 : i64, scratch_operands = 4 : i64, tpu.core_type = #tpu.core_type<sc_vector_subcore>, window_params = [{transform_indices = #map}, {transform_indices = #map}, {transform_indices = #map}, {transform_indices = #map}]} {
    %mul3A = arith.constant 2 : i32
    %mul3A_0 = arith.muli %arg1, %mul3A : i32
    %add3A = arith.addi %mul3A_0, %arg0 : i32
    "tpu.region"() ({
      %run_scoped3A = tpu.sem_alloc : memref<!tpu.dma_semaphore, #tpu.memory_space<semaphore_mem>>
      %dma_start3A = arith.constant 0 : i32
      %dma_start3A_17 = tpu.memref_slice %arg2[%add3A, %dma_start3A] : memref<32x10240xi32, #tpu.memory_space<hbm>> -> memref<1x10240xi32, #tpu.memory_space<hbm>>
      %dma_start3A_18 = tpu.memref_squeeze %dma_start3A_17 : memref<1x10240xi32, #tpu.memory_space<hbm>> -> memref<10240xi32, #tpu.memory_space<hbm>>
      %dma_start3A_19 = arith.constant 0 : i32
      %dma_start3A_20 = tpu.memref_slice %arg2[%add3A, %dma_start3A_19] : memref<32x10240xi32, #tpu.memory_space<hbm>> -> memref<1x10240xi32, #tpu.memory_space<hbm>>
      %dma_start3A_21 = tpu.memref_squeeze %dma_start3A_20 : memref<1x10240xi32, #tpu.memory_space<hbm>> -> memref<10240xi32, #tpu.memory_space<hbm>>
      tpu.enqueue_dma source(%dma_start3A_21 : memref<10240xi32, #tpu.memory_space<hbm>>) target(%arg6 : memref<10240xi32, #tpu.memory_space<vmem>>) target_semaphore(%run_scoped3A : memref<!tpu.dma_semaphore, #tpu.memory_space<semaphore_mem>>)
      %dma_wait3A = arith.constant 0 : i32
      %dma_wait3A_22 = tpu.memref_slice %arg2[%add3A, %dma_wait3A] : memref<32x10240xi32, #tpu.memory_space<hbm>> -> memref<1x10240xi32, #tpu.memory_space<hbm>>
      %dma_wait3A_23 = tpu.memref_squeeze %dma_wait3A_22 : memref<1x10240xi32, #tpu.memory_space<hbm>> -> memref<10240xi32, #tpu.memory_space<hbm>>
      %dma_wait3A_24 = arith.constant 0 : i32
      %dma_wait3A_25 = tpu.memref_slice %arg2[%add3A, %dma_wait3A_24] : memref<32x10240xi32, #tpu.memory_space<hbm>> -> memref<1x10240xi32, #tpu.memory_space<hbm>>
      %dma_wait3A_26 = tpu.memref_squeeze %dma_wait3A_25 : memref<1x10240xi32, #tpu.memory_space<hbm>> -> memref<10240xi32, #tpu.memory_space<hbm>>
      tpu.wait_dma2 semaphore(%run_scoped3A : memref<!tpu.dma_semaphore, #tpu.memory_space<semaphore_mem>>) src(%dma_wait3A_26 : memref<10240xi32, #tpu.memory_space<hbm>>) dst(%arg6 : memref<10240xi32, #tpu.memory_space<vmem>>)
      tpu.yield
    }) : () -> ()
    "tpu.region"() ({
      %run_scoped3A = tpu.sem_alloc : memref<!tpu.dma_semaphore, #tpu.memory_space<semaphore_mem>>
      %dma_start3A = arith.constant 0 : i32
      %dma_start3A_17 = tpu.memref_slice %arg3[%add3A, %dma_start3A] : memref<32x10240xi32, #tpu.memory_space<hbm>> -> memref<1x10240xi32, #tpu.memory_space<hbm>>
      %dma_start3A_18 = tpu.memref_squeeze %dma_start3A_17 : memref<1x10240xi32, #tpu.memory_space<hbm>> -> memref<10240xi32, #tpu.memory_space<hbm>>
      %dma_start3A_19 = arith.constant 0 : i32
      %dma_start3A_20 = tpu.memref_slice %arg3[%add3A, %dma_start3A_19] : memref<32x10240xi32, #tpu.memory_space<hbm>> -> memref<1x10240xi32, #tpu.memory_space<hbm>>
      %dma_start3A_21 = tpu.memref_squeeze %dma_start3A_20 : memref<1x10240xi32, #tpu.memory_space<hbm>> -> memref<10240xi32, #tpu.memory_space<hbm>>
      tpu.enqueue_dma source(%dma_start3A_21 : memref<10240xi32, #tpu.memory_space<hbm>>) target(%arg7 : memref<10240xi32, #tpu.memory_space<vmem>>) target_semaphore(%run_scoped3A : memref<!tpu.dma_semaphore, #tpu.memory_space<semaphore_mem>>)
      %dma_wait3A = arith.constant 0 : i32
      %dma_wait3A_22 = tpu.memref_slice %arg3[%add3A, %dma_wait3A] : memref<32x10240xi32, #tpu.memory_space<hbm>> -> memref<1x10240xi32, #tpu.memory_space<hbm>>
      %dma_wait3A_23 = tpu.memref_squeeze %dma_wait3A_22 : memref<1x10240xi32, #tpu.memory_space<hbm>> -> memref<10240xi32, #tpu.memory_space<hbm>>
      %dma_wait3A_24 = arith.constant 0 : i32
      %dma_wait3A_25 = tpu.memref_slice %arg3[%add3A, %dma_wait3A_24] : memref<32x10240xi32, #tpu.memory_space<hbm>> -> memref<1x10240xi32, #tpu.memory_space<hbm>>
      %dma_wait3A_26 = tpu.memref_squeeze %dma_wait3A_25 : memref<1x10240xi32, #tpu.memory_space<hbm>> -> memref<10240xi32, #tpu.memory_space<hbm>>
      tpu.wait_dma2 semaphore(%run_scoped3A : memref<!tpu.dma_semaphore, #tpu.memory_space<semaphore_mem>>) src(%dma_wait3A_26 : memref<10240xi32, #tpu.memory_space<hbm>>) dst(%arg7 : memref<10240xi32, #tpu.memory_space<vmem>>)
      tpu.yield
    }) : () -> ()
    %broadcast_in_dim3A = arith.constant 0.000000e+00 : f32
    %broadcast_in_dim3A_1 = vector.broadcast %broadcast_in_dim3A : f32 to vector<16xf32>
    %scan3A = arith.constant 0 : i32
    %scan3A_2 = arith.constant 0 : i32
    %scan3A_3 = arith.constant 640 : i32
    %scan3A_4 = arith.addi %scan3A_2, %scan3A_3 : i32
    %scan3A_5 = arith.constant 1 : i32
    %scan3A_6 = scf.for %scan3A_17 = %scan3A_2 to %scan3A_4 step %scan3A_5 iter_args(%scan3A_18 = %scan3A) -> (i32)  : i32 {
      %mul3A_19 = arith.constant 16 : i32
      %mul3A_20 = arith.muli %scan3A_17, %mul3A_19 : i32
      %swap3A = arith.index_cast %mul3A_20 : i32 to index
      %swap3A_21 = tpu.vector_load %arg8[%swap3A] {strides = array<i32>} : memref<10240xf32, #tpu.memory_space<vmem>>, vector<16xf32>,
      tpu.vector_store %arg8[%swap3A], %broadcast_in_dim3A_1 {strides = array<i32>} : memref<10240xf32, #tpu.memory_space<vmem>>, vector<16xf32>,
      %mul3A_22 = arith.constant 16 : i32
      %mul3A_23 = arith.muli %scan3A_17, %mul3A_22 : i32
      %swap3A_24 = arith.index_cast %mul3A_23 : i32 to index
      %swap3A_25 = tpu.vector_load %arg9[%swap3A_24] {strides = array<i32>} : memref<10240xf32, #tpu.memory_space<vmem>>, vector<16xf32>,
      tpu.vector_store %arg9[%swap3A_24], %broadcast_in_dim3A_1 {strides = array<i32>} : memref<10240xf32, #tpu.memory_space<vmem>>, vector<16xf32>,
      %scan3A_26 = arith.constant 0 : i32
      scf.yield %scan3A_26 : i32
    }
    %scan3A_7 = arith.constant 640 : i32
    %broadcast_in_dim3A_8 = arith.constant 1.000000e+00 : f32
    %broadcast_in_dim3A_9 = vector.broadcast %broadcast_in_dim3A_8 : f32 to vector<16xf32>
    %scan3A_10 = arith.constant 0 : i32
    %scan3A_11 = arith.constant 0 : i32
    %scan3A_12 = arith.constant 640 : i32
    %scan3A_13 = arith.addi %scan3A_11, %scan3A_12 : i32
    %scan3A_14 = arith.constant 1 : i32
    %scan3A_15 = scf.for %scan3A_17 = %scan3A_11 to %scan3A_13 step %scan3A_14 iter_args(%scan3A_18 = %scan3A_10) -> (i32)  : i32 {
      %mul3A_19 = arith.constant 16 : i32
      %mul3A_20 = arith.muli %scan3A_17, %mul3A_19 : i32
      %get3A = arith.index_cast %mul3A_20 : i32 to index
      %get3A_21 = tpu.vector_load %arg6[%get3A] {strides = array<i32>} : memref<10240xi32, #tpu.memory_space<vmem>>, vector<16xi32>,
      tpu.vector_store_idx %arg8[%get3A_21], %broadcast_in_dim3A_9 {add = true} : memref<10240xf32, #tpu.memory_space<vmem>>[vector<16xi32>], vector<16xf32>,
      %mul3A_22 = arith.constant 16 : i32
      %mul3A_23 = arith.muli %scan3A_17, %mul3A_22 : i32
      %get3A_24 = arith.index_cast %mul3A_23 : i32 to index
      %get3A_25 = tpu.vector_load %arg7[%get3A_24] {strides = array<i32>} : memref<10240xi32, #tpu.memory_space<vmem>>, vector<16xi32>,
      tpu.vector_store_idx %arg9[%get3A_25], %broadcast_in_dim3A_9 {add = true} : memref<10240xf32, #tpu.memory_space<vmem>>[vector<16xi32>], vector<16xf32>,
      %scan3A_26 = arith.constant 0 : i32
      scf.yield %scan3A_26 : i32
    }
    %scan3A_16 = arith.constant 640 : i32
    "tpu.region"() ({
      %run_scoped3A = tpu.sem_alloc : memref<!tpu.dma_semaphore, #tpu.memory_space<semaphore_mem>>
      %dma_start3A = arith.constant 0 : i32
      %dma_start3A_17 = tpu.memref_slice %arg4[%add3A, %dma_start3A] : memref<32x10240xf32, #tpu.memory_space<hbm>> -> memref<1x10240xf32, #tpu.memory_space<hbm>>
      %dma_start3A_18 = tpu.memref_squeeze %dma_start3A_17 : memref<1x10240xf32, #tpu.memory_space<hbm>> -> memref<10240xf32, #tpu.memory_space<hbm>>
      %dma_start3A_19 = arith.constant 0 : i32
      %dma_start3A_20 = tpu.memref_slice %arg4[%add3A, %dma_start3A_19] : memref<32x10240xf32, #tpu.memory_space<hbm>> -> memref<1x10240xf32, #tpu.memory_space<hbm>>
      %dma_start3A_21 = tpu.memref_squeeze %dma_start3A_20 : memref<1x10240xf32, #tpu.memory_space<hbm>> -> memref<10240xf32, #tpu.memory_space<hbm>>
      tpu.enqueue_dma source(%arg8 : memref<10240xf32, #tpu.memory_space<vmem>>) target(%dma_start3A_21 : memref<10240xf32, #tpu.memory_space<hbm>>) target_semaphore(%run_scoped3A : memref<!tpu.dma_semaphore, #tpu.memory_space<semaphore_mem>>)
      %dma_wait3A = arith.constant 0 : i32
      %dma_wait3A_22 = tpu.memref_slice %arg4[%add3A, %dma_wait3A] : memref<32x10240xf32, #tpu.memory_space<hbm>> -> memref<1x10240xf32, #tpu.memory_space<hbm>>
      %dma_wait3A_23 = tpu.memref_squeeze %dma_wait3A_22 : memref<1x10240xf32, #tpu.memory_space<hbm>> -> memref<10240xf32, #tpu.memory_space<hbm>>
      %dma_wait3A_24 = arith.constant 0 : i32
      %dma_wait3A_25 = tpu.memref_slice %arg4[%add3A, %dma_wait3A_24] : memref<32x10240xf32, #tpu.memory_space<hbm>> -> memref<1x10240xf32, #tpu.memory_space<hbm>>
      %dma_wait3A_26 = tpu.memref_squeeze %dma_wait3A_25 : memref<1x10240xf32, #tpu.memory_space<hbm>> -> memref<10240xf32, #tpu.memory_space<hbm>>
      tpu.wait_dma2 semaphore(%run_scoped3A : memref<!tpu.dma_semaphore, #tpu.memory_space<semaphore_mem>>) src(%arg8 : memref<10240xf32, #tpu.memory_space<vmem>>) dst(%dma_wait3A_26 : memref<10240xf32, #tpu.memory_space<hbm>>)
      tpu.yield
    }) : () -> ()
    "tpu.region"() ({
      %run_scoped3A = tpu.sem_alloc : memref<!tpu.dma_semaphore, #tpu.memory_space<semaphore_mem>>
      %dma_start3A = arith.constant 0 : i32
      %dma_start3A_17 = tpu.memref_slice %arg5[%add3A, %dma_start3A] : memref<32x10240xf32, #tpu.memory_space<hbm>> -> memref<1x10240xf32, #tpu.memory_space<hbm>>
      %dma_start3A_18 = tpu.memref_squeeze %dma_start3A_17 : memref<1x10240xf32, #tpu.memory_space<hbm>> -> memref<10240xf32, #tpu.memory_space<hbm>>
      %dma_start3A_19 = arith.constant 0 : i32
      %dma_start3A_20 = tpu.memref_slice %arg5[%add3A, %dma_start3A_19] : memref<32x10240xf32, #tpu.memory_space<hbm>> -> memref<1x10240xf32, #tpu.memory_space<hbm>>
      %dma_start3A_21 = tpu.memref_squeeze %dma_start3A_20 : memref<1x10240xf32, #tpu.memory_space<hbm>> -> memref<10240xf32, #tpu.memory_space<hbm>>
      tpu.enqueue_dma source(%arg9 : memref<10240xf32, #tpu.memory_space<vmem>>) target(%dma_start3A_21 : memref<10240xf32, #tpu.memory_space<hbm>>) target_semaphore(%run_scoped3A : memref<!tpu.dma_semaphore, #tpu.memory_space<semaphore_mem>>)
      %dma_wait3A = arith.constant 0 : i32
      %dma_wait3A_22 = tpu.memref_slice %arg5[%add3A, %dma_wait3A] : memref<32x10240xf32, #tpu.memory_space<hbm>> -> memref<1x10240xf32, #tpu.memory_space<hbm>>
      %dma_wait3A_23 = tpu.memref_squeeze %dma_wait3A_22 : memref<1x10240xf32, #tpu.memory_space<hbm>> -> memref<10240xf32, #tpu.memory_space<hbm>>
      %dma_wait3A_24 = arith.constant 0 : i32
      %dma_wait3A_25 = tpu.memref_slice %arg5[%add3A, %dma_wait3A_24] : memref<32x10240xf32, #tpu.memory_space<hbm>> -> memref<1x10240xf32, #tpu.memory_space<hbm>>
      %dma_wait3A_26 = tpu.memref_squeeze %dma_wait3A_25 : memref<1x10240xf32, #tpu.memory_space<hbm>> -> memref<10240xf32, #tpu.memory_space<hbm>>
      tpu.wait_dma2 semaphore(%run_scoped3A : memref<!tpu.dma_semaphore, #tpu.memory_space<semaphore_mem>>) src(%arg9 : memref<10240xf32, #tpu.memory_space<vmem>>) dst(%dma_wait3A_26 : memref<10240xf32, #tpu.memory_space<hbm>>)
      tpu.yield
    }) : () -> ()
    return
  }
}

#map = affine_map<(d0, d1) -> (0, 0)>
#map1 = affine_map<(d0, d1) -> (0, 0, 0, 0)>
#map2 = affine_map<(d0, d1) -> (0, 0, 0)>
module attributes {stable_mosaic.version = 14 : i64} {
  func.func @_msg_kernel(%arg0: i32, %arg1: i32, %arg2: memref<10240x128xf32, #tpu.memory_space<hbm>>, %arg3: memref<16x5x32x128xi32, #tpu.memory_space<hbm>>, %arg4: memref<16x5x32x128xi32, #tpu.memory_space<hbm>>, %arg5: memref<640x128xf32, #tpu.memory_space<hbm>>, %arg6: memref<2x10240x128xf32, #tpu.memory_space<hbm>>, %arg7: memref<32x128xi32, #tpu.memory_space<vmem>>, %arg8: memref<32x128xi32, #tpu.memory_space<vmem>>, %arg9: memref<128x128xf32, #tpu.memory_space<vmem>>, %arg10: memref<128x128xf32, #tpu.memory_space<vmem>>, %arg11: memref<10240x128xf32, #tpu.memory_space<vmem_shared>>, %arg12: memref<!tpu.dma_semaphore, #tpu.memory_space<semaphore_mem>>, %arg13: memref<!tpu.dma_semaphore, #tpu.memory_space<semaphore_mem>>, %arg14: memref<!tpu.dma_semaphore, #tpu.memory_space<semaphore_mem>>, %arg15: memref<!tpu.dma_semaphore, #tpu.memory_space<semaphore_mem>>) attributes {dimension_semantics = [#tpu.dimension_semantics<core_parallel>, #tpu.dimension_semantics<subcore_parallel>], iteration_bounds = array<i64: 2, 16>, scalar_prefetch = 0 : i64, scratch_operands = 9 : i64, tpu.core_type = #tpu.core_type<sc_vector_subcore>, window_params = [{transform_indices = #map}, {transform_indices = #map1}, {transform_indices = #map1}, {transform_indices = #map}, {transform_indices = #map2}]} {
    %mul3A = arith.constant 640 : i32
    %mul3A_0 = arith.muli %arg1, %mul3A : i32
    "tpu.region"() ({
      %run_scoped3A_118 = tpu.sem_alloc : memref<!tpu.dma_semaphore, #tpu.memory_space<semaphore_mem>>
      %dma_start3A = arith.constant 0 : i32
      %dma_start3A_119 = tpu.memref_slice %arg11[%mul3A_0, %dma_start3A] : memref<10240x128xf32, #tpu.memory_space<vmem_shared>> -> memref<640x128xf32, #tpu.memory_space<vmem_shared>>
      tpu.enqueue_dma source(%arg5 : memref<640x128xf32, #tpu.memory_space<hbm>>) target(%dma_start3A_119 : memref<640x128xf32, #tpu.memory_space<vmem_shared>>) target_semaphore(%run_scoped3A_118 : memref<!tpu.dma_semaphore, #tpu.memory_space<semaphore_mem>>)
      %dma_wait3A = arith.constant 0 : i32
      %dma_wait3A_120 = tpu.memref_slice %arg11[%mul3A_0, %dma_wait3A] : memref<10240x128xf32, #tpu.memory_space<vmem_shared>> -> memref<640x128xf32, #tpu.memory_space<vmem_shared>>
      tpu.wait_dma2 semaphore(%run_scoped3A_118 : memref<!tpu.dma_semaphore, #tpu.memory_space<semaphore_mem>>) src(%arg5 : memref<640x128xf32, #tpu.memory_space<hbm>>) dst(%dma_wait3A_120 : memref<640x128xf32, #tpu.memory_space<vmem_shared>>)
      tpu.yield
    }) : () -> ()
    %barrier3A = arith.constant 0 : index
    tpu.barrier barrier_id(%barrier3A)
    %eq3A = arith.constant 0 : i32
    %eq3A_1 = arith.cmpi eq, %arg0, %eq3A : i32
    %jit3A = arith.constant 16 : i32
    %jit3A_2 = arith.constant 0 : i32
    %select_n3A = arith.select %eq3A_1, %jit3A, %jit3A_2 : i32
    %run_scoped3A = arith.constant 0 : i32
    "tpu.region"() ({
      %run_scoped3A_118 = tpu.sem_alloc : memref<!tpu.dma_semaphore, #tpu.memory_space<semaphore_mem>>
      %dma_start3A = arith.constant 0 : i32
      %dma_start3A_119 = arith.constant 0 : i32
      %dma_start3A_120 = tpu.memref_slice %arg3[%arg1, %run_scoped3A, %dma_start3A, %dma_start3A_119] : memref<16x5x32x128xi32, #tpu.memory_space<hbm>> -> memref<1x1x32x128xi32, #tpu.memory_space<hbm>>
      %dma_start3A_121 = tpu.memref_squeeze %dma_start3A_120 : memref<1x1x32x128xi32, #tpu.memory_space<hbm>> -> memref<32x128xi32, #tpu.memory_space<hbm>>
      %dma_start3A_122 = arith.constant 0 : i32
      %dma_start3A_123 = arith.constant 0 : i32
      %dma_start3A_124 = tpu.memref_slice %arg3[%arg1, %run_scoped3A, %dma_start3A_122, %dma_start3A_123] : memref<16x5x32x128xi32, #tpu.memory_space<hbm>> -> memref<1x1x32x128xi32, #tpu.memory_space<hbm>>
      %dma_start3A_125 = tpu.memref_squeeze %dma_start3A_124 : memref<1x1x32x128xi32, #tpu.memory_space<hbm>> -> memref<32x128xi32, #tpu.memory_space<hbm>>
      tpu.enqueue_dma source(%dma_start3A_125 : memref<32x128xi32, #tpu.memory_space<hbm>>) target(%arg7 : memref<32x128xi32, #tpu.memory_space<vmem>>) target_semaphore(%run_scoped3A_118 : memref<!tpu.dma_semaphore, #tpu.memory_space<semaphore_mem>>)
      %dma_wait3A = arith.constant 0 : i32
      %dma_wait3A_126 = arith.constant 0 : i32
      %dma_wait3A_127 = tpu.memref_slice %arg3[%arg1, %run_scoped3A, %dma_wait3A, %dma_wait3A_126] : memref<16x5x32x128xi32, #tpu.memory_space<hbm>> -> memref<1x1x32x128xi32, #tpu.memory_space<hbm>>
      %dma_wait3A_128 = tpu.memref_squeeze %dma_wait3A_127 : memref<1x1x32x128xi32, #tpu.memory_space<hbm>> -> memref<32x128xi32, #tpu.memory_space<hbm>>
      %dma_wait3A_129 = arith.constant 0 : i32
      %dma_wait3A_130 = arith.constant 0 : i32
      %dma_wait3A_131 = tpu.memref_slice %arg3[%arg1, %run_scoped3A, %dma_wait3A_129, %dma_wait3A_130] : memref<16x5x32x128xi32, #tpu.memory_space<hbm>> -> memref<1x1x32x128xi32, #tpu.memory_space<hbm>>
      %dma_wait3A_132 = tpu.memref_squeeze %dma_wait3A_131 : memref<1x1x32x128xi32, #tpu.memory_space<hbm>> -> memref<32x128xi32, #tpu.memory_space<hbm>>
      tpu.wait_dma2 semaphore(%run_scoped3A_118 : memref<!tpu.dma_semaphore, #tpu.memory_space<semaphore_mem>>) src(%dma_wait3A_132 : memref<32x128xi32, #tpu.memory_space<hbm>>) dst(%arg7 : memref<32x128xi32, #tpu.memory_space<vmem>>)
      tpu.yield
    }) : () -> ()
    %run_scoped3A_3 = arith.constant 0 : i32
    "tpu.region"() ({
      %run_scoped3A_118 = tpu.sem_alloc : memref<!tpu.dma_semaphore, #tpu.memory_space<semaphore_mem>>
      %dma_start3A = arith.constant 0 : i32
      %dma_start3A_119 = arith.constant 0 : i32
      %dma_start3A_120 = tpu.memref_slice %arg4[%arg1, %run_scoped3A_3, %dma_start3A, %dma_start3A_119] : memref<16x5x32x128xi32, #tpu.memory_space<hbm>> -> memref<1x1x32x128xi32, #tpu.memory_space<hbm>>
      %dma_start3A_121 = tpu.memref_squeeze %dma_start3A_120 : memref<1x1x32x128xi32, #tpu.memory_space<hbm>> -> memref<32x128xi32, #tpu.memory_space<hbm>>
      %dma_start3A_122 = arith.constant 0 : i32
      %dma_start3A_123 = arith.constant 0 : i32
      %dma_start3A_124 = tpu.memref_slice %arg4[%arg1, %run_scoped3A_3, %dma_start3A_122, %dma_start3A_123] : memref<16x5x32x128xi32, #tpu.memory_space<hbm>> -> memref<1x1x32x128xi32, #tpu.memory_space<hbm>>
      %dma_start3A_125 = tpu.memref_squeeze %dma_start3A_124 : memref<1x1x32x128xi32, #tpu.memory_space<hbm>> -> memref<32x128xi32, #tpu.memory_space<hbm>>
      tpu.enqueue_dma source(%dma_start3A_125 : memref<32x128xi32, #tpu.memory_space<hbm>>) target(%arg8 : memref<32x128xi32, #tpu.memory_space<vmem>>) target_semaphore(%run_scoped3A_118 : memref<!tpu.dma_semaphore, #tpu.memory_space<semaphore_mem>>)
      %dma_wait3A = arith.constant 0 : i32
      %dma_wait3A_126 = arith.constant 0 : i32
      %dma_wait3A_127 = tpu.memref_slice %arg4[%arg1, %run_scoped3A_3, %dma_wait3A, %dma_wait3A_126] : memref<16x5x32x128xi32, #tpu.memory_space<hbm>> -> memref<1x1x32x128xi32, #tpu.memory_space<hbm>>
      %dma_wait3A_128 = tpu.memref_squeeze %dma_wait3A_127 : memref<1x1x32x128xi32, #tpu.memory_space<hbm>> -> memref<32x128xi32, #tpu.memory_space<hbm>>
      %dma_wait3A_129 = arith.constant 0 : i32
      %dma_wait3A_130 = arith.constant 0 : i32
      %dma_wait3A_131 = tpu.memref_slice %arg4[%arg1, %run_scoped3A_3, %dma_wait3A_129, %dma_wait3A_130] : memref<16x5x32x128xi32, #tpu.memory_space<hbm>> -> memref<1x1x32x128xi32, #tpu.memory_space<hbm>>
      %dma_wait3A_132 = tpu.memref_squeeze %dma_wait3A_131 : memref<1x1x32x128xi32, #tpu.memory_space<hbm>> -> memref<32x128xi32, #tpu.memory_space<hbm>>
      tpu.wait_dma2 semaphore(%run_scoped3A_118 : memref<!tpu.dma_semaphore, #tpu.memory_space<semaphore_mem>>) src(%dma_wait3A_132 : memref<32x128xi32, #tpu.memory_space<hbm>>) dst(%arg8 : memref<32x128xi32, #tpu.memory_space<vmem>>)
      tpu.yield
    }) : () -> ()
    %gt3A = arith.constant 0 : i32
    %gt3A_4 = arith.cmpi sgt, %select_n3A, %gt3A : i32
    %convert_element_type3A = arith.extui %gt3A_4 : i1 to i32
    %cond3A = arith.constant 0 : i32
    %cond3A_5 = arith.cmpi ne, %convert_element_type3A, %cond3A : i32
    scf.if %cond3A_5 {
      %dma_start3A = arith.constant 0 : i32
      %dma_start3A_118 = arith.constant 0 : i32
      %dma_start3A_119 = tpu.memref_slice %arg7[%dma_start3A, %dma_start3A_118] : memref<32x128xi32, #tpu.memory_space<vmem>> -> memref<1x128xi32, #tpu.memory_space<vmem>>
      %dma_start3A_120 = tpu.memref_squeeze %dma_start3A_119 : memref<1x128xi32, #tpu.memory_space<vmem>> -> memref<128xi32, #tpu.memory_space<vmem>>
      %dma_start3A_121 = arith.constant 0 : i32
      %dma_start3A_122 = arith.constant 0 : i32
      %dma_start3A_123 = tpu.memref_slice %arg2[%dma_start3A_121, %dma_start3A_122] : memref<10240x128xf32, #tpu.memory_space<hbm>> -> memref<10240x128xf32, #tpu.memory_space<hbm>>
      tpu.enqueue_indirect_dma source(%dma_start3A_123 : memref<10240x128xf32, #tpu.memory_space<hbm>>) target(%arg9 : memref<128x128xf32, #tpu.memory_space<vmem>>) offsets(%dma_start3A_120 : memref<128xi32, #tpu.memory_space<vmem>>) semaphore(%arg12 : memref<!tpu.dma_semaphore, #tpu.memory_space<semaphore_mem>>)
      %dma_start3A_124 = arith.constant 1 : i32
      %dma_start3A_125 = arith.constant 0 : i32
      %dma_start3A_126 = tpu.memref_slice %arg7[%dma_start3A_124, %dma_start3A_125] : memref<32x128xi32, #tpu.memory_space<vmem>> -> memref<1x128xi32, #tpu.memory_space<vmem>>
      %dma_start3A_127 = tpu.memref_squeeze %dma_start3A_126 : memref<1x128xi32, #tpu.memory_space<vmem>> -> memref<128xi32, #tpu.memory_space<vmem>>
      %dma_start3A_128 = arith.constant 0 : i32
      %dma_start3A_129 = arith.constant 0 : i32
      %dma_start3A_130 = tpu.memref_slice %arg2[%dma_start3A_128, %dma_start3A_129] : memref<10240x128xf32, #tpu.memory_space<hbm>> -> memref<10240x128xf32, #tpu.memory_space<hbm>>
      tpu.enqueue_indirect_dma source(%dma_start3A_130 : memref<10240x128xf32, #tpu.memory_space<hbm>>) target(%arg10 : memref<128x128xf32, #tpu.memory_space<vmem>>) offsets(%dma_start3A_127 : memref<128xi32, #tpu.memory_space<vmem>>) semaphore(%arg13 : memref<!tpu.dma_semaphore, #tpu.memory_space<semaphore_mem>>)
    } else {
    }
    %while3A = arith.constant 0 : i32
    %while3A_6 = arith.constant 0 : i32
    %while3A_7 = arith.subi %select_n3A, %while3A : i32
    %while3A_8 = arith.addi %while3A, %while3A_7 : i32
    %while3A_9 = arith.constant 1 : i32
    %while3A_10 = arith.divsi %while3A_7, %while3A_9 : i32
    %while3A_11 = arith.muli %while3A_10, %while3A_9 : i32
    %while3A_12 = arith.addi %while3A, %while3A_11 : i32
    %while3A_13 = arith.constant 1 : i32
    %while3A_14 = scf.for %while3A_118 = %while3A to %while3A_12 step %while3A_13 iter_args(%while3A_119 = %while3A_6) -> (i32)  : i32 {
      %mul3A_120 = arith.constant 2 : i32
      %mul3A_121 = arith.muli %mul3A_120, %while3A_118 : i32
      %dma_wait3A = arith.constant 0 : i32
      %dma_wait3A_122 = tpu.memref_slice %arg7[%mul3A_121, %dma_wait3A] : memref<32x128xi32, #tpu.memory_space<vmem>> -> memref<1x128xi32, #tpu.memory_space<vmem>>
      %dma_wait3A_123 = tpu.memref_squeeze %dma_wait3A_122 : memref<1x128xi32, #tpu.memory_space<vmem>> -> memref<128xi32, #tpu.memory_space<vmem>>
      %dma_wait3A_124 = arith.constant 0 : i32
      %dma_wait3A_125 = arith.constant 0 : i32
      %dma_wait3A_126 = tpu.memref_slice %arg2[%dma_wait3A_124, %dma_wait3A_125] : memref<10240x128xf32, #tpu.memory_space<hbm>> -> memref<10240x128xf32, #tpu.memory_space<hbm>>
      tpu.wait_indirect_dma semaphore(%arg12 : memref<!tpu.dma_semaphore, #tpu.memory_space<semaphore_mem>>) src(%dma_wait3A_126 : memref<10240x128xf32, #tpu.memory_space<hbm>>) dst(%arg9 : memref<128x128xf32, #tpu.memory_space<vmem>>)
      "tpu.region"() ({
        %run_scoped3A_147 = tpu.sem_alloc : memref<!tpu.dma_semaphore, #tpu.memory_space<semaphore_mem>>
        %dma_start3A = arith.constant 0 : i32
        %dma_start3A_148 = tpu.memref_slice %arg8[%mul3A_121, %dma_start3A] : memref<32x128xi32, #tpu.memory_space<vmem>> -> memref<1x128xi32, #tpu.memory_space<vmem>>
        %dma_start3A_149 = tpu.memref_squeeze %dma_start3A_148 : memref<1x128xi32, #tpu.memory_space<vmem>> -> memref<128xi32, #tpu.memory_space<vmem>>
        %dma_start3A_150 = arith.constant 0 : i32
        %dma_start3A_151 = arith.constant 0 : i32
        %dma_start3A_152 = tpu.memref_slice %arg11[%dma_start3A_150, %dma_start3A_151] : memref<10240x128xf32, #tpu.memory_space<vmem_shared>> -> memref<10240x128xf32, #tpu.memory_space<vmem_shared>>
        tpu.enqueue_indirect_dma source(%arg9 : memref<128x128xf32, #tpu.memory_space<vmem>>) target(%dma_start3A_152 : memref<10240x128xf32, #tpu.memory_space<vmem_shared>>) offsets(%dma_start3A_149 : memref<128xi32, #tpu.memory_space<vmem>>) semaphore(%run_scoped3A_147 : memref<!tpu.dma_semaphore, #tpu.memory_space<semaphore_mem>>) {add = true}
        %dma_wait3A_153 = arith.constant 0 : i32
        %dma_wait3A_154 = tpu.memref_slice %arg8[%mul3A_121, %dma_wait3A_153] : memref<32x128xi32, #tpu.memory_space<vmem>> -> memref<1x128xi32, #tpu.memory_space<vmem>>
        %dma_wait3A_155 = tpu.memref_squeeze %dma_wait3A_154 : memref<1x128xi32, #tpu.memory_space<vmem>> -> memref<128xi32, #tpu.memory_space<vmem>>
        %dma_wait3A_156 = arith.constant 0 : i32
        %dma_wait3A_157 = arith.constant 0 : i32
        %dma_wait3A_158 = tpu.memref_slice %arg11[%dma_wait3A_156, %dma_wait3A_157] : memref<10240x128xf32, #tpu.memory_space<vmem_shared>> -> memref<10240x128xf32, #tpu.memory_space<vmem_shared>>
        tpu.wait_indirect_dma semaphore(%run_scoped3A_147 : memref<!tpu.dma_semaphore, #tpu.memory_space<semaphore_mem>>) src(%arg9 : memref<128x128xf32, #tpu.memory_space<vmem>>) dst(%dma_wait3A_158 : memref<10240x128xf32, #tpu.memory_space<vmem_shared>>)
        tpu.yield
      }) : () -> ()
      %sub3A = arith.constant 1 : i32
      %sub3A_127 = arith.subi %select_n3A, %sub3A : i32
      %lt3A = arith.cmpi slt, %while3A_118, %sub3A_127 : i32
      %convert_element_type3A_128 = arith.extui %lt3A : i1 to i32
      %cond3A_129 = arith.constant 0 : i32
      %cond3A_130 = arith.cmpi ne, %convert_element_type3A_128, %cond3A_129 : i32
      scf.if %cond3A_130 {
        %add3A_147 = arith.constant 2 : i32
        %add3A_148 = arith.addi %mul3A_121, %add3A_147 : i32
        %dma_start3A = arith.constant 0 : i32
        %dma_start3A_149 = tpu.memref_slice %arg7[%add3A_148, %dma_start3A] : memref<32x128xi32, #tpu.memory_space<vmem>> -> memref<1x128xi32, #tpu.memory_space<vmem>>
        %dma_start3A_150 = tpu.memref_squeeze %dma_start3A_149 : memref<1x128xi32, #tpu.memory_space<vmem>> -> memref<128xi32, #tpu.memory_space<vmem>>
        %dma_start3A_151 = arith.constant 0 : i32
        %dma_start3A_152 = arith.constant 0 : i32
        %dma_start3A_153 = tpu.memref_slice %arg2[%dma_start3A_151, %dma_start3A_152] : memref<10240x128xf32, #tpu.memory_space<hbm>> -> memref<10240x128xf32, #tpu.memory_space<hbm>>
        tpu.enqueue_indirect_dma source(%dma_start3A_153 : memref<10240x128xf32, #tpu.memory_space<hbm>>) target(%arg9 : memref<128x128xf32, #tpu.memory_space<vmem>>) offsets(%dma_start3A_150 : memref<128xi32, #tpu.memory_space<vmem>>) semaphore(%arg12 : memref<!tpu.dma_semaphore, #tpu.memory_space<semaphore_mem>>)
      } else {
      }
      %add3A = arith.constant 1 : i32
      %add3A_131 = arith.addi %mul3A_121, %add3A : i32
      %dma_wait3A_132 = arith.constant 0 : i32
      %dma_wait3A_133 = tpu.memref_slice %arg7[%add3A_131, %dma_wait3A_132] : memref<32x128xi32, #tpu.memory_space<vmem>> -> memref<1x128xi32, #tpu.memory_space<vmem>>
      %dma_wait3A_134 = tpu.memref_squeeze %dma_wait3A_133 : memref<1x128xi32, #tpu.memory_space<vmem>> -> memref<128xi32, #tpu.memory_space<vmem>>
      %dma_wait3A_135 = arith.constant 0 : i32
      %dma_wait3A_136 = arith.constant 0 : i32
      %dma_wait3A_137 = tpu.memref_slice %arg2[%dma_wait3A_135, %dma_wait3A_136] : memref<10240x128xf32, #tpu.memory_space<hbm>> -> memref<10240x128xf32, #tpu.memory_space<hbm>>
      tpu.wait_indirect_dma semaphore(%arg13 : memref<!tpu.dma_semaphore, #tpu.memory_space<semaphore_mem>>) src(%dma_wait3A_137 : memref<10240x128xf32, #tpu.memory_space<hbm>>) dst(%arg10 : memref<128x128xf32, #tpu.memory_space<vmem>>)
      %add3A_138 = arith.constant 1 : i32
      %add3A_139 = arith.addi %mul3A_121, %add3A_138 : i32
      "tpu.region"() ({
        %run_scoped3A_147 = tpu.sem_alloc : memref<!tpu.dma_semaphore, #tpu.memory_space<semaphore_mem>>
        %dma_start3A = arith.constant 0 : i32
        %dma_start3A_148 = tpu.memref_slice %arg8[%add3A_139, %dma_start3A] : memref<32x128xi32, #tpu.memory_space<vmem>> -> memref<1x128xi32, #tpu.memory_space<vmem>>
        %dma_start3A_149 = tpu.memref_squeeze %dma_start3A_148 : memref<1x128xi32, #tpu.memory_space<vmem>> -> memref<128xi32, #tpu.memory_space<vmem>>
        %dma_start3A_150 = arith.constant 0 : i32
        %dma_start3A_151 = arith.constant 0 : i32
        %dma_start3A_152 = tpu.memref_slice %arg11[%dma_start3A_150, %dma_start3A_151] : memref<10240x128xf32, #tpu.memory_space<vmem_shared>> -> memref<10240x128xf32, #tpu.memory_space<vmem_shared>>
        tpu.enqueue_indirect_dma source(%arg10 : memref<128x128xf32, #tpu.memory_space<vmem>>) target(%dma_start3A_152 : memref<10240x128xf32, #tpu.memory_space<vmem_shared>>) offsets(%dma_start3A_149 : memref<128xi32, #tpu.memory_space<vmem>>) semaphore(%run_scoped3A_147 : memref<!tpu.dma_semaphore, #tpu.memory_space<semaphore_mem>>) {add = true}
        %dma_wait3A_153 = arith.constant 0 : i32
        %dma_wait3A_154 = tpu.memref_slice %arg8[%add3A_139, %dma_wait3A_153] : memref<32x128xi32, #tpu.memory_space<vmem>> -> memref<1x128xi32, #tpu.memory_space<vmem>>
        %dma_wait3A_155 = tpu.memref_squeeze %dma_wait3A_154 : memref<1x128xi32, #tpu.memory_space<vmem>> -> memref<128xi32, #tpu.memory_space<vmem>>
        %dma_wait3A_156 = arith.constant 0 : i32
        %dma_wait3A_157 = arith.constant 0 : i32
        %dma_wait3A_158 = tpu.memref_slice %arg11[%dma_wait3A_156, %dma_wait3A_157] : memref<10240x128xf32, #tpu.memory_space<vmem_shared>> -> memref<10240x128xf32, #tpu.memory_space<vmem_shared>>
        tpu.wait_indirect_dma semaphore(%run_scoped3A_147 : memref<!tpu.dma_semaphore, #tpu.memory_space<semaphore_mem>>) src(%arg10 : memref<128x128xf32, #tpu.memory_space<vmem>>) dst(%dma_wait3A_158 : memref<10240x128xf32, #tpu.memory_space<vmem_shared>>)
        tpu.yield
      }) : () -> ()
      %sub3A_140 = arith.constant 1 : i32
      %sub3A_141 = arith.subi %select_n3A, %sub3A_140 : i32
      %lt3A_142 = arith.cmpi slt, %while3A_118, %sub3A_141 : i32
      %convert_element_type3A_143 = arith.extui %lt3A_142 : i1 to i32
      %cond3A_144 = arith.constant 0 : i32
      %cond3A_145 = arith.cmpi ne, %convert_element_type3A_143, %cond3A_144 : i32
      scf.if %cond3A_145 {
        %add3A_147 = arith.constant 3 : i32
        %add3A_148 = arith.addi %mul3A_121, %add3A_147 : i32
        %dma_start3A = arith.constant 0 : i32
        %dma_start3A_149 = tpu.memref_slice %arg7[%add3A_148, %dma_start3A] : memref<32x128xi32, #tpu.memory_space<vmem>> -> memref<1x128xi32, #tpu.memory_space<vmem>>
        %dma_start3A_150 = tpu.memref_squeeze %dma_start3A_149 : memref<1x128xi32, #tpu.memory_space<vmem>> -> memref<128xi32, #tpu.memory_space<vmem>>
        %dma_start3A_151 = arith.constant 0 : i32
        %dma_start3A_152 = arith.constant 0 : i32
        %dma_start3A_153 = tpu.memref_slice %arg2[%dma_start3A_151, %dma_start3A_152] : memref<10240x128xf32, #tpu.memory_space<hbm>> -> memref<10240x128xf32, #tpu.memory_space<hbm>>
        tpu.enqueue_indirect_dma source(%dma_start3A_153 : memref<10240x128xf32, #tpu.memory_space<hbm>>) target(%arg10 : memref<128x128xf32, #tpu.memory_space<vmem>>) offsets(%dma_start3A_150 : memref<128xi32, #tpu.memory_space<vmem>>) semaphore(%arg13 : memref<!tpu.dma_semaphore, #tpu.memory_space<semaphore_mem>>)
      } else {
      }
      %while3A_146 = arith.constant 0 : i32
      scf.yield %while3A_146 : i32
    }
    %while3A_15 = arith.constant 1 : i32
    %while3A_16 = scf.for %while3A_118 = %while3A_12 to %while3A_8 step %while3A_15 iter_args(%while3A_119 = %while3A_14) -> (i32)  : i32 {
      %mul3A_120 = arith.constant 2 : i32
      %mul3A_121 = arith.muli %mul3A_120, %while3A_118 : i32
      %dma_wait3A = arith.constant 0 : i32
      %dma_wait3A_122 = tpu.memref_slice %arg7[%mul3A_121, %dma_wait3A] : memref<32x128xi32, #tpu.memory_space<vmem>> -> memref<1x128xi32, #tpu.memory_space<vmem>>
      %dma_wait3A_123 = tpu.memref_squeeze %dma_wait3A_122 : memref<1x128xi32, #tpu.memory_space<vmem>> -> memref<128xi32, #tpu.memory_space<vmem>>
      %dma_wait3A_124 = arith.constant 0 : i32
      %dma_wait3A_125 = arith.constant 0 : i32
      %dma_wait3A_126 = tpu.memref_slice %arg2[%dma_wait3A_124, %dma_wait3A_125] : memref<10240x128xf32, #tpu.memory_space<hbm>> -> memref<10240x128xf32, #tpu.memory_space<hbm>>
      tpu.wait_indirect_dma semaphore(%arg12 : memref<!tpu.dma_semaphore, #tpu.memory_space<semaphore_mem>>) src(%dma_wait3A_126 : memref<10240x128xf32, #tpu.memory_space<hbm>>) dst(%arg9 : memref<128x128xf32, #tpu.memory_space<vmem>>)
      "tpu.region"() ({
        %run_scoped3A_147 = tpu.sem_alloc : memref<!tpu.dma_semaphore, #tpu.memory_space<semaphore_mem>>
        %dma_start3A = arith.constant 0 : i32
        %dma_start3A_148 = tpu.memref_slice %arg8[%mul3A_121, %dma_start3A] : memref<32x128xi32, #tpu.memory_space<vmem>> -> memref<1x128xi32, #tpu.memory_space<vmem>>
        %dma_start3A_149 = tpu.memref_squeeze %dma_start3A_148 : memref<1x128xi32, #tpu.memory_space<vmem>> -> memref<128xi32, #tpu.memory_space<vmem>>
        %dma_start3A_150 = arith.constant 0 : i32
        %dma_start3A_151 = arith.constant 0 : i32
        %dma_start3A_152 = tpu.memref_slice %arg11[%dma_start3A_150, %dma_start3A_151] : memref<10240x128xf32, #tpu.memory_space<vmem_shared>> -> memref<10240x128xf32, #tpu.memory_space<vmem_shared>>
        tpu.enqueue_indirect_dma source(%arg9 : memref<128x128xf32, #tpu.memory_space<vmem>>) target(%dma_start3A_152 : memref<10240x128xf32, #tpu.memory_space<vmem_shared>>) offsets(%dma_start3A_149 : memref<128xi32, #tpu.memory_space<vmem>>) semaphore(%run_scoped3A_147 : memref<!tpu.dma_semaphore, #tpu.memory_space<semaphore_mem>>) {add = true}
        %dma_wait3A_153 = arith.constant 0 : i32
        %dma_wait3A_154 = tpu.memref_slice %arg8[%mul3A_121, %dma_wait3A_153] : memref<32x128xi32, #tpu.memory_space<vmem>> -> memref<1x128xi32, #tpu.memory_space<vmem>>
        %dma_wait3A_155 = tpu.memref_squeeze %dma_wait3A_154 : memref<1x128xi32, #tpu.memory_space<vmem>> -> memref<128xi32, #tpu.memory_space<vmem>>
        %dma_wait3A_156 = arith.constant 0 : i32
        %dma_wait3A_157 = arith.constant 0 : i32
        %dma_wait3A_158 = tpu.memref_slice %arg11[%dma_wait3A_156, %dma_wait3A_157] : memref<10240x128xf32, #tpu.memory_space<vmem_shared>> -> memref<10240x128xf32, #tpu.memory_space<vmem_shared>>
        tpu.wait_indirect_dma semaphore(%run_scoped3A_147 : memref<!tpu.dma_semaphore, #tpu.memory_space<semaphore_mem>>) src(%arg9 : memref<128x128xf32, #tpu.memory_space<vmem>>) dst(%dma_wait3A_158 : memref<10240x128xf32, #tpu.memory_space<vmem_shared>>)
        tpu.yield
      }) : () -> ()
      %sub3A = arith.constant 1 : i32
      %sub3A_127 = arith.subi %select_n3A, %sub3A : i32
      %lt3A = arith.cmpi slt, %while3A_118, %sub3A_127 : i32
      %convert_element_type3A_128 = arith.extui %lt3A : i1 to i32
      %cond3A_129 = arith.constant 0 : i32
      %cond3A_130 = arith.cmpi ne, %convert_element_type3A_128, %cond3A_129 : i32
      scf.if %cond3A_130 {
        %add3A_147 = arith.constant 2 : i32
        %add3A_148 = arith.addi %mul3A_121, %add3A_147 : i32
        %dma_start3A = arith.constant 0 : i32
        %dma_start3A_149 = tpu.memref_slice %arg7[%add3A_148, %dma_start3A] : memref<32x128xi32, #tpu.memory_space<vmem>> -> memref<1x128xi32, #tpu.memory_space<vmem>>
        %dma_start3A_150 = tpu.memref_squeeze %dma_start3A_149 : memref<1x128xi32, #tpu.memory_space<vmem>> -> memref<128xi32, #tpu.memory_space<vmem>>
        %dma_start3A_151 = arith.constant 0 : i32
        %dma_start3A_152 = arith.constant 0 : i32
        %dma_start3A_153 = tpu.memref_slice %arg2[%dma_start3A_151, %dma_start3A_152] : memref<10240x128xf32, #tpu.memory_space<hbm>> -> memref<10240x128xf32, #tpu.memory_space<hbm>>
        tpu.enqueue_indirect_dma source(%dma_start3A_153 : memref<10240x128xf32, #tpu.memory_space<hbm>>) target(%arg9 : memref<128x128xf32, #tpu.memory_space<vmem>>) offsets(%dma_start3A_150 : memref<128xi32, #tpu.memory_space<vmem>>) semaphore(%arg12 : memref<!tpu.dma_semaphore, #tpu.memory_space<semaphore_mem>>)
      } else {
      }
      %add3A = arith.constant 1 : i32
      %add3A_131 = arith.addi %mul3A_121, %add3A : i32
      %dma_wait3A_132 = arith.constant 0 : i32
      %dma_wait3A_133 = tpu.memref_slice %arg7[%add3A_131, %dma_wait3A_132] : memref<32x128xi32, #tpu.memory_space<vmem>> -> memref<1x128xi32, #tpu.memory_space<vmem>>
      %dma_wait3A_134 = tpu.memref_squeeze %dma_wait3A_133 : memref<1x128xi32, #tpu.memory_space<vmem>> -> memref<128xi32, #tpu.memory_space<vmem>>
      %dma_wait3A_135 = arith.constant 0 : i32
      %dma_wait3A_136 = arith.constant 0 : i32
      %dma_wait3A_137 = tpu.memref_slice %arg2[%dma_wait3A_135, %dma_wait3A_136] : memref<10240x128xf32, #tpu.memory_space<hbm>> -> memref<10240x128xf32, #tpu.memory_space<hbm>>
      tpu.wait_indirect_dma semaphore(%arg13 : memref<!tpu.dma_semaphore, #tpu.memory_space<semaphore_mem>>) src(%dma_wait3A_137 : memref<10240x128xf32, #tpu.memory_space<hbm>>) dst(%arg10 : memref<128x128xf32, #tpu.memory_space<vmem>>)
      %add3A_138 = arith.constant 1 : i32
      %add3A_139 = arith.addi %mul3A_121, %add3A_138 : i32
      "tpu.region"() ({
        %run_scoped3A_147 = tpu.sem_alloc : memref<!tpu.dma_semaphore, #tpu.memory_space<semaphore_mem>>
        %dma_start3A = arith.constant 0 : i32
        %dma_start3A_148 = tpu.memref_slice %arg8[%add3A_139, %dma_start3A] : memref<32x128xi32, #tpu.memory_space<vmem>> -> memref<1x128xi32, #tpu.memory_space<vmem>>
        %dma_start3A_149 = tpu.memref_squeeze %dma_start3A_148 : memref<1x128xi32, #tpu.memory_space<vmem>> -> memref<128xi32, #tpu.memory_space<vmem>>
        %dma_start3A_150 = arith.constant 0 : i32
        %dma_start3A_151 = arith.constant 0 : i32
        %dma_start3A_152 = tpu.memref_slice %arg11[%dma_start3A_150, %dma_start3A_151] : memref<10240x128xf32, #tpu.memory_space<vmem_shared>> -> memref<10240x128xf32, #tpu.memory_space<vmem_shared>>
        tpu.enqueue_indirect_dma source(%arg10 : memref<128x128xf32, #tpu.memory_space<vmem>>) target(%dma_start3A_152 : memref<10240x128xf32, #tpu.memory_space<vmem_shared>>) offsets(%dma_start3A_149 : memref<128xi32, #tpu.memory_space<vmem>>) semaphore(%run_scoped3A_147 : memref<!tpu.dma_semaphore, #tpu.memory_space<semaphore_mem>>) {add = true}
        %dma_wait3A_153 = arith.constant 0 : i32
        %dma_wait3A_154 = tpu.memref_slice %arg8[%add3A_139, %dma_wait3A_153] : memref<32x128xi32, #tpu.memory_space<vmem>> -> memref<1x128xi32, #tpu.memory_space<vmem>>
        %dma_wait3A_155 = tpu.memref_squeeze %dma_wait3A_154 : memref<1x128xi32, #tpu.memory_space<vmem>> -> memref<128xi32, #tpu.memory_space<vmem>>
        %dma_wait3A_156 = arith.constant 0 : i32
        %dma_wait3A_157 = arith.constant 0 : i32
        %dma_wait3A_158 = tpu.memref_slice %arg11[%dma_wait3A_156, %dma_wait3A_157] : memref<10240x128xf32, #tpu.memory_space<vmem_shared>> -> memref<10240x128xf32, #tpu.memory_space<vmem_shared>>
        tpu.wait_indirect_dma semaphore(%run_scoped3A_147 : memref<!tpu.dma_semaphore, #tpu.memory_space<semaphore_mem>>) src(%arg10 : memref<128x128xf32, #tpu.memory_space<vmem>>) dst(%dma_wait3A_158 : memref<10240x128xf32, #tpu.memory_space<vmem_shared>>)
        tpu.yield
      }) : () -> ()
      %sub3A_140 = arith.constant 1 : i32
      %sub3A_141 = arith.subi %select_n3A, %sub3A_140 : i32
      %lt3A_142 = arith.cmpi slt, %while3A_118, %sub3A_141 : i32
      %convert_element_type3A_143 = arith.extui %lt3A_142 : i1 to i32
      %cond3A_144 = arith.constant 0 : i32
      %cond3A_145 = arith.cmpi ne, %convert_element_type3A_143, %cond3A_144 : i32
      scf.if %cond3A_145 {
        %add3A_147 = arith.constant 3 : i32
        %add3A_148 = arith.addi %mul3A_121, %add3A_147 : i32
        %dma_start3A = arith.constant 0 : i32
        %dma_start3A_149 = tpu.memref_slice %arg7[%add3A_148, %dma_start3A] : memref<32x128xi32, #tpu.memory_space<vmem>> -> memref<1x128xi32, #tpu.memory_space<vmem>>
        %dma_start3A_150 = tpu.memref_squeeze %dma_start3A_149 : memref<1x128xi32, #tpu.memory_space<vmem>> -> memref<128xi32, #tpu.memory_space<vmem>>
        %dma_start3A_151 = arith.constant 0 : i32
        %dma_start3A_152 = arith.constant 0 : i32
        %dma_start3A_153 = tpu.memref_slice %arg2[%dma_start3A_151, %dma_start3A_152] : memref<10240x128xf32, #tpu.memory_space<hbm>> -> memref<10240x128xf32, #tpu.memory_space<hbm>>
        tpu.enqueue_indirect_dma source(%dma_start3A_153 : memref<10240x128xf32, #tpu.memory_space<hbm>>) target(%arg10 : memref<128x128xf32, #tpu.memory_space<vmem>>) offsets(%dma_start3A_150 : memref<128xi32, #tpu.memory_space<vmem>>) semaphore(%arg13 : memref<!tpu.dma_semaphore, #tpu.memory_space<semaphore_mem>>)
      } else {
      }
      %while3A_146 = arith.constant 0 : i32
      scf.yield %while3A_146 : i32
    }
    %eq3A_17 = arith.constant 0 : i32
    %eq3A_18 = arith.cmpi eq, %arg0, %eq3A_17 : i32
    %jit3A_19 = arith.constant 16 : i32
    %jit3A_20 = arith.constant 0 : i32
    %select_n3A_21 = arith.select %eq3A_18, %jit3A_19, %jit3A_20 : i32
    %run_scoped3A_22 = arith.constant 1 : i32
    "tpu.region"() ({
      %run_scoped3A_118 = tpu.sem_alloc : memref<!tpu.dma_semaphore, #tpu.memory_space<semaphore_mem>>
      %dma_start3A = arith.constant 0 : i32
      %dma_start3A_119 = arith.constant 0 : i32
      %dma_start3A_120 = tpu.memref_slice %arg3[%arg1, %run_scoped3A_22, %dma_start3A, %dma_start3A_119] : memref<16x5x32x128xi32, #tpu.memory_space<hbm>> -> memref<1x1x32x128xi32, #tpu.memory_space<hbm>>
      %dma_start3A_121 = tpu.memref_squeeze %dma_start3A_120 : memref<1x1x32x128xi32, #tpu.memory_space<hbm>> -> memref<32x128xi32, #tpu.memory_space<hbm>>
      %dma_start3A_122 = arith.constant 0 : i32
      %dma_start3A_123 = arith.constant 0 : i32
      %dma_start3A_124 = tpu.memref_slice %arg3[%arg1, %run_scoped3A_22, %dma_start3A_122, %dma_start3A_123] : memref<16x5x32x128xi32, #tpu.memory_space<hbm>> -> memref<1x1x32x128xi32, #tpu.memory_space<hbm>>
      %dma_start3A_125 = tpu.memref_squeeze %dma_start3A_124 : memref<1x1x32x128xi32, #tpu.memory_space<hbm>> -> memref<32x128xi32, #tpu.memory_space<hbm>>
      tpu.enqueue_dma source(%dma_start3A_125 : memref<32x128xi32, #tpu.memory_space<hbm>>) target(%arg7 : memref<32x128xi32, #tpu.memory_space<vmem>>) target_semaphore(%run_scoped3A_118 : memref<!tpu.dma_semaphore, #tpu.memory_space<semaphore_mem>>)
      %dma_wait3A = arith.constant 0 : i32
      %dma_wait3A_126 = arith.constant 0 : i32
      %dma_wait3A_127 = tpu.memref_slice %arg3[%arg1, %run_scoped3A_22, %dma_wait3A, %dma_wait3A_126] : memref<16x5x32x128xi32, #tpu.memory_space<hbm>> -> memref<1x1x32x128xi32, #tpu.memory_space<hbm>>
      %dma_wait3A_128 = tpu.memref_squeeze %dma_wait3A_127 : memref<1x1x32x128xi32, #tpu.memory_space<hbm>> -> memref<32x128xi32, #tpu.memory_space<hbm>>
      %dma_wait3A_129 = arith.constant 0 : i32
      %dma_wait3A_130 = arith.constant 0 : i32
      %dma_wait3A_131 = tpu.memref_slice %arg3[%arg1, %run_scoped3A_22, %dma_wait3A_129, %dma_wait3A_130] : memref<16x5x32x128xi32, #tpu.memory_space<hbm>> -> memref<1x1x32x128xi32, #tpu.memory_space<hbm>>
      %dma_wait3A_132 = tpu.memref_squeeze %dma_wait3A_131 : memref<1x1x32x128xi32, #tpu.memory_space<hbm>> -> memref<32x128xi32, #tpu.memory_space<hbm>>
      tpu.wait_dma2 semaphore(%run_scoped3A_118 : memref<!tpu.dma_semaphore, #tpu.memory_space<semaphore_mem>>) src(%dma_wait3A_132 : memref<32x128xi32, #tpu.memory_space<hbm>>) dst(%arg7 : memref<32x128xi32, #tpu.memory_space<vmem>>)
      tpu.yield
    }) : () -> ()
    %run_scoped3A_23 = arith.constant 1 : i32
    "tpu.region"() ({
      %run_scoped3A_118 = tpu.sem_alloc : memref<!tpu.dma_semaphore, #tpu.memory_space<semaphore_mem>>
      %dma_start3A = arith.constant 0 : i32
      %dma_start3A_119 = arith.constant 0 : i32
      %dma_start3A_120 = tpu.memref_slice %arg4[%arg1, %run_scoped3A_23, %dma_start3A, %dma_start3A_119] : memref<16x5x32x128xi32, #tpu.memory_space<hbm>> -> memref<1x1x32x128xi32, #tpu.memory_space<hbm>>
      %dma_start3A_121 = tpu.memref_squeeze %dma_start3A_120 : memref<1x1x32x128xi32, #tpu.memory_space<hbm>> -> memref<32x128xi32, #tpu.memory_space<hbm>>
      %dma_start3A_122 = arith.constant 0 : i32
      %dma_start3A_123 = arith.constant 0 : i32
      %dma_start3A_124 = tpu.memref_slice %arg4[%arg1, %run_scoped3A_23, %dma_start3A_122, %dma_start3A_123] : memref<16x5x32x128xi32, #tpu.memory_space<hbm>> -> memref<1x1x32x128xi32, #tpu.memory_space<hbm>>
      %dma_start3A_125 = tpu.memref_squeeze %dma_start3A_124 : memref<1x1x32x128xi32, #tpu.memory_space<hbm>> -> memref<32x128xi32, #tpu.memory_space<hbm>>
      tpu.enqueue_dma source(%dma_start3A_125 : memref<32x128xi32, #tpu.memory_space<hbm>>) target(%arg8 : memref<32x128xi32, #tpu.memory_space<vmem>>) target_semaphore(%run_scoped3A_118 : memref<!tpu.dma_semaphore, #tpu.memory_space<semaphore_mem>>)
      %dma_wait3A = arith.constant 0 : i32
      %dma_wait3A_126 = arith.constant 0 : i32
      %dma_wait3A_127 = tpu.memref_slice %arg4[%arg1, %run_scoped3A_23, %dma_wait3A, %dma_wait3A_126] : memref<16x5x32x128xi32, #tpu.memory_space<hbm>> -> memref<1x1x32x128xi32, #tpu.memory_space<hbm>>
      %dma_wait3A_128 = tpu.memref_squeeze %dma_wait3A_127 : memref<1x1x32x128xi32, #tpu.memory_space<hbm>> -> memref<32x128xi32, #tpu.memory_space<hbm>>
      %dma_wait3A_129 = arith.constant 0 : i32
      %dma_wait3A_130 = arith.constant 0 : i32
      %dma_wait3A_131 = tpu.memref_slice %arg4[%arg1, %run_scoped3A_23, %dma_wait3A_129, %dma_wait3A_130] : memref<16x5x32x128xi32, #tpu.memory_space<hbm>> -> memref<1x1x32x128xi32, #tpu.memory_space<hbm>>
      %dma_wait3A_132 = tpu.memref_squeeze %dma_wait3A_131 : memref<1x1x32x128xi32, #tpu.memory_space<hbm>> -> memref<32x128xi32, #tpu.memory_space<hbm>>
      tpu.wait_dma2 semaphore(%run_scoped3A_118 : memref<!tpu.dma_semaphore, #tpu.memory_space<semaphore_mem>>) src(%dma_wait3A_132 : memref<32x128xi32, #tpu.memory_space<hbm>>) dst(%arg8 : memref<32x128xi32, #tpu.memory_space<vmem>>)
      tpu.yield
    }) : () -> ()
    %gt3A_24 = arith.constant 0 : i32
    %gt3A_25 = arith.cmpi sgt, %select_n3A_21, %gt3A_24 : i32
    %convert_element_type3A_26 = arith.extui %gt3A_25 : i1 to i32
    %cond3A_27 = arith.constant 0 : i32
    %cond3A_28 = arith.cmpi ne, %convert_element_type3A_26, %cond3A_27 : i32
    scf.if %cond3A_28 {
      %dma_start3A = arith.constant 0 : i32
      %dma_start3A_118 = arith.constant 0 : i32
      %dma_start3A_119 = tpu.memref_slice %arg7[%dma_start3A, %dma_start3A_118] : memref<32x128xi32, #tpu.memory_space<vmem>> -> memref<1x128xi32, #tpu.memory_space<vmem>>
      %dma_start3A_120 = tpu.memref_squeeze %dma_start3A_119 : memref<1x128xi32, #tpu.memory_space<vmem>> -> memref<128xi32, #tpu.memory_space<vmem>>
      %dma_start3A_121 = arith.constant 0 : i32
      %dma_start3A_122 = arith.constant 0 : i32
      %dma_start3A_123 = tpu.memref_slice %arg2[%dma_start3A_121, %dma_start3A_122] : memref<10240x128xf32, #tpu.memory_space<hbm>> -> memref<10240x128xf32, #tpu.memory_space<hbm>>
      tpu.enqueue_indirect_dma source(%dma_start3A_123 : memref<10240x128xf32, #tpu.memory_space<hbm>>) target(%arg9 : memref<128x128xf32, #tpu.memory_space<vmem>>) offsets(%dma_start3A_120 : memref<128xi32, #tpu.memory_space<vmem>>) semaphore(%arg12 : memref<!tpu.dma_semaphore, #tpu.memory_space<semaphore_mem>>)
      %dma_start3A_124 = arith.constant 1 : i32
      %dma_start3A_125 = arith.constant 0 : i32
      %dma_start3A_126 = tpu.memref_slice %arg7[%dma_start3A_124, %dma_start3A_125] : memref<32x128xi32, #tpu.memory_space<vmem>> -> memref<1x128xi32, #tpu.memory_space<vmem>>
      %dma_start3A_127 = tpu.memref_squeeze %dma_start3A_126 : memref<1x128xi32, #tpu.memory_space<vmem>> -> memref<128xi32, #tpu.memory_space<vmem>>
      %dma_start3A_128 = arith.constant 0 : i32
      %dma_start3A_129 = arith.constant 0 : i32
      %dma_start3A_130 = tpu.memref_slice %arg2[%dma_start3A_128, %dma_start3A_129] : memref<10240x128xf32, #tpu.memory_space<hbm>> -> memref<10240x128xf32, #tpu.memory_space<hbm>>
      tpu.enqueue_indirect_dma source(%dma_start3A_130 : memref<10240x128xf32, #tpu.memory_space<hbm>>) target(%arg10 : memref<128x128xf32, #tpu.memory_space<vmem>>) offsets(%dma_start3A_127 : memref<128xi32, #tpu.memory_space<vmem>>) semaphore(%arg13 : memref<!tpu.dma_semaphore, #tpu.memory_space<semaphore_mem>>)
    } else {
    }
    %while3A_29 = arith.constant 0 : i32
    %while3A_30 = arith.constant 0 : i32
    %while3A_31 = arith.subi %select_n3A_21, %while3A_29 : i32
    %while3A_32 = arith.addi %while3A_29, %while3A_31 : i32
    %while3A_33 = arith.constant 1 : i32
    %while3A_34 = arith.divsi %while3A_31, %while3A_33 : i32
    %while3A_35 = arith.muli %while3A_34, %while3A_33 : i32
    %while3A_36 = arith.addi %while3A_29, %while3A_35 : i32
    %while3A_37 = arith.constant 1 : i32
    %while3A_38 = scf.for %while3A_118 = %while3A_29 to %while3A_36 step %while3A_37 iter_args(%while3A_119 = %while3A_30) -> (i32)  : i32 {
      %mul3A_120 = arith.constant 2 : i32
      %mul3A_121 = arith.muli %mul3A_120, %while3A_118 : i32
      %dma_wait3A = arith.constant 0 : i32
      %dma_wait3A_122 = tpu.memref_slice %arg7[%mul3A_121, %dma_wait3A] : memref<32x128xi32, #tpu.memory_space<vmem>> -> memref<1x128xi32, #tpu.memory_space<vmem>>
      %dma_wait3A_123 = tpu.memref_squeeze %dma_wait3A_122 : memref<1x128xi32, #tpu.memory_space<vmem>> -> memref<128xi32, #tpu.memory_space<vmem>>
      %dma_wait3A_124 = arith.constant 0 : i32
      %dma_wait3A_125 = arith.constant 0 : i32
      %dma_wait3A_126 = tpu.memref_slice %arg2[%dma_wait3A_124, %dma_wait3A_125] : memref<10240x128xf32, #tpu.memory_space<hbm>> -> memref<10240x128xf32, #tpu.memory_space<hbm>>
      tpu.wait_indirect_dma semaphore(%arg12 : memref<!tpu.dma_semaphore, #tpu.memory_space<semaphore_mem>>) src(%dma_wait3A_126 : memref<10240x128xf32, #tpu.memory_space<hbm>>) dst(%arg9 : memref<128x128xf32, #tpu.memory_space<vmem>>)
      "tpu.region"() ({
        %run_scoped3A_147 = tpu.sem_alloc : memref<!tpu.dma_semaphore, #tpu.memory_space<semaphore_mem>>
        %dma_start3A = arith.constant 0 : i32
        %dma_start3A_148 = tpu.memref_slice %arg8[%mul3A_121, %dma_start3A] : memref<32x128xi32, #tpu.memory_space<vmem>> -> memref<1x128xi32, #tpu.memory_space<vmem>>
        %dma_start3A_149 = tpu.memref_squeeze %dma_start3A_148 : memref<1x128xi32, #tpu.memory_space<vmem>> -> memref<128xi32, #tpu.memory_space<vmem>>
        %dma_start3A_150 = arith.constant 0 : i32
        %dma_start3A_151 = arith.constant 0 : i32
        %dma_start3A_152 = tpu.memref_slice %arg11[%dma_start3A_150, %dma_start3A_151] : memref<10240x128xf32, #tpu.memory_space<vmem_shared>> -> memref<10240x128xf32, #tpu.memory_space<vmem_shared>>
        tpu.enqueue_indirect_dma source(%arg9 : memref<128x128xf32, #tpu.memory_space<vmem>>) target(%dma_start3A_152 : memref<10240x128xf32, #tpu.memory_space<vmem_shared>>) offsets(%dma_start3A_149 : memref<128xi32, #tpu.memory_space<vmem>>) semaphore(%run_scoped3A_147 : memref<!tpu.dma_semaphore, #tpu.memory_space<semaphore_mem>>) {add = true}
        %dma_wait3A_153 = arith.constant 0 : i32
        %dma_wait3A_154 = tpu.memref_slice %arg8[%mul3A_121, %dma_wait3A_153] : memref<32x128xi32, #tpu.memory_space<vmem>> -> memref<1x128xi32, #tpu.memory_space<vmem>>
        %dma_wait3A_155 = tpu.memref_squeeze %dma_wait3A_154 : memref<1x128xi32, #tpu.memory_space<vmem>> -> memref<128xi32, #tpu.memory_space<vmem>>
        %dma_wait3A_156 = arith.constant 0 : i32
        %dma_wait3A_157 = arith.constant 0 : i32
        %dma_wait3A_158 = tpu.memref_slice %arg11[%dma_wait3A_156, %dma_wait3A_157] : memref<10240x128xf32, #tpu.memory_space<vmem_shared>> -> memref<10240x128xf32, #tpu.memory_space<vmem_shared>>
        tpu.wait_indirect_dma semaphore(%run_scoped3A_147 : memref<!tpu.dma_semaphore, #tpu.memory_space<semaphore_mem>>) src(%arg9 : memref<128x128xf32, #tpu.memory_space<vmem>>) dst(%dma_wait3A_158 : memref<10240x128xf32, #tpu.memory_space<vmem_shared>>)
        tpu.yield
      }) : () -> ()
      %sub3A = arith.constant 1 : i32
      %sub3A_127 = arith.subi %select_n3A_21, %sub3A : i32
      %lt3A = arith.cmpi slt, %while3A_118, %sub3A_127 : i32
      %convert_element_type3A_128 = arith.extui %lt3A : i1 to i32
      %cond3A_129 = arith.constant 0 : i32
      %cond3A_130 = arith.cmpi ne, %convert_element_type3A_128, %cond3A_129 : i32
      scf.if %cond3A_130 {
        %add3A_147 = arith.constant 2 : i32
        %add3A_148 = arith.addi %mul3A_121, %add3A_147 : i32
        %dma_start3A = arith.constant 0 : i32
        %dma_start3A_149 = tpu.memref_slice %arg7[%add3A_148, %dma_start3A] : memref<32x128xi32, #tpu.memory_space<vmem>> -> memref<1x128xi32, #tpu.memory_space<vmem>>
        %dma_start3A_150 = tpu.memref_squeeze %dma_start3A_149 : memref<1x128xi32, #tpu.memory_space<vmem>> -> memref<128xi32, #tpu.memory_space<vmem>>
        %dma_start3A_151 = arith.constant 0 : i32
        %dma_start3A_152 = arith.constant 0 : i32
        %dma_start3A_153 = tpu.memref_slice %arg2[%dma_start3A_151, %dma_start3A_152] : memref<10240x128xf32, #tpu.memory_space<hbm>> -> memref<10240x128xf32, #tpu.memory_space<hbm>>
        tpu.enqueue_indirect_dma source(%dma_start3A_153 : memref<10240x128xf32, #tpu.memory_space<hbm>>) target(%arg9 : memref<128x128xf32, #tpu.memory_space<vmem>>) offsets(%dma_start3A_150 : memref<128xi32, #tpu.memory_space<vmem>>) semaphore(%arg12 : memref<!tpu.dma_semaphore, #tpu.memory_space<semaphore_mem>>)
      } else {
      }
      %add3A = arith.constant 1 : i32
      %add3A_131 = arith.addi %mul3A_121, %add3A : i32
      %dma_wait3A_132 = arith.constant 0 : i32
      %dma_wait3A_133 = tpu.memref_slice %arg7[%add3A_131, %dma_wait3A_132] : memref<32x128xi32, #tpu.memory_space<vmem>> -> memref<1x128xi32, #tpu.memory_space<vmem>>
      %dma_wait3A_134 = tpu.memref_squeeze %dma_wait3A_133 : memref<1x128xi32, #tpu.memory_space<vmem>> -> memref<128xi32, #tpu.memory_space<vmem>>
      %dma_wait3A_135 = arith.constant 0 : i32
      %dma_wait3A_136 = arith.constant 0 : i32
      %dma_wait3A_137 = tpu.memref_slice %arg2[%dma_wait3A_135, %dma_wait3A_136] : memref<10240x128xf32, #tpu.memory_space<hbm>> -> memref<10240x128xf32, #tpu.memory_space<hbm>>
      tpu.wait_indirect_dma semaphore(%arg13 : memref<!tpu.dma_semaphore, #tpu.memory_space<semaphore_mem>>) src(%dma_wait3A_137 : memref<10240x128xf32, #tpu.memory_space<hbm>>) dst(%arg10 : memref<128x128xf32, #tpu.memory_space<vmem>>)
      %add3A_138 = arith.constant 1 : i32
      %add3A_139 = arith.addi %mul3A_121, %add3A_138 : i32
      "tpu.region"() ({
        %run_scoped3A_147 = tpu.sem_alloc : memref<!tpu.dma_semaphore, #tpu.memory_space<semaphore_mem>>
        %dma_start3A = arith.constant 0 : i32
        %dma_start3A_148 = tpu.memref_slice %arg8[%add3A_139, %dma_start3A] : memref<32x128xi32, #tpu.memory_space<vmem>> -> memref<1x128xi32, #tpu.memory_space<vmem>>
        %dma_start3A_149 = tpu.memref_squeeze %dma_start3A_148 : memref<1x128xi32, #tpu.memory_space<vmem>> -> memref<128xi32, #tpu.memory_space<vmem>>
        %dma_start3A_150 = arith.constant 0 : i32
        %dma_start3A_151 = arith.constant 0 : i32
        %dma_start3A_152 = tpu.memref_slice %arg11[%dma_start3A_150, %dma_start3A_151] : memref<10240x128xf32, #tpu.memory_space<vmem_shared>> -> memref<10240x128xf32, #tpu.memory_space<vmem_shared>>
        tpu.enqueue_indirect_dma source(%arg10 : memref<128x128xf32, #tpu.memory_space<vmem>>) target(%dma_start3A_152 : memref<10240x128xf32, #tpu.memory_space<vmem_shared>>) offsets(%dma_start3A_149 : memref<128xi32, #tpu.memory_space<vmem>>) semaphore(%run_scoped3A_147 : memref<!tpu.dma_semaphore, #tpu.memory_space<semaphore_mem>>) {add = true}
        %dma_wait3A_153 = arith.constant 0 : i32
        %dma_wait3A_154 = tpu.memref_slice %arg8[%add3A_139, %dma_wait3A_153] : memref<32x128xi32, #tpu.memory_space<vmem>> -> memref<1x128xi32, #tpu.memory_space<vmem>>
        %dma_wait3A_155 = tpu.memref_squeeze %dma_wait3A_154 : memref<1x128xi32, #tpu.memory_space<vmem>> -> memref<128xi32, #tpu.memory_space<vmem>>
        %dma_wait3A_156 = arith.constant 0 : i32
        %dma_wait3A_157 = arith.constant 0 : i32
        %dma_wait3A_158 = tpu.memref_slice %arg11[%dma_wait3A_156, %dma_wait3A_157] : memref<10240x128xf32, #tpu.memory_space<vmem_shared>> -> memref<10240x128xf32, #tpu.memory_space<vmem_shared>>
        tpu.wait_indirect_dma semaphore(%run_scoped3A_147 : memref<!tpu.dma_semaphore, #tpu.memory_space<semaphore_mem>>) src(%arg10 : memref<128x128xf32, #tpu.memory_space<vmem>>) dst(%dma_wait3A_158 : memref<10240x128xf32, #tpu.memory_space<vmem_shared>>)
        tpu.yield
      }) : () -> ()
      %sub3A_140 = arith.constant 1 : i32
      %sub3A_141 = arith.subi %select_n3A_21, %sub3A_140 : i32
      %lt3A_142 = arith.cmpi slt, %while3A_118, %sub3A_141 : i32
      %convert_element_type3A_143 = arith.extui %lt3A_142 : i1 to i32
      %cond3A_144 = arith.constant 0 : i32
      %cond3A_145 = arith.cmpi ne, %convert_element_type3A_143, %cond3A_144 : i32
      scf.if %cond3A_145 {
        %add3A_147 = arith.constant 3 : i32
        %add3A_148 = arith.addi %mul3A_121, %add3A_147 : i32
        %dma_start3A = arith.constant 0 : i32
        %dma_start3A_149 = tpu.memref_slice %arg7[%add3A_148, %dma_start3A] : memref<32x128xi32, #tpu.memory_space<vmem>> -> memref<1x128xi32, #tpu.memory_space<vmem>>
        %dma_start3A_150 = tpu.memref_squeeze %dma_start3A_149 : memref<1x128xi32, #tpu.memory_space<vmem>> -> memref<128xi32, #tpu.memory_space<vmem>>
        %dma_start3A_151 = arith.constant 0 : i32
        %dma_start3A_152 = arith.constant 0 : i32
        %dma_start3A_153 = tpu.memref_slice %arg2[%dma_start3A_151, %dma_start3A_152] : memref<10240x128xf32, #tpu.memory_space<hbm>> -> memref<10240x128xf32, #tpu.memory_space<hbm>>
        tpu.enqueue_indirect_dma source(%dma_start3A_153 : memref<10240x128xf32, #tpu.memory_space<hbm>>) target(%arg10 : memref<128x128xf32, #tpu.memory_space<vmem>>) offsets(%dma_start3A_150 : memref<128xi32, #tpu.memory_space<vmem>>) semaphore(%arg13 : memref<!tpu.dma_semaphore, #tpu.memory_space<semaphore_mem>>)
      } else {
      }
      %while3A_146 = arith.constant 0 : i32
      scf.yield %while3A_146 : i32
    }
    %while3A_39 = arith.constant 1 : i32
    %while3A_40 = scf.for %while3A_118 = %while3A_36 to %while3A_32 step %while3A_39 iter_args(%while3A_119 = %while3A_38) -> (i32)  : i32 {
      %mul3A_120 = arith.constant 2 : i32
      %mul3A_121 = arith.muli %mul3A_120, %while3A_118 : i32
      %dma_wait3A = arith.constant 0 : i32
      %dma_wait3A_122 = tpu.memref_slice %arg7[%mul3A_121, %dma_wait3A] : memref<32x128xi32, #tpu.memory_space<vmem>> -> memref<1x128xi32, #tpu.memory_space<vmem>>
      %dma_wait3A_123 = tpu.memref_squeeze %dma_wait3A_122 : memref<1x128xi32, #tpu.memory_space<vmem>> -> memref<128xi32, #tpu.memory_space<vmem>>
      %dma_wait3A_124 = arith.constant 0 : i32
      %dma_wait3A_125 = arith.constant 0 : i32
      %dma_wait3A_126 = tpu.memref_slice %arg2[%dma_wait3A_124, %dma_wait3A_125] : memref<10240x128xf32, #tpu.memory_space<hbm>> -> memref<10240x128xf32, #tpu.memory_space<hbm>>
      tpu.wait_indirect_dma semaphore(%arg12 : memref<!tpu.dma_semaphore, #tpu.memory_space<semaphore_mem>>) src(%dma_wait3A_126 : memref<10240x128xf32, #tpu.memory_space<hbm>>) dst(%arg9 : memref<128x128xf32, #tpu.memory_space<vmem>>)
      "tpu.region"() ({
        %run_scoped3A_147 = tpu.sem_alloc : memref<!tpu.dma_semaphore, #tpu.memory_space<semaphore_mem>>
        %dma_start3A = arith.constant 0 : i32
        %dma_start3A_148 = tpu.memref_slice %arg8[%mul3A_121, %dma_start3A] : memref<32x128xi32, #tpu.memory_space<vmem>> -> memref<1x128xi32, #tpu.memory_space<vmem>>
        %dma_start3A_149 = tpu.memref_squeeze %dma_start3A_148 : memref<1x128xi32, #tpu.memory_space<vmem>> -> memref<128xi32, #tpu.memory_space<vmem>>
        %dma_start3A_150 = arith.constant 0 : i32
        %dma_start3A_151 = arith.constant 0 : i32
        %dma_start3A_152 = tpu.memref_slice %arg11[%dma_start3A_150, %dma_start3A_151] : memref<10240x128xf32, #tpu.memory_space<vmem_shared>> -> memref<10240x128xf32, #tpu.memory_space<vmem_shared>>
        tpu.enqueue_indirect_dma source(%arg9 : memref<128x128xf32, #tpu.memory_space<vmem>>) target(%dma_start3A_152 : memref<10240x128xf32, #tpu.memory_space<vmem_shared>>) offsets(%dma_start3A_149 : memref<128xi32, #tpu.memory_space<vmem>>) semaphore(%run_scoped3A_147 : memref<!tpu.dma_semaphore, #tpu.memory_space<semaphore_mem>>) {add = true}
        %dma_wait3A_153 = arith.constant 0 : i32
        %dma_wait3A_154 = tpu.memref_slice %arg8[%mul3A_121, %dma_wait3A_153] : memref<32x128xi32, #tpu.memory_space<vmem>> -> memref<1x128xi32, #tpu.memory_space<vmem>>
        %dma_wait3A_155 = tpu.memref_squeeze %dma_wait3A_154 : memref<1x128xi32, #tpu.memory_space<vmem>> -> memref<128xi32, #tpu.memory_space<vmem>>
        %dma_wait3A_156 = arith.constant 0 : i32
        %dma_wait3A_157 = arith.constant 0 : i32
        %dma_wait3A_158 = tpu.memref_slice %arg11[%dma_wait3A_156, %dma_wait3A_157] : memref<10240x128xf32, #tpu.memory_space<vmem_shared>> -> memref<10240x128xf32, #tpu.memory_space<vmem_shared>>
        tpu.wait_indirect_dma semaphore(%run_scoped3A_147 : memref<!tpu.dma_semaphore, #tpu.memory_space<semaphore_mem>>) src(%arg9 : memref<128x128xf32, #tpu.memory_space<vmem>>) dst(%dma_wait3A_158 : memref<10240x128xf32, #tpu.memory_space<vmem_shared>>)
        tpu.yield
      }) : () -> ()
      %sub3A = arith.constant 1 : i32
      %sub3A_127 = arith.subi %select_n3A_21, %sub3A : i32
      %lt3A = arith.cmpi slt, %while3A_118, %sub3A_127 : i32
      %convert_element_type3A_128 = arith.extui %lt3A : i1 to i32
      %cond3A_129 = arith.constant 0 : i32
      %cond3A_130 = arith.cmpi ne, %convert_element_type3A_128, %cond3A_129 : i32
      scf.if %cond3A_130 {
        %add3A_147 = arith.constant 2 : i32
        %add3A_148 = arith.addi %mul3A_121, %add3A_147 : i32
        %dma_start3A = arith.constant 0 : i32
        %dma_start3A_149 = tpu.memref_slice %arg7[%add3A_148, %dma_start3A] : memref<32x128xi32, #tpu.memory_space<vmem>> -> memref<1x128xi32, #tpu.memory_space<vmem>>
        %dma_start3A_150 = tpu.memref_squeeze %dma_start3A_149 : memref<1x128xi32, #tpu.memory_space<vmem>> -> memref<128xi32, #tpu.memory_space<vmem>>
        %dma_start3A_151 = arith.constant 0 : i32
        %dma_start3A_152 = arith.constant 0 : i32
        %dma_start3A_153 = tpu.memref_slice %arg2[%dma_start3A_151, %dma_start3A_152] : memref<10240x128xf32, #tpu.memory_space<hbm>> -> memref<10240x128xf32, #tpu.memory_space<hbm>>
        tpu.enqueue_indirect_dma source(%dma_start3A_153 : memref<10240x128xf32, #tpu.memory_space<hbm>>) target(%arg9 : memref<128x128xf32, #tpu.memory_space<vmem>>) offsets(%dma_start3A_150 : memref<128xi32, #tpu.memory_space<vmem>>) semaphore(%arg12 : memref<!tpu.dma_semaphore, #tpu.memory_space<semaphore_mem>>)
      } else {
      }
      %add3A = arith.constant 1 : i32
      %add3A_131 = arith.addi %mul3A_121, %add3A : i32
      %dma_wait3A_132 = arith.constant 0 : i32
      %dma_wait3A_133 = tpu.memref_slice %arg7[%add3A_131, %dma_wait3A_132] : memref<32x128xi32, #tpu.memory_space<vmem>> -> memref<1x128xi32, #tpu.memory_space<vmem>>
      %dma_wait3A_134 = tpu.memref_squeeze %dma_wait3A_133 : memref<1x128xi32, #tpu.memory_space<vmem>> -> memref<128xi32, #tpu.memory_space<vmem>>
      %dma_wait3A_135 = arith.constant 0 : i32
      %dma_wait3A_136 = arith.constant 0 : i32
      %dma_wait3A_137 = tpu.memref_slice %arg2[%dma_wait3A_135, %dma_wait3A_136] : memref<10240x128xf32, #tpu.memory_space<hbm>> -> memref<10240x128xf32, #tpu.memory_space<hbm>>
      tpu.wait_indirect_dma semaphore(%arg13 : memref<!tpu.dma_semaphore, #tpu.memory_space<semaphore_mem>>) src(%dma_wait3A_137 : memref<10240x128xf32, #tpu.memory_space<hbm>>) dst(%arg10 : memref<128x128xf32, #tpu.memory_space<vmem>>)
      %add3A_138 = arith.constant 1 : i32
      %add3A_139 = arith.addi %mul3A_121, %add3A_138 : i32
      "tpu.region"() ({
        %run_scoped3A_147 = tpu.sem_alloc : memref<!tpu.dma_semaphore, #tpu.memory_space<semaphore_mem>>
        %dma_start3A = arith.constant 0 : i32
        %dma_start3A_148 = tpu.memref_slice %arg8[%add3A_139, %dma_start3A] : memref<32x128xi32, #tpu.memory_space<vmem>> -> memref<1x128xi32, #tpu.memory_space<vmem>>
        %dma_start3A_149 = tpu.memref_squeeze %dma_start3A_148 : memref<1x128xi32, #tpu.memory_space<vmem>> -> memref<128xi32, #tpu.memory_space<vmem>>
        %dma_start3A_150 = arith.constant 0 : i32
        %dma_start3A_151 = arith.constant 0 : i32
        %dma_start3A_152 = tpu.memref_slice %arg11[%dma_start3A_150, %dma_start3A_151] : memref<10240x128xf32, #tpu.memory_space<vmem_shared>> -> memref<10240x128xf32, #tpu.memory_space<vmem_shared>>
        tpu.enqueue_indirect_dma source(%arg10 : memref<128x128xf32, #tpu.memory_space<vmem>>) target(%dma_start3A_152 : memref<10240x128xf32, #tpu.memory_space<vmem_shared>>) offsets(%dma_start3A_149 : memref<128xi32, #tpu.memory_space<vmem>>) semaphore(%run_scoped3A_147 : memref<!tpu.dma_semaphore, #tpu.memory_space<semaphore_mem>>) {add = true}
        %dma_wait3A_153 = arith.constant 0 : i32
        %dma_wait3A_154 = tpu.memref_slice %arg8[%add3A_139, %dma_wait3A_153] : memref<32x128xi32, #tpu.memory_space<vmem>> -> memref<1x128xi32, #tpu.memory_space<vmem>>
        %dma_wait3A_155 = tpu.memref_squeeze %dma_wait3A_154 : memref<1x128xi32, #tpu.memory_space<vmem>> -> memref<128xi32, #tpu.memory_space<vmem>>
        %dma_wait3A_156 = arith.constant 0 : i32
        %dma_wait3A_157 = arith.constant 0 : i32
        %dma_wait3A_158 = tpu.memref_slice %arg11[%dma_wait3A_156, %dma_wait3A_157] : memref<10240x128xf32, #tpu.memory_space<vmem_shared>> -> memref<10240x128xf32, #tpu.memory_space<vmem_shared>>
        tpu.wait_indirect_dma semaphore(%run_scoped3A_147 : memref<!tpu.dma_semaphore, #tpu.memory_space<semaphore_mem>>) src(%arg10 : memref<128x128xf32, #tpu.memory_space<vmem>>) dst(%dma_wait3A_158 : memref<10240x128xf32, #tpu.memory_space<vmem_shared>>)
        tpu.yield
      }) : () -> ()
      %sub3A_140 = arith.constant 1 : i32
      %sub3A_141 = arith.subi %select_n3A_21, %sub3A_140 : i32
      %lt3A_142 = arith.cmpi slt, %while3A_118, %sub3A_141 : i32
      %convert_element_type3A_143 = arith.extui %lt3A_142 : i1 to i32
      %cond3A_144 = arith.constant 0 : i32
      %cond3A_145 = arith.cmpi ne, %convert_element_type3A_143, %cond3A_144 : i32
      scf.if %cond3A_145 {
        %add3A_147 = arith.constant 3 : i32
        %add3A_148 = arith.addi %mul3A_121, %add3A_147 : i32
        %dma_start3A = arith.constant 0 : i32
        %dma_start3A_149 = tpu.memref_slice %arg7[%add3A_148, %dma_start3A] : memref<32x128xi32, #tpu.memory_space<vmem>> -> memref<1x128xi32, #tpu.memory_space<vmem>>
        %dma_start3A_150 = tpu.memref_squeeze %dma_start3A_149 : memref<1x128xi32, #tpu.memory_space<vmem>> -> memref<128xi32, #tpu.memory_space<vmem>>
        %dma_start3A_151 = arith.constant 0 : i32
        %dma_start3A_152 = arith.constant 0 : i32
        %dma_start3A_153 = tpu.memref_slice %arg2[%dma_start3A_151, %dma_start3A_152] : memref<10240x128xf32, #tpu.memory_space<hbm>> -> memref<10240x128xf32, #tpu.memory_space<hbm>>
        tpu.enqueue_indirect_dma source(%dma_start3A_153 : memref<10240x128xf32, #tpu.memory_space<hbm>>) target(%arg10 : memref<128x128xf32, #tpu.memory_space<vmem>>) offsets(%dma_start3A_150 : memref<128xi32, #tpu.memory_space<vmem>>) semaphore(%arg13 : memref<!tpu.dma_semaphore, #tpu.memory_space<semaphore_mem>>)
      } else {
      }
      %while3A_146 = arith.constant 0 : i32
      scf.yield %while3A_146 : i32
    }
    %eq3A_41 = arith.constant 0 : i32
    %eq3A_42 = arith.cmpi eq, %arg0, %eq3A_41 : i32
    %jit3A_43 = arith.constant 16 : i32
    %jit3A_44 = arith.constant 0 : i32
    %select_n3A_45 = arith.select %eq3A_42, %jit3A_43, %jit3A_44 : i32
    %run_scoped3A_46 = arith.constant 2 : i32
    "tpu.region"() ({
      %run_scoped3A_118 = tpu.sem_alloc : memref<!tpu.dma_semaphore, #tpu.memory_space<semaphore_mem>>
      %dma_start3A = arith.constant 0 : i32
      %dma_start3A_119 = arith.constant 0 : i32
      %dma_start3A_120 = tpu.memref_slice %arg3[%arg1, %run_scoped3A_46, %dma_start3A, %dma_start3A_119] : memref<16x5x32x128xi32, #tpu.memory_space<hbm>> -> memref<1x1x32x128xi32, #tpu.memory_space<hbm>>
      %dma_start3A_121 = tpu.memref_squeeze %dma_start3A_120 : memref<1x1x32x128xi32, #tpu.memory_space<hbm>> -> memref<32x128xi32, #tpu.memory_space<hbm>>
      %dma_start3A_122 = arith.constant 0 : i32
      %dma_start3A_123 = arith.constant 0 : i32
      %dma_start3A_124 = tpu.memref_slice %arg3[%arg1, %run_scoped3A_46, %dma_start3A_122, %dma_start3A_123] : memref<16x5x32x128xi32, #tpu.memory_space<hbm>> -> memref<1x1x32x128xi32, #tpu.memory_space<hbm>>
      %dma_start3A_125 = tpu.memref_squeeze %dma_start3A_124 : memref<1x1x32x128xi32, #tpu.memory_space<hbm>> -> memref<32x128xi32, #tpu.memory_space<hbm>>
      tpu.enqueue_dma source(%dma_start3A_125 : memref<32x128xi32, #tpu.memory_space<hbm>>) target(%arg7 : memref<32x128xi32, #tpu.memory_space<vmem>>) target_semaphore(%run_scoped3A_118 : memref<!tpu.dma_semaphore, #tpu.memory_space<semaphore_mem>>)
      %dma_wait3A = arith.constant 0 : i32
      %dma_wait3A_126 = arith.constant 0 : i32
      %dma_wait3A_127 = tpu.memref_slice %arg3[%arg1, %run_scoped3A_46, %dma_wait3A, %dma_wait3A_126] : memref<16x5x32x128xi32, #tpu.memory_space<hbm>> -> memref<1x1x32x128xi32, #tpu.memory_space<hbm>>
      %dma_wait3A_128 = tpu.memref_squeeze %dma_wait3A_127 : memref<1x1x32x128xi32, #tpu.memory_space<hbm>> -> memref<32x128xi32, #tpu.memory_space<hbm>>
      %dma_wait3A_129 = arith.constant 0 : i32
      %dma_wait3A_130 = arith.constant 0 : i32
      %dma_wait3A_131 = tpu.memref_slice %arg3[%arg1, %run_scoped3A_46, %dma_wait3A_129, %dma_wait3A_130] : memref<16x5x32x128xi32, #tpu.memory_space<hbm>> -> memref<1x1x32x128xi32, #tpu.memory_space<hbm>>
      %dma_wait3A_132 = tpu.memref_squeeze %dma_wait3A_131 : memref<1x1x32x128xi32, #tpu.memory_space<hbm>> -> memref<32x128xi32, #tpu.memory_space<hbm>>
      tpu.wait_dma2 semaphore(%run_scoped3A_118 : memref<!tpu.dma_semaphore, #tpu.memory_space<semaphore_mem>>) src(%dma_wait3A_132 : memref<32x128xi32, #tpu.memory_space<hbm>>) dst(%arg7 : memref<32x128xi32, #tpu.memory_space<vmem>>)
      tpu.yield
    }) : () -> ()
    %run_scoped3A_47 = arith.constant 2 : i32
    "tpu.region"() ({
      %run_scoped3A_118 = tpu.sem_alloc : memref<!tpu.dma_semaphore, #tpu.memory_space<semaphore_mem>>
      %dma_start3A = arith.constant 0 : i32
      %dma_start3A_119 = arith.constant 0 : i32
      %dma_start3A_120 = tpu.memref_slice %arg4[%arg1, %run_scoped3A_47, %dma_start3A, %dma_start3A_119] : memref<16x5x32x128xi32, #tpu.memory_space<hbm>> -> memref<1x1x32x128xi32, #tpu.memory_space<hbm>>
      %dma_start3A_121 = tpu.memref_squeeze %dma_start3A_120 : memref<1x1x32x128xi32, #tpu.memory_space<hbm>> -> memref<32x128xi32, #tpu.memory_space<hbm>>
      %dma_start3A_122 = arith.constant 0 : i32
      %dma_start3A_123 = arith.constant 0 : i32
      %dma_start3A_124 = tpu.memref_slice %arg4[%arg1, %run_scoped3A_47, %dma_start3A_122, %dma_start3A_123] : memref<16x5x32x128xi32, #tpu.memory_space<hbm>> -> memref<1x1x32x128xi32, #tpu.memory_space<hbm>>
      %dma_start3A_125 = tpu.memref_squeeze %dma_start3A_124 : memref<1x1x32x128xi32, #tpu.memory_space<hbm>> -> memref<32x128xi32, #tpu.memory_space<hbm>>
      tpu.enqueue_dma source(%dma_start3A_125 : memref<32x128xi32, #tpu.memory_space<hbm>>) target(%arg8 : memref<32x128xi32, #tpu.memory_space<vmem>>) target_semaphore(%run_scoped3A_118 : memref<!tpu.dma_semaphore, #tpu.memory_space<semaphore_mem>>)
      %dma_wait3A = arith.constant 0 : i32
      %dma_wait3A_126 = arith.constant 0 : i32
      %dma_wait3A_127 = tpu.memref_slice %arg4[%arg1, %run_scoped3A_47, %dma_wait3A, %dma_wait3A_126] : memref<16x5x32x128xi32, #tpu.memory_space<hbm>> -> memref<1x1x32x128xi32, #tpu.memory_space<hbm>>
      %dma_wait3A_128 = tpu.memref_squeeze %dma_wait3A_127 : memref<1x1x32x128xi32, #tpu.memory_space<hbm>> -> memref<32x128xi32, #tpu.memory_space<hbm>>
      %dma_wait3A_129 = arith.constant 0 : i32
      %dma_wait3A_130 = arith.constant 0 : i32
      %dma_wait3A_131 = tpu.memref_slice %arg4[%arg1, %run_scoped3A_47, %dma_wait3A_129, %dma_wait3A_130] : memref<16x5x32x128xi32, #tpu.memory_space<hbm>> -> memref<1x1x32x128xi32, #tpu.memory_space<hbm>>
      %dma_wait3A_132 = tpu.memref_squeeze %dma_wait3A_131 : memref<1x1x32x128xi32, #tpu.memory_space<hbm>> -> memref<32x128xi32, #tpu.memory_space<hbm>>
      tpu.wait_dma2 semaphore(%run_scoped3A_118 : memref<!tpu.dma_semaphore, #tpu.memory_space<semaphore_mem>>) src(%dma_wait3A_132 : memref<32x128xi32, #tpu.memory_space<hbm>>) dst(%arg8 : memref<32x128xi32, #tpu.memory_space<vmem>>)
      tpu.yield
    }) : () -> ()
    %gt3A_48 = arith.constant 0 : i32
    %gt3A_49 = arith.cmpi sgt, %select_n3A_45, %gt3A_48 : i32
    %convert_element_type3A_50 = arith.extui %gt3A_49 : i1 to i32
    %cond3A_51 = arith.constant 0 : i32
    %cond3A_52 = arith.cmpi ne, %convert_element_type3A_50, %cond3A_51 : i32
    scf.if %cond3A_52 {
      %dma_start3A = arith.constant 0 : i32
      %dma_start3A_118 = arith.constant 0 : i32
      %dma_start3A_119 = tpu.memref_slice %arg7[%dma_start3A, %dma_start3A_118] : memref<32x128xi32, #tpu.memory_space<vmem>> -> memref<1x128xi32, #tpu.memory_space<vmem>>
      %dma_start3A_120 = tpu.memref_squeeze %dma_start3A_119 : memref<1x128xi32, #tpu.memory_space<vmem>> -> memref<128xi32, #tpu.memory_space<vmem>>
      %dma_start3A_121 = arith.constant 0 : i32
      %dma_start3A_122 = arith.constant 0 : i32
      %dma_start3A_123 = tpu.memref_slice %arg2[%dma_start3A_121, %dma_start3A_122] : memref<10240x128xf32, #tpu.memory_space<hbm>> -> memref<10240x128xf32, #tpu.memory_space<hbm>>
      tpu.enqueue_indirect_dma source(%dma_start3A_123 : memref<10240x128xf32, #tpu.memory_space<hbm>>) target(%arg9 : memref<128x128xf32, #tpu.memory_space<vmem>>) offsets(%dma_start3A_120 : memref<128xi32, #tpu.memory_space<vmem>>) semaphore(%arg12 : memref<!tpu.dma_semaphore, #tpu.memory_space<semaphore_mem>>)
      %dma_start3A_124 = arith.constant 1 : i32
      %dma_start3A_125 = arith.constant 0 : i32
      %dma_start3A_126 = tpu.memref_slice %arg7[%dma_start3A_124, %dma_start3A_125] : memref<32x128xi32, #tpu.memory_space<vmem>> -> memref<1x128xi32, #tpu.memory_space<vmem>>
      %dma_start3A_127 = tpu.memref_squeeze %dma_start3A_126 : memref<1x128xi32, #tpu.memory_space<vmem>> -> memref<128xi32, #tpu.memory_space<vmem>>
      %dma_start3A_128 = arith.constant 0 : i32
      %dma_start3A_129 = arith.constant 0 : i32
      %dma_start3A_130 = tpu.memref_slice %arg2[%dma_start3A_128, %dma_start3A_129] : memref<10240x128xf32, #tpu.memory_space<hbm>> -> memref<10240x128xf32, #tpu.memory_space<hbm>>
      tpu.enqueue_indirect_dma source(%dma_start3A_130 : memref<10240x128xf32, #tpu.memory_space<hbm>>) target(%arg10 : memref<128x128xf32, #tpu.memory_space<vmem>>) offsets(%dma_start3A_127 : memref<128xi32, #tpu.memory_space<vmem>>) semaphore(%arg13 : memref<!tpu.dma_semaphore, #tpu.memory_space<semaphore_mem>>)
    } else {
    }
    %while3A_53 = arith.constant 0 : i32
    %while3A_54 = arith.constant 0 : i32
    %while3A_55 = arith.subi %select_n3A_45, %while3A_53 : i32
    %while3A_56 = arith.addi %while3A_53, %while3A_55 : i32
    %while3A_57 = arith.constant 1 : i32
    %while3A_58 = arith.divsi %while3A_55, %while3A_57 : i32
    %while3A_59 = arith.muli %while3A_58, %while3A_57 : i32
    %while3A_60 = arith.addi %while3A_53, %while3A_59 : i32
    %while3A_61 = arith.constant 1 : i32
    %while3A_62 = scf.for %while3A_118 = %while3A_53 to %while3A_60 step %while3A_61 iter_args(%while3A_119 = %while3A_54) -> (i32)  : i32 {
      %mul3A_120 = arith.constant 2 : i32
      %mul3A_121 = arith.muli %mul3A_120, %while3A_118 : i32
      %dma_wait3A = arith.constant 0 : i32
      %dma_wait3A_122 = tpu.memref_slice %arg7[%mul3A_121, %dma_wait3A] : memref<32x128xi32, #tpu.memory_space<vmem>> -> memref<1x128xi32, #tpu.memory_space<vmem>>
      %dma_wait3A_123 = tpu.memref_squeeze %dma_wait3A_122 : memref<1x128xi32, #tpu.memory_space<vmem>> -> memref<128xi32, #tpu.memory_space<vmem>>
      %dma_wait3A_124 = arith.constant 0 : i32
      %dma_wait3A_125 = arith.constant 0 : i32
      %dma_wait3A_126 = tpu.memref_slice %arg2[%dma_wait3A_124, %dma_wait3A_125] : memref<10240x128xf32, #tpu.memory_space<hbm>> -> memref<10240x128xf32, #tpu.memory_space<hbm>>
      tpu.wait_indirect_dma semaphore(%arg12 : memref<!tpu.dma_semaphore, #tpu.memory_space<semaphore_mem>>) src(%dma_wait3A_126 : memref<10240x128xf32, #tpu.memory_space<hbm>>) dst(%arg9 : memref<128x128xf32, #tpu.memory_space<vmem>>)
      "tpu.region"() ({
        %run_scoped3A_147 = tpu.sem_alloc : memref<!tpu.dma_semaphore, #tpu.memory_space<semaphore_mem>>
        %dma_start3A = arith.constant 0 : i32
        %dma_start3A_148 = tpu.memref_slice %arg8[%mul3A_121, %dma_start3A] : memref<32x128xi32, #tpu.memory_space<vmem>> -> memref<1x128xi32, #tpu.memory_space<vmem>>
        %dma_start3A_149 = tpu.memref_squeeze %dma_start3A_148 : memref<1x128xi32, #tpu.memory_space<vmem>> -> memref<128xi32, #tpu.memory_space<vmem>>
        %dma_start3A_150 = arith.constant 0 : i32
        %dma_start3A_151 = arith.constant 0 : i32
        %dma_start3A_152 = tpu.memref_slice %arg11[%dma_start3A_150, %dma_start3A_151] : memref<10240x128xf32, #tpu.memory_space<vmem_shared>> -> memref<10240x128xf32, #tpu.memory_space<vmem_shared>>
        tpu.enqueue_indirect_dma source(%arg9 : memref<128x128xf32, #tpu.memory_space<vmem>>) target(%dma_start3A_152 : memref<10240x128xf32, #tpu.memory_space<vmem_shared>>) offsets(%dma_start3A_149 : memref<128xi32, #tpu.memory_space<vmem>>) semaphore(%run_scoped3A_147 : memref<!tpu.dma_semaphore, #tpu.memory_space<semaphore_mem>>) {add = true}
        %dma_wait3A_153 = arith.constant 0 : i32
        %dma_wait3A_154 = tpu.memref_slice %arg8[%mul3A_121, %dma_wait3A_153] : memref<32x128xi32, #tpu.memory_space<vmem>> -> memref<1x128xi32, #tpu.memory_space<vmem>>
        %dma_wait3A_155 = tpu.memref_squeeze %dma_wait3A_154 : memref<1x128xi32, #tpu.memory_space<vmem>> -> memref<128xi32, #tpu.memory_space<vmem>>
        %dma_wait3A_156 = arith.constant 0 : i32
        %dma_wait3A_157 = arith.constant 0 : i32
        %dma_wait3A_158 = tpu.memref_slice %arg11[%dma_wait3A_156, %dma_wait3A_157] : memref<10240x128xf32, #tpu.memory_space<vmem_shared>> -> memref<10240x128xf32, #tpu.memory_space<vmem_shared>>
        tpu.wait_indirect_dma semaphore(%run_scoped3A_147 : memref<!tpu.dma_semaphore, #tpu.memory_space<semaphore_mem>>) src(%arg9 : memref<128x128xf32, #tpu.memory_space<vmem>>) dst(%dma_wait3A_158 : memref<10240x128xf32, #tpu.memory_space<vmem_shared>>)
        tpu.yield
      }) : () -> ()
      %sub3A = arith.constant 1 : i32
      %sub3A_127 = arith.subi %select_n3A_45, %sub3A : i32
      %lt3A = arith.cmpi slt, %while3A_118, %sub3A_127 : i32
      %convert_element_type3A_128 = arith.extui %lt3A : i1 to i32
      %cond3A_129 = arith.constant 0 : i32
      %cond3A_130 = arith.cmpi ne, %convert_element_type3A_128, %cond3A_129 : i32
      scf.if %cond3A_130 {
        %add3A_147 = arith.constant 2 : i32
        %add3A_148 = arith.addi %mul3A_121, %add3A_147 : i32
        %dma_start3A = arith.constant 0 : i32
        %dma_start3A_149 = tpu.memref_slice %arg7[%add3A_148, %dma_start3A] : memref<32x128xi32, #tpu.memory_space<vmem>> -> memref<1x128xi32, #tpu.memory_space<vmem>>
        %dma_start3A_150 = tpu.memref_squeeze %dma_start3A_149 : memref<1x128xi32, #tpu.memory_space<vmem>> -> memref<128xi32, #tpu.memory_space<vmem>>
        %dma_start3A_151 = arith.constant 0 : i32
        %dma_start3A_152 = arith.constant 0 : i32
        %dma_start3A_153 = tpu.memref_slice %arg2[%dma_start3A_151, %dma_start3A_152] : memref<10240x128xf32, #tpu.memory_space<hbm>> -> memref<10240x128xf32, #tpu.memory_space<hbm>>
        tpu.enqueue_indirect_dma source(%dma_start3A_153 : memref<10240x128xf32, #tpu.memory_space<hbm>>) target(%arg9 : memref<128x128xf32, #tpu.memory_space<vmem>>) offsets(%dma_start3A_150 : memref<128xi32, #tpu.memory_space<vmem>>) semaphore(%arg12 : memref<!tpu.dma_semaphore, #tpu.memory_space<semaphore_mem>>)
      } else {
      }
      %add3A = arith.constant 1 : i32
      %add3A_131 = arith.addi %mul3A_121, %add3A : i32
      %dma_wait3A_132 = arith.constant 0 : i32
      %dma_wait3A_133 = tpu.memref_slice %arg7[%add3A_131, %dma_wait3A_132] : memref<32x128xi32, #tpu.memory_space<vmem>> -> memref<1x128xi32, #tpu.memory_space<vmem>>
      %dma_wait3A_134 = tpu.memref_squeeze %dma_wait3A_133 : memref<1x128xi32, #tpu.memory_space<vmem>> -> memref<128xi32, #tpu.memory_space<vmem>>
      %dma_wait3A_135 = arith.constant 0 : i32
      %dma_wait3A_136 = arith.constant 0 : i32
      %dma_wait3A_137 = tpu.memref_slice %arg2[%dma_wait3A_135, %dma_wait3A_136] : memref<10240x128xf32, #tpu.memory_space<hbm>> -> memref<10240x128xf32, #tpu.memory_space<hbm>>
      tpu.wait_indirect_dma semaphore(%arg13 : memref<!tpu.dma_semaphore, #tpu.memory_space<semaphore_mem>>) src(%dma_wait3A_137 : memref<10240x128xf32, #tpu.memory_space<hbm>>) dst(%arg10 : memref<128x128xf32, #tpu.memory_space<vmem>>)
      %add3A_138 = arith.constant 1 : i32
      %add3A_139 = arith.addi %mul3A_121, %add3A_138 : i32
      "tpu.region"() ({
        %run_scoped3A_147 = tpu.sem_alloc : memref<!tpu.dma_semaphore, #tpu.memory_space<semaphore_mem>>
        %dma_start3A = arith.constant 0 : i32
        %dma_start3A_148 = tpu.memref_slice %arg8[%add3A_139, %dma_start3A] : memref<32x128xi32, #tpu.memory_space<vmem>> -> memref<1x128xi32, #tpu.memory_space<vmem>>
        %dma_start3A_149 = tpu.memref_squeeze %dma_start3A_148 : memref<1x128xi32, #tpu.memory_space<vmem>> -> memref<128xi32, #tpu.memory_space<vmem>>
        %dma_start3A_150 = arith.constant 0 : i32
        %dma_start3A_151 = arith.constant 0 : i32
        %dma_start3A_152 = tpu.memref_slice %arg11[%dma_start3A_150, %dma_start3A_151] : memref<10240x128xf32, #tpu.memory_space<vmem_shared>> -> memref<10240x128xf32, #tpu.memory_space<vmem_shared>>
        tpu.enqueue_indirect_dma source(%arg10 : memref<128x128xf32, #tpu.memory_space<vmem>>) target(%dma_start3A_152 : memref<10240x128xf32, #tpu.memory_space<vmem_shared>>) offsets(%dma_start3A_149 : memref<128xi32, #tpu.memory_space<vmem>>) semaphore(%run_scoped3A_147 : memref<!tpu.dma_semaphore, #tpu.memory_space<semaphore_mem>>) {add = true}
        %dma_wait3A_153 = arith.constant 0 : i32
        %dma_wait3A_154 = tpu.memref_slice %arg8[%add3A_139, %dma_wait3A_153] : memref<32x128xi32, #tpu.memory_space<vmem>> -> memref<1x128xi32, #tpu.memory_space<vmem>>
        %dma_wait3A_155 = tpu.memref_squeeze %dma_wait3A_154 : memref<1x128xi32, #tpu.memory_space<vmem>> -> memref<128xi32, #tpu.memory_space<vmem>>
        %dma_wait3A_156 = arith.constant 0 : i32
        %dma_wait3A_157 = arith.constant 0 : i32
        %dma_wait3A_158 = tpu.memref_slice %arg11[%dma_wait3A_156, %dma_wait3A_157] : memref<10240x128xf32, #tpu.memory_space<vmem_shared>> -> memref<10240x128xf32, #tpu.memory_space<vmem_shared>>
        tpu.wait_indirect_dma semaphore(%run_scoped3A_147 : memref<!tpu.dma_semaphore, #tpu.memory_space<semaphore_mem>>) src(%arg10 : memref<128x128xf32, #tpu.memory_space<vmem>>) dst(%dma_wait3A_158 : memref<10240x128xf32, #tpu.memory_space<vmem_shared>>)
        tpu.yield
      }) : () -> ()
      %sub3A_140 = arith.constant 1 : i32
      %sub3A_141 = arith.subi %select_n3A_45, %sub3A_140 : i32
      %lt3A_142 = arith.cmpi slt, %while3A_118, %sub3A_141 : i32
      %convert_element_type3A_143 = arith.extui %lt3A_142 : i1 to i32
      %cond3A_144 = arith.constant 0 : i32
      %cond3A_145 = arith.cmpi ne, %convert_element_type3A_143, %cond3A_144 : i32
      scf.if %cond3A_145 {
        %add3A_147 = arith.constant 3 : i32
        %add3A_148 = arith.addi %mul3A_121, %add3A_147 : i32
        %dma_start3A = arith.constant 0 : i32
        %dma_start3A_149 = tpu.memref_slice %arg7[%add3A_148, %dma_start3A] : memref<32x128xi32, #tpu.memory_space<vmem>> -> memref<1x128xi32, #tpu.memory_space<vmem>>
        %dma_start3A_150 = tpu.memref_squeeze %dma_start3A_149 : memref<1x128xi32, #tpu.memory_space<vmem>> -> memref<128xi32, #tpu.memory_space<vmem>>
        %dma_start3A_151 = arith.constant 0 : i32
        %dma_start3A_152 = arith.constant 0 : i32
        %dma_start3A_153 = tpu.memref_slice %arg2[%dma_start3A_151, %dma_start3A_152] : memref<10240x128xf32, #tpu.memory_space<hbm>> -> memref<10240x128xf32, #tpu.memory_space<hbm>>
        tpu.enqueue_indirect_dma source(%dma_start3A_153 : memref<10240x128xf32, #tpu.memory_space<hbm>>) target(%arg10 : memref<128x128xf32, #tpu.memory_space<vmem>>) offsets(%dma_start3A_150 : memref<128xi32, #tpu.memory_space<vmem>>) semaphore(%arg13 : memref<!tpu.dma_semaphore, #tpu.memory_space<semaphore_mem>>)
      } else {
      }
      %while3A_146 = arith.constant 0 : i32
      scf.yield %while3A_146 : i32
    }
    %while3A_63 = arith.constant 1 : i32
    %while3A_64 = scf.for %while3A_118 = %while3A_60 to %while3A_56 step %while3A_63 iter_args(%while3A_119 = %while3A_62) -> (i32)  : i32 {
      %mul3A_120 = arith.constant 2 : i32
      %mul3A_121 = arith.muli %mul3A_120, %while3A_118 : i32
      %dma_wait3A = arith.constant 0 : i32
      %dma_wait3A_122 = tpu.memref_slice %arg7[%mul3A_121, %dma_wait3A] : memref<32x128xi32, #tpu.memory_space<vmem>> -> memref<1x128xi32, #tpu.memory_space<vmem>>
      %dma_wait3A_123 = tpu.memref_squeeze %dma_wait3A_122 : memref<1x128xi32, #tpu.memory_space<vmem>> -> memref<128xi32, #tpu.memory_space<vmem>>
      %dma_wait3A_124 = arith.constant 0 : i32
      %dma_wait3A_125 = arith.constant 0 : i32
      %dma_wait3A_126 = tpu.memref_slice %arg2[%dma_wait3A_124, %dma_wait3A_125] : memref<10240x128xf32, #tpu.memory_space<hbm>> -> memref<10240x128xf32, #tpu.memory_space<hbm>>
      tpu.wait_indirect_dma semaphore(%arg12 : memref<!tpu.dma_semaphore, #tpu.memory_space<semaphore_mem>>) src(%dma_wait3A_126 : memref<10240x128xf32, #tpu.memory_space<hbm>>) dst(%arg9 : memref<128x128xf32, #tpu.memory_space<vmem>>)
      "tpu.region"() ({
        %run_scoped3A_147 = tpu.sem_alloc : memref<!tpu.dma_semaphore, #tpu.memory_space<semaphore_mem>>
        %dma_start3A = arith.constant 0 : i32
        %dma_start3A_148 = tpu.memref_slice %arg8[%mul3A_121, %dma_start3A] : memref<32x128xi32, #tpu.memory_space<vmem>> -> memref<1x128xi32, #tpu.memory_space<vmem>>
        %dma_start3A_149 = tpu.memref_squeeze %dma_start3A_148 : memref<1x128xi32, #tpu.memory_space<vmem>> -> memref<128xi32, #tpu.memory_space<vmem>>
        %dma_start3A_150 = arith.constant 0 : i32
        %dma_start3A_151 = arith.constant 0 : i32
        %dma_start3A_152 = tpu.memref_slice %arg11[%dma_start3A_150, %dma_start3A_151] : memref<10240x128xf32, #tpu.memory_space<vmem_shared>> -> memref<10240x128xf32, #tpu.memory_space<vmem_shared>>
        tpu.enqueue_indirect_dma source(%arg9 : memref<128x128xf32, #tpu.memory_space<vmem>>) target(%dma_start3A_152 : memref<10240x128xf32, #tpu.memory_space<vmem_shared>>) offsets(%dma_start3A_149 : memref<128xi32, #tpu.memory_space<vmem>>) semaphore(%run_scoped3A_147 : memref<!tpu.dma_semaphore, #tpu.memory_space<semaphore_mem>>) {add = true}
        %dma_wait3A_153 = arith.constant 0 : i32
        %dma_wait3A_154 = tpu.memref_slice %arg8[%mul3A_121, %dma_wait3A_153] : memref<32x128xi32, #tpu.memory_space<vmem>> -> memref<1x128xi32, #tpu.memory_space<vmem>>
        %dma_wait3A_155 = tpu.memref_squeeze %dma_wait3A_154 : memref<1x128xi32, #tpu.memory_space<vmem>> -> memref<128xi32, #tpu.memory_space<vmem>>
        %dma_wait3A_156 = arith.constant 0 : i32
        %dma_wait3A_157 = arith.constant 0 : i32
        %dma_wait3A_158 = tpu.memref_slice %arg11[%dma_wait3A_156, %dma_wait3A_157] : memref<10240x128xf32, #tpu.memory_space<vmem_shared>> -> memref<10240x128xf32, #tpu.memory_space<vmem_shared>>
        tpu.wait_indirect_dma semaphore(%run_scoped3A_147 : memref<!tpu.dma_semaphore, #tpu.memory_space<semaphore_mem>>) src(%arg9 : memref<128x128xf32, #tpu.memory_space<vmem>>) dst(%dma_wait3A_158 : memref<10240x128xf32, #tpu.memory_space<vmem_shared>>)
        tpu.yield
      }) : () -> ()
      %sub3A = arith.constant 1 : i32
      %sub3A_127 = arith.subi %select_n3A_45, %sub3A : i32
      %lt3A = arith.cmpi slt, %while3A_118, %sub3A_127 : i32
      %convert_element_type3A_128 = arith.extui %lt3A : i1 to i32
      %cond3A_129 = arith.constant 0 : i32
      %cond3A_130 = arith.cmpi ne, %convert_element_type3A_128, %cond3A_129 : i32
      scf.if %cond3A_130 {
        %add3A_147 = arith.constant 2 : i32
        %add3A_148 = arith.addi %mul3A_121, %add3A_147 : i32
        %dma_start3A = arith.constant 0 : i32
        %dma_start3A_149 = tpu.memref_slice %arg7[%add3A_148, %dma_start3A] : memref<32x128xi32, #tpu.memory_space<vmem>> -> memref<1x128xi32, #tpu.memory_space<vmem>>
        %dma_start3A_150 = tpu.memref_squeeze %dma_start3A_149 : memref<1x128xi32, #tpu.memory_space<vmem>> -> memref<128xi32, #tpu.memory_space<vmem>>
        %dma_start3A_151 = arith.constant 0 : i32
        %dma_start3A_152 = arith.constant 0 : i32
        %dma_start3A_153 = tpu.memref_slice %arg2[%dma_start3A_151, %dma_start3A_152] : memref<10240x128xf32, #tpu.memory_space<hbm>> -> memref<10240x128xf32, #tpu.memory_space<hbm>>
        tpu.enqueue_indirect_dma source(%dma_start3A_153 : memref<10240x128xf32, #tpu.memory_space<hbm>>) target(%arg9 : memref<128x128xf32, #tpu.memory_space<vmem>>) offsets(%dma_start3A_150 : memref<128xi32, #tpu.memory_space<vmem>>) semaphore(%arg12 : memref<!tpu.dma_semaphore, #tpu.memory_space<semaphore_mem>>)
      } else {
      }
      %add3A = arith.constant 1 : i32
      %add3A_131 = arith.addi %mul3A_121, %add3A : i32
      %dma_wait3A_132 = arith.constant 0 : i32
      %dma_wait3A_133 = tpu.memref_slice %arg7[%add3A_131, %dma_wait3A_132] : memref<32x128xi32, #tpu.memory_space<vmem>> -> memref<1x128xi32, #tpu.memory_space<vmem>>
      %dma_wait3A_134 = tpu.memref_squeeze %dma_wait3A_133 : memref<1x128xi32, #tpu.memory_space<vmem>> -> memref<128xi32, #tpu.memory_space<vmem>>
      %dma_wait3A_135 = arith.constant 0 : i32
      %dma_wait3A_136 = arith.constant 0 : i32
      %dma_wait3A_137 = tpu.memref_slice %arg2[%dma_wait3A_135, %dma_wait3A_136] : memref<10240x128xf32, #tpu.memory_space<hbm>> -> memref<10240x128xf32, #tpu.memory_space<hbm>>
      tpu.wait_indirect_dma semaphore(%arg13 : memref<!tpu.dma_semaphore, #tpu.memory_space<semaphore_mem>>) src(%dma_wait3A_137 : memref<10240x128xf32, #tpu.memory_space<hbm>>) dst(%arg10 : memref<128x128xf32, #tpu.memory_space<vmem>>)
      %add3A_138 = arith.constant 1 : i32
      %add3A_139 = arith.addi %mul3A_121, %add3A_138 : i32
      "tpu.region"() ({
        %run_scoped3A_147 = tpu.sem_alloc : memref<!tpu.dma_semaphore, #tpu.memory_space<semaphore_mem>>
        %dma_start3A = arith.constant 0 : i32
        %dma_start3A_148 = tpu.memref_slice %arg8[%add3A_139, %dma_start3A] : memref<32x128xi32, #tpu.memory_space<vmem>> -> memref<1x128xi32, #tpu.memory_space<vmem>>
        %dma_start3A_149 = tpu.memref_squeeze %dma_start3A_148 : memref<1x128xi32, #tpu.memory_space<vmem>> -> memref<128xi32, #tpu.memory_space<vmem>>
        %dma_start3A_150 = arith.constant 0 : i32
        %dma_start3A_151 = arith.constant 0 : i32
        %dma_start3A_152 = tpu.memref_slice %arg11[%dma_start3A_150, %dma_start3A_151] : memref<10240x128xf32, #tpu.memory_space<vmem_shared>> -> memref<10240x128xf32, #tpu.memory_space<vmem_shared>>
        tpu.enqueue_indirect_dma source(%arg10 : memref<128x128xf32, #tpu.memory_space<vmem>>) target(%dma_start3A_152 : memref<10240x128xf32, #tpu.memory_space<vmem_shared>>) offsets(%dma_start3A_149 : memref<128xi32, #tpu.memory_space<vmem>>) semaphore(%run_scoped3A_147 : memref<!tpu.dma_semaphore, #tpu.memory_space<semaphore_mem>>) {add = true}
        %dma_wait3A_153 = arith.constant 0 : i32
        %dma_wait3A_154 = tpu.memref_slice %arg8[%add3A_139, %dma_wait3A_153] : memref<32x128xi32, #tpu.memory_space<vmem>> -> memref<1x128xi32, #tpu.memory_space<vmem>>
        %dma_wait3A_155 = tpu.memref_squeeze %dma_wait3A_154 : memref<1x128xi32, #tpu.memory_space<vmem>> -> memref<128xi32, #tpu.memory_space<vmem>>
        %dma_wait3A_156 = arith.constant 0 : i32
        %dma_wait3A_157 = arith.constant 0 : i32
        %dma_wait3A_158 = tpu.memref_slice %arg11[%dma_wait3A_156, %dma_wait3A_157] : memref<10240x128xf32, #tpu.memory_space<vmem_shared>> -> memref<10240x128xf32, #tpu.memory_space<vmem_shared>>
        tpu.wait_indirect_dma semaphore(%run_scoped3A_147 : memref<!tpu.dma_semaphore, #tpu.memory_space<semaphore_mem>>) src(%arg10 : memref<128x128xf32, #tpu.memory_space<vmem>>) dst(%dma_wait3A_158 : memref<10240x128xf32, #tpu.memory_space<vmem_shared>>)
        tpu.yield
      }) : () -> ()
      %sub3A_140 = arith.constant 1 : i32
      %sub3A_141 = arith.subi %select_n3A_45, %sub3A_140 : i32
      %lt3A_142 = arith.cmpi slt, %while3A_118, %sub3A_141 : i32
      %convert_element_type3A_143 = arith.extui %lt3A_142 : i1 to i32
      %cond3A_144 = arith.constant 0 : i32
      %cond3A_145 = arith.cmpi ne, %convert_element_type3A_143, %cond3A_144 : i32
      scf.if %cond3A_145 {
        %add3A_147 = arith.constant 3 : i32
        %add3A_148 = arith.addi %mul3A_121, %add3A_147 : i32
        %dma_start3A = arith.constant 0 : i32
        %dma_start3A_149 = tpu.memref_slice %arg7[%add3A_148, %dma_start3A] : memref<32x128xi32, #tpu.memory_space<vmem>> -> memref<1x128xi32, #tpu.memory_space<vmem>>
        %dma_start3A_150 = tpu.memref_squeeze %dma_start3A_149 : memref<1x128xi32, #tpu.memory_space<vmem>> -> memref<128xi32, #tpu.memory_space<vmem>>
        %dma_start3A_151 = arith.constant 0 : i32
        %dma_start3A_152 = arith.constant 0 : i32
        %dma_start3A_153 = tpu.memref_slice %arg2[%dma_start3A_151, %dma_start3A_152] : memref<10240x128xf32, #tpu.memory_space<hbm>> -> memref<10240x128xf32, #tpu.memory_space<hbm>>
        tpu.enqueue_indirect_dma source(%dma_start3A_153 : memref<10240x128xf32, #tpu.memory_space<hbm>>) target(%arg10 : memref<128x128xf32, #tpu.memory_space<vmem>>) offsets(%dma_start3A_150 : memref<128xi32, #tpu.memory_space<vmem>>) semaphore(%arg13 : memref<!tpu.dma_semaphore, #tpu.memory_space<semaphore_mem>>)
      } else {
      }
      %while3A_146 = arith.constant 0 : i32
      scf.yield %while3A_146 : i32
    }
    %eq3A_65 = arith.constant 0 : i32
    %eq3A_66 = arith.cmpi eq, %arg0, %eq3A_65 : i32
    %jit3A_67 = arith.constant 16 : i32
    %jit3A_68 = arith.constant 0 : i32
    %select_n3A_69 = arith.select %eq3A_66, %jit3A_67, %jit3A_68 : i32
    %run_scoped3A_70 = arith.constant 3 : i32
    "tpu.region"() ({
      %run_scoped3A_118 = tpu.sem_alloc : memref<!tpu.dma_semaphore, #tpu.memory_space<semaphore_mem>>
      %dma_start3A = arith.constant 0 : i32
      %dma_start3A_119 = arith.constant 0 : i32
      %dma_start3A_120 = tpu.memref_slice %arg3[%arg1, %run_scoped3A_70, %dma_start3A, %dma_start3A_119] : memref<16x5x32x128xi32, #tpu.memory_space<hbm>> -> memref<1x1x32x128xi32, #tpu.memory_space<hbm>>
      %dma_start3A_121 = tpu.memref_squeeze %dma_start3A_120 : memref<1x1x32x128xi32, #tpu.memory_space<hbm>> -> memref<32x128xi32, #tpu.memory_space<hbm>>
      %dma_start3A_122 = arith.constant 0 : i32
      %dma_start3A_123 = arith.constant 0 : i32
      %dma_start3A_124 = tpu.memref_slice %arg3[%arg1, %run_scoped3A_70, %dma_start3A_122, %dma_start3A_123] : memref<16x5x32x128xi32, #tpu.memory_space<hbm>> -> memref<1x1x32x128xi32, #tpu.memory_space<hbm>>
      %dma_start3A_125 = tpu.memref_squeeze %dma_start3A_124 : memref<1x1x32x128xi32, #tpu.memory_space<hbm>> -> memref<32x128xi32, #tpu.memory_space<hbm>>
      tpu.enqueue_dma source(%dma_start3A_125 : memref<32x128xi32, #tpu.memory_space<hbm>>) target(%arg7 : memref<32x128xi32, #tpu.memory_space<vmem>>) target_semaphore(%run_scoped3A_118 : memref<!tpu.dma_semaphore, #tpu.memory_space<semaphore_mem>>)
      %dma_wait3A = arith.constant 0 : i32
      %dma_wait3A_126 = arith.constant 0 : i32
      %dma_wait3A_127 = tpu.memref_slice %arg3[%arg1, %run_scoped3A_70, %dma_wait3A, %dma_wait3A_126] : memref<16x5x32x128xi32, #tpu.memory_space<hbm>> -> memref<1x1x32x128xi32, #tpu.memory_space<hbm>>
      %dma_wait3A_128 = tpu.memref_squeeze %dma_wait3A_127 : memref<1x1x32x128xi32, #tpu.memory_space<hbm>> -> memref<32x128xi32, #tpu.memory_space<hbm>>
      %dma_wait3A_129 = arith.constant 0 : i32
      %dma_wait3A_130 = arith.constant 0 : i32
      %dma_wait3A_131 = tpu.memref_slice %arg3[%arg1, %run_scoped3A_70, %dma_wait3A_129, %dma_wait3A_130] : memref<16x5x32x128xi32, #tpu.memory_space<hbm>> -> memref<1x1x32x128xi32, #tpu.memory_space<hbm>>
      %dma_wait3A_132 = tpu.memref_squeeze %dma_wait3A_131 : memref<1x1x32x128xi32, #tpu.memory_space<hbm>> -> memref<32x128xi32, #tpu.memory_space<hbm>>
      tpu.wait_dma2 semaphore(%run_scoped3A_118 : memref<!tpu.dma_semaphore, #tpu.memory_space<semaphore_mem>>) src(%dma_wait3A_132 : memref<32x128xi32, #tpu.memory_space<hbm>>) dst(%arg7 : memref<32x128xi32, #tpu.memory_space<vmem>>)
      tpu.yield
    }) : () -> ()
    %run_scoped3A_71 = arith.constant 3 : i32
    "tpu.region"() ({
      %run_scoped3A_118 = tpu.sem_alloc : memref<!tpu.dma_semaphore, #tpu.memory_space<semaphore_mem>>
      %dma_start3A = arith.constant 0 : i32
      %dma_start3A_119 = arith.constant 0 : i32
      %dma_start3A_120 = tpu.memref_slice %arg4[%arg1, %run_scoped3A_71, %dma_start3A, %dma_start3A_119] : memref<16x5x32x128xi32, #tpu.memory_space<hbm>> -> memref<1x1x32x128xi32, #tpu.memory_space<hbm>>
      %dma_start3A_121 = tpu.memref_squeeze %dma_start3A_120 : memref<1x1x32x128xi32, #tpu.memory_space<hbm>> -> memref<32x128xi32, #tpu.memory_space<hbm>>
      %dma_start3A_122 = arith.constant 0 : i32
      %dma_start3A_123 = arith.constant 0 : i32
      %dma_start3A_124 = tpu.memref_slice %arg4[%arg1, %run_scoped3A_71, %dma_start3A_122, %dma_start3A_123] : memref<16x5x32x128xi32, #tpu.memory_space<hbm>> -> memref<1x1x32x128xi32, #tpu.memory_space<hbm>>
      %dma_start3A_125 = tpu.memref_squeeze %dma_start3A_124 : memref<1x1x32x128xi32, #tpu.memory_space<hbm>> -> memref<32x128xi32, #tpu.memory_space<hbm>>
      tpu.enqueue_dma source(%dma_start3A_125 : memref<32x128xi32, #tpu.memory_space<hbm>>) target(%arg8 : memref<32x128xi32, #tpu.memory_space<vmem>>) target_semaphore(%run_scoped3A_118 : memref<!tpu.dma_semaphore, #tpu.memory_space<semaphore_mem>>)
      %dma_wait3A = arith.constant 0 : i32
      %dma_wait3A_126 = arith.constant 0 : i32
      %dma_wait3A_127 = tpu.memref_slice %arg4[%arg1, %run_scoped3A_71, %dma_wait3A, %dma_wait3A_126] : memref<16x5x32x128xi32, #tpu.memory_space<hbm>> -> memref<1x1x32x128xi32, #tpu.memory_space<hbm>>
      %dma_wait3A_128 = tpu.memref_squeeze %dma_wait3A_127 : memref<1x1x32x128xi32, #tpu.memory_space<hbm>> -> memref<32x128xi32, #tpu.memory_space<hbm>>
      %dma_wait3A_129 = arith.constant 0 : i32
      %dma_wait3A_130 = arith.constant 0 : i32
      %dma_wait3A_131 = tpu.memref_slice %arg4[%arg1, %run_scoped3A_71, %dma_wait3A_129, %dma_wait3A_130] : memref<16x5x32x128xi32, #tpu.memory_space<hbm>> -> memref<1x1x32x128xi32, #tpu.memory_space<hbm>>
      %dma_wait3A_132 = tpu.memref_squeeze %dma_wait3A_131 : memref<1x1x32x128xi32, #tpu.memory_space<hbm>> -> memref<32x128xi32, #tpu.memory_space<hbm>>
      tpu.wait_dma2 semaphore(%run_scoped3A_118 : memref<!tpu.dma_semaphore, #tpu.memory_space<semaphore_mem>>) src(%dma_wait3A_132 : memref<32x128xi32, #tpu.memory_space<hbm>>) dst(%arg8 : memref<32x128xi32, #tpu.memory_space<vmem>>)
      tpu.yield
    }) : () -> ()
    %gt3A_72 = arith.constant 0 : i32
    %gt3A_73 = arith.cmpi sgt, %select_n3A_69, %gt3A_72 : i32
    %convert_element_type3A_74 = arith.extui %gt3A_73 : i1 to i32
    %cond3A_75 = arith.constant 0 : i32
    %cond3A_76 = arith.cmpi ne, %convert_element_type3A_74, %cond3A_75 : i32
    scf.if %cond3A_76 {
      %dma_start3A = arith.constant 0 : i32
      %dma_start3A_118 = arith.constant 0 : i32
      %dma_start3A_119 = tpu.memref_slice %arg7[%dma_start3A, %dma_start3A_118] : memref<32x128xi32, #tpu.memory_space<vmem>> -> memref<1x128xi32, #tpu.memory_space<vmem>>
      %dma_start3A_120 = tpu.memref_squeeze %dma_start3A_119 : memref<1x128xi32, #tpu.memory_space<vmem>> -> memref<128xi32, #tpu.memory_space<vmem>>
      %dma_start3A_121 = arith.constant 0 : i32
      %dma_start3A_122 = arith.constant 0 : i32
      %dma_start3A_123 = tpu.memref_slice %arg2[%dma_start3A_121, %dma_start3A_122] : memref<10240x128xf32, #tpu.memory_space<hbm>> -> memref<10240x128xf32, #tpu.memory_space<hbm>>
      tpu.enqueue_indirect_dma source(%dma_start3A_123 : memref<10240x128xf32, #tpu.memory_space<hbm>>) target(%arg9 : memref<128x128xf32, #tpu.memory_space<vmem>>) offsets(%dma_start3A_120 : memref<128xi32, #tpu.memory_space<vmem>>) semaphore(%arg12 : memref<!tpu.dma_semaphore, #tpu.memory_space<semaphore_mem>>)
      %dma_start3A_124 = arith.constant 1 : i32
      %dma_start3A_125 = arith.constant 0 : i32
      %dma_start3A_126 = tpu.memref_slice %arg7[%dma_start3A_124, %dma_start3A_125] : memref<32x128xi32, #tpu.memory_space<vmem>> -> memref<1x128xi32, #tpu.memory_space<vmem>>
      %dma_start3A_127 = tpu.memref_squeeze %dma_start3A_126 : memref<1x128xi32, #tpu.memory_space<vmem>> -> memref<128xi32, #tpu.memory_space<vmem>>
      %dma_start3A_128 = arith.constant 0 : i32
      %dma_start3A_129 = arith.constant 0 : i32
      %dma_start3A_130 = tpu.memref_slice %arg2[%dma_start3A_128, %dma_start3A_129] : memref<10240x128xf32, #tpu.memory_space<hbm>> -> memref<10240x128xf32, #tpu.memory_space<hbm>>
      tpu.enqueue_indirect_dma source(%dma_start3A_130 : memref<10240x128xf32, #tpu.memory_space<hbm>>) target(%arg10 : memref<128x128xf32, #tpu.memory_space<vmem>>) offsets(%dma_start3A_127 : memref<128xi32, #tpu.memory_space<vmem>>) semaphore(%arg13 : memref<!tpu.dma_semaphore, #tpu.memory_space<semaphore_mem>>)
    } else {
    }
    %while3A_77 = arith.constant 0 : i32
    %while3A_78 = arith.constant 0 : i32
    %while3A_79 = arith.subi %select_n3A_69, %while3A_77 : i32
    %while3A_80 = arith.addi %while3A_77, %while3A_79 : i32
    %while3A_81 = arith.constant 1 : i32
    %while3A_82 = arith.divsi %while3A_79, %while3A_81 : i32
    %while3A_83 = arith.muli %while3A_82, %while3A_81 : i32
    %while3A_84 = arith.addi %while3A_77, %while3A_83 : i32
    %while3A_85 = arith.constant 1 : i32
    %while3A_86 = scf.for %while3A_118 = %while3A_77 to %while3A_84 step %while3A_85 iter_args(%while3A_119 = %while3A_78) -> (i32)  : i32 {
      %mul3A_120 = arith.constant 2 : i32
      %mul3A_121 = arith.muli %mul3A_120, %while3A_118 : i32
      %dma_wait3A = arith.constant 0 : i32
      %dma_wait3A_122 = tpu.memref_slice %arg7[%mul3A_121, %dma_wait3A] : memref<32x128xi32, #tpu.memory_space<vmem>> -> memref<1x128xi32, #tpu.memory_space<vmem>>
      %dma_wait3A_123 = tpu.memref_squeeze %dma_wait3A_122 : memref<1x128xi32, #tpu.memory_space<vmem>> -> memref<128xi32, #tpu.memory_space<vmem>>
      %dma_wait3A_124 = arith.constant 0 : i32
      %dma_wait3A_125 = arith.constant 0 : i32
      %dma_wait3A_126 = tpu.memref_slice %arg2[%dma_wait3A_124, %dma_wait3A_125] : memref<10240x128xf32, #tpu.memory_space<hbm>> -> memref<10240x128xf32, #tpu.memory_space<hbm>>
      tpu.wait_indirect_dma semaphore(%arg12 : memref<!tpu.dma_semaphore, #tpu.memory_space<semaphore_mem>>) src(%dma_wait3A_126 : memref<10240x128xf32, #tpu.memory_space<hbm>>) dst(%arg9 : memref<128x128xf32, #tpu.memory_space<vmem>>)
      "tpu.region"() ({
        %run_scoped3A_147 = tpu.sem_alloc : memref<!tpu.dma_semaphore, #tpu.memory_space<semaphore_mem>>
        %dma_start3A = arith.constant 0 : i32
        %dma_start3A_148 = tpu.memref_slice %arg8[%mul3A_121, %dma_start3A] : memref<32x128xi32, #tpu.memory_space<vmem>> -> memref<1x128xi32, #tpu.memory_space<vmem>>
        %dma_start3A_149 = tpu.memref_squeeze %dma_start3A_148 : memref<1x128xi32, #tpu.memory_space<vmem>> -> memref<128xi32, #tpu.memory_space<vmem>>
        %dma_start3A_150 = arith.constant 0 : i32
        %dma_start3A_151 = arith.constant 0 : i32
        %dma_start3A_152 = tpu.memref_slice %arg11[%dma_start3A_150, %dma_start3A_151] : memref<10240x128xf32, #tpu.memory_space<vmem_shared>> -> memref<10240x128xf32, #tpu.memory_space<vmem_shared>>
        tpu.enqueue_indirect_dma source(%arg9 : memref<128x128xf32, #tpu.memory_space<vmem>>) target(%dma_start3A_152 : memref<10240x128xf32, #tpu.memory_space<vmem_shared>>) offsets(%dma_start3A_149 : memref<128xi32, #tpu.memory_space<vmem>>) semaphore(%run_scoped3A_147 : memref<!tpu.dma_semaphore, #tpu.memory_space<semaphore_mem>>) {add = true}
        %dma_wait3A_153 = arith.constant 0 : i32
        %dma_wait3A_154 = tpu.memref_slice %arg8[%mul3A_121, %dma_wait3A_153] : memref<32x128xi32, #tpu.memory_space<vmem>> -> memref<1x128xi32, #tpu.memory_space<vmem>>
        %dma_wait3A_155 = tpu.memref_squeeze %dma_wait3A_154 : memref<1x128xi32, #tpu.memory_space<vmem>> -> memref<128xi32, #tpu.memory_space<vmem>>
        %dma_wait3A_156 = arith.constant 0 : i32
        %dma_wait3A_157 = arith.constant 0 : i32
        %dma_wait3A_158 = tpu.memref_slice %arg11[%dma_wait3A_156, %dma_wait3A_157] : memref<10240x128xf32, #tpu.memory_space<vmem_shared>> -> memref<10240x128xf32, #tpu.memory_space<vmem_shared>>
        tpu.wait_indirect_dma semaphore(%run_scoped3A_147 : memref<!tpu.dma_semaphore, #tpu.memory_space<semaphore_mem>>) src(%arg9 : memref<128x128xf32, #tpu.memory_space<vmem>>) dst(%dma_wait3A_158 : memref<10240x128xf32, #tpu.memory_space<vmem_shared>>)
        tpu.yield
      }) : () -> ()
      %sub3A = arith.constant 1 : i32
      %sub3A_127 = arith.subi %select_n3A_69, %sub3A : i32
      %lt3A = arith.cmpi slt, %while3A_118, %sub3A_127 : i32
      %convert_element_type3A_128 = arith.extui %lt3A : i1 to i32
      %cond3A_129 = arith.constant 0 : i32
      %cond3A_130 = arith.cmpi ne, %convert_element_type3A_128, %cond3A_129 : i32
      scf.if %cond3A_130 {
        %add3A_147 = arith.constant 2 : i32
        %add3A_148 = arith.addi %mul3A_121, %add3A_147 : i32
        %dma_start3A = arith.constant 0 : i32
        %dma_start3A_149 = tpu.memref_slice %arg7[%add3A_148, %dma_start3A] : memref<32x128xi32, #tpu.memory_space<vmem>> -> memref<1x128xi32, #tpu.memory_space<vmem>>
        %dma_start3A_150 = tpu.memref_squeeze %dma_start3A_149 : memref<1x128xi32, #tpu.memory_space<vmem>> -> memref<128xi32, #tpu.memory_space<vmem>>
        %dma_start3A_151 = arith.constant 0 : i32
        %dma_start3A_152 = arith.constant 0 : i32
        %dma_start3A_153 = tpu.memref_slice %arg2[%dma_start3A_151, %dma_start3A_152] : memref<10240x128xf32, #tpu.memory_space<hbm>> -> memref<10240x128xf32, #tpu.memory_space<hbm>>
        tpu.enqueue_indirect_dma source(%dma_start3A_153 : memref<10240x128xf32, #tpu.memory_space<hbm>>) target(%arg9 : memref<128x128xf32, #tpu.memory_space<vmem>>) offsets(%dma_start3A_150 : memref<128xi32, #tpu.memory_space<vmem>>) semaphore(%arg12 : memref<!tpu.dma_semaphore, #tpu.memory_space<semaphore_mem>>)
      } else {
      }
      %add3A = arith.constant 1 : i32
      %add3A_131 = arith.addi %mul3A_121, %add3A : i32
      %dma_wait3A_132 = arith.constant 0 : i32
      %dma_wait3A_133 = tpu.memref_slice %arg7[%add3A_131, %dma_wait3A_132] : memref<32x128xi32, #tpu.memory_space<vmem>> -> memref<1x128xi32, #tpu.memory_space<vmem>>
      %dma_wait3A_134 = tpu.memref_squeeze %dma_wait3A_133 : memref<1x128xi32, #tpu.memory_space<vmem>> -> memref<128xi32, #tpu.memory_space<vmem>>
      %dma_wait3A_135 = arith.constant 0 : i32
      %dma_wait3A_136 = arith.constant 0 : i32
      %dma_wait3A_137 = tpu.memref_slice %arg2[%dma_wait3A_135, %dma_wait3A_136] : memref<10240x128xf32, #tpu.memory_space<hbm>> -> memref<10240x128xf32, #tpu.memory_space<hbm>>
      tpu.wait_indirect_dma semaphore(%arg13 : memref<!tpu.dma_semaphore, #tpu.memory_space<semaphore_mem>>) src(%dma_wait3A_137 : memref<10240x128xf32, #tpu.memory_space<hbm>>) dst(%arg10 : memref<128x128xf32, #tpu.memory_space<vmem>>)
      %add3A_138 = arith.constant 1 : i32
      %add3A_139 = arith.addi %mul3A_121, %add3A_138 : i32
      "tpu.region"() ({
        %run_scoped3A_147 = tpu.sem_alloc : memref<!tpu.dma_semaphore, #tpu.memory_space<semaphore_mem>>
        %dma_start3A = arith.constant 0 : i32
        %dma_start3A_148 = tpu.memref_slice %arg8[%add3A_139, %dma_start3A] : memref<32x128xi32, #tpu.memory_space<vmem>> -> memref<1x128xi32, #tpu.memory_space<vmem>>
        %dma_start3A_149 = tpu.memref_squeeze %dma_start3A_148 : memref<1x128xi32, #tpu.memory_space<vmem>> -> memref<128xi32, #tpu.memory_space<vmem>>
        %dma_start3A_150 = arith.constant 0 : i32
        %dma_start3A_151 = arith.constant 0 : i32
        %dma_start3A_152 = tpu.memref_slice %arg11[%dma_start3A_150, %dma_start3A_151] : memref<10240x128xf32, #tpu.memory_space<vmem_shared>> -> memref<10240x128xf32, #tpu.memory_space<vmem_shared>>
        tpu.enqueue_indirect_dma source(%arg10 : memref<128x128xf32, #tpu.memory_space<vmem>>) target(%dma_start3A_152 : memref<10240x128xf32, #tpu.memory_space<vmem_shared>>) offsets(%dma_start3A_149 : memref<128xi32, #tpu.memory_space<vmem>>) semaphore(%run_scoped3A_147 : memref<!tpu.dma_semaphore, #tpu.memory_space<semaphore_mem>>) {add = true}
        %dma_wait3A_153 = arith.constant 0 : i32
        %dma_wait3A_154 = tpu.memref_slice %arg8[%add3A_139, %dma_wait3A_153] : memref<32x128xi32, #tpu.memory_space<vmem>> -> memref<1x128xi32, #tpu.memory_space<vmem>>
        %dma_wait3A_155 = tpu.memref_squeeze %dma_wait3A_154 : memref<1x128xi32, #tpu.memory_space<vmem>> -> memref<128xi32, #tpu.memory_space<vmem>>
        %dma_wait3A_156 = arith.constant 0 : i32
        %dma_wait3A_157 = arith.constant 0 : i32
        %dma_wait3A_158 = tpu.memref_slice %arg11[%dma_wait3A_156, %dma_wait3A_157] : memref<10240x128xf32, #tpu.memory_space<vmem_shared>> -> memref<10240x128xf32, #tpu.memory_space<vmem_shared>>
        tpu.wait_indirect_dma semaphore(%run_scoped3A_147 : memref<!tpu.dma_semaphore, #tpu.memory_space<semaphore_mem>>) src(%arg10 : memref<128x128xf32, #tpu.memory_space<vmem>>) dst(%dma_wait3A_158 : memref<10240x128xf32, #tpu.memory_space<vmem_shared>>)
        tpu.yield
      }) : () -> ()
      %sub3A_140 = arith.constant 1 : i32
      %sub3A_141 = arith.subi %select_n3A_69, %sub3A_140 : i32
      %lt3A_142 = arith.cmpi slt, %while3A_118, %sub3A_141 : i32
      %convert_element_type3A_143 = arith.extui %lt3A_142 : i1 to i32
      %cond3A_144 = arith.constant 0 : i32
      %cond3A_145 = arith.cmpi ne, %convert_element_type3A_143, %cond3A_144 : i32
      scf.if %cond3A_145 {
        %add3A_147 = arith.constant 3 : i32
        %add3A_148 = arith.addi %mul3A_121, %add3A_147 : i32
        %dma_start3A = arith.constant 0 : i32
        %dma_start3A_149 = tpu.memref_slice %arg7[%add3A_148, %dma_start3A] : memref<32x128xi32, #tpu.memory_space<vmem>> -> memref<1x128xi32, #tpu.memory_space<vmem>>
        %dma_start3A_150 = tpu.memref_squeeze %dma_start3A_149 : memref<1x128xi32, #tpu.memory_space<vmem>> -> memref<128xi32, #tpu.memory_space<vmem>>
        %dma_start3A_151 = arith.constant 0 : i32
        %dma_start3A_152 = arith.constant 0 : i32
        %dma_start3A_153 = tpu.memref_slice %arg2[%dma_start3A_151, %dma_start3A_152] : memref<10240x128xf32, #tpu.memory_space<hbm>> -> memref<10240x128xf32, #tpu.memory_space<hbm>>
        tpu.enqueue_indirect_dma source(%dma_start3A_153 : memref<10240x128xf32, #tpu.memory_space<hbm>>) target(%arg10 : memref<128x128xf32, #tpu.memory_space<vmem>>) offsets(%dma_start3A_150 : memref<128xi32, #tpu.memory_space<vmem>>) semaphore(%arg13 : memref<!tpu.dma_semaphore, #tpu.memory_space<semaphore_mem>>)
      } else {
      }
      %while3A_146 = arith.constant 0 : i32
      scf.yield %while3A_146 : i32
    }
    %while3A_87 = arith.constant 1 : i32
    %while3A_88 = scf.for %while3A_118 = %while3A_84 to %while3A_80 step %while3A_87 iter_args(%while3A_119 = %while3A_86) -> (i32)  : i32 {
      %mul3A_120 = arith.constant 2 : i32
      %mul3A_121 = arith.muli %mul3A_120, %while3A_118 : i32
      %dma_wait3A = arith.constant 0 : i32
      %dma_wait3A_122 = tpu.memref_slice %arg7[%mul3A_121, %dma_wait3A] : memref<32x128xi32, #tpu.memory_space<vmem>> -> memref<1x128xi32, #tpu.memory_space<vmem>>
      %dma_wait3A_123 = tpu.memref_squeeze %dma_wait3A_122 : memref<1x128xi32, #tpu.memory_space<vmem>> -> memref<128xi32, #tpu.memory_space<vmem>>
      %dma_wait3A_124 = arith.constant 0 : i32
      %dma_wait3A_125 = arith.constant 0 : i32
      %dma_wait3A_126 = tpu.memref_slice %arg2[%dma_wait3A_124, %dma_wait3A_125] : memref<10240x128xf32, #tpu.memory_space<hbm>> -> memref<10240x128xf32, #tpu.memory_space<hbm>>
      tpu.wait_indirect_dma semaphore(%arg12 : memref<!tpu.dma_semaphore, #tpu.memory_space<semaphore_mem>>) src(%dma_wait3A_126 : memref<10240x128xf32, #tpu.memory_space<hbm>>) dst(%arg9 : memref<128x128xf32, #tpu.memory_space<vmem>>)
      "tpu.region"() ({
        %run_scoped3A_147 = tpu.sem_alloc : memref<!tpu.dma_semaphore, #tpu.memory_space<semaphore_mem>>
        %dma_start3A = arith.constant 0 : i32
        %dma_start3A_148 = tpu.memref_slice %arg8[%mul3A_121, %dma_start3A] : memref<32x128xi32, #tpu.memory_space<vmem>> -> memref<1x128xi32, #tpu.memory_space<vmem>>
        %dma_start3A_149 = tpu.memref_squeeze %dma_start3A_148 : memref<1x128xi32, #tpu.memory_space<vmem>> -> memref<128xi32, #tpu.memory_space<vmem>>
        %dma_start3A_150 = arith.constant 0 : i32
        %dma_start3A_151 = arith.constant 0 : i32
        %dma_start3A_152 = tpu.memref_slice %arg11[%dma_start3A_150, %dma_start3A_151] : memref<10240x128xf32, #tpu.memory_space<vmem_shared>> -> memref<10240x128xf32, #tpu.memory_space<vmem_shared>>
        tpu.enqueue_indirect_dma source(%arg9 : memref<128x128xf32, #tpu.memory_space<vmem>>) target(%dma_start3A_152 : memref<10240x128xf32, #tpu.memory_space<vmem_shared>>) offsets(%dma_start3A_149 : memref<128xi32, #tpu.memory_space<vmem>>) semaphore(%run_scoped3A_147 : memref<!tpu.dma_semaphore, #tpu.memory_space<semaphore_mem>>) {add = true}
        %dma_wait3A_153 = arith.constant 0 : i32
        %dma_wait3A_154 = tpu.memref_slice %arg8[%mul3A_121, %dma_wait3A_153] : memref<32x128xi32, #tpu.memory_space<vmem>> -> memref<1x128xi32, #tpu.memory_space<vmem>>
        %dma_wait3A_155 = tpu.memref_squeeze %dma_wait3A_154 : memref<1x128xi32, #tpu.memory_space<vmem>> -> memref<128xi32, #tpu.memory_space<vmem>>
        %dma_wait3A_156 = arith.constant 0 : i32
        %dma_wait3A_157 = arith.constant 0 : i32
        %dma_wait3A_158 = tpu.memref_slice %arg11[%dma_wait3A_156, %dma_wait3A_157] : memref<10240x128xf32, #tpu.memory_space<vmem_shared>> -> memref<10240x128xf32, #tpu.memory_space<vmem_shared>>
        tpu.wait_indirect_dma semaphore(%run_scoped3A_147 : memref<!tpu.dma_semaphore, #tpu.memory_space<semaphore_mem>>) src(%arg9 : memref<128x128xf32, #tpu.memory_space<vmem>>) dst(%dma_wait3A_158 : memref<10240x128xf32, #tpu.memory_space<vmem_shared>>)
        tpu.yield
      }) : () -> ()
      %sub3A = arith.constant 1 : i32
      %sub3A_127 = arith.subi %select_n3A_69, %sub3A : i32
      %lt3A = arith.cmpi slt, %while3A_118, %sub3A_127 : i32
      %convert_element_type3A_128 = arith.extui %lt3A : i1 to i32
      %cond3A_129 = arith.constant 0 : i32
      %cond3A_130 = arith.cmpi ne, %convert_element_type3A_128, %cond3A_129 : i32
      scf.if %cond3A_130 {
        %add3A_147 = arith.constant 2 : i32
        %add3A_148 = arith.addi %mul3A_121, %add3A_147 : i32
        %dma_start3A = arith.constant 0 : i32
        %dma_start3A_149 = tpu.memref_slice %arg7[%add3A_148, %dma_start3A] : memref<32x128xi32, #tpu.memory_space<vmem>> -> memref<1x128xi32, #tpu.memory_space<vmem>>
        %dma_start3A_150 = tpu.memref_squeeze %dma_start3A_149 : memref<1x128xi32, #tpu.memory_space<vmem>> -> memref<128xi32, #tpu.memory_space<vmem>>
        %dma_start3A_151 = arith.constant 0 : i32
        %dma_start3A_152 = arith.constant 0 : i32
        %dma_start3A_153 = tpu.memref_slice %arg2[%dma_start3A_151, %dma_start3A_152] : memref<10240x128xf32, #tpu.memory_space<hbm>> -> memref<10240x128xf32, #tpu.memory_space<hbm>>
        tpu.enqueue_indirect_dma source(%dma_start3A_153 : memref<10240x128xf32, #tpu.memory_space<hbm>>) target(%arg9 : memref<128x128xf32, #tpu.memory_space<vmem>>) offsets(%dma_start3A_150 : memref<128xi32, #tpu.memory_space<vmem>>) semaphore(%arg12 : memref<!tpu.dma_semaphore, #tpu.memory_space<semaphore_mem>>)
      } else {
      }
      %add3A = arith.constant 1 : i32
      %add3A_131 = arith.addi %mul3A_121, %add3A : i32
      %dma_wait3A_132 = arith.constant 0 : i32
      %dma_wait3A_133 = tpu.memref_slice %arg7[%add3A_131, %dma_wait3A_132] : memref<32x128xi32, #tpu.memory_space<vmem>> -> memref<1x128xi32, #tpu.memory_space<vmem>>
      %dma_wait3A_134 = tpu.memref_squeeze %dma_wait3A_133 : memref<1x128xi32, #tpu.memory_space<vmem>> -> memref<128xi32, #tpu.memory_space<vmem>>
      %dma_wait3A_135 = arith.constant 0 : i32
      %dma_wait3A_136 = arith.constant 0 : i32
      %dma_wait3A_137 = tpu.memref_slice %arg2[%dma_wait3A_135, %dma_wait3A_136] : memref<10240x128xf32, #tpu.memory_space<hbm>> -> memref<10240x128xf32, #tpu.memory_space<hbm>>
      tpu.wait_indirect_dma semaphore(%arg13 : memref<!tpu.dma_semaphore, #tpu.memory_space<semaphore_mem>>) src(%dma_wait3A_137 : memref<10240x128xf32, #tpu.memory_space<hbm>>) dst(%arg10 : memref<128x128xf32, #tpu.memory_space<vmem>>)
      %add3A_138 = arith.constant 1 : i32
      %add3A_139 = arith.addi %mul3A_121, %add3A_138 : i32
      "tpu.region"() ({
        %run_scoped3A_147 = tpu.sem_alloc : memref<!tpu.dma_semaphore, #tpu.memory_space<semaphore_mem>>
        %dma_start3A = arith.constant 0 : i32
        %dma_start3A_148 = tpu.memref_slice %arg8[%add3A_139, %dma_start3A] : memref<32x128xi32, #tpu.memory_space<vmem>> -> memref<1x128xi32, #tpu.memory_space<vmem>>
        %dma_start3A_149 = tpu.memref_squeeze %dma_start3A_148 : memref<1x128xi32, #tpu.memory_space<vmem>> -> memref<128xi32, #tpu.memory_space<vmem>>
        %dma_start3A_150 = arith.constant 0 : i32
        %dma_start3A_151 = arith.constant 0 : i32
        %dma_start3A_152 = tpu.memref_slice %arg11[%dma_start3A_150, %dma_start3A_151] : memref<10240x128xf32, #tpu.memory_space<vmem_shared>> -> memref<10240x128xf32, #tpu.memory_space<vmem_shared>>
        tpu.enqueue_indirect_dma source(%arg10 : memref<128x128xf32, #tpu.memory_space<vmem>>) target(%dma_start3A_152 : memref<10240x128xf32, #tpu.memory_space<vmem_shared>>) offsets(%dma_start3A_149 : memref<128xi32, #tpu.memory_space<vmem>>) semaphore(%run_scoped3A_147 : memref<!tpu.dma_semaphore, #tpu.memory_space<semaphore_mem>>) {add = true}
        %dma_wait3A_153 = arith.constant 0 : i32
        %dma_wait3A_154 = tpu.memref_slice %arg8[%add3A_139, %dma_wait3A_153] : memref<32x128xi32, #tpu.memory_space<vmem>> -> memref<1x128xi32, #tpu.memory_space<vmem>>
        %dma_wait3A_155 = tpu.memref_squeeze %dma_wait3A_154 : memref<1x128xi32, #tpu.memory_space<vmem>> -> memref<128xi32, #tpu.memory_space<vmem>>
        %dma_wait3A_156 = arith.constant 0 : i32
        %dma_wait3A_157 = arith.constant 0 : i32
        %dma_wait3A_158 = tpu.memref_slice %arg11[%dma_wait3A_156, %dma_wait3A_157] : memref<10240x128xf32, #tpu.memory_space<vmem_shared>> -> memref<10240x128xf32, #tpu.memory_space<vmem_shared>>
        tpu.wait_indirect_dma semaphore(%run_scoped3A_147 : memref<!tpu.dma_semaphore, #tpu.memory_space<semaphore_mem>>) src(%arg10 : memref<128x128xf32, #tpu.memory_space<vmem>>) dst(%dma_wait3A_158 : memref<10240x128xf32, #tpu.memory_space<vmem_shared>>)
        tpu.yield
      }) : () -> ()
      %sub3A_140 = arith.constant 1 : i32
      %sub3A_141 = arith.subi %select_n3A_69, %sub3A_140 : i32
      %lt3A_142 = arith.cmpi slt, %while3A_118, %sub3A_141 : i32
      %convert_element_type3A_143 = arith.extui %lt3A_142 : i1 to i32
      %cond3A_144 = arith.constant 0 : i32
      %cond3A_145 = arith.cmpi ne, %convert_element_type3A_143, %cond3A_144 : i32
      scf.if %cond3A_145 {
        %add3A_147 = arith.constant 3 : i32
        %add3A_148 = arith.addi %mul3A_121, %add3A_147 : i32
        %dma_start3A = arith.constant 0 : i32
        %dma_start3A_149 = tpu.memref_slice %arg7[%add3A_148, %dma_start3A] : memref<32x128xi32, #tpu.memory_space<vmem>> -> memref<1x128xi32, #tpu.memory_space<vmem>>
        %dma_start3A_150 = tpu.memref_squeeze %dma_start3A_149 : memref<1x128xi32, #tpu.memory_space<vmem>> -> memref<128xi32, #tpu.memory_space<vmem>>
        %dma_start3A_151 = arith.constant 0 : i32
        %dma_start3A_152 = arith.constant 0 : i32
        %dma_start3A_153 = tpu.memref_slice %arg2[%dma_start3A_151, %dma_start3A_152] : memref<10240x128xf32, #tpu.memory_space<hbm>> -> memref<10240x128xf32, #tpu.memory_space<hbm>>
        tpu.enqueue_indirect_dma source(%dma_start3A_153 : memref<10240x128xf32, #tpu.memory_space<hbm>>) target(%arg10 : memref<128x128xf32, #tpu.memory_space<vmem>>) offsets(%dma_start3A_150 : memref<128xi32, #tpu.memory_space<vmem>>) semaphore(%arg13 : memref<!tpu.dma_semaphore, #tpu.memory_space<semaphore_mem>>)
      } else {
      }
      %while3A_146 = arith.constant 0 : i32
      scf.yield %while3A_146 : i32
    }
    %eq3A_89 = arith.constant 0 : i32
    %eq3A_90 = arith.cmpi eq, %arg0, %eq3A_89 : i32
    %jit3A_91 = arith.constant 16 : i32
    %jit3A_92 = arith.constant 0 : i32
    %select_n3A_93 = arith.select %eq3A_90, %jit3A_91, %jit3A_92 : i32
    %run_scoped3A_94 = arith.constant 4 : i32
    "tpu.region"() ({
      %run_scoped3A_118 = tpu.sem_alloc : memref<!tpu.dma_semaphore, #tpu.memory_space<semaphore_mem>>
      %dma_start3A = arith.constant 0 : i32
      %dma_start3A_119 = arith.constant 0 : i32
      %dma_start3A_120 = tpu.memref_slice %arg3[%arg1, %run_scoped3A_94, %dma_start3A, %dma_start3A_119] : memref<16x5x32x128xi32, #tpu.memory_space<hbm>> -> memref<1x1x32x128xi32, #tpu.memory_space<hbm>>
      %dma_start3A_121 = tpu.memref_squeeze %dma_start3A_120 : memref<1x1x32x128xi32, #tpu.memory_space<hbm>> -> memref<32x128xi32, #tpu.memory_space<hbm>>
      %dma_start3A_122 = arith.constant 0 : i32
      %dma_start3A_123 = arith.constant 0 : i32
      %dma_start3A_124 = tpu.memref_slice %arg3[%arg1, %run_scoped3A_94, %dma_start3A_122, %dma_start3A_123] : memref<16x5x32x128xi32, #tpu.memory_space<hbm>> -> memref<1x1x32x128xi32, #tpu.memory_space<hbm>>
      %dma_start3A_125 = tpu.memref_squeeze %dma_start3A_124 : memref<1x1x32x128xi32, #tpu.memory_space<hbm>> -> memref<32x128xi32, #tpu.memory_space<hbm>>
      tpu.enqueue_dma source(%dma_start3A_125 : memref<32x128xi32, #tpu.memory_space<hbm>>) target(%arg7 : memref<32x128xi32, #tpu.memory_space<vmem>>) target_semaphore(%run_scoped3A_118 : memref<!tpu.dma_semaphore, #tpu.memory_space<semaphore_mem>>)
      %dma_wait3A = arith.constant 0 : i32
      %dma_wait3A_126 = arith.constant 0 : i32
      %dma_wait3A_127 = tpu.memref_slice %arg3[%arg1, %run_scoped3A_94, %dma_wait3A, %dma_wait3A_126] : memref<16x5x32x128xi32, #tpu.memory_space<hbm>> -> memref<1x1x32x128xi32, #tpu.memory_space<hbm>>
      %dma_wait3A_128 = tpu.memref_squeeze %dma_wait3A_127 : memref<1x1x32x128xi32, #tpu.memory_space<hbm>> -> memref<32x128xi32, #tpu.memory_space<hbm>>
      %dma_wait3A_129 = arith.constant 0 : i32
      %dma_wait3A_130 = arith.constant 0 : i32
      %dma_wait3A_131 = tpu.memref_slice %arg3[%arg1, %run_scoped3A_94, %dma_wait3A_129, %dma_wait3A_130] : memref<16x5x32x128xi32, #tpu.memory_space<hbm>> -> memref<1x1x32x128xi32, #tpu.memory_space<hbm>>
      %dma_wait3A_132 = tpu.memref_squeeze %dma_wait3A_131 : memref<1x1x32x128xi32, #tpu.memory_space<hbm>> -> memref<32x128xi32, #tpu.memory_space<hbm>>
      tpu.wait_dma2 semaphore(%run_scoped3A_118 : memref<!tpu.dma_semaphore, #tpu.memory_space<semaphore_mem>>) src(%dma_wait3A_132 : memref<32x128xi32, #tpu.memory_space<hbm>>) dst(%arg7 : memref<32x128xi32, #tpu.memory_space<vmem>>)
      tpu.yield
    }) : () -> ()
    %run_scoped3A_95 = arith.constant 4 : i32
    "tpu.region"() ({
      %run_scoped3A_118 = tpu.sem_alloc : memref<!tpu.dma_semaphore, #tpu.memory_space<semaphore_mem>>
      %dma_start3A = arith.constant 0 : i32
      %dma_start3A_119 = arith.constant 0 : i32
      %dma_start3A_120 = tpu.memref_slice %arg4[%arg1, %run_scoped3A_95, %dma_start3A, %dma_start3A_119] : memref<16x5x32x128xi32, #tpu.memory_space<hbm>> -> memref<1x1x32x128xi32, #tpu.memory_space<hbm>>
      %dma_start3A_121 = tpu.memref_squeeze %dma_start3A_120 : memref<1x1x32x128xi32, #tpu.memory_space<hbm>> -> memref<32x128xi32, #tpu.memory_space<hbm>>
      %dma_start3A_122 = arith.constant 0 : i32
      %dma_start3A_123 = arith.constant 0 : i32
      %dma_start3A_124 = tpu.memref_slice %arg4[%arg1, %run_scoped3A_95, %dma_start3A_122, %dma_start3A_123] : memref<16x5x32x128xi32, #tpu.memory_space<hbm>> -> memref<1x1x32x128xi32, #tpu.memory_space<hbm>>
      %dma_start3A_125 = tpu.memref_squeeze %dma_start3A_124 : memref<1x1x32x128xi32, #tpu.memory_space<hbm>> -> memref<32x128xi32, #tpu.memory_space<hbm>>
      tpu.enqueue_dma source(%dma_start3A_125 : memref<32x128xi32, #tpu.memory_space<hbm>>) target(%arg8 : memref<32x128xi32, #tpu.memory_space<vmem>>) target_semaphore(%run_scoped3A_118 : memref<!tpu.dma_semaphore, #tpu.memory_space<semaphore_mem>>)
      %dma_wait3A = arith.constant 0 : i32
      %dma_wait3A_126 = arith.constant 0 : i32
      %dma_wait3A_127 = tpu.memref_slice %arg4[%arg1, %run_scoped3A_95, %dma_wait3A, %dma_wait3A_126] : memref<16x5x32x128xi32, #tpu.memory_space<hbm>> -> memref<1x1x32x128xi32, #tpu.memory_space<hbm>>
      %dma_wait3A_128 = tpu.memref_squeeze %dma_wait3A_127 : memref<1x1x32x128xi32, #tpu.memory_space<hbm>> -> memref<32x128xi32, #tpu.memory_space<hbm>>
      %dma_wait3A_129 = arith.constant 0 : i32
      %dma_wait3A_130 = arith.constant 0 : i32
      %dma_wait3A_131 = tpu.memref_slice %arg4[%arg1, %run_scoped3A_95, %dma_wait3A_129, %dma_wait3A_130] : memref<16x5x32x128xi32, #tpu.memory_space<hbm>> -> memref<1x1x32x128xi32, #tpu.memory_space<hbm>>
      %dma_wait3A_132 = tpu.memref_squeeze %dma_wait3A_131 : memref<1x1x32x128xi32, #tpu.memory_space<hbm>> -> memref<32x128xi32, #tpu.memory_space<hbm>>
      tpu.wait_dma2 semaphore(%run_scoped3A_118 : memref<!tpu.dma_semaphore, #tpu.memory_space<semaphore_mem>>) src(%dma_wait3A_132 : memref<32x128xi32, #tpu.memory_space<hbm>>) dst(%arg8 : memref<32x128xi32, #tpu.memory_space<vmem>>)
      tpu.yield
    }) : () -> ()
    %gt3A_96 = arith.constant 0 : i32
    %gt3A_97 = arith.cmpi sgt, %select_n3A_93, %gt3A_96 : i32
    %convert_element_type3A_98 = arith.extui %gt3A_97 : i1 to i32
    %cond3A_99 = arith.constant 0 : i32
    %cond3A_100 = arith.cmpi ne, %convert_element_type3A_98, %cond3A_99 : i32
    scf.if %cond3A_100 {
      %dma_start3A = arith.constant 0 : i32
      %dma_start3A_118 = arith.constant 0 : i32
      %dma_start3A_119 = tpu.memref_slice %arg7[%dma_start3A, %dma_start3A_118] : memref<32x128xi32, #tpu.memory_space<vmem>> -> memref<1x128xi32, #tpu.memory_space<vmem>>
      %dma_start3A_120 = tpu.memref_squeeze %dma_start3A_119 : memref<1x128xi32, #tpu.memory_space<vmem>> -> memref<128xi32, #tpu.memory_space<vmem>>
      %dma_start3A_121 = arith.constant 0 : i32
      %dma_start3A_122 = arith.constant 0 : i32
      %dma_start3A_123 = tpu.memref_slice %arg2[%dma_start3A_121, %dma_start3A_122] : memref<10240x128xf32, #tpu.memory_space<hbm>> -> memref<10240x128xf32, #tpu.memory_space<hbm>>
      tpu.enqueue_indirect_dma source(%dma_start3A_123 : memref<10240x128xf32, #tpu.memory_space<hbm>>) target(%arg9 : memref<128x128xf32, #tpu.memory_space<vmem>>) offsets(%dma_start3A_120 : memref<128xi32, #tpu.memory_space<vmem>>) semaphore(%arg12 : memref<!tpu.dma_semaphore, #tpu.memory_space<semaphore_mem>>)
      %dma_start3A_124 = arith.constant 1 : i32
      %dma_start3A_125 = arith.constant 0 : i32
      %dma_start3A_126 = tpu.memref_slice %arg7[%dma_start3A_124, %dma_start3A_125] : memref<32x128xi32, #tpu.memory_space<vmem>> -> memref<1x128xi32, #tpu.memory_space<vmem>>
      %dma_start3A_127 = tpu.memref_squeeze %dma_start3A_126 : memref<1x128xi32, #tpu.memory_space<vmem>> -> memref<128xi32, #tpu.memory_space<vmem>>
      %dma_start3A_128 = arith.constant 0 : i32
      %dma_start3A_129 = arith.constant 0 : i32
      %dma_start3A_130 = tpu.memref_slice %arg2[%dma_start3A_128, %dma_start3A_129] : memref<10240x128xf32, #tpu.memory_space<hbm>> -> memref<10240x128xf32, #tpu.memory_space<hbm>>
      tpu.enqueue_indirect_dma source(%dma_start3A_130 : memref<10240x128xf32, #tpu.memory_space<hbm>>) target(%arg10 : memref<128x128xf32, #tpu.memory_space<vmem>>) offsets(%dma_start3A_127 : memref<128xi32, #tpu.memory_space<vmem>>) semaphore(%arg13 : memref<!tpu.dma_semaphore, #tpu.memory_space<semaphore_mem>>)
    } else {
    }
    %while3A_101 = arith.constant 0 : i32
    %while3A_102 = arith.constant 0 : i32
    %while3A_103 = arith.subi %select_n3A_93, %while3A_101 : i32
    %while3A_104 = arith.addi %while3A_101, %while3A_103 : i32
    %while3A_105 = arith.constant 1 : i32
    %while3A_106 = arith.divsi %while3A_103, %while3A_105 : i32
    %while3A_107 = arith.muli %while3A_106, %while3A_105 : i32
    %while3A_108 = arith.addi %while3A_101, %while3A_107 : i32
    %while3A_109 = arith.constant 1 : i32
    %while3A_110 = scf.for %while3A_118 = %while3A_101 to %while3A_108 step %while3A_109 iter_args(%while3A_119 = %while3A_102) -> (i32)  : i32 {
      %mul3A_120 = arith.constant 2 : i32
      %mul3A_121 = arith.muli %mul3A_120, %while3A_118 : i32
      %dma_wait3A = arith.constant 0 : i32
      %dma_wait3A_122 = tpu.memref_slice %arg7[%mul3A_121, %dma_wait3A] : memref<32x128xi32, #tpu.memory_space<vmem>> -> memref<1x128xi32, #tpu.memory_space<vmem>>
      %dma_wait3A_123 = tpu.memref_squeeze %dma_wait3A_122 : memref<1x128xi32, #tpu.memory_space<vmem>> -> memref<128xi32, #tpu.memory_space<vmem>>
      %dma_wait3A_124 = arith.constant 0 : i32
      %dma_wait3A_125 = arith.constant 0 : i32
      %dma_wait3A_126 = tpu.memref_slice %arg2[%dma_wait3A_124, %dma_wait3A_125] : memref<10240x128xf32, #tpu.memory_space<hbm>> -> memref<10240x128xf32, #tpu.memory_space<hbm>>
      tpu.wait_indirect_dma semaphore(%arg12 : memref<!tpu.dma_semaphore, #tpu.memory_space<semaphore_mem>>) src(%dma_wait3A_126 : memref<10240x128xf32, #tpu.memory_space<hbm>>) dst(%arg9 : memref<128x128xf32, #tpu.memory_space<vmem>>)
      "tpu.region"() ({
        %run_scoped3A_147 = tpu.sem_alloc : memref<!tpu.dma_semaphore, #tpu.memory_space<semaphore_mem>>
        %dma_start3A = arith.constant 0 : i32
        %dma_start3A_148 = tpu.memref_slice %arg8[%mul3A_121, %dma_start3A] : memref<32x128xi32, #tpu.memory_space<vmem>> -> memref<1x128xi32, #tpu.memory_space<vmem>>
        %dma_start3A_149 = tpu.memref_squeeze %dma_start3A_148 : memref<1x128xi32, #tpu.memory_space<vmem>> -> memref<128xi32, #tpu.memory_space<vmem>>
        %dma_start3A_150 = arith.constant 0 : i32
        %dma_start3A_151 = arith.constant 0 : i32
        %dma_start3A_152 = tpu.memref_slice %arg11[%dma_start3A_150, %dma_start3A_151] : memref<10240x128xf32, #tpu.memory_space<vmem_shared>> -> memref<10240x128xf32, #tpu.memory_space<vmem_shared>>
        tpu.enqueue_indirect_dma source(%arg9 : memref<128x128xf32, #tpu.memory_space<vmem>>) target(%dma_start3A_152 : memref<10240x128xf32, #tpu.memory_space<vmem_shared>>) offsets(%dma_start3A_149 : memref<128xi32, #tpu.memory_space<vmem>>) semaphore(%run_scoped3A_147 : memref<!tpu.dma_semaphore, #tpu.memory_space<semaphore_mem>>) {add = true}
        %dma_wait3A_153 = arith.constant 0 : i32
        %dma_wait3A_154 = tpu.memref_slice %arg8[%mul3A_121, %dma_wait3A_153] : memref<32x128xi32, #tpu.memory_space<vmem>> -> memref<1x128xi32, #tpu.memory_space<vmem>>
        %dma_wait3A_155 = tpu.memref_squeeze %dma_wait3A_154 : memref<1x128xi32, #tpu.memory_space<vmem>> -> memref<128xi32, #tpu.memory_space<vmem>>
        %dma_wait3A_156 = arith.constant 0 : i32
        %dma_wait3A_157 = arith.constant 0 : i32
        %dma_wait3A_158 = tpu.memref_slice %arg11[%dma_wait3A_156, %dma_wait3A_157] : memref<10240x128xf32, #tpu.memory_space<vmem_shared>> -> memref<10240x128xf32, #tpu.memory_space<vmem_shared>>
        tpu.wait_indirect_dma semaphore(%run_scoped3A_147 : memref<!tpu.dma_semaphore, #tpu.memory_space<semaphore_mem>>) src(%arg9 : memref<128x128xf32, #tpu.memory_space<vmem>>) dst(%dma_wait3A_158 : memref<10240x128xf32, #tpu.memory_space<vmem_shared>>)
        tpu.yield
      }) : () -> ()
      %sub3A = arith.constant 1 : i32
      %sub3A_127 = arith.subi %select_n3A_93, %sub3A : i32
      %lt3A = arith.cmpi slt, %while3A_118, %sub3A_127 : i32
      %convert_element_type3A_128 = arith.extui %lt3A : i1 to i32
      %cond3A_129 = arith.constant 0 : i32
      %cond3A_130 = arith.cmpi ne, %convert_element_type3A_128, %cond3A_129 : i32
      scf.if %cond3A_130 {
        %add3A_147 = arith.constant 2 : i32
        %add3A_148 = arith.addi %mul3A_121, %add3A_147 : i32
        %dma_start3A = arith.constant 0 : i32
        %dma_start3A_149 = tpu.memref_slice %arg7[%add3A_148, %dma_start3A] : memref<32x128xi32, #tpu.memory_space<vmem>> -> memref<1x128xi32, #tpu.memory_space<vmem>>
        %dma_start3A_150 = tpu.memref_squeeze %dma_start3A_149 : memref<1x128xi32, #tpu.memory_space<vmem>> -> memref<128xi32, #tpu.memory_space<vmem>>
        %dma_start3A_151 = arith.constant 0 : i32
        %dma_start3A_152 = arith.constant 0 : i32
        %dma_start3A_153 = tpu.memref_slice %arg2[%dma_start3A_151, %dma_start3A_152] : memref<10240x128xf32, #tpu.memory_space<hbm>> -> memref<10240x128xf32, #tpu.memory_space<hbm>>
        tpu.enqueue_indirect_dma source(%dma_start3A_153 : memref<10240x128xf32, #tpu.memory_space<hbm>>) target(%arg9 : memref<128x128xf32, #tpu.memory_space<vmem>>) offsets(%dma_start3A_150 : memref<128xi32, #tpu.memory_space<vmem>>) semaphore(%arg12 : memref<!tpu.dma_semaphore, #tpu.memory_space<semaphore_mem>>)
      } else {
      }
      %add3A = arith.constant 1 : i32
      %add3A_131 = arith.addi %mul3A_121, %add3A : i32
      %dma_wait3A_132 = arith.constant 0 : i32
      %dma_wait3A_133 = tpu.memref_slice %arg7[%add3A_131, %dma_wait3A_132] : memref<32x128xi32, #tpu.memory_space<vmem>> -> memref<1x128xi32, #tpu.memory_space<vmem>>
      %dma_wait3A_134 = tpu.memref_squeeze %dma_wait3A_133 : memref<1x128xi32, #tpu.memory_space<vmem>> -> memref<128xi32, #tpu.memory_space<vmem>>
      %dma_wait3A_135 = arith.constant 0 : i32
      %dma_wait3A_136 = arith.constant 0 : i32
      %dma_wait3A_137 = tpu.memref_slice %arg2[%dma_wait3A_135, %dma_wait3A_136] : memref<10240x128xf32, #tpu.memory_space<hbm>> -> memref<10240x128xf32, #tpu.memory_space<hbm>>
      tpu.wait_indirect_dma semaphore(%arg13 : memref<!tpu.dma_semaphore, #tpu.memory_space<semaphore_mem>>) src(%dma_wait3A_137 : memref<10240x128xf32, #tpu.memory_space<hbm>>) dst(%arg10 : memref<128x128xf32, #tpu.memory_space<vmem>>)
      %add3A_138 = arith.constant 1 : i32
      %add3A_139 = arith.addi %mul3A_121, %add3A_138 : i32
      "tpu.region"() ({
        %run_scoped3A_147 = tpu.sem_alloc : memref<!tpu.dma_semaphore, #tpu.memory_space<semaphore_mem>>
        %dma_start3A = arith.constant 0 : i32
        %dma_start3A_148 = tpu.memref_slice %arg8[%add3A_139, %dma_start3A] : memref<32x128xi32, #tpu.memory_space<vmem>> -> memref<1x128xi32, #tpu.memory_space<vmem>>
        %dma_start3A_149 = tpu.memref_squeeze %dma_start3A_148 : memref<1x128xi32, #tpu.memory_space<vmem>> -> memref<128xi32, #tpu.memory_space<vmem>>
        %dma_start3A_150 = arith.constant 0 : i32
        %dma_start3A_151 = arith.constant 0 : i32
        %dma_start3A_152 = tpu.memref_slice %arg11[%dma_start3A_150, %dma_start3A_151] : memref<10240x128xf32, #tpu.memory_space<vmem_shared>> -> memref<10240x128xf32, #tpu.memory_space<vmem_shared>>
        tpu.enqueue_indirect_dma source(%arg10 : memref<128x128xf32, #tpu.memory_space<vmem>>) target(%dma_start3A_152 : memref<10240x128xf32, #tpu.memory_space<vmem_shared>>) offsets(%dma_start3A_149 : memref<128xi32, #tpu.memory_space<vmem>>) semaphore(%run_scoped3A_147 : memref<!tpu.dma_semaphore, #tpu.memory_space<semaphore_mem>>) {add = true}
        %dma_wait3A_153 = arith.constant 0 : i32
        %dma_wait3A_154 = tpu.memref_slice %arg8[%add3A_139, %dma_wait3A_153] : memref<32x128xi32, #tpu.memory_space<vmem>> -> memref<1x128xi32, #tpu.memory_space<vmem>>
        %dma_wait3A_155 = tpu.memref_squeeze %dma_wait3A_154 : memref<1x128xi32, #tpu.memory_space<vmem>> -> memref<128xi32, #tpu.memory_space<vmem>>
        %dma_wait3A_156 = arith.constant 0 : i32
        %dma_wait3A_157 = arith.constant 0 : i32
        %dma_wait3A_158 = tpu.memref_slice %arg11[%dma_wait3A_156, %dma_wait3A_157] : memref<10240x128xf32, #tpu.memory_space<vmem_shared>> -> memref<10240x128xf32, #tpu.memory_space<vmem_shared>>
        tpu.wait_indirect_dma semaphore(%run_scoped3A_147 : memref<!tpu.dma_semaphore, #tpu.memory_space<semaphore_mem>>) src(%arg10 : memref<128x128xf32, #tpu.memory_space<vmem>>) dst(%dma_wait3A_158 : memref<10240x128xf32, #tpu.memory_space<vmem_shared>>)
        tpu.yield
      }) : () -> ()
      %sub3A_140 = arith.constant 1 : i32
      %sub3A_141 = arith.subi %select_n3A_93, %sub3A_140 : i32
      %lt3A_142 = arith.cmpi slt, %while3A_118, %sub3A_141 : i32
      %convert_element_type3A_143 = arith.extui %lt3A_142 : i1 to i32
      %cond3A_144 = arith.constant 0 : i32
      %cond3A_145 = arith.cmpi ne, %convert_element_type3A_143, %cond3A_144 : i32
      scf.if %cond3A_145 {
        %add3A_147 = arith.constant 3 : i32
        %add3A_148 = arith.addi %mul3A_121, %add3A_147 : i32
        %dma_start3A = arith.constant 0 : i32
        %dma_start3A_149 = tpu.memref_slice %arg7[%add3A_148, %dma_start3A] : memref<32x128xi32, #tpu.memory_space<vmem>> -> memref<1x128xi32, #tpu.memory_space<vmem>>
        %dma_start3A_150 = tpu.memref_squeeze %dma_start3A_149 : memref<1x128xi32, #tpu.memory_space<vmem>> -> memref<128xi32, #tpu.memory_space<vmem>>
        %dma_start3A_151 = arith.constant 0 : i32
        %dma_start3A_152 = arith.constant 0 : i32
        %dma_start3A_153 = tpu.memref_slice %arg2[%dma_start3A_151, %dma_start3A_152] : memref<10240x128xf32, #tpu.memory_space<hbm>> -> memref<10240x128xf32, #tpu.memory_space<hbm>>
        tpu.enqueue_indirect_dma source(%dma_start3A_153 : memref<10240x128xf32, #tpu.memory_space<hbm>>) target(%arg10 : memref<128x128xf32, #tpu.memory_space<vmem>>) offsets(%dma_start3A_150 : memref<128xi32, #tpu.memory_space<vmem>>) semaphore(%arg13 : memref<!tpu.dma_semaphore, #tpu.memory_space<semaphore_mem>>)
      } else {
      }
      %while3A_146 = arith.constant 0 : i32
      scf.yield %while3A_146 : i32
    }
    %while3A_111 = arith.constant 1 : i32
    %while3A_112 = scf.for %while3A_118 = %while3A_108 to %while3A_104 step %while3A_111 iter_args(%while3A_119 = %while3A_110) -> (i32)  : i32 {
      %mul3A_120 = arith.constant 2 : i32
      %mul3A_121 = arith.muli %mul3A_120, %while3A_118 : i32
      %dma_wait3A = arith.constant 0 : i32
      %dma_wait3A_122 = tpu.memref_slice %arg7[%mul3A_121, %dma_wait3A] : memref<32x128xi32, #tpu.memory_space<vmem>> -> memref<1x128xi32, #tpu.memory_space<vmem>>
      %dma_wait3A_123 = tpu.memref_squeeze %dma_wait3A_122 : memref<1x128xi32, #tpu.memory_space<vmem>> -> memref<128xi32, #tpu.memory_space<vmem>>
      %dma_wait3A_124 = arith.constant 0 : i32
      %dma_wait3A_125 = arith.constant 0 : i32
      %dma_wait3A_126 = tpu.memref_slice %arg2[%dma_wait3A_124, %dma_wait3A_125] : memref<10240x128xf32, #tpu.memory_space<hbm>> -> memref<10240x128xf32, #tpu.memory_space<hbm>>
      tpu.wait_indirect_dma semaphore(%arg12 : memref<!tpu.dma_semaphore, #tpu.memory_space<semaphore_mem>>) src(%dma_wait3A_126 : memref<10240x128xf32, #tpu.memory_space<hbm>>) dst(%arg9 : memref<128x128xf32, #tpu.memory_space<vmem>>)
      "tpu.region"() ({
        %run_scoped3A_147 = tpu.sem_alloc : memref<!tpu.dma_semaphore, #tpu.memory_space<semaphore_mem>>
        %dma_start3A = arith.constant 0 : i32
        %dma_start3A_148 = tpu.memref_slice %arg8[%mul3A_121, %dma_start3A] : memref<32x128xi32, #tpu.memory_space<vmem>> -> memref<1x128xi32, #tpu.memory_space<vmem>>
        %dma_start3A_149 = tpu.memref_squeeze %dma_start3A_148 : memref<1x128xi32, #tpu.memory_space<vmem>> -> memref<128xi32, #tpu.memory_space<vmem>>
        %dma_start3A_150 = arith.constant 0 : i32
        %dma_start3A_151 = arith.constant 0 : i32
        %dma_start3A_152 = tpu.memref_slice %arg11[%dma_start3A_150, %dma_start3A_151] : memref<10240x128xf32, #tpu.memory_space<vmem_shared>> -> memref<10240x128xf32, #tpu.memory_space<vmem_shared>>
        tpu.enqueue_indirect_dma source(%arg9 : memref<128x128xf32, #tpu.memory_space<vmem>>) target(%dma_start3A_152 : memref<10240x128xf32, #tpu.memory_space<vmem_shared>>) offsets(%dma_start3A_149 : memref<128xi32, #tpu.memory_space<vmem>>) semaphore(%run_scoped3A_147 : memref<!tpu.dma_semaphore, #tpu.memory_space<semaphore_mem>>) {add = true}
        %dma_wait3A_153 = arith.constant 0 : i32
        %dma_wait3A_154 = tpu.memref_slice %arg8[%mul3A_121, %dma_wait3A_153] : memref<32x128xi32, #tpu.memory_space<vmem>> -> memref<1x128xi32, #tpu.memory_space<vmem>>
        %dma_wait3A_155 = tpu.memref_squeeze %dma_wait3A_154 : memref<1x128xi32, #tpu.memory_space<vmem>> -> memref<128xi32, #tpu.memory_space<vmem>>
        %dma_wait3A_156 = arith.constant 0 : i32
        %dma_wait3A_157 = arith.constant 0 : i32
        %dma_wait3A_158 = tpu.memref_slice %arg11[%dma_wait3A_156, %dma_wait3A_157] : memref<10240x128xf32, #tpu.memory_space<vmem_shared>> -> memref<10240x128xf32, #tpu.memory_space<vmem_shared>>
        tpu.wait_indirect_dma semaphore(%run_scoped3A_147 : memref<!tpu.dma_semaphore, #tpu.memory_space<semaphore_mem>>) src(%arg9 : memref<128x128xf32, #tpu.memory_space<vmem>>) dst(%dma_wait3A_158 : memref<10240x128xf32, #tpu.memory_space<vmem_shared>>)
        tpu.yield
      }) : () -> ()
      %sub3A = arith.constant 1 : i32
      %sub3A_127 = arith.subi %select_n3A_93, %sub3A : i32
      %lt3A = arith.cmpi slt, %while3A_118, %sub3A_127 : i32
      %convert_element_type3A_128 = arith.extui %lt3A : i1 to i32
      %cond3A_129 = arith.constant 0 : i32
      %cond3A_130 = arith.cmpi ne, %convert_element_type3A_128, %cond3A_129 : i32
      scf.if %cond3A_130 {
        %add3A_147 = arith.constant 2 : i32
        %add3A_148 = arith.addi %mul3A_121, %add3A_147 : i32
        %dma_start3A = arith.constant 0 : i32
        %dma_start3A_149 = tpu.memref_slice %arg7[%add3A_148, %dma_start3A] : memref<32x128xi32, #tpu.memory_space<vmem>> -> memref<1x128xi32, #tpu.memory_space<vmem>>
        %dma_start3A_150 = tpu.memref_squeeze %dma_start3A_149 : memref<1x128xi32, #tpu.memory_space<vmem>> -> memref<128xi32, #tpu.memory_space<vmem>>
        %dma_start3A_151 = arith.constant 0 : i32
        %dma_start3A_152 = arith.constant 0 : i32
        %dma_start3A_153 = tpu.memref_slice %arg2[%dma_start3A_151, %dma_start3A_152] : memref<10240x128xf32, #tpu.memory_space<hbm>> -> memref<10240x128xf32, #tpu.memory_space<hbm>>
        tpu.enqueue_indirect_dma source(%dma_start3A_153 : memref<10240x128xf32, #tpu.memory_space<hbm>>) target(%arg9 : memref<128x128xf32, #tpu.memory_space<vmem>>) offsets(%dma_start3A_150 : memref<128xi32, #tpu.memory_space<vmem>>) semaphore(%arg12 : memref<!tpu.dma_semaphore, #tpu.memory_space<semaphore_mem>>)
      } else {
      }
      %add3A = arith.constant 1 : i32
      %add3A_131 = arith.addi %mul3A_121, %add3A : i32
      %dma_wait3A_132 = arith.constant 0 : i32
      %dma_wait3A_133 = tpu.memref_slice %arg7[%add3A_131, %dma_wait3A_132] : memref<32x128xi32, #tpu.memory_space<vmem>> -> memref<1x128xi32, #tpu.memory_space<vmem>>
      %dma_wait3A_134 = tpu.memref_squeeze %dma_wait3A_133 : memref<1x128xi32, #tpu.memory_space<vmem>> -> memref<128xi32, #tpu.memory_space<vmem>>
      %dma_wait3A_135 = arith.constant 0 : i32
      %dma_wait3A_136 = arith.constant 0 : i32
      %dma_wait3A_137 = tpu.memref_slice %arg2[%dma_wait3A_135, %dma_wait3A_136] : memref<10240x128xf32, #tpu.memory_space<hbm>> -> memref<10240x128xf32, #tpu.memory_space<hbm>>
      tpu.wait_indirect_dma semaphore(%arg13 : memref<!tpu.dma_semaphore, #tpu.memory_space<semaphore_mem>>) src(%dma_wait3A_137 : memref<10240x128xf32, #tpu.memory_space<hbm>>) dst(%arg10 : memref<128x128xf32, #tpu.memory_space<vmem>>)
      %add3A_138 = arith.constant 1 : i32
      %add3A_139 = arith.addi %mul3A_121, %add3A_138 : i32
      "tpu.region"() ({
        %run_scoped3A_147 = tpu.sem_alloc : memref<!tpu.dma_semaphore, #tpu.memory_space<semaphore_mem>>
        %dma_start3A = arith.constant 0 : i32
        %dma_start3A_148 = tpu.memref_slice %arg8[%add3A_139, %dma_start3A] : memref<32x128xi32, #tpu.memory_space<vmem>> -> memref<1x128xi32, #tpu.memory_space<vmem>>
        %dma_start3A_149 = tpu.memref_squeeze %dma_start3A_148 : memref<1x128xi32, #tpu.memory_space<vmem>> -> memref<128xi32, #tpu.memory_space<vmem>>
        %dma_start3A_150 = arith.constant 0 : i32
        %dma_start3A_151 = arith.constant 0 : i32
        %dma_start3A_152 = tpu.memref_slice %arg11[%dma_start3A_150, %dma_start3A_151] : memref<10240x128xf32, #tpu.memory_space<vmem_shared>> -> memref<10240x128xf32, #tpu.memory_space<vmem_shared>>
        tpu.enqueue_indirect_dma source(%arg10 : memref<128x128xf32, #tpu.memory_space<vmem>>) target(%dma_start3A_152 : memref<10240x128xf32, #tpu.memory_space<vmem_shared>>) offsets(%dma_start3A_149 : memref<128xi32, #tpu.memory_space<vmem>>) semaphore(%run_scoped3A_147 : memref<!tpu.dma_semaphore, #tpu.memory_space<semaphore_mem>>) {add = true}
        %dma_wait3A_153 = arith.constant 0 : i32
        %dma_wait3A_154 = tpu.memref_slice %arg8[%add3A_139, %dma_wait3A_153] : memref<32x128xi32, #tpu.memory_space<vmem>> -> memref<1x128xi32, #tpu.memory_space<vmem>>
        %dma_wait3A_155 = tpu.memref_squeeze %dma_wait3A_154 : memref<1x128xi32, #tpu.memory_space<vmem>> -> memref<128xi32, #tpu.memory_space<vmem>>
        %dma_wait3A_156 = arith.constant 0 : i32
        %dma_wait3A_157 = arith.constant 0 : i32
        %dma_wait3A_158 = tpu.memref_slice %arg11[%dma_wait3A_156, %dma_wait3A_157] : memref<10240x128xf32, #tpu.memory_space<vmem_shared>> -> memref<10240x128xf32, #tpu.memory_space<vmem_shared>>
        tpu.wait_indirect_dma semaphore(%run_scoped3A_147 : memref<!tpu.dma_semaphore, #tpu.memory_space<semaphore_mem>>) src(%arg10 : memref<128x128xf32, #tpu.memory_space<vmem>>) dst(%dma_wait3A_158 : memref<10240x128xf32, #tpu.memory_space<vmem_shared>>)
        tpu.yield
      }) : () -> ()
      %sub3A_140 = arith.constant 1 : i32
      %sub3A_141 = arith.subi %select_n3A_93, %sub3A_140 : i32
      %lt3A_142 = arith.cmpi slt, %while3A_118, %sub3A_141 : i32
      %convert_element_type3A_143 = arith.extui %lt3A_142 : i1 to i32
      %cond3A_144 = arith.constant 0 : i32
      %cond3A_145 = arith.cmpi ne, %convert_element_type3A_143, %cond3A_144 : i32
      scf.if %cond3A_145 {
        %add3A_147 = arith.constant 3 : i32
        %add3A_148 = arith.addi %mul3A_121, %add3A_147 : i32
        %dma_start3A = arith.constant 0 : i32
        %dma_start3A_149 = tpu.memref_slice %arg7[%add3A_148, %dma_start3A] : memref<32x128xi32, #tpu.memory_space<vmem>> -> memref<1x128xi32, #tpu.memory_space<vmem>>
        %dma_start3A_150 = tpu.memref_squeeze %dma_start3A_149 : memref<1x128xi32, #tpu.memory_space<vmem>> -> memref<128xi32, #tpu.memory_space<vmem>>
        %dma_start3A_151 = arith.constant 0 : i32
        %dma_start3A_152 = arith.constant 0 : i32
        %dma_start3A_153 = tpu.memref_slice %arg2[%dma_start3A_151, %dma_start3A_152] : memref<10240x128xf32, #tpu.memory_space<hbm>> -> memref<10240x128xf32, #tpu.memory_space<hbm>>
        tpu.enqueue_indirect_dma source(%dma_start3A_153 : memref<10240x128xf32, #tpu.memory_space<hbm>>) target(%arg10 : memref<128x128xf32, #tpu.memory_space<vmem>>) offsets(%dma_start3A_150 : memref<128xi32, #tpu.memory_space<vmem>>) semaphore(%arg13 : memref<!tpu.dma_semaphore, #tpu.memory_space<semaphore_mem>>)
      } else {
      }
      %while3A_146 = arith.constant 0 : i32
      scf.yield %while3A_146 : i32
    }
    %barrier3A_113 = arith.constant 0 : index
    tpu.barrier barrier_id(%barrier3A_113)
    %mul3A_114 = arith.constant 640 : i32
    %mul3A_115 = arith.muli %arg1, %mul3A_114 : i32
    %mul3A_116 = arith.constant 640 : i32
    %mul3A_117 = arith.muli %arg1, %mul3A_116 : i32
    "tpu.region"() ({
      %run_scoped3A_118 = tpu.sem_alloc : memref<!tpu.dma_semaphore, #tpu.memory_space<semaphore_mem>>
      %dma_start3A = arith.constant 0 : i32
      %dma_start3A_119 = tpu.memref_slice %arg6[%arg0, %mul3A_117, %dma_start3A] : memref<2x10240x128xf32, #tpu.memory_space<hbm>> -> memref<1x640x128xf32, #tpu.memory_space<hbm>>
      %dma_start3A_120 = tpu.memref_squeeze %dma_start3A_119 : memref<1x640x128xf32, #tpu.memory_space<hbm>> -> memref<640x128xf32, #tpu.memory_space<hbm>>
      %dma_start3A_121 = arith.constant 0 : i32
      %dma_start3A_122 = tpu.memref_slice %arg11[%mul3A_115, %dma_start3A_121] : memref<10240x128xf32, #tpu.memory_space<vmem_shared>> -> memref<640x128xf32, #tpu.memory_space<vmem_shared>>
      tpu.enqueue_dma source(%dma_start3A_122 : memref<640x128xf32, #tpu.memory_space<vmem_shared>>) target(%dma_start3A_120 : memref<640x128xf32, #tpu.memory_space<hbm>>) target_semaphore(%run_scoped3A_118 : memref<!tpu.dma_semaphore, #tpu.memory_space<semaphore_mem>>)
      %dma_wait3A = arith.constant 0 : i32
      %dma_wait3A_123 = tpu.memref_slice %arg6[%arg0, %mul3A_117, %dma_wait3A] : memref<2x10240x128xf32, #tpu.memory_space<hbm>> -> memref<1x640x128xf32, #tpu.memory_space<hbm>>
      %dma_wait3A_124 = tpu.memref_squeeze %dma_wait3A_123 : memref<1x640x128xf32, #tpu.memory_space<hbm>> -> memref<640x128xf32, #tpu.memory_space<hbm>>
      %dma_wait3A_125 = arith.constant 0 : i32
      %dma_wait3A_126 = tpu.memref_slice %arg11[%mul3A_115, %dma_wait3A_125] : memref<10240x128xf32, #tpu.memory_space<vmem_shared>> -> memref<640x128xf32, #tpu.memory_space<vmem_shared>>
      tpu.wait_dma2 semaphore(%run_scoped3A_118 : memref<!tpu.dma_semaphore, #tpu.memory_space<semaphore_mem>>) src(%dma_wait3A_126 : memref<640x128xf32, #tpu.memory_space<vmem_shared>>) dst(%dma_wait3A_124 : memref<640x128xf32, #tpu.memory_space<hbm>>)
      tpu.yield
    }) : () -> ()
    return
  }
}

module attributes {stable_mosaic.version = 14 : i64} {
  func.func @_norm_body(%arg0: memref<32x10240xf32, #tpu.memory_space<vmem>>, %arg1: memref<32x10240xf32, #tpu.memory_space<vmem>>, %arg2: memref<10240x1xf32, #tpu.memory_space<vmem>>, %arg3: memref<10240x1xf32, #tpu.memory_space<vmem>>) attributes {dimension_semantics = [], scalar_prefetch = 0 : i64, scratch_operands = 0 : i64, tpu.core_type = #tpu.core_type<tc>} {
    %get3A = arith.constant 0 : index
    %get3A_0 = arith.constant 0 : index
    %get3A_1 = vector.load %arg0[%get3A, %get3A_0] : memref<32x10240xf32, #tpu.memory_space<vmem>>, vector<32x10240xf32>
    %reduce_sum3A = arith.constant dense<0.000000e+00> : vector<10240xf32>
    %reduce_sum3A_2 = vector.multi_reduction <add>, %get3A_1, %reduce_sum3A [0] : vector<32x10240xf32> to vector<10240xf32>
    %broadcast_in_dim3A = vector.shape_cast %reduce_sum3A_2 : vector<10240xf32> to vector<1x10240xf32>
    %get3A_3 = arith.constant 0 : index
    %get3A_4 = arith.constant 0 : index
    %get3A_5 = vector.load %arg1[%get3A_3, %get3A_4] : memref<32x10240xf32, #tpu.memory_space<vmem>>, vector<32x10240xf32>
    %reduce_sum3A_6 = arith.constant dense<0.000000e+00> : vector<10240xf32>
    %reduce_sum3A_7 = vector.multi_reduction <add>, %get3A_5, %reduce_sum3A_6 [0] : vector<32x10240xf32> to vector<10240xf32>
    %broadcast_in_dim3A_8 = vector.shape_cast %reduce_sum3A_7 : vector<10240xf32> to vector<1x10240xf32>
    %jit3A = arith.constant 1.000000e+00 : f32
    %max3A = vector.broadcast %jit3A : f32 to vector<1x10240xf32>
    %max3A_9 = arith.maximumf %max3A, %broadcast_in_dim3A : vector<1x10240xf32>
    %rsqrt3A = math.rsqrt %max3A_9 : vector<1x10240xf32>
    %transpose3A = tpu.transpose %rsqrt3A, [1, 0] : vector<1x10240xf32> -> vector<10240x1xf32>
    %swap3A = arith.constant 0 : index
    %swap3A_10 = arith.constant 0 : index
    %swap3A_11 = vector.load %arg2[%swap3A, %swap3A_10] : memref<10240x1xf32, #tpu.memory_space<vmem>>, vector<10240x1xf32>
    tpu.vector_store %arg2[%swap3A, %swap3A_10], %transpose3A {strides = array<i32>} : memref<10240x1xf32, #tpu.memory_space<vmem>>, vector<10240x1xf32>,
    %jit3A_12 = arith.constant 1.000000e+00 : f32
    %max3A_13 = vector.broadcast %jit3A_12 : f32 to vector<1x10240xf32>
    %max3A_14 = arith.maximumf %max3A_13, %broadcast_in_dim3A_8 : vector<1x10240xf32>
    %rsqrt3A_15 = math.rsqrt %max3A_14 : vector<1x10240xf32>
    %transpose3A_16 = tpu.transpose %rsqrt3A_15, [1, 0] : vector<1x10240xf32> -> vector<10240x1xf32>
    %swap3A_17 = arith.constant 0 : index
    %swap3A_18 = arith.constant 0 : index
    %swap3A_19 = vector.load %arg3[%swap3A_17, %swap3A_18] : memref<10240x1xf32, #tpu.memory_space<vmem>>, vector<10240x1xf32>
    tpu.vector_store %arg3[%swap3A_17, %swap3A_18], %transpose3A_16 {strides = array<i32>} : memref<10240x1xf32, #tpu.memory_space<vmem>>, vector<10240x1xf32>,
    return
  }
}

module attributes {stable_mosaic.version = 14 : i64} {
  func.func @_scale_body(%arg0: i32, %arg1: memref<1024x128xf32, #tpu.memory_space<vmem>>, %arg2: memref<1024x1xf32, #tpu.memory_space<vmem>>, %arg3: memref<1024x128xf32, #tpu.memory_space<vmem>>) attributes {dimension_semantics = [#tpu.dimension_semantics<arbitrary>], iteration_bounds = array<i64: 10>, scalar_prefetch = 0 : i64, scratch_operands = 0 : i64, tpu.core_type = #tpu.core_type<tc>, window_params = [{transform_indices = @transform_0, window_bounds = array<i64: 1024, 128>}, {transform_indices = @transform_1, window_bounds = array<i64: 1024, 1>}, {transform_indices = @transform_2, window_bounds = array<i64: 1024, 128>}]} {
    %get3A = arith.constant 0 : index
    %get3A_0 = arith.constant 0 : index
    %get3A_1 = vector.load %arg1[%get3A, %get3A_0] : memref<1024x128xf32, #tpu.memory_space<vmem>>, vector<1024x128xf32>
    %get3A_2 = arith.constant 0 : index
    %get3A_3 = arith.constant 0 : index
    %get3A_4 = vector.load %arg2[%get3A_2, %get3A_3] : memref<1024x1xf32, #tpu.memory_space<vmem>>, vector<1024x1xf32>
    %mul3A = vector.broadcast %get3A_4 : vector<1024x1xf32> to vector<1024x128xf32>
    %mul3A_5 = arith.mulf %get3A_1, %mul3A : vector<1024x128xf32>
    %swap3A = arith.constant 0 : index
    %swap3A_6 = arith.constant 0 : index
    %swap3A_7 = vector.load %arg3[%swap3A, %swap3A_6] : memref<1024x128xf32, #tpu.memory_space<vmem>>, vector<1024x128xf32>
    tpu.vector_store %arg3[%swap3A, %swap3A_6], %mul3A_5 {strides = array<i32>} : memref<1024x128xf32, #tpu.memory_space<vmem>>, vector<1024x128xf32>,
    return
  }
  func.func @transform_0(%arg0: i32) -> (i32, i32) {
    %c0_i32 = arith.constant 0 : i32
    %c0_i32_0 = arith.constant 0 : i32
    return %arg0, %c0_i32 : i32, i32
  }
  func.func @transform_1(%arg0: i32) -> (i32, i32) {
    %c0_i32 = arith.constant 0 : i32
    %c0_i32_0 = arith.constant 0 : i32
    return %arg0, %c0_i32 : i32, i32
  }
  func.func @transform_2(%arg0: i32) -> (i32, i32) {
    %c0_i32 = arith.constant 0 : i32
    %c0_i32_0 = arith.constant 0 : i32
    return %arg0, %c0_i32 : i32, i32
  }
}

module attributes {stable_mosaic.version = 14 : i64} {
  func.func @_mid_body(%arg0: i32, %arg1: memref<1x1024x128xf32, #tpu.memory_space<vmem>>, %arg2: memref<1024x1xf32, #tpu.memory_space<vmem>>, %arg3: memref<1024x1xf32, #tpu.memory_space<vmem>>, %arg4: memref<128x128xf32, #tpu.memory_space<vmem>>, %arg5: memref<1x128xf32, #tpu.memory_space<vmem>>, %arg6: memref<1024x128xf32, #tpu.memory_space<vmem>>) attributes {dimension_semantics = [#tpu.dimension_semantics<arbitrary>], iteration_bounds = array<i64: 10>, scalar_prefetch = 0 : i64, scratch_operands = 0 : i64, tpu.core_type = #tpu.core_type<tc>, window_params = [{transform_indices = @transform_0, window_bounds = array<i64: 1, 1024, 128>}, {transform_indices = @transform_1, window_bounds = array<i64: 1024, 1>}, {transform_indices = @transform_2, window_bounds = array<i64: 1024, 1>}, {pipeline_mode = #tpu.pipeline_mode<synchronous>, transform_indices = @transform_3, window_bounds = array<i64: 128, 128>}, {pipeline_mode = #tpu.pipeline_mode<synchronous>, transform_indices = @transform_4, window_bounds = array<i64: 1, 128>}, {transform_indices = @transform_5, window_bounds = array<i64: 1024, 128>}]} {
    %get3A = arith.constant 0 : index
    %get3A_0 = arith.constant 0 : index
    %get3A_1 = arith.constant 0 : index
    %get3A_2 = vector.load %arg1[%get3A, %get3A_0, %get3A_1] : memref<1x1024x128xf32, #tpu.memory_space<vmem>>, vector<1x1024x128xf32>
    %get3A_3 = vector.shape_cast %get3A_2 : vector<1x1024x128xf32> to vector<1024x128xf32>
    %get3A_4 = arith.constant 0 : index
    %get3A_5 = arith.constant 0 : index
    %get3A_6 = vector.load %arg2[%get3A_4, %get3A_5] : memref<1024x1xf32, #tpu.memory_space<vmem>>, vector<1024x1xf32>
    %mul3A = vector.broadcast %get3A_6 : vector<1024x1xf32> to vector<1024x128xf32>
    %mul3A_7 = arith.mulf %get3A_3, %mul3A : vector<1024x128xf32>
    %get3A_8 = arith.constant 0 : index
    %get3A_9 = arith.constant 0 : index
    %get3A_10 = vector.load %arg4[%get3A_8, %get3A_9] : memref<128x128xf32, #tpu.memory_space<vmem>>, vector<128x128xf32>
    %dot_general3A = arith.constant dense<0.000000e+00> : vector<1024x128xf32>
    %dot_general3A_11 = tpu.matmul %mul3A_7, %get3A_10, %dot_general3A {dimension_numbers = #tpu.dot_dimension_numbers<[1], [0], [0], [1], [0, 0, 1, 1], [], []>, transpose_lhs_hint = false} : vector<1024x128xf32>, vector<128x128xf32>, vector<1024x128xf32> -> vector<1024x128xf32>
    %get3A_12 = arith.constant 0 : index
    %get3A_13 = arith.constant 0 : index
    %get3A_14 = vector.load %arg5[%get3A_12, %get3A_13] : memref<1x128xf32, #tpu.memory_space<vmem>>, vector<1x128xf32>
    %add3A = vector.broadcast %get3A_14 : vector<1x128xf32> to vector<1024x128xf32>
    %add3A_15 = arith.addf %dot_general3A_11, %add3A : vector<1024x128xf32>
    %max3A = arith.constant 0.000000e+00 : f32
    %max3A_16 = vector.broadcast %max3A : f32 to vector<1024x128xf32>
    %max3A_17 = arith.maximumf %add3A_15, %max3A_16 : vector<1024x128xf32>
    %get3A_18 = arith.constant 0 : index
    %get3A_19 = arith.constant 0 : index
    %get3A_20 = vector.load %arg3[%get3A_18, %get3A_19] : memref<1024x1xf32, #tpu.memory_space<vmem>>, vector<1024x1xf32>
    %mul3A_21 = vector.broadcast %get3A_20 : vector<1024x1xf32> to vector<1024x128xf32>
    %mul3A_22 = arith.mulf %max3A_17, %mul3A_21 : vector<1024x128xf32>
    %swap3A = arith.constant 0 : index
    %swap3A_23 = arith.constant 0 : index
    %swap3A_24 = vector.load %arg6[%swap3A, %swap3A_23] : memref<1024x128xf32, #tpu.memory_space<vmem>>, vector<1024x128xf32>
    tpu.vector_store %arg6[%swap3A, %swap3A_23], %mul3A_22 {strides = array<i32>} : memref<1024x128xf32, #tpu.memory_space<vmem>>, vector<1024x128xf32>,
    return
  }
  func.func @transform_0(%arg0: i32) -> (i32, i32, i32) {
    %c0_i32 = arith.constant 0 : i32
    %c0_i32_0 = arith.constant 0 : i32
    %c0_i32_1 = arith.constant 0 : i32
    return %c0_i32, %arg0, %c0_i32_0 : i32, i32, i32
  }
  func.func @transform_1(%arg0: i32) -> (i32, i32) {
    %c0_i32 = arith.constant 0 : i32
    %c0_i32_0 = arith.constant 0 : i32
    return %arg0, %c0_i32 : i32, i32
  }
  func.func @transform_2(%arg0: i32) -> (i32, i32) {
    %c0_i32 = arith.constant 0 : i32
    %c0_i32_0 = arith.constant 0 : i32
    return %arg0, %c0_i32 : i32, i32
  }
  func.func @transform_3(%arg0: i32) -> (i32, i32) {
    %c0_i32 = arith.constant 0 : i32
    %c0_i32_0 = arith.constant 0 : i32
    %c0_i32_1 = arith.constant 0 : i32
    return %c0_i32, %c0_i32_0 : i32, i32
  }
  func.func @transform_4(%arg0: i32) -> (i32, i32) {
    %c0_i32 = arith.constant 0 : i32
    %c0_i32_0 = arith.constant 0 : i32
    %c0_i32_1 = arith.constant 0 : i32
    return %c0_i32, %c0_i32_0 : i32, i32
  }
  func.func @transform_5(%arg0: i32) -> (i32, i32) {
    %c0_i32 = arith.constant 0 : i32
    %c0_i32_0 = arith.constant 0 : i32
    return %arg0, %c0_i32 : i32, i32
  }
}

module attributes {stable_mosaic.version = 14 : i64} {
  func.func @_fin_body(%arg0: i32, %arg1: memref<1x2000x128xf32, #tpu.memory_space<vmem>>, %arg2: memref<2000x1xf32, #tpu.memory_space<vmem>>, %arg3: memref<128x128xf32, #tpu.memory_space<vmem>>, %arg4: memref<1x128xf32, #tpu.memory_space<vmem>>, %arg5: memref<2000x128xf32, #tpu.memory_space<vmem>>) attributes {dimension_semantics = [#tpu.dimension_semantics<arbitrary>], iteration_bounds = array<i64: 5>, scalar_prefetch = 0 : i64, scratch_operands = 0 : i64, tpu.core_type = #tpu.core_type<tc>, window_params = [{transform_indices = @transform_0, window_bounds = array<i64: 1, 2000, 128>}, {transform_indices = @transform_1, window_bounds = array<i64: 2000, 1>}, {pipeline_mode = #tpu.pipeline_mode<synchronous>, transform_indices = @transform_2, window_bounds = array<i64: 128, 128>}, {pipeline_mode = #tpu.pipeline_mode<synchronous>, transform_indices = @transform_3, window_bounds = array<i64: 1, 128>}, {transform_indices = @transform_4, window_bounds = array<i64: 2000, 128>}]} {
    %get3A = arith.constant 0 : index
    %get3A_0 = arith.constant 0 : index
    %get3A_1 = arith.constant 0 : index
    %get3A_2 = vector.load %arg1[%get3A, %get3A_0, %get3A_1] : memref<1x2000x128xf32, #tpu.memory_space<vmem>>, vector<1x2000x128xf32>
    %get3A_3 = vector.shape_cast %get3A_2 : vector<1x2000x128xf32> to vector<2000x128xf32>
    %get3A_4 = arith.constant 0 : index
    %get3A_5 = arith.constant 0 : index
    %get3A_6 = vector.load %arg2[%get3A_4, %get3A_5] : memref<2000x1xf32, #tpu.memory_space<vmem>>, vector<2000x1xf32>
    %mul3A = vector.broadcast %get3A_6 : vector<2000x1xf32> to vector<2000x128xf32>
    %mul3A_7 = arith.mulf %get3A_3, %mul3A : vector<2000x128xf32>
    %get3A_8 = arith.constant 0 : index
    %get3A_9 = arith.constant 0 : index
    %get3A_10 = vector.load %arg3[%get3A_8, %get3A_9] : memref<128x128xf32, #tpu.memory_space<vmem>>, vector<128x128xf32>
    %dot_general3A = arith.constant dense<0.000000e+00> : vector<2000x128xf32>
    %dot_general3A_11 = tpu.matmul %mul3A_7, %get3A_10, %dot_general3A {dimension_numbers = #tpu.dot_dimension_numbers<[1], [0], [0], [1], [0, 0, 1, 1], [], []>, transpose_lhs_hint = false} : vector<2000x128xf32>, vector<128x128xf32>, vector<2000x128xf32> -> vector<2000x128xf32>
    %get3A_12 = arith.constant 0 : index
    %get3A_13 = arith.constant 0 : index
    %get3A_14 = vector.load %arg4[%get3A_12, %get3A_13] : memref<1x128xf32, #tpu.memory_space<vmem>>, vector<1x128xf32>
    %add3A = vector.broadcast %get3A_14 : vector<1x128xf32> to vector<2000x128xf32>
    %add3A_15 = arith.addf %dot_general3A_11, %add3A : vector<2000x128xf32>
    %swap3A = arith.constant 0 : index
    %swap3A_16 = arith.constant 0 : index
    %swap3A_17 = vector.load %arg5[%swap3A, %swap3A_16] : memref<2000x128xf32, #tpu.memory_space<vmem>>, vector<2000x128xf32>
    tpu.vector_store %arg5[%swap3A, %swap3A_16], %add3A_15 {strides = array<i32>} : memref<2000x128xf32, #tpu.memory_space<vmem>>, vector<2000x128xf32>,
    return
  }
  func.func @transform_0(%arg0: i32) -> (i32, i32, i32) {
    %c0_i32 = arith.constant 0 : i32
    %c0_i32_0 = arith.constant 0 : i32
    %c0_i32_1 = arith.constant 0 : i32
    return %c0_i32, %arg0, %c0_i32_0 : i32, i32, i32
  }
  func.func @transform_1(%arg0: i32) -> (i32, i32) {
    %c0_i32 = arith.constant 0 : i32
    %c0_i32_0 = arith.constant 0 : i32
    return %arg0, %c0_i32 : i32, i32
  }
  func.func @transform_2(%arg0: i32) -> (i32, i32) {
    %c0_i32 = arith.constant 0 : i32
    %c0_i32_0 = arith.constant 0 : i32
    %c0_i32_1 = arith.constant 0 : i32
    return %c0_i32, %c0_i32_0 : i32, i32
  }
  func.func @transform_3(%arg0: i32) -> (i32, i32) {
    %c0_i32 = arith.constant 0 : i32
    %c0_i32_0 = arith.constant 0 : i32
    %c0_i32_1 = arith.constant 0 : i32
    return %c0_i32, %c0_i32_0 : i32, i32
  }
  func.func @transform_4(%arg0: i32) -> (i32, i32) {
    %c0_i32 = arith.constant 0 : i32
    %c0_i32_0 = arith.constant 0 : i32
    return %arg0, %c0_i32 : i32, i32
  }
}

</mosaic_0001>

<sc_bundles>
// kernel: kernel.12.cloned.1.call-start
scs
__scs_entry_jumppad:
0x0: {  	(pc) =	sbr.rel $0x88, $3  }
0x1: {  	(tag) =	ssettag $0x0;
	lr =	simm.s32 $0x1  }
0x2: {  	[smem:$0x3F9B] =	sst lr;
	_ =	strace $0xD0000000  }
0x3: {  	_ = 	snop  }
0x4: {  	_ = 	snop  }
0x5: {  	_ = 	snop  }
0x6: {  	_ = 	snop  }
0x7: {  	_ = 	snop  }
__scs_overlays_trampoline_lowered:
0x8: {  	[smem:$0x3FAA] =	sst s0  }
0x9: {  	[smem:$0x3FAB] =	sst s1  }
0xa: {  	[smem:$0x3FAC] =	sst s2  }
0xb: {  	[smem:$0x3FAD] =	sst s3  }
0xc: {  	[smem:$0x3FAE] =	sst s4  }
0xd: {  	[smem:$0x3FAF] =	sst s5  }
0xe: {  	[smem:$0x3FB0] =	sst s6  }
0xf: {  	[smem:$0x3FB1] =	sst s7  }
0x10: {  	[smem:$0x3FB2] =	sst s8  }
0x11: {  	[smem:$0x3FB3] =	sst s9;
	s0 =	simm.s32 @!p0 $0x0  }
0x12: {  	s1 =	sld [smem:$0x3F99];
	s0 =	simm.s32 @p0 $0x1  }
0x13: {  	[smem:$0x3FB4] =	sst s0;
	s0 =	simm.s32 @!p1 $0x0  }
0x14: {  	s2 =	sld [smem:$0x3F98];
	s0 =	simm.s32 @p1 $0x1  }
0x15: {  	[smem:$0x3FB5] =	sst s0;
	s0 =	simm.s32 @!p2 $0x0  }
0x16: {  	s3 =	sld [smem:$0x3FDB];
	s0 =	simm.s32 @p2 $0x1  }
0x17: {  	s4 =	simm.s32 $0x1BF5;
	[smem:$0x3FB7] =	sst s0  }
0x18: {  	s0 =	sld [smem:$0x3F9A];
	_ =	swait.ge [sflag:s4], $0x0  }
0x19: {  	s7 =	sld [smem:$0x3F9B]  }
0x1a: {  	s8 =	sadd.s32 $0xFFFFE003, lr  }
0x1b: {  	s9 =	sadd.s32 $0xFFFFFEF7, lr;
	s5 =	simm.s32 $0xFFFFFFFF;
	p2 =	slt.u32 s8, $0xFFFFF086  }
0x1c: {  	p1 =	slt.u32 s9, $0xF7A;
	s5 =	simm.s32 @!p2 $0x0  }
0x1d: {  	s5 =	simm.s32 @p1 $0x1;
	p0 =	seq.s32 s7, s2  }
0x1e: {  	s7 =	smul.u32 @!p0 $0xF7A, s2;
	p2 =	seq.s32 @!p0 s5, $0x0  }
0x1f: {  	s9 =	smul.u32 $0xF7A, s1;
	s8 =	simm.s32 @!p0 $0x1BF5;
	p2 =	por !p2, p0  }
0x20: {  	[sflag:s8] =	ssyncset.s32 @!p0 $0xFFFFF086;
	s6 =	sadd.s32 @!p0 s3, s7;
	s7 =	simm.s32 @!p0 $0x108  }
0x21: {  	s3 =	sadd.s32 s3, s9;
	s6 =	sadd.s32 @!p0 $0x88, s6;
	s7 =	simm.s32 @p2 $0x1082  }
0x22: {  	[simem:s7], [sflag:s8] =	dma.local @!p0 [hbm:s6], $0xF7A  }
0x23: {  	s9 =	sor.u32 $0xD0000000, s2;
	s6 =	simm.s32 $0x108;
	_ =	swait.ge @!p0 [sflag:s8], $0x0  }
0x24: {  	s3 =	sadd.s32 $0x88, s3;
	s6 =	simm.s32 @!p1 $0x1082;
	[sflag:s4] =	ssyncset.s32 $0xFFFFF086  }
0x25: {  	[simem:s6], [sflag:s4] =	dma.local [hbm:s3], $0xF7A  }
0x26: {  	[smem:$0x3F9B] =	sst s1;
	(tag) =	ssettag s2;
	_ =	strace s9  }
0x27: {  	s1 =	sld [smem:$0x3FAB]  }
0x28: {  	s2 =	sld [smem:$0x3FAC]  }
0x29: {  	s4 =	sld [smem:$0x3FAE]  }
0x2a: {  	p0 =	seq.s32 s5, $0x0;
	s5 =	sld [smem:$0x3FAF]  }
0x2b: {  	s6 =	sld [smem:$0x3FB0]  }
0x2c: {  	s7 =	sld [smem:$0x3FB1]  }
0x2d: {  	s3 =	simm.s32 $0x108;
	s8 =	sld [smem:$0x3FB2]  }
0x2e: {  	s3 =	simm.s32 @!p0 $0x1082;
	s9 =	sld [smem:$0x3FB3]  }
0x2f: {  	lr =	sadd.s32 s0, s3;
	s0 =	sld [smem:$0x3FAA]  }
0x30: {  	s3 =	sld [smem:$0x3FAD]  }
0x31: {  	[smem:$0x3FB6] =	sst s10  }
0x32: {  	s10 =	sld [smem:$0x3FB4];
	_ =	sdelay $0x3  }
0x33: {  	p0 =	seq.s32 s10, $0x1;
	s10 =	sld [smem:$0x3FB6];
	_ =	sdelay $0x3  }
0x34: {  	[smem:$0x3FB6] =	sst s10  }
0x35: {  	s10 =	sld [smem:$0x3FB5];
	_ =	sdelay $0x3  }
0x36: {  	p1 =	seq.s32 s10, $0x1;
	s10 =	sld [smem:$0x3FB6];
	_ =	sdelay $0x3  }
0x37: {  	[smem:$0x3FB6] =	sst s10  }
0x38: {  	s10 =	sld [smem:$0x3FB7]  }
0x39: {  	_ = 	snop;
	(pc) =	sbr.ind lr, $3  }
0x3a: {  	_ = 	snop  }
0x3b: {  	_ = 	snop  }
0x3c: {  	p2 =	seq.s32 s10, $0x1;
	s10 =	sld [smem:$0x3FB6]  }
0x3d: {  	_ =	shalt  }
0x3e: {  	_ =	shalt  }
0x3f: {  	_ =	shalt  }
0x40: {  	_ =	shalt  }
0x41: {  	_ =	shalt  }
0x42: {  	_ =	shalt  }
0x43: {  	_ =	shalt  }
0x44: {  	_ =	shalt  }
0x45: {  	_ =	shalt  }
0x46: {  	_ =	shalt  }
0x47: {  	_ =	shalt  }
0x48: {  	_ =	shalt  }
0x49: {  	_ =	shalt  }
0x4a: {  	_ =	shalt  }
0x4b: {  	_ =	shalt  }
0x4c: {  	_ =	shalt  }
0x4d: {  	_ =	shalt  }
0x4e: {  	_ =	shalt  }
0x4f: {  	_ =	shalt  }
0x50: {  	_ =	shalt  }
0x51: {  	_ =	shalt  }
0x52: {  	_ =	shalt  }
0x53: {  	_ =	shalt  }
0x54: {  	_ =	shalt  }
0x55: {  	_ =	shalt  }
0x56: {  	_ =	shalt  }
0x57: {  	_ =	shalt  }
0x58: {  	_ =	shalt  }
0x59: {  	_ =	shalt  }
0x5a: {  	_ =	shalt  }
0x5b: {  	_ =	shalt  }
0x5c: {  	_ =	shalt  }
0x5d: {  	_ =	shalt  }
0x5e: {  	_ =	shalt  }
0x5f: {  	_ =	shalt  }
0x60: {  	_ =	shalt  }
0x61: {  	_ =	shalt  }
0x62: {  	_ =	shalt  }
0x63: {  	_ =	shalt  }
0x64: {  	_ =	shalt  }
0x65: {  	_ =	shalt  }
0x66: {  	_ =	shalt  }
0x67: {  	_ =	shalt  }
0x68: {  	_ =	shalt  }
0x69: {  	_ =	shalt  }
0x6a: {  	_ =	shalt  }
0x6b: {  	_ =	shalt  }
0x6c: {  	_ =	shalt  }
0x6d: {  	_ =	shalt  }
0x6e: {  	_ =	shalt  }
0x6f: {  	_ =	shalt  }
0x70: {  	_ =	shalt  }
0x71: {  	_ =	shalt  }
0x72: {  	_ =	shalt  }
0x73: {  	_ =	shalt  }
0x74: {  	_ =	shalt  }
0x75: {  	_ =	shalt  }
0x76: {  	_ =	shalt  }
0x77: {  	_ =	shalt  }
0x78: {  	_ =	shalt  }
0x79: {  	_ =	shalt  }
0x7a: {  	_ =	shalt  }
0x7b: {  	_ =	shalt  }
0x7c: {  	_ =	shalt  }
0x7d: {  	_ =	shalt  }
0x7e: {  	_ =	shalt  }
0x7f: {  	_ =	shalt  }
0x80: {  	_ =	shalt  }
0x81: {  	_ =	shalt  }
0x82: {  	_ =	shalt  }
0x83: {  	_ =	shalt  }
0x84: {  	_ =	shalt  }
0x85: {  	_ =	shalt  }
0x86: {  	_ =	shalt  }
0x87: {  	_ =	shalt  }
.Lfunc_end0:
.L_simem_size_0:
called_computation.1_lowered:
.L_overlay_start_0:
0x88: {  	s2 =	sld [smem:$0x3FD9]  }
0x89: {  	s3 =	sld [smem:$0x3FFE];
	_ =	sdelay $0x1  }
0x8a: {  	s1 =	srdreg.scid  }
0x8b: {  	s0 =	sand.u32 $0x1, s1  }
0x8c: {  	s17 =	sshll.u32 s0, $0xA;
	s2 =	sadd.s32 s3, s2  }
0x8d: {  	s2 =	sadd.s32 s2, s17  }
0x8e: {  	[smem:$0x3FC2] =	sst s2  }
0x8f: {  	_ = 	snop  }
0x90: {  	s2 =	sld [smem:$0x3FD0];
	(tm) =	ssettm $0x1  }
0x91: {  	s18 =	sld [smem:$0x3FFB];
	_ =	sdelay $0x3  }
0x92: {  	_ =	strace s18  }
0x93: {  	s3 =	sld [smem:$0x3FFC];
	_ =	sdelay $0x3  }
0x94: {  	_ =	strace s3  }
0x95: {  	s3 =	sld [smem:$0x3FFD];
	_ =	sdelay $0x3  }
0x96: {  	_ =	strace s3  }
0x97: {  	_ =	strace $0x8FFFFFFF  }
0x98: {  	s19 =	sld [smem:$0x3FDB];
	_ =	sdelay $0x1  }
0x99: {  	s4 =	simm.s32 $_scs_section_size  }
0x9a: {  	s5 =	simm.s32 $_size__tile_overlayer_lowered;
	s6 =	simm.s32 $_tile_overlayer_lowered  }
0x9b: {  	s22 =	simm.s32 $0x1BFF;
	s21 =	sshll.u32 s6, $0x1;
	s3 =	sadd.s32 s4, s19  }
0x9c: {  	s7 =	simm.s32 $0x0;
	s20 =	sshll.u32 s5, $0x1;
	s5 =	sadd.s32 s21, s3  }
0x9d: {  	[timem:s7], [sflag:s22] =	dma.local [hbm:s5], s20  }
0x9e: {  	_ =	swait.ge [sflag:s22], s20  }
0x9f: {  	s4 =	ssub.s32 $0x0, s20;
	[sflag:s22] =	ssyncset.done $0x0  }
0xa0: {  	[sflag:s22] =	ssyncadd.s32 s4;
	_ =	sdelay $0x1  }
0xa1: {  	s23 =	simm.s32 $0x1B8B  }
0xa2: {  	_ =	swait.ge [sflag:s23], $0x1  }
0xa3: {  	[sflag:s23] =	ssyncset.done $0x0  }
0xa4: {  	s25 =	simm.s32 $0x1B8E;
	s24 =	sld [smem:$0x3FFE];
	[sflag:s23] =	ssyncadd.s32 $0xFFFFFFFF  }
0xa5: {  	s26 =	simm.s32 $execute0_lowered;
	[smem:$0x3FD2] =	sst s25  }
0xa6: {  	s5 =	sshll.u32 s26, $0x1;
	_ =	strace $0x80000049;
	[dreg:$0x1] =	wrdreg $0xFFFFFFFF  }
0xa7: {  	s28 =	simm.s32 $_size_execute0_lowered;
	s3 =	sadd.s32 s3, s5;
	[dreg:$0x0] =	wrdreg $0x0  }
0xa8: {  	s5 =	sshll.u32 s28, $0x1;
	[dreg:$0x2] =	wrdreg s3  }
0xa9: {  	[dreg:$0x3] =	wrdreg s5  }
0xaa: {  	[dreg:$0x4] =	wrdreg $0xC0  }
0xab: {  	_ =	task [dreg:s7], $0x5FFFF  }
0xac: {  	[dreg:$0x1] =	wrdreg $0xFFFFFFFF  }
0xad: {  	[dreg:$0x0] =	wrdreg $0x60  }
0xae: {  	[dreg:$0x2] =	wrdreg s24  }
0xaf: {  	[dreg:$0x3] =	wrdreg s2  }
0xb0: {  	[dreg:$0x4] =	wrdreg $0xA0000  }
0xb1: {  	[dreg:$0x5] =	wrdreg $0x9  }
0xb2: {  	_ =	task.clear_ibuf [dreg:s7], $0x6FFFF;
	_ =	strace $0x90000049  }
0xb3: {  	s29 =	simm.s32 $0x9;
	_ =	strace $0x8000004B  }
0xb4: {  	_ =	swait.ge [sflag:s29], $0x1  }
0xb5: {  	[sflag:s29] =	ssyncadd.s32 $0xFFFFFFFF  }
0xb6: {  	_ =	strace $0x9000004B  }
0xb7: {  	_ =	sfence  }
0xb8: {  	s30 =	sld [smem:$0x0];
	_ =	sdelay $0x2  }
0xb9: {  	s31 =	sshll.u32 s1, $0xD;
	s1 =	sshrl.u32 s1, $0x2  }
0xba: {  	s3 =	sand.u32 $0x4000, s31;
	s1 =	sadd.s32 s1, s30  }
0xbb: {  	s0 =	sor.u32 s3, s0;
	s1 =	sshll.u32 s1, $0x11  }
0xbc: {  	s0 =	sor.u32 s1, s0  }
0xbd: {  	s0 =	sadd.s32 $0x8F2B, s0  }
0xbe: {  	[sflag:s0] =	ssyncadd.remote.s32 $0x1  }
0xbf: {  	_ =	sfence.sel $0xFFFF  }
0xc0: {  	[dreg:$0x0] =	wrdreg $0xFFFFFFFF;
	(pc) =	sbr.abs _section_cstart, $3  }
0xc1: {  	[dreg:$0x1] =	wrdreg $0xFFFFFFFF  }
0xc2: {  	_ =	task.clear_ibuf [dreg:s7], $0x2FFFF;
	_ =	strace $0x9FFFFFFF  }
0xc3: {  	(tm) =	ssettm $0x7FFFFFFF  }
tec
execute0_lowered:
.L_overlay_start_1:
0x0: {  	(tag) =	ssettag $0x1  }
0x1: {  	s0 =	rddreg [dreg:$0x0]  }
0x2: {  	s2 =	rddreg [dreg:$0x2];
	s1 =	srdreg.scid  }
0x3: {  	s4 =	simm.s32 $0x0;
	s10 =	stileid.u32;
	s22 =	simm.s32 $0x3  }
0x4: {  	s28 =	simm.s32 $0x1;
	s29 =	simm.s32 $0x0;
	s6 =	smul.u32 $0x14000, s10  }
0x5: {  	s1 =	sand.u32 $0x1, s1;
	[smem:$0x7FF] =	sst s4;
	s7 =	smul.u32 $0x50000, s10  }
0x6: {  	s5 =	sadd.s32 $0x16800, s0;
	s9 =	sshll.u32 s10, $0x6;
	s10 =	smul.u32 $0x5000, s10  }
0x7: {  	s8 =	sadd.s32 $0xC800, s0;
	s18 =	sadd.s32 $0x2800, s0;
	s3 =	smul.u32 $0x140000, s1  }
0x8: {  	_ =	strace $0x8000004A;
	s23 =	ssub.s32 $0x2, s1;
	p0 =	seq.s32 s1, $0x0  }
0x9: {  	s24 =	sshrl.u32 s23, $0x1;
	s7 =	sshrl.u32 s7, $0x2;
	s15 =	sshrl.u32 s10, $0x3  }
0xa: {  	s3 =	sadd.s32 s6, s3;
	s25 =	sadd.s32 s7, s2;
	s7 =	sor.u32 $0x1C03, s9  }
0xb: {  	s6 =	simm.s32 $0x10;
	s26 =	sadd.s32 s8, s15;
	s30 =	sadd.s32 s18, s15  }
0xc: {  	s12 =	sadd.s32 $0x200, s15;
	s14 =	sadd.s32 $0x400, s15;
	[dreg:$0x4] =	wrdreg s25  }
0xd: {  	s16 =	sadd.s32 $0x600, s15;
	s19 =	sadd.s32 $0x800, s15;
	[dreg:$0x5] =	wrdreg s26  }
0xe: {  	s3 =	sshrl.u32 s3, $0x3;
	s6 =	simm.s32 @!p0 $0x0;
	[dreg:$0x6] =	wrdreg s30  }
0xf: {  	s31 =	sadd.s32 s8, s12;
	s12 =	sadd.s32 s18, s12;
	s13 =	sadd.s32 s8, s14  }
0x10: {  	s14 =	sadd.s32 s18, s14;
	s15 =	sadd.s32 s8, s16;
	s16 =	sadd.s32 s18, s16  }
.Ltmp0:
0x11: {  	s17 =	sadd.s32 s8, s19;
	s18 =	sadd.s32 s18, s19;
	(pc) =	sbr.rel .LBB2_1-.Ltmp0, $4  }
0x12: {  	p0 =	sne.s32 s1, $0x0;
	s25 =	simm.s32 $0x2000;
	s26 =	simm.s32 $0x6000  }
0x13: {  	s0 =	sadd.s32 s3, s0;
	s3 =	ssub.s32 s23, s24;
	s10 =	sadd.s32 $0xFFFFFFFF, s6  }
0x14: {  	[dreg:$0x7] =	wrdreg s31;
	s20 =	smax.u32 s6, $0x1;
	s23 =	simm.s32 $0x1000  }
0x15: {  	s24 =	simm.s32 $0x80;
	s19 =	sadd.s32 $0x3E800, s0;
	s21 =	smax.u32 s3, $0x1  }
.LBB2_20:
0x16: {  	[tilespmem:s8], [sflag:$0x2] =	stream.indirect.gather @!p1 [hbm4b:s5+s6], $0x80, s3, s6, $0xb8;
	[tilespmem:$0x1E000] =	vst v63  }
.LBB2_21:
0x17: {  	s29 =	sadd.s32 $0x1, s29  }
0x18: {  	p1 =	sne.s32 s29, s21  }
.Ltmp1:
0x19: {  	[bflag:$0x0] =	sbarrier.arrive $0xFFFF;
	(pc) =	sbr.rel @!p1 .LBB2_22-.Ltmp1, $4  }
0x1a: {  	[hbm:s19], [sflag:s7] =	dma.local [spmem:s30], $0x2800  }
0x1b: {  	_ =	swait.ge [sflag:s22], $0x2800  }
0x1c: {  	[sflag:s22] =	ssyncset.done $0x0  }
0x1d: {  	[sflag:s22] =	ssyncadd.s32 $0xFFFFD800  }
.LBB2_1:
0x1e: {  	s0 =	rddreg [dreg:$0x4]  }
0x1f: {  	s9 =	rddreg [dreg:$0x1];
	s30 =	sshrl.u32 s0, $0x3  }
0x20: {  	[spmem:s30], [sflag:s7] =	dma.local [hbm:s9], $0x2800  }
0x21: {  	_ =	swait.ge [sflag:s22], $0x2800  }
0x22: {  	[sflag:s22] =	ssyncset.done $0x0  }
0x23: {  	[sflag:s22] =	ssyncadd.s32 $0xFFFFD800  }
0x24: {  	[bflag:$0x0] =	sbarrier.arrive $0xFFFF  }
0x25: {  	s11 =	rddreg [dreg:$0x5]  }
0x26: {  	[tilespmem:s4], [sflag:$0x3] =	stream.linear.gather [hbm4b:s11+s4], $0x1000, $0x38;
	[tilespmem:$0x1E000] =	vst v63  }
0x27: {  	_ =	swait.ge [sflag:s22], $0x1000  }
0x28: {  	[sflag:s22] =	ssyncset.done $0x0  }
.Ltmp2:
0x29: {  	s31 =	rddreg [dreg:$0x6];
	[sflag:s22] =	ssyncadd.s32 $0xFFFFF000;
	(pc) =	sbr.rel @p0 .LBB2_5-.Ltmp2, $4  }
0x2a: {  	[tilespmem:s23], [sflag:$0x3] =	stream.linear.gather [hbm4b:s31+s4], $0x1000, $0x38;
	[tilespmem:$0x1E000] =	vst v63  }
0x2b: {  	_ =	swait.ge [sflag:s22], $0x1000  }
0x2c: {  	[sflag:s22] =	ssyncset.done $0x0  }
0x2d: {  	[sflag:s22] =	ssyncadd.s32 $0xFFFFF000  }
0x2e: {  	s0 =	simm.s32 $0x0  }
0x2f: {  	[tilespmem:s25], [sflag:$0x1] =	stream.indirect.gather [hbm4b:s5+s24], $0x80, s0, s24, $0xb8;
	[tilespmem:$0x1E000] =	vst v63  }
0x30: {  	_ = 	snop  }
0x31: {  	[tilespmem:s26], [sflag:$0x2] =	stream.indirect.gather [hbm4b:s5+s24], $0x80, s24, s24, $0xb8;
	[tilespmem:$0x1E000] =	vst v63  }
0x32: {  	_ =	swait.ge [sflag:s28], $0x4000  }
0x33: {  	[sflag:s28] =	ssyncset.done $0x0  }
0x34: {  	s11 =	simm.s32 $0x1000;
	[sflag:s28] =	ssyncadd.s32 $0xFFFFC000  }
0x35: {  	[spmem:s2] =	stream.indirect.scatter.add.f32 [tilespmem:s25], [sflag:$0x3], $0x80, s11, s24, $0xb8;
	[tilespmem:$0x1E000] =	vst v63  }
0x36: {  	_ =	swait.ge [sflag:s22], $0x4000  }
0x37: {  	p1 =	sle.s32 s10, $0x0;
	[sflag:s22] =	ssyncset.done $0x0  }
0x38: {  	s0 =	simm.s32 @p1 $0x2;
	[sflag:s22] =	ssyncadd.s32 $0xFFFFC000  }
0x39: {  	_ =	swait.ge @p1 [sflag:s0], $0x4000  }
0x3a: {  	s1 =	simm.s32 $0x1080;
	s3 =	simm.s32 @p1 $0x3;
	[sflag:s0] =	ssyncset.done @p1 $0x0  }
0x3b: {  	s6 =	simm.s32 @p1 $0x6000;
	[sflag:s0] =	ssyncadd.s32 @p1 $0xFFFFC000;
	s0 =	simm.s32 @p1 $0x80  }
0x3c: {  	[spmem:s2] =	stream.indirect.scatter.add.f32 @p1 [tilespmem:s6], [sflag:$0x3], $0x80, s1, s0, $0xb8;
	[tilespmem:$0x1E000] =	vst v63  }
0x3d: {  	_ =	swait.ge @p1 [sflag:s3], $0x4000  }
0x3e: {  	s8 =	simm.s32 @!p1 $0x2;
	s0 =	simm.s32 @!p1 $0x2000;
	[sflag:s3] =	ssyncset.done @p1 $0x0  }
0x3f: {  	s6 =	simm.s32 @!p1 $0x80;
	[sflag:s3] =	ssyncadd.s32 @p1 $0xFFFFC000;
	s3 =	simm.s32 @!p1 $0x100  }
0x40: {  	[tilespmem:s0], [sflag:$0x1] =	stream.indirect.gather @!p1 [hbm4b:s5+s6], $0x80, s3, s6, $0xb8;
	[tilespmem:$0x1E000] =	vst v63  }
0x41: {  	_ =	swait.ge @!p1 [sflag:s8], $0x4000  }
0x42: {  	p2 =	sne.s32 s20, $0x1;
	s0 =	simm.s32 @!p1 $0x3;
	[sflag:s8] =	ssyncset.done @!p1 $0x0  }
.Ltmp3:
0x43: {  	[sflag:s8] =	ssyncadd.s32 @!p1 $0xFFFFC000;
	s8 =	simm.s32 @!p1 $0x6000;
	(pc) =	sbr.rel @!p2 .LBB2_4-.Ltmp3, $4  }
0x44: {  	[spmem:s2] =	stream.indirect.scatter.add.f32 @!p1 [tilespmem:s8], [sflag:$0x3], $0x80, s1, s6, $0xb8;
	[tilespmem:$0x1E000] =	vst v63  }
0x45: {  	_ =	swait.ge @!p1 [sflag:s0], $0x4000  }
0x46: {  	s31 =	simm.s32 $0x1;
	s3 =	simm.s32 $0x180;
	[sflag:s0] =	ssyncset.done @!p1 $0x0  }
0x47: {  	s1 =	simm.s32 $0x1180;
	[sflag:s0] =	ssyncadd.s32 @!p1 $0xFFFFC000;
	s0 =	simm.s32 $0x280  }
.LBB2_3:
0x48: {  	[tilespmem:s8], [sflag:$0x2] =	stream.indirect.gather @!p1 [hbm4b:s5+s6], $0x80, s3, s6, $0xb8;
	[tilespmem:$0x1E000] =	vst v63  }
0x49: {  	s6 =	smov.u32 s31;
	s31 =	sadd.s32 $0x1, s31;
	_ =	swait.ge [sflag:s28], $0x4000  }
0x4a: {  	s3 =	smov.u32 s0;
	p2 =	sne.s32 s20, s31;
	[sflag:s28] =	ssyncset.done $0x0  }
0x4b: {  	s8 =	sadd.s32 $0xFFFFFF80, s1;
	[sflag:s28] =	ssyncadd.s32 $0xFFFFC000  }
0x4c: {  	[spmem:s2] =	stream.indirect.scatter.add.f32 [tilespmem:s25], [sflag:$0x3], $0x80, s8, s24, $0xb8;
	[tilespmem:$0x1E000] =	vst v63  }
0x4d: {  	_ =	swait.ge [sflag:s22], $0x4000  }
0x4e: {  	p1 =	sge.s32 s6, s10;
	[sflag:s22] =	ssyncset.done $0x0  }
0x4f: {  	s6 =	simm.s32 @p1 $0x2;
	[sflag:s22] =	ssyncadd.s32 $0xFFFFC000  }
0x50: {  	_ =	swait.ge @p1 [sflag:s6], $0x4000  }
0x51: {  	s8 =	simm.s32 @p1 $0x3;
	[sflag:s6] =	ssyncset.done @p1 $0x0  }
0x52: {  	s9 =	simm.s32 @p1 $0x6000;
	[sflag:s6] =	ssyncadd.s32 @p1 $0xFFFFC000;
	s6 =	simm.s32 @p1 $0x80  }
0x53: {  	[spmem:s2] =	stream.indirect.scatter.add.f32 @p1 [tilespmem:s9], [sflag:$0x3], $0x80, s1, s6, $0xb8;
	[tilespmem:$0x1E000] =	vst v63  }
0x54: {  	_ =	swait.ge @p1 [sflag:s8], $0x4000  }
0x55: {  	s11 =	simm.s32 @!p1 $0x2;
	s9 =	simm.s32 @!p1 $0x2000;
	[sflag:s8] =	ssyncset.done @p1 $0x0  }
0x56: {  	s6 =	simm.s32 @!p1 $0x80;
	[sflag:s8] =	ssyncadd.s32 @p1 $0xFFFFC000;
	s8 =	sadd.s32 @!p1 $0xFFFFFF80, s0  }
0x57: {  	[tilespmem:s9], [sflag:$0x1] =	stream.indirect.gather @!p1 [hbm4b:s5+s6], $0x80, s8, s6, $0xb8;
	[tilespmem:$0x1E000] =	vst v63  }
0x58: {  	_ =	swait.ge @!p1 [sflag:s11], $0x4000  }
0x59: {  	s9 =	simm.s32 @!p1 $0x3;
	[sflag:s11] =	ssyncset.done @!p1 $0x0  }
.Ltmp4:
0x5a: {  	s8 =	simm.s32 @!p1 $0x6000;
	[sflag:s11] =	ssyncadd.s32 @!p1 $0xFFFFC000;
	(pc) =	sbr.rel @p2 .LBB2_3-.Ltmp4, $4  }
0x5b: {  	[spmem:s2] =	stream.indirect.scatter.add.f32 @!p1 [tilespmem:s8], [sflag:$0x3], $0x80, s1, s6, $0xb8;
	[tilespmem:$0x1E000] =	vst v63  }
0x5c: {  	_ =	swait.ge @!p1 [sflag:s9], $0x4000  }
0x5d: {  	[sflag:s9] =	ssyncset.done @!p1 $0x0  }
0x5e: {  	s0 =	sadd.s32 $0x100, s0;
	s1 =	sadd.s32 $0x100, s1;
	[sflag:s9] =	ssyncadd.s32 @!p1 $0xFFFFC000  }
.LBB2_4:
0x5f: {  	[tilespmem:s8], [sflag:$0x2] =	stream.indirect.gather @!p1 [hbm4b:s5+s6], $0x80, s3, s6, $0xb8;
	[tilespmem:$0x1E000] =	vst v63  }
.LBB2_5:
0x60: {  	s0 =	rddreg [dreg:$0x7]  }
0x61: {  	[tilespmem:s4], [sflag:$0x3] =	stream.linear.gather [hbm4b:s0+s4], $0x1000, $0x38;
	[tilespmem:$0x1E000] =	vst v63  }
0x62: {  	_ =	swait.ge [sflag:s22], $0x1000  }
0x63: {  	[sflag:s22] =	ssyncset.done $0x0  }
.Ltmp5:
0x64: {  	[sflag:s22] =	ssyncadd.s32 $0xFFFFF000;
	(pc) =	sbr.rel @p0 .LBB2_9-.Ltmp5, $4  }
0x65: {  	[tilespmem:s23], [sflag:$0x3] =	stream.linear.gather [hbm4b:s12+s4], $0x1000, $0x38;
	[tilespmem:$0x1E000] =	vst v63  }
0x66: {  	_ =	swait.ge [sflag:s22], $0x1000  }
0x67: {  	[sflag:s22] =	ssyncset.done $0x0  }
0x68: {  	[sflag:s22] =	ssyncadd.s32 $0xFFFFF000  }
0x69: {  	s0 =	simm.s32 $0x0  }
0x6a: {  	[tilespmem:s25], [sflag:$0x1] =	stream.indirect.gather [hbm4b:s5+s24], $0x80, s0, s24, $0xb8;
	[tilespmem:$0x1E000] =	vst v63  }
0x6b: {  	_ = 	snop  }
0x6c: {  	[tilespmem:s26], [sflag:$0x2] =	stream.indirect.gather [hbm4b:s5+s24], $0x80, s24, s24, $0xb8;
	[tilespmem:$0x1E000] =	vst v63  }
0x6d: {  	_ =	swait.ge [sflag:s28], $0x4000  }
0x6e: {  	[sflag:s28] =	ssyncset.done $0x0  }
0x6f: {  	s11 =	simm.s32 $0x1000;
	[sflag:s28] =	ssyncadd.s32 $0xFFFFC000  }
0x70: {  	[spmem:s2] =	stream.indirect.scatter.add.f32 [tilespmem:s25], [sflag:$0x3], $0x80, s11, s24, $0xb8;
	[tilespmem:$0x1E000] =	vst v63  }
0x71: {  	_ =	swait.ge [sflag:s22], $0x4000  }
0x72: {  	p1 =	sle.s32 s10, $0x0;
	[sflag:s22] =	ssyncset.done $0x0  }
0x73: {  	s0 =	simm.s32 @p1 $0x2;
	[sflag:s22] =	ssyncadd.s32 $0xFFFFC000  }
0x74: {  	_ =	swait.ge @p1 [sflag:s0], $0x4000  }
0x75: {  	s1 =	simm.s32 $0x1080;
	s3 =	simm.s32 @p1 $0x3;
	[sflag:s0] =	ssyncset.done @p1 $0x0  }
0x76: {  	s6 =	simm.s32 @p1 $0x6000;
	[sflag:s0] =	ssyncadd.s32 @p1 $0xFFFFC000;
	s0 =	simm.s32 @p1 $0x80  }
0x77: {  	[spmem:s2] =	stream.indirect.scatter.add.f32 @p1 [tilespmem:s6], [sflag:$0x3], $0x80, s1, s0, $0xb8;
	[tilespmem:$0x1E000] =	vst v63  }
0x78: {  	_ =	swait.ge @p1 [sflag:s3], $0x4000  }
0x79: {  	s8 =	simm.s32 @!p1 $0x2;
	s0 =	simm.s32 @!p1 $0x2000;
	[sflag:s3] =	ssyncset.done @p1 $0x0  }
0x7a: {  	s6 =	simm.s32 @!p1 $0x80;
	[sflag:s3] =	ssyncadd.s32 @p1 $0xFFFFC000;
	s3 =	simm.s32 @!p1 $0x100  }
0x7b: {  	[tilespmem:s0], [sflag:$0x1] =	stream.indirect.gather @!p1 [hbm4b:s5+s6], $0x80, s3, s6, $0xb8;
	[tilespmem:$0x1E000] =	vst v63  }
0x7c: {  	_ =	swait.ge @!p1 [sflag:s8], $0x4000  }
0x7d: {  	p2 =	sne.s32 s20, $0x1;
	s0 =	simm.s32 @!p1 $0x3;
	[sflag:s8] =	ssyncset.done @!p1 $0x0  }
.Ltmp6:
0x7e: {  	[sflag:s8] =	ssyncadd.s32 @!p1 $0xFFFFC000;
	s8 =	simm.s32 @!p1 $0x6000;
	(pc) =	sbr.rel @!p2 .LBB2_8-.Ltmp6, $4  }
0x7f: {  	[spmem:s2] =	stream.indirect.scatter.add.f32 @!p1 [tilespmem:s8], [sflag:$0x3], $0x80, s1, s6, $0xb8;
	[tilespmem:$0x1E000] =	vst v63  }
0x80: {  	_ =	swait.ge @!p1 [sflag:s0], $0x4000  }
0x81: {  	s31 =	simm.s32 $0x1;
	s3 =	simm.s32 $0x180;
	[sflag:s0] =	ssyncset.done @!p1 $0x0  }
0x82: {  	s1 =	simm.s32 $0x1180;
	[sflag:s0] =	ssyncadd.s32 @!p1 $0xFFFFC000;
	s0 =	simm.s32 $0x280  }
.LBB2_7:
0x83: {  	[tilespmem:s8], [sflag:$0x2] =	stream.indirect.gather @!p1 [hbm4b:s5+s6], $0x80, s3, s6, $0xb8;
	[tilespmem:$0x1E000] =	vst v63  }
0x84: {  	s6 =	smov.u32 s31;
	s31 =	sadd.s32 $0x1, s31;
	_ =	swait.ge [sflag:s28], $0x4000  }
0x85: {  	s3 =	smov.u32 s0;
	p2 =	sne.s32 s20, s31;
	[sflag:s28] =	ssyncset.done $0x0  }
0x86: {  	s8 =	sadd.s32 $0xFFFFFF80, s1;
	[sflag:s28] =	ssyncadd.s32 $0xFFFFC000  }
0x87: {  	[spmem:s2] =	stream.indirect.scatter.add.f32 [tilespmem:s25], [sflag:$0x3], $0x80, s8, s24, $0xb8;
	[tilespmem:$0x1E000] =	vst v63  }
0x88: {  	_ =	swait.ge [sflag:s22], $0x4000  }
0x89: {  	p1 =	sge.s32 s6, s10;
	[sflag:s22] =	ssyncset.done $0x0  }
0x8a: {  	s6 =	simm.s32 @p1 $0x2;
	[sflag:s22] =	ssyncadd.s32 $0xFFFFC000  }
0x8b: {  	_ =	swait.ge @p1 [sflag:s6], $0x4000  }
0x8c: {  	s8 =	simm.s32 @p1 $0x3;
	[sflag:s6] =	ssyncset.done @p1 $0x0  }
0x8d: {  	s9 =	simm.s32 @p1 $0x6000;
	[sflag:s6] =	ssyncadd.s32 @p1 $0xFFFFC000;
	s6 =	simm.s32 @p1 $0x80  }
0x8e: {  	[spmem:s2] =	stream.indirect.scatter.add.f32 @p1 [tilespmem:s9], [sflag:$0x3], $0x80, s1, s6, $0xb8;
	[tilespmem:$0x1E000] =	vst v63  }
0x8f: {  	_ =	swait.ge @p1 [sflag:s8], $0x4000  }
0x90: {  	s11 =	simm.s32 @!p1 $0x2;
	s9 =	simm.s32 @!p1 $0x2000;
	[sflag:s8] =	ssyncset.done @p1 $0x0  }
0x91: {  	s6 =	simm.s32 @!p1 $0x80;
	[sflag:s8] =	ssyncadd.s32 @p1 $0xFFFFC000;
	s8 =	sadd.s32 @!p1 $0xFFFFFF80, s0  }
0x92: {  	[tilespmem:s9], [sflag:$0x1] =	stream.indirect.gather @!p1 [hbm4b:s5+s6], $0x80, s8, s6, $0xb8;
	[tilespmem:$0x1E000] =	vst v63  }
0x93: {  	_ =	swait.ge @!p1 [sflag:s11], $0x4000  }
0x94: {  	s9 =	simm.s32 @!p1 $0x3;
	[sflag:s11] =	ssyncset.done @!p1 $0x0  }
.Ltmp7:
0x95: {  	s8 =	simm.s32 @!p1 $0x6000;
	[sflag:s11] =	ssyncadd.s32 @!p1 $0xFFFFC000;
	(pc) =	sbr.rel @p2 .LBB2_7-.Ltmp7, $4  }
0x96: {  	[spmem:s2] =	stream.indirect.scatter.add.f32 @!p1 [tilespmem:s8], [sflag:$0x3], $0x80, s1, s6, $0xb8;
	[tilespmem:$0x1E000] =	vst v63  }
0x97: {  	_ =	swait.ge @!p1 [sflag:s9], $0x4000  }
0x98: {  	[sflag:s9] =	ssyncset.done @!p1 $0x0  }
0x99: {  	s0 =	sadd.s32 $0x100, s0;
	s1 =	sadd.s32 $0x100, s1;
	[sflag:s9] =	ssyncadd.s32 @!p1 $0xFFFFC000  }
.LBB2_8:
0x9a: {  	[tilespmem:s8], [sflag:$0x2] =	stream.indirect.gather @!p1 [hbm4b:s5+s6], $0x80, s3, s6, $0xb8;
	[tilespmem:$0x1E000] =	vst v63  }
.LBB2_9:
0x9b: {  	[tilespmem:s4], [sflag:$0x3] =	stream.linear.gather [hbm4b:s13+s4], $0x1000, $0x38;
	[tilespmem:$0x1E000] =	vst v63  }
0x9c: {  	_ =	swait.ge [sflag:s22], $0x1000  }
0x9d: {  	[sflag:s22] =	ssyncset.done $0x0  }
.Ltmp8:
0x9e: {  	[sflag:s22] =	ssyncadd.s32 $0xFFFFF000;
	(pc) =	sbr.rel @p0 .LBB2_13-.Ltmp8, $4  }
0x9f: {  	[tilespmem:s23], [sflag:$0x3] =	stream.linear.gather [hbm4b:s14+s4], $0x1000, $0x38;
	[tilespmem:$0x1E000] =	vst v63  }
0xa0: {  	_ =	swait.ge [sflag:s22], $0x1000  }
0xa1: {  	[sflag:s22] =	ssyncset.done $0x0  }
0xa2: {  	[sflag:s22] =	ssyncadd.s32 $0xFFFFF000  }
0xa3: {  	s0 =	simm.s32 $0x0  }
0xa4: {  	[tilespmem:s25], [sflag:$0x1] =	stream.indirect.gather [hbm4b:s5+s24], $0x80, s0, s24, $0xb8;
	[tilespmem:$0x1E000] =	vst v63  }
0xa5: {  	_ = 	snop  }
0xa6: {  	[tilespmem:s26], [sflag:$0x2] =	stream.indirect.gather [hbm4b:s5+s24], $0x80, s24, s24, $0xb8;
	[tilespmem:$0x1E000] =	vst v63  }
0xa7: {  	_ =	swait.ge [sflag:s28], $0x4000  }
0xa8: {  	[sflag:s28] =	ssyncset.done $0x0  }
0xa9: {  	s11 =	simm.s32 $0x1000;
	[sflag:s28] =	ssyncadd.s32 $0xFFFFC000  }
0xaa: {  	[spmem:s2] =	stream.indirect.scatter.add.f32 [tilespmem:s25], [sflag:$0x3], $0x80, s11, s24, $0xb8;
	[tilespmem:$0x1E000] =	vst v63  }
0xab: {  	_ =	swait.ge [sflag:s22], $0x4000  }
0xac: {  	p1 =	sle.s32 s10, $0x0;
	[sflag:s22] =	ssyncset.done $0x0  }
0xad: {  	s0 =	simm.s32 @p1 $0x2;
	[sflag:s22] =	ssyncadd.s32 $0xFFFFC000  }
0xae: {  	_ =	swait.ge @p1 [sflag:s0], $0x4000  }
0xaf: {  	s1 =	simm.s32 $0x1080;
	s3 =	simm.s32 @p1 $0x3;
	[sflag:s0] =	ssyncset.done @p1 $0x0  }
0xb0: {  	s6 =	simm.s32 @p1 $0x6000;
	[sflag:s0] =	ssyncadd.s32 @p1 $0xFFFFC000;
	s0 =	simm.s32 @p1 $0x80  }
0xb1: {  	[spmem:s2] =	stream.indirect.scatter.add.f32 @p1 [tilespmem:s6], [sflag:$0x3], $0x80, s1, s0, $0xb8;
	[tilespmem:$0x1E000] =	vst v63  }
0xb2: {  	_ =	swait.ge @p1 [sflag:s3], $0x4000  }
0xb3: {  	s8 =	simm.s32 @!p1 $0x2;
	s0 =	simm.s32 @!p1 $0x2000;
	[sflag:s3] =	ssyncset.done @p1 $0x0  }
0xb4: {  	s6 =	simm.s32 @!p1 $0x80;
	[sflag:s3] =	ssyncadd.s32 @p1 $0xFFFFC000;
	s3 =	simm.s32 @!p1 $0x100  }
0xb5: {  	[tilespmem:s0], [sflag:$0x1] =	stream.indirect.gather @!p1 [hbm4b:s5+s6], $0x80, s3, s6, $0xb8;
	[tilespmem:$0x1E000] =	vst v63  }
0xb6: {  	_ =	swait.ge @!p1 [sflag:s8], $0x4000  }
0xb7: {  	p2 =	sne.s32 s20, $0x1;
	s0 =	simm.s32 @!p1 $0x3;
	[sflag:s8] =	ssyncset.done @!p1 $0x0  }
.Ltmp9:
0xb8: {  	[sflag:s8] =	ssyncadd.s32 @!p1 $0xFFFFC000;
	s8 =	simm.s32 @!p1 $0x6000;
	(pc) =	sbr.rel @!p2 .LBB2_12-.Ltmp9, $4  }
0xb9: {  	[spmem:s2] =	stream.indirect.scatter.add.f32 @!p1 [tilespmem:s8], [sflag:$0x3], $0x80, s1, s6, $0xb8;
	[tilespmem:$0x1E000] =	vst v63  }
0xba: {  	_ =	swait.ge @!p1 [sflag:s0], $0x4000  }
0xbb: {  	s31 =	simm.s32 $0x1;
	s3 =	simm.s32 $0x180;
	[sflag:s0] =	ssyncset.done @!p1 $0x0  }
0xbc: {  	s1 =	simm.s32 $0x1180;
	[sflag:s0] =	ssyncadd.s32 @!p1 $0xFFFFC000;
	s0 =	simm.s32 $0x280  }
.LBB2_11:
0xbd: {  	[tilespmem:s8], [sflag:$0x2] =	stream.indirect.gather @!p1 [hbm4b:s5+s6], $0x80, s3, s6, $0xb8;
	[tilespmem:$0x1E000] =	vst v63  }
0xbe: {  	s6 =	smov.u32 s31;
	s31 =	sadd.s32 $0x1, s31;
	_ =	swait.ge [sflag:s28], $0x4000  }
0xbf: {  	s3 =	smov.u32 s0;
	p2 =	sne.s32 s20, s31;
	[sflag:s28] =	ssyncset.done $0x0  }
0xc0: {  	s8 =	sadd.s32 $0xFFFFFF80, s1;
	[sflag:s28] =	ssyncadd.s32 $0xFFFFC000  }
0xc1: {  	[spmem:s2] =	stream.indirect.scatter.add.f32 [tilespmem:s25], [sflag:$0x3], $0x80, s8, s24, $0xb8;
	[tilespmem:$0x1E000] =	vst v63  }
0xc2: {  	_ =	swait.ge [sflag:s22], $0x4000  }
0xc3: {  	p1 =	sge.s32 s6, s10;
	[sflag:s22] =	ssyncset.done $0x0  }
0xc4: {  	s6 =	simm.s32 @p1 $0x2;
	[sflag:s22] =	ssyncadd.s32 $0xFFFFC000  }
0xc5: {  	_ =	swait.ge @p1 [sflag:s6], $0x4000  }
0xc6: {  	s8 =	simm.s32 @p1 $0x3;
	[sflag:s6] =	ssyncset.done @p1 $0x0  }
0xc7: {  	s9 =	simm.s32 @p1 $0x6000;
	[sflag:s6] =	ssyncadd.s32 @p1 $0xFFFFC000;
	s6 =	simm.s32 @p1 $0x80  }
0xc8: {  	[spmem:s2] =	stream.indirect.scatter.add.f32 @p1 [tilespmem:s9], [sflag:$0x3], $0x80, s1, s6, $0xb8;
	[tilespmem:$0x1E000] =	vst v63  }
0xc9: {  	_ =	swait.ge @p1 [sflag:s8], $0x4000  }
0xca: {  	s11 =	simm.s32 @!p1 $0x2;
	s9 =	simm.s32 @!p1 $0x2000;
	[sflag:s8] =	ssyncset.done @p1 $0x0  }
0xcb: {  	s6 =	simm.s32 @!p1 $0x80;
	[sflag:s8] =	ssyncadd.s32 @p1 $0xFFFFC000;
	s8 =	sadd.s32 @!p1 $0xFFFFFF80, s0  }
0xcc: {  	[tilespmem:s9], [sflag:$0x1] =	stream.indirect.gather @!p1 [hbm4b:s5+s6], $0x80, s8, s6, $0xb8;
	[tilespmem:$0x1E000] =	vst v63  }
0xcd: {  	_ =	swait.ge @!p1 [sflag:s11], $0x4000  }
0xce: {  	s9 =	simm.s32 @!p1 $0x3;
	[sflag:s11] =	ssyncset.done @!p1 $0x0  }
.Ltmp10:
0xcf: {  	s8 =	simm.s32 @!p1 $0x6000;
	[sflag:s11] =	ssyncadd.s32 @!p1 $0xFFFFC000;
	(pc) =	sbr.rel @p2 .LBB2_11-.Ltmp10, $4  }
0xd0: {  	[spmem:s2] =	stream.indirect.scatter.add.f32 @!p1 [tilespmem:s8], [sflag:$0x3], $0x80, s1, s6, $0xb8;
	[tilespmem:$0x1E000] =	vst v63  }
0xd1: {  	_ =	swait.ge @!p1 [sflag:s9], $0x4000  }
0xd2: {  	[sflag:s9] =	ssyncset.done @!p1 $0x0  }
0xd3: {  	s0 =	sadd.s32 $0x100, s0;
	s1 =	sadd.s32 $0x100, s1;
	[sflag:s9] =	ssyncadd.s32 @!p1 $0xFFFFC000  }
.LBB2_12:
0xd4: {  	[tilespmem:s8], [sflag:$0x2] =	stream.indirect.gather @!p1 [hbm4b:s5+s6], $0x80, s3, s6, $0xb8;
	[tilespmem:$0x1E000] =	vst v63  }
.LBB2_13:
0xd5: {  	[tilespmem:s4], [sflag:$0x3] =	stream.linear.gather [hbm4b:s15+s4], $0x1000, $0x38;
	[tilespmem:$0x1E000] =	vst v63  }
0xd6: {  	_ =	swait.ge [sflag:s22], $0x1000  }
0xd7: {  	[sflag:s22] =	ssyncset.done $0x0  }
.Ltmp11:
0xd8: {  	[sflag:s22] =	ssyncadd.s32 $0xFFFFF000;
	(pc) =	sbr.rel @p0 .LBB2_17-.Ltmp11, $4  }
0xd9: {  	[tilespmem:s23], [sflag:$0x3] =	stream.linear.gather [hbm4b:s16+s4], $0x1000, $0x38;
	[tilespmem:$0x1E000] =	vst v63  }
0xda: {  	_ =	swait.ge [sflag:s22], $0x1000  }
0xdb: {  	[sflag:s22] =	ssyncset.done $0x0  }
0xdc: {  	[sflag:s22] =	ssyncadd.s32 $0xFFFFF000  }
0xdd: {  	s0 =	simm.s32 $0x0  }
0xde: {  	[tilespmem:s25], [sflag:$0x1] =	stream.indirect.gather [hbm4b:s5+s24], $0x80, s0, s24, $0xb8;
	[tilespmem:$0x1E000] =	vst v63  }
0xdf: {  	_ = 	snop  }
0xe0: {  	[tilespmem:s26], [sflag:$0x2] =	stream.indirect.gather [hbm4b:s5+s24], $0x80, s24, s24, $0xb8;
	[tilespmem:$0x1E000] =	vst v63  }
0xe1: {  	_ =	swait.ge [sflag:s28], $0x4000  }
0xe2: {  	[sflag:s28] =	ssyncset.done $0x0  }
0xe3: {  	s11 =	simm.s32 $0x1000;
	[sflag:s28] =	ssyncadd.s32 $0xFFFFC000  }
0xe4: {  	[spmem:s2] =	stream.indirect.scatter.add.f32 [tilespmem:s25], [sflag:$0x3], $0x80, s11, s24, $0xb8;
	[tilespmem:$0x1E000] =	vst v63  }
0xe5: {  	_ =	swait.ge [sflag:s22], $0x4000  }
0xe6: {  	p1 =	sle.s32 s10, $0x0;
	[sflag:s22] =	ssyncset.done $0x0  }
0xe7: {  	s0 =	simm.s32 @p1 $0x2;
	[sflag:s22] =	ssyncadd.s32 $0xFFFFC000  }
0xe8: {  	_ =	swait.ge @p1 [sflag:s0], $0x4000  }
0xe9: {  	s1 =	simm.s32 $0x1080;
	s3 =	simm.s32 @p1 $0x3;
	[sflag:s0] =	ssyncset.done @p1 $0x0  }
0xea: {  	s6 =	simm.s32 @p1 $0x6000;
	[sflag:s0] =	ssyncadd.s32 @p1 $0xFFFFC000;
	s0 =	simm.s32 @p1 $0x80  }
0xeb: {  	[spmem:s2] =	stream.indirect.scatter.add.f32 @p1 [tilespmem:s6], [sflag:$0x3], $0x80, s1, s0, $0xb8;
	[tilespmem:$0x1E000] =	vst v63  }
0xec: {  	_ =	swait.ge @p1 [sflag:s3], $0x4000  }
0xed: {  	s8 =	simm.s32 @!p1 $0x2;
	s0 =	simm.s32 @!p1 $0x2000;
	[sflag:s3] =	ssyncset.done @p1 $0x0  }
0xee: {  	s6 =	simm.s32 @!p1 $0x80;
	[sflag:s3] =	ssyncadd.s32 @p1 $0xFFFFC000;
	s3 =	simm.s32 @!p1 $0x100  }
0xef: {  	[tilespmem:s0], [sflag:$0x1] =	stream.indirect.gather @!p1 [hbm4b:s5+s6], $0x80, s3, s6, $0xb8;
	[tilespmem:$0x1E000] =	vst v63  }
0xf0: {  	_ =	swait.ge @!p1 [sflag:s8], $0x4000  }
0xf1: {  	p2 =	sne.s32 s20, $0x1;
	s0 =	simm.s32 @!p1 $0x3;
	[sflag:s8] =	ssyncset.done @!p1 $0x0  }
.Ltmp12:
0xf2: {  	[sflag:s8] =	ssyncadd.s32 @!p1 $0xFFFFC000;
	s8 =	simm.s32 @!p1 $0x6000;
	(pc) =	sbr.rel @!p2 .LBB2_16-.Ltmp12, $4  }
0xf3: {  	[spmem:s2] =	stream.indirect.scatter.add.f32 @!p1 [tilespmem:s8], [sflag:$0x3], $0x80, s1, s6, $0xb8;
	[tilespmem:$0x1E000] =	vst v63  }
0xf4: {  	_ =	swait.ge @!p1 [sflag:s0], $0x4000  }
0xf5: {  	s31 =	simm.s32 $0x1;
	s3 =	simm.s32 $0x180;
	[sflag:s0] =	ssyncset.done @!p1 $0x0  }
0xf6: {  	s1 =	simm.s32 $0x1180;
	[sflag:s0] =	ssyncadd.s32 @!p1 $0xFFFFC000;
	s0 =	simm.s32 $0x280  }
.LBB2_15:
0xf7: {  	[tilespmem:s8], [sflag:$0x2] =	stream.indirect.gather @!p1 [hbm4b:s5+s6], $0x80, s3, s6, $0xb8;
	[tilespmem:$0x1E000] =	vst v63  }
0xf8: {  	s6 =	smov.u32 s31;
	s31 =	sadd.s32 $0x1, s31;
	_ =	swait.ge [sflag:s28], $0x4000  }
0xf9: {  	s3 =	smov.u32 s0;
	p2 =	sne.s32 s20, s31;
	[sflag:s28] =	ssyncset.done $0x0  }
0xfa: {  	s8 =	sadd.s32 $0xFFFFFF80, s1;
	[sflag:s28] =	ssyncadd.s32 $0xFFFFC000  }
0xfb: {  	[spmem:s2] =	stream.indirect.scatter.add.f32 [tilespmem:s25], [sflag:$0x3], $0x80, s8, s24, $0xb8;
	[tilespmem:$0x1E000] =	vst v63  }
0xfc: {  	_ =	swait.ge [sflag:s22], $0x4000  }
0xfd: {  	p1 =	sge.s32 s6, s10;
	[sflag:s22] =	ssyncset.done $0x0  }
0xfe: {  	s6 =	simm.s32 @p1 $0x2;
	[sflag:s22] =	ssyncadd.s32 $0xFFFFC000  }
0xff: {  	_ =	swait.ge @p1 [sflag:s6], $0x4000  }
0x100: {  	s8 =	simm.s32 @p1 $0x3;
	[sflag:s6] =	ssyncset.done @p1 $0x0  }
0x101: {  	s9 =	simm.s32 @p1 $0x6000;
	[sflag:s6] =	ssyncadd.s32 @p1 $0xFFFFC000;
	s6 =	simm.s32 @p1 $0x80  }
0x102: {  	[spmem:s2] =	stream.indirect.scatter.add.f32 @p1 [tilespmem:s9], [sflag:$0x3], $0x80, s1, s6, $0xb8;
	[tilespmem:$0x1E000] =	vst v63  }
0x103: {  	_ =	swait.ge @p1 [sflag:s8], $0x4000  }
0x104: {  	s11 =	simm.s32 @!p1 $0x2;
	s9 =	simm.s32 @!p1 $0x2000;
	[sflag:s8] =	ssyncset.done @p1 $0x0  }
0x105: {  	s6 =	simm.s32 @!p1 $0x80;
	[sflag:s8] =	ssyncadd.s32 @p1 $0xFFFFC000;
	s8 =	sadd.s32 @!p1 $0xFFFFFF80, s0  }
0x106: {  	[tilespmem:s9], [sflag:$0x1] =	stream.indirect.gather @!p1 [hbm4b:s5+s6], $0x80, s8, s6, $0xb8;
	[tilespmem:$0x1E000] =	vst v63  }
0x107: {  	_ =	swait.ge @!p1 [sflag:s11], $0x4000  }
0x108: {  	s9 =	simm.s32 @!p1 $0x3;
	[sflag:s11] =	ssyncset.done @!p1 $0x0  }
.Ltmp13:
0x109: {  	s8 =	simm.s32 @!p1 $0x6000;
	[sflag:s11] =	ssyncadd.s32 @!p1 $0xFFFFC000;
	(pc) =	sbr.rel @p2 .LBB2_15-.Ltmp13, $4  }
0x10a: {  	[spmem:s2] =	stream.indirect.scatter.add.f32 @!p1 [tilespmem:s8], [sflag:$0x3], $0x80, s1, s6, $0xb8;
	[tilespmem:$0x1E000] =	vst v63  }
0x10b: {  	_ =	swait.ge @!p1 [sflag:s9], $0x4000  }
0x10c: {  	[sflag:s9] =	ssyncset.done @!p1 $0x0  }
0x10d: {  	s0 =	sadd.s32 $0x100, s0;
	s1 =	sadd.s32 $0x100, s1;
	[sflag:s9] =	ssyncadd.s32 @!p1 $0xFFFFC000  }
.LBB2_16:
0x10e: {  	[tilespmem:s8], [sflag:$0x2] =	stream.indirect.gather @!p1 [hbm4b:s5+s6], $0x80, s3, s6, $0xb8;
	[tilespmem:$0x1E000] =	vst v63  }
.LBB2_17:
0x10f: {  	[tilespmem:s4], [sflag:$0x3] =	stream.linear.gather [hbm4b:s17+s4], $0x1000, $0x38;
	[tilespmem:$0x1E000] =	vst v63  }
0x110: {  	_ =	swait.ge [sflag:s22], $0x1000  }
0x111: {  	[sflag:s22] =	ssyncset.done $0x0  }
.Ltmp14:
0x112: {  	[sflag:s22] =	ssyncadd.s32 $0xFFFFF000;
	(pc) =	sbr.rel @p0 .LBB2_21-.Ltmp14, $4  }
0x113: {  	[tilespmem:s23], [sflag:$0x3] =	stream.linear.gather [hbm4b:s18+s4], $0x1000, $0x38;
	[tilespmem:$0x1E000] =	vst v63  }
0x114: {  	_ =	swait.ge [sflag:s22], $0x1000  }
0x115: {  	[sflag:s22] =	ssyncset.done $0x0  }
0x116: {  	[sflag:s22] =	ssyncadd.s32 $0xFFFFF000  }
0x117: {  	s0 =	simm.s32 $0x0  }
0x118: {  	[tilespmem:s25], [sflag:$0x1] =	stream.indirect.gather [hbm4b:s5+s24], $0x80, s0, s24, $0xb8;
	[tilespmem:$0x1E000] =	vst v63  }
0x119: {  	_ = 	snop  }
0x11a: {  	[tilespmem:s26], [sflag:$0x2] =	stream.indirect.gather [hbm4b:s5+s24], $0x80, s24, s24, $0xb8;
	[tilespmem:$0x1E000] =	vst v63  }
0x11b: {  	_ =	swait.ge [sflag:s28], $0x4000  }
0x11c: {  	[sflag:s28] =	ssyncset.done $0x0  }
0x11d: {  	s11 =	simm.s32 $0x1000;
	[sflag:s28] =	ssyncadd.s32 $0xFFFFC000  }
0x11e: {  	[spmem:s2] =	stream.indirect.scatter.add.f32 [tilespmem:s25], [sflag:$0x3], $0x80, s11, s24, $0xb8;
	[tilespmem:$0x1E000] =	vst v63  }
0x11f: {  	_ =	swait.ge [sflag:s22], $0x4000  }
0x120: {  	p1 =	sle.s32 s10, $0x0;
	[sflag:s22] =	ssyncset.done $0x0  }
0x121: {  	s0 =	simm.s32 @p1 $0x2;
	[sflag:s22] =	ssyncadd.s32 $0xFFFFC000  }
0x122: {  	_ =	swait.ge @p1 [sflag:s0], $0x4000  }
0x123: {  	s1 =	simm.s32 $0x1080;
	s3 =	simm.s32 @p1 $0x3;
	[sflag:s0] =	ssyncset.done @p1 $0x0  }
0x124: {  	s6 =	simm.s32 @p1 $0x6000;
	[sflag:s0] =	ssyncadd.s32 @p1 $0xFFFFC000;
	s0 =	simm.s32 @p1 $0x80  }
0x125: {  	[spmem:s2] =	stream.indirect.scatter.add.f32 @p1 [tilespmem:s6], [sflag:$0x3], $0x80, s1, s0, $0xb8;
	[tilespmem:$0x1E000] =	vst v63  }
0x126: {  	_ =	swait.ge @p1 [sflag:s3], $0x4000  }
0x127: {  	s8 =	simm.s32 @!p1 $0x2;
	s0 =	simm.s32 @!p1 $0x2000;
	[sflag:s3] =	ssyncset.done @p1 $0x0  }
0x128: {  	s6 =	simm.s32 @!p1 $0x80;
	[sflag:s3] =	ssyncadd.s32 @p1 $0xFFFFC000;
	s3 =	simm.s32 @!p1 $0x100  }
0x129: {  	[tilespmem:s0], [sflag:$0x1] =	stream.indirect.gather @!p1 [hbm4b:s5+s6], $0x80, s3, s6, $0xb8;
	[tilespmem:$0x1E000] =	vst v63  }
0x12a: {  	_ =	swait.ge @!p1 [sflag:s8], $0x4000  }
0x12b: {  	p2 =	sne.s32 s20, $0x1;
	s0 =	simm.s32 @!p1 $0x3;
	[sflag:s8] =	ssyncset.done @!p1 $0x0  }
.Ltmp15:
0x12c: {  	[sflag:s8] =	ssyncadd.s32 @!p1 $0xFFFFC000;
	s8 =	simm.s32 @!p1 $0x6000;
	(pc) =	sbr.rel @!p2 .LBB2_20-.Ltmp15, $4  }
0x12d: {  	[spmem:s2] =	stream.indirect.scatter.add.f32 @!p1 [tilespmem:s8], [sflag:$0x3], $0x80, s1, s6, $0xb8;
	[tilespmem:$0x1E000] =	vst v63  }
0x12e: {  	_ =	swait.ge @!p1 [sflag:s0], $0x4000  }
0x12f: {  	s31 =	simm.s32 $0x1;
	s3 =	simm.s32 $0x180;
	[sflag:s0] =	ssyncset.done @!p1 $0x0  }
0x130: {  	s1 =	simm.s32 $0x1180;
	[sflag:s0] =	ssyncadd.s32 @!p1 $0xFFFFC000;
	s0 =	simm.s32 $0x280  }
.LBB2_19:
0x131: {  	[tilespmem:s8], [sflag:$0x2] =	stream.indirect.gather @!p1 [hbm4b:s5+s6], $0x80, s3, s6, $0xb8;
	[tilespmem:$0x1E000] =	vst v63  }
0x132: {  	s6 =	smov.u32 s31;
	s31 =	sadd.s32 $0x1, s31;
	_ =	swait.ge [sflag:s28], $0x4000  }
0x133: {  	s3 =	smov.u32 s0;
	p2 =	sne.s32 s20, s31;
	[sflag:s28] =	ssyncset.done $0x0  }
0x134: {  	s8 =	sadd.s32 $0xFFFFFF80, s1;
	[sflag:s28] =	ssyncadd.s32 $0xFFFFC000  }
0x135: {  	[spmem:s2] =	stream.indirect.scatter.add.f32 [tilespmem:s25], [sflag:$0x3], $0x80, s8, s24, $0xb8;
	[tilespmem:$0x1E000] =	vst v63  }
0x136: {  	_ =	swait.ge [sflag:s22], $0x4000  }
0x137: {  	p1 =	sge.s32 s6, s10;
	[sflag:s22] =	ssyncset.done $0x0  }
0x138: {  	s6 =	simm.s32 @p1 $0x2;
	[sflag:s22] =	ssyncadd.s32 $0xFFFFC000  }
0x139: {  	_ =	swait.ge @p1 [sflag:s6], $0x4000  }
0x13a: {  	s8 =	simm.s32 @p1 $0x3;
	[sflag:s6] =	ssyncset.done @p1 $0x0  }
0x13b: {  	s9 =	simm.s32 @p1 $0x6000;
	[sflag:s6] =	ssyncadd.s32 @p1 $0xFFFFC000;
	s6 =	simm.s32 @p1 $0x80  }
0x13c: {  	[spmem:s2] =	stream.indirect.scatter.add.f32 @p1 [tilespmem:s9], [sflag:$0x3], $0x80, s1, s6, $0xb8;
	[tilespmem:$0x1E000] =	vst v63  }
0x13d: {  	_ =	swait.ge @p1 [sflag:s8], $0x4000  }
0x13e: {  	s11 =	simm.s32 @!p1 $0x2;
	s9 =	simm.s32 @!p1 $0x2000;
	[sflag:s8] =	ssyncset.done @p1 $0x0  }
0x13f: {  	s6 =	simm.s32 @!p1 $0x80;
	[sflag:s8] =	ssyncadd.s32 @p1 $0xFFFFC000;
	s8 =	sadd.s32 @!p1 $0xFFFFFF80, s0  }
0x140: {  	[tilespmem:s9], [sflag:$0x1] =	stream.indirect.gather @!p1 [hbm4b:s5+s6], $0x80, s8, s6, $0xb8;
	[tilespmem:$0x1E000] =	vst v63  }
0x141: {  	_ =	swait.ge @!p1 [sflag:s11], $0x4000  }
0x142: {  	s9 =	simm.s32 @!p1 $0x3;
	[sflag:s11] =	ssyncset.done @!p1 $0x0  }
.Ltmp16:
0x143: {  	s8 =	simm.s32 @!p1 $0x6000;
	[sflag:s11] =	ssyncadd.s32 @!p1 $0xFFFFC000;
	(pc) =	sbr.rel @p2 .LBB2_19-.Ltmp16, $4  }
0x144: {  	[spmem:s2] =	stream.indirect.scatter.add.f32 @!p1 [tilespmem:s8], [sflag:$0x3], $0x80, s1, s6, $0xb8;
	[tilespmem:$0x1E000] =	vst v63  }
0x145: {  	_ =	swait.ge @!p1 [sflag:s9], $0x4000  }
0x146: {  	[sflag:s9] =	ssyncset.done @!p1 $0x0  }
0x147: {  	s0 =	sadd.s32 $0x100, s0;
	s1 =	sadd.s32 $0x100, s1;
	[sflag:s9] =	ssyncadd.s32 @!p1 $0xFFFFC000  }
.Ltmp17:
0x148: {  	_ = 	snop;
	(pc) =	sbr.rel .LBB2_20-.Ltmp17, $1  }
0x149: {  	_ =	sdelay $0x3  }
.LBB2_22:
0x14a: {  	_ =	sfence.sel $0x180000  }
0x14b: {  	[bflag:$0x0] =	sbarrier.arrive $0xFFFF  }
0x14c: {  	_ =	strace $0x9000004A  }
0x14d: {  	s0 =	stileid.u32;
	[bflag:$0x2] =	sbarrier.arrive $0xFFFF  }
0x14e: {  	p0 =	sne.s32 s0, $0x0;
	s0 =	rddreg [dreg:$0x3]  }
0x14f: {  	s0 =	sadd.s32 @!p0 $0x100000, s0  }
0x150: {  	[sflag:s0] =	ssyncadd.tile.s32 @!p0 $0x1;
	_ =	shalt  }
.Lfunc_end2:
_tile_overlayer_lowered:
.L_overlay_start_2:
0x151: {  	(tag) =	ssettag $0x2  }
0x152: {  	s0 =	rddreg [dreg:$0x0];
	s2 =	stileid.u32  }
0x153: {  	s1 =	rddreg [dreg:$0x1];
	p0 =	sne.s32 s2, $0x0  }
0x154: {  	s3 =	rddreg [dreg:$0x2];
	[bflag:$0x3] =	sbarrier.arrive $0xFFFF;
	s2 =	simm.s32 @!p0 $0x1C03  }
0x155: {  	[timem:s3], [sflag:s2] =	dma.local @!p0 [hbm:s0], s1  }
0x156: {  	s0 =	simm.s32 @!p0 $0x3  }
0x157: {  	_ =	swait.ge @!p0 [sflag:s0], s1  }
0x158: {  	s1 =	ssub.s32 @!p0 $0x0, s1;
	[sflag:s0] =	ssyncset.done @!p0 $0x0  }
0x159: {  	[sflag:s0] =	ssyncadd.s32 @!p0 s1  }
0x15a: {  	[bflag:$0x3] =	sbarrier.arrive $0xFFFF  }
0x15b: {  	_ =	shalt  }

// kernel: kernel.15.cloned.1.call-start
scs
__scs_entry_jumppad:
0x0: {  	(pc) =	sbr.rel $0x88, $3  }
0x1: {  	(tag) =	ssettag $0x0;
	lr =	simm.s32 $0x1  }
0x2: {  	[smem:$0x3F9B] =	sst lr;
	_ =	strace $0xD0000000  }
0x3: {  	_ = 	snop  }
0x4: {  	_ = 	snop  }
0x5: {  	_ = 	snop  }
0x6: {  	_ = 	snop  }
0x7: {  	_ = 	snop  }
__scs_overlays_trampoline_lowered:
0x8: {  	[smem:$0x3FAA] =	sst s0  }
0x9: {  	[smem:$0x3FAB] =	sst s1  }
0xa: {  	[smem:$0x3FAC] =	sst s2  }
0xb: {  	[smem:$0x3FAD] =	sst s3  }
0xc: {  	[smem:$0x3FAE] =	sst s4  }
0xd: {  	[smem:$0x3FAF] =	sst s5  }
0xe: {  	[smem:$0x3FB0] =	sst s6  }
0xf: {  	[smem:$0x3FB1] =	sst s7  }
0x10: {  	[smem:$0x3FB2] =	sst s8  }
0x11: {  	[smem:$0x3FB3] =	sst s9;
	s0 =	simm.s32 @!p0 $0x0  }
0x12: {  	s1 =	sld [smem:$0x3F99];
	s0 =	simm.s32 @p0 $0x1  }
0x13: {  	[smem:$0x3FB4] =	sst s0;
	s0 =	simm.s32 @!p1 $0x0  }
0x14: {  	s2 =	sld [smem:$0x3F98];
	s0 =	simm.s32 @p1 $0x1  }
0x15: {  	[smem:$0x3FB5] =	sst s0;
	s0 =	simm.s32 @!p2 $0x0  }
0x16: {  	s3 =	sld [smem:$0x3FDB];
	s0 =	simm.s32 @p2 $0x1  }
0x17: {  	s4 =	simm.s32 $0x1BF5;
	[smem:$0x3FB7] =	sst s0  }
0x18: {  	s0 =	sld [smem:$0x3F9A];
	_ =	swait.ge [sflag:s4], $0x0  }
0x19: {  	s7 =	sld [smem:$0x3F9B]  }
0x1a: {  	s8 =	sadd.s32 $0xFFFFE003, lr  }
0x1b: {  	s9 =	sadd.s32 $0xFFFFFEF7, lr;
	s5 =	simm.s32 $0xFFFFFFFF;
	p2 =	slt.u32 s8, $0xFFFFF086  }
0x1c: {  	p1 =	slt.u32 s9, $0xF7A;
	s5 =	simm.s32 @!p2 $0x0  }
0x1d: {  	s5 =	simm.s32 @p1 $0x1;
	p0 =	seq.s32 s7, s2  }
0x1e: {  	s7 =	smul.u32 @!p0 $0xF7A, s2;
	p2 =	seq.s32 @!p0 s5, $0x0  }
0x1f: {  	s9 =	smul.u32 $0xF7A, s1;
	s8 =	simm.s32 @!p0 $0x1BF5;
	p2 =	por !p2, p0  }
0x20: {  	[sflag:s8] =	ssyncset.s32 @!p0 $0xFFFFF086;
	s6 =	sadd.s32 @!p0 s3, s7;
	s7 =	simm.s32 @!p0 $0x108  }
0x21: {  	s3 =	sadd.s32 s3, s9;
	s6 =	sadd.s32 @!p0 $0x88, s6;
	s7 =	simm.s32 @p2 $0x1082  }
0x22: {  	[simem:s7], [sflag:s8] =	dma.local @!p0 [hbm:s6], $0xF7A  }
0x23: {  	s9 =	sor.u32 $0xD0000000, s2;
	s6 =	simm.s32 $0x108;
	_ =	swait.ge @!p0 [sflag:s8], $0x0  }
0x24: {  	s3 =	sadd.s32 $0x88, s3;
	s6 =	simm.s32 @!p1 $0x1082;
	[sflag:s4] =	ssyncset.s32 $0xFFFFF086  }
0x25: {  	[simem:s6], [sflag:s4] =	dma.local [hbm:s3], $0xF7A  }
0x26: {  	[smem:$0x3F9B] =	sst s1;
	(tag) =	ssettag s2;
	_ =	strace s9  }
0x27: {  	s1 =	sld [smem:$0x3FAB]  }
0x28: {  	s2 =	sld [smem:$0x3FAC]  }
0x29: {  	s4 =	sld [smem:$0x3FAE]  }
0x2a: {  	p0 =	seq.s32 s5, $0x0;
	s5 =	sld [smem:$0x3FAF]  }
0x2b: {  	s6 =	sld [smem:$0x3FB0]  }
0x2c: {  	s7 =	sld [smem:$0x3FB1]  }
0x2d: {  	s3 =	simm.s32 $0x108;
	s8 =	sld [smem:$0x3FB2]  }
0x2e: {  	s3 =	simm.s32 @!p0 $0x1082;
	s9 =	sld [smem:$0x3FB3]  }
0x2f: {  	lr =	sadd.s32 s0, s3;
	s0 =	sld [smem:$0x3FAA]  }
0x30: {  	s3 =	sld [smem:$0x3FAD]  }
0x31: {  	[smem:$0x3FB6] =	sst s10  }
0x32: {  	s10 =	sld [smem:$0x3FB4];
	_ =	sdelay $0x3  }
0x33: {  	p0 =	seq.s32 s10, $0x1;
	s10 =	sld [smem:$0x3FB6];
	_ =	sdelay $0x3  }
0x34: {  	[smem:$0x3FB6] =	sst s10  }
0x35: {  	s10 =	sld [smem:$0x3FB5];
	_ =	sdelay $0x3  }
0x36: {  	p1 =	seq.s32 s10, $0x1;
	s10 =	sld [smem:$0x3FB6];
	_ =	sdelay $0x3  }
0x37: {  	[smem:$0x3FB6] =	sst s10  }
0x38: {  	s10 =	sld [smem:$0x3FB7]  }
0x39: {  	_ = 	snop;
	(pc) =	sbr.ind lr, $3  }
0x3a: {  	_ = 	snop  }
0x3b: {  	_ = 	snop  }
0x3c: {  	p2 =	seq.s32 s10, $0x1;
	s10 =	sld [smem:$0x3FB6]  }
0x3d: {  	_ =	shalt  }
0x3e: {  	_ =	shalt  }
0x3f: {  	_ =	shalt  }
0x40: {  	_ =	shalt  }
0x41: {  	_ =	shalt  }
0x42: {  	_ =	shalt  }
0x43: {  	_ =	shalt  }
0x44: {  	_ =	shalt  }
0x45: {  	_ =	shalt  }
0x46: {  	_ =	shalt  }
0x47: {  	_ =	shalt  }
0x48: {  	_ =	shalt  }
0x49: {  	_ =	shalt  }
0x4a: {  	_ =	shalt  }
0x4b: {  	_ =	shalt  }
0x4c: {  	_ =	shalt  }
0x4d: {  	_ =	shalt  }
0x4e: {  	_ =	shalt  }
0x4f: {  	_ =	shalt  }
0x50: {  	_ =	shalt  }
0x51: {  	_ =	shalt  }
0x52: {  	_ =	shalt  }
0x53: {  	_ =	shalt  }
0x54: {  	_ =	shalt  }
0x55: {  	_ =	shalt  }
0x56: {  	_ =	shalt  }
0x57: {  	_ =	shalt  }
0x58: {  	_ =	shalt  }
0x59: {  	_ =	shalt  }
0x5a: {  	_ =	shalt  }
0x5b: {  	_ =	shalt  }
0x5c: {  	_ =	shalt  }
0x5d: {  	_ =	shalt  }
0x5e: {  	_ =	shalt  }
0x5f: {  	_ =	shalt  }
0x60: {  	_ =	shalt  }
0x61: {  	_ =	shalt  }
0x62: {  	_ =	shalt  }
0x63: {  	_ =	shalt  }
0x64: {  	_ =	shalt  }
0x65: {  	_ =	shalt  }
0x66: {  	_ =	shalt  }
0x67: {  	_ =	shalt  }
0x68: {  	_ =	shalt  }
0x69: {  	_ =	shalt  }
0x6a: {  	_ =	shalt  }
0x6b: {  	_ =	shalt  }
0x6c: {  	_ =	shalt  }
0x6d: {  	_ =	shalt  }
0x6e: {  	_ =	shalt  }
0x6f: {  	_ =	shalt  }
0x70: {  	_ =	shalt  }
0x71: {  	_ =	shalt  }
0x72: {  	_ =	shalt  }
0x73: {  	_ =	shalt  }
0x74: {  	_ =	shalt  }
0x75: {  	_ =	shalt  }
0x76: {  	_ =	shalt  }
0x77: {  	_ =	shalt  }
0x78: {  	_ =	shalt  }
0x79: {  	_ =	shalt  }
0x7a: {  	_ =	shalt  }
0x7b: {  	_ =	shalt  }
0x7c: {  	_ =	shalt  }
0x7d: {  	_ =	shalt  }
0x7e: {  	_ =	shalt  }
0x7f: {  	_ =	shalt  }
0x80: {  	_ =	shalt  }
0x81: {  	_ =	shalt  }
0x82: {  	_ =	shalt  }
0x83: {  	_ =	shalt  }
0x84: {  	_ =	shalt  }
0x85: {  	_ =	shalt  }
0x86: {  	_ =	shalt  }
0x87: {  	_ =	shalt  }
.Lfunc_end0:
.L_simem_size_0:
called_computation.2_lowered:
.L_overlay_start_0:
0x88: {  	s2 =	sld [smem:$0x3FD9]  }
0x89: {  	s3 =	sld [smem:$0x3FFE];
	_ =	sdelay $0x1  }
0x8a: {  	s1 =	srdreg.scid  }
0x8b: {  	s0 =	sand.u32 $0x1, s1  }
0x8c: {  	s17 =	sshll.u32 s0, $0xA;
	s2 =	sadd.s32 s3, s2  }
0x8d: {  	s2 =	sadd.s32 s2, s17  }
0x8e: {  	[smem:$0x3FC2] =	sst s2  }
0x8f: {  	_ = 	snop  }
0x90: {  	s2 =	sld [smem:$0x3FD0];
	(tm) =	ssettm $0x1  }
0x91: {  	s18 =	sld [smem:$0x3FFB];
	_ =	sdelay $0x3  }
0x92: {  	_ =	strace s18  }
0x93: {  	s3 =	sld [smem:$0x3FFC];
	_ =	sdelay $0x3  }
0x94: {  	_ =	strace s3  }
0x95: {  	s3 =	sld [smem:$0x3FFD];
	_ =	sdelay $0x3  }
0x96: {  	_ =	strace s3  }
0x97: {  	_ =	strace $0x8FFFFFFF  }
0x98: {  	s19 =	sld [smem:$0x3FDB];
	_ =	sdelay $0x1  }
0x99: {  	s4 =	simm.s32 $_scs_section_size  }
0x9a: {  	s5 =	simm.s32 $_size__tile_overlayer_lowered;
	s6 =	simm.s32 $_tile_overlayer_lowered  }
0x9b: {  	s22 =	simm.s32 $0x1BFF;
	s21 =	sshll.u32 s6, $0x1;
	s3 =	sadd.s32 s4, s19  }
0x9c: {  	s7 =	simm.s32 $0x0;
	s20 =	sshll.u32 s5, $0x1;
	s5 =	sadd.s32 s21, s3  }
0x9d: {  	[timem:s7], [sflag:s22] =	dma.local [hbm:s5], s20  }
0x9e: {  	_ =	swait.ge [sflag:s22], s20  }
0x9f: {  	s4 =	ssub.s32 $0x0, s20;
	[sflag:s22] =	ssyncset.done $0x0  }
0xa0: {  	[sflag:s22] =	ssyncadd.s32 s4;
	_ =	sdelay $0x1  }
0xa1: {  	s23 =	simm.s32 $0x1B8B  }
0xa2: {  	_ =	swait.ge [sflag:s23], $0x1  }
0xa3: {  	[sflag:s23] =	ssyncset.done $0x0  }
0xa4: {  	s25 =	simm.s32 $0x1B8E;
	s24 =	sld [smem:$0x3FFE];
	[sflag:s23] =	ssyncadd.s32 $0xFFFFFFFF  }
0xa5: {  	s26 =	simm.s32 $execute0_lowered;
	[smem:$0x3FD2] =	sst s25  }
0xa6: {  	s5 =	sshll.u32 s26, $0x1;
	_ =	strace $0x8000004C;
	[dreg:$0x1] =	wrdreg $0xFFFFFFFF  }
0xa7: {  	s28 =	simm.s32 $_size_execute0_lowered;
	s3 =	sadd.s32 s3, s5;
	[dreg:$0x0] =	wrdreg $0x0  }
0xa8: {  	s5 =	sshll.u32 s28, $0x1;
	[dreg:$0x2] =	wrdreg s3  }
0xa9: {  	[dreg:$0x3] =	wrdreg s5  }
0xaa: {  	[dreg:$0x4] =	wrdreg $0xC0  }
0xab: {  	_ =	task [dreg:s7], $0x5FFFF  }
0xac: {  	[dreg:$0x1] =	wrdreg $0xFFFFFFFF  }
0xad: {  	[dreg:$0x0] =	wrdreg $0x60  }
0xae: {  	[dreg:$0x2] =	wrdreg s24  }
0xaf: {  	[dreg:$0x3] =	wrdreg s2  }
0xb0: {  	[dreg:$0x4] =	wrdreg $0xA0000  }
0xb1: {  	[dreg:$0x5] =	wrdreg $0x9  }
0xb2: {  	_ =	task.clear_ibuf [dreg:s7], $0x6FFFF;
	_ =	strace $0x9000004C  }
0xb3: {  	s29 =	simm.s32 $0x9;
	_ =	strace $0x8000004E  }
0xb4: {  	_ =	swait.ge [sflag:s29], $0x1  }
0xb5: {  	[sflag:s29] =	ssyncadd.s32 $0xFFFFFFFF  }
0xb6: {  	_ =	strace $0x9000004E  }
0xb7: {  	_ =	sfence  }
0xb8: {  	s30 =	sld [smem:$0x0];
	_ =	sdelay $0x2  }
0xb9: {  	s31 =	sshll.u32 s1, $0xD;
	s1 =	sshrl.u32 s1, $0x2  }
0xba: {  	s3 =	sand.u32 $0x4000, s31;
	s1 =	sadd.s32 s1, s30  }
0xbb: {  	s0 =	sor.u32 s3, s0;
	s1 =	sshll.u32 s1, $0x11  }
0xbc: {  	s0 =	sor.u32 s1, s0  }
0xbd: {  	s0 =	sadd.s32 $0x8F2B, s0  }
0xbe: {  	[sflag:s0] =	ssyncadd.remote.s32 $0x1  }
0xbf: {  	_ =	sfence.sel $0xFFFF  }
0xc0: {  	[dreg:$0x0] =	wrdreg $0xFFFFFFFF;
	(pc) =	sbr.abs _section_cstart, $3  }
0xc1: {  	[dreg:$0x1] =	wrdreg $0xFFFFFFFF  }
0xc2: {  	_ =	task.clear_ibuf [dreg:s7], $0x2FFFF;
	_ =	strace $0x9FFFFFFF  }
0xc3: {  	(tm) =	ssettm $0x7FFFFFFF  }
tec
execute0_lowered:
.L_overlay_start_1:
0x0: {  	(tag) =	ssettag $0x1  }
0x1: {  	s0 =	rddreg [dreg:$0x0]  }
0x2: {  	s2 =	rddreg [dreg:$0x2];
	s1 =	srdreg.scid  }
0x3: {  	s4 =	simm.s32 $0x0;
	s10 =	stileid.u32;
	s22 =	simm.s32 $0x3  }
0x4: {  	s28 =	simm.s32 $0x1;
	s29 =	simm.s32 $0x0;
	s6 =	smul.u32 $0x14000, s10  }
0x5: {  	s1 =	sand.u32 $0x1, s1;
	[smem:$0x7FF] =	sst s4;
	s7 =	smul.u32 $0x50000, s10  }
0x6: {  	s5 =	sadd.s32 $0x16800, s0;
	s9 =	sshll.u32 s10, $0x6;
	s10 =	smul.u32 $0x5000, s10  }
0x7: {  	s8 =	sadd.s32 $0xC800, s0;
	s18 =	sadd.s32 $0x2800, s0;
	s3 =	smul.u32 $0x140000, s1  }
0x8: {  	_ =	strace $0x8000004D;
	s23 =	ssub.s32 $0x2, s1;
	p0 =	seq.s32 s1, $0x0  }
0x9: {  	s24 =	sshrl.u32 s23, $0x1;
	s7 =	sshrl.u32 s7, $0x2;
	s15 =	sshrl.u32 s10, $0x3  }
0xa: {  	s3 =	sadd.s32 s6, s3;
	s25 =	sadd.s32 s7, s2;
	s7 =	sor.u32 $0x1C03, s9  }
0xb: {  	s6 =	simm.s32 $0x10;
	s26 =	sadd.s32 s8, s15;
	s30 =	sadd.s32 s18, s15  }
0xc: {  	s12 =	sadd.s32 $0x200, s15;
	s14 =	sadd.s32 $0x400, s15;
	[dreg:$0x4] =	wrdreg s25  }
0xd: {  	s16 =	sadd.s32 $0x600, s15;
	s19 =	sadd.s32 $0x800, s15;
	[dreg:$0x5] =	wrdreg s26  }
0xe: {  	s3 =	sshrl.u32 s3, $0x3;
	s6 =	simm.s32 @!p0 $0x0;
	[dreg:$0x6] =	wrdreg s30  }
0xf: {  	s31 =	sadd.s32 s8, s12;
	s12 =	sadd.s32 s18, s12;
	s13 =	sadd.s32 s8, s14  }
0x10: {  	s14 =	sadd.s32 s18, s14;
	s15 =	sadd.s32 s8, s16;
	s16 =	sadd.s32 s18, s16  }
.Ltmp0:
0x11: {  	s17 =	sadd.s32 s8, s19;
	s18 =	sadd.s32 s18, s19;
	(pc) =	sbr.rel .LBB2_1-.Ltmp0, $4  }
0x12: {  	p0 =	sne.s32 s1, $0x0;
	s25 =	simm.s32 $0x2000;
	s26 =	simm.s32 $0x6000  }
0x13: {  	s0 =	sadd.s32 s3, s0;
	s3 =	ssub.s32 s23, s24;
	s10 =	sadd.s32 $0xFFFFFFFF, s6  }
0x14: {  	[dreg:$0x7] =	wrdreg s31;
	s20 =	smax.u32 s6, $0x1;
	s23 =	simm.s32 $0x1000  }
0x15: {  	s24 =	simm.s32 $0x80;
	s19 =	sadd.s32 $0x3E800, s0;
	s21 =	smax.u32 s3, $0x1  }
.LBB2_20:
0x16: {  	[tilespmem:s8], [sflag:$0x2] =	stream.indirect.gather @!p1 [hbm4b:s5+s6], $0x80, s3, s6, $0xb8;
	[tilespmem:$0x1E000] =	vst v63  }
.LBB2_21:
0x17: {  	s29 =	sadd.s32 $0x1, s29  }
0x18: {  	p1 =	sne.s32 s29, s21  }
.Ltmp1:
0x19: {  	[bflag:$0x0] =	sbarrier.arrive $0xFFFF;
	(pc) =	sbr.rel @!p1 .LBB2_22-.Ltmp1, $4  }
0x1a: {  	[hbm:s19], [sflag:s7] =	dma.local [spmem:s30], $0x2800  }
0x1b: {  	_ =	swait.ge [sflag:s22], $0x2800  }
0x1c: {  	[sflag:s22] =	ssyncset.done $0x0  }
0x1d: {  	[sflag:s22] =	ssyncadd.s32 $0xFFFFD800  }
.LBB2_1:
0x1e: {  	s0 =	rddreg [dreg:$0x4]  }
0x1f: {  	s9 =	rddreg [dreg:$0x1];
	s30 =	sshrl.u32 s0, $0x3  }
0x20: {  	[spmem:s30], [sflag:s7] =	dma.local [hbm:s9], $0x2800  }
0x21: {  	_ =	swait.ge [sflag:s22], $0x2800  }
0x22: {  	[sflag:s22] =	ssyncset.done $0x0  }
0x23: {  	[sflag:s22] =	ssyncadd.s32 $0xFFFFD800  }
0x24: {  	[bflag:$0x0] =	sbarrier.arrive $0xFFFF  }
0x25: {  	s11 =	rddreg [dreg:$0x5]  }
0x26: {  	[tilespmem:s4], [sflag:$0x3] =	stream.linear.gather [hbm4b:s11+s4], $0x1000, $0x38;
	[tilespmem:$0x1E000] =	vst v63  }
0x27: {  	_ =	swait.ge [sflag:s22], $0x1000  }
0x28: {  	[sflag:s22] =	ssyncset.done $0x0  }
.Ltmp2:
0x29: {  	s31 =	rddreg [dreg:$0x6];
	[sflag:s22] =	ssyncadd.s32 $0xFFFFF000;
	(pc) =	sbr.rel @p0 .LBB2_5-.Ltmp2, $4  }
0x2a: {  	[tilespmem:s23], [sflag:$0x3] =	stream.linear.gather [hbm4b:s31+s4], $0x1000, $0x38;
	[tilespmem:$0x1E000] =	vst v63  }
0x2b: {  	_ =	swait.ge [sflag:s22], $0x1000  }
0x2c: {  	[sflag:s22] =	ssyncset.done $0x0  }
0x2d: {  	[sflag:s22] =	ssyncadd.s32 $0xFFFFF000  }
0x2e: {  	s0 =	simm.s32 $0x0  }
0x2f: {  	[tilespmem:s25], [sflag:$0x1] =	stream.indirect.gather [hbm4b:s5+s24], $0x80, s0, s24, $0xb8;
	[tilespmem:$0x1E000] =	vst v63  }
0x30: {  	_ = 	snop  }
0x31: {  	[tilespmem:s26], [sflag:$0x2] =	stream.indirect.gather [hbm4b:s5+s24], $0x80, s24, s24, $0xb8;
	[tilespmem:$0x1E000] =	vst v63  }
0x32: {  	_ =	swait.ge [sflag:s28], $0x4000  }
0x33: {  	[sflag:s28] =	ssyncset.done $0x0  }
0x34: {  	s11 =	simm.s32 $0x1000;
	[sflag:s28] =	ssyncadd.s32 $0xFFFFC000  }
0x35: {  	[spmem:s2] =	stream.indirect.scatter.add.f32 [tilespmem:s25], [sflag:$0x3], $0x80, s11, s24, $0xb8;
	[tilespmem:$0x1E000] =	vst v63  }
0x36: {  	_ =	swait.ge [sflag:s22], $0x4000  }
0x37: {  	p1 =	sle.s32 s10, $0x0;
	[sflag:s22] =	ssyncset.done $0x0  }
0x38: {  	s0 =	simm.s32 @p1 $0x2;
	[sflag:s22] =	ssyncadd.s32 $0xFFFFC000  }
0x39: {  	_ =	swait.ge @p1 [sflag:s0], $0x4000  }
0x3a: {  	s1 =	simm.s32 $0x1080;
	s3 =	simm.s32 @p1 $0x3;
	[sflag:s0] =	ssyncset.done @p1 $0x0  }
0x3b: {  	s6 =	simm.s32 @p1 $0x6000;
	[sflag:s0] =	ssyncadd.s32 @p1 $0xFFFFC000;
	s0 =	simm.s32 @p1 $0x80  }
0x3c: {  	[spmem:s2] =	stream.indirect.scatter.add.f32 @p1 [tilespmem:s6], [sflag:$0x3], $0x80, s1, s0, $0xb8;
	[tilespmem:$0x1E000] =	vst v63  }
0x3d: {  	_ =	swait.ge @p1 [sflag:s3], $0x4000  }
0x3e: {  	s8 =	simm.s32 @!p1 $0x2;
	s0 =	simm.s32 @!p1 $0x2000;
	[sflag:s3] =	ssyncset.done @p1 $0x0  }
0x3f: {  	s6 =	simm.s32 @!p1 $0x80;
	[sflag:s3] =	ssyncadd.s32 @p1 $0xFFFFC000;
	s3 =	simm.s32 @!p1 $0x100  }
0x40: {  	[tilespmem:s0], [sflag:$0x1] =	stream.indirect.gather @!p1 [hbm4b:s5+s6], $0x80, s3, s6, $0xb8;
	[tilespmem:$0x1E000] =	vst v63  }
0x41: {  	_ =	swait.ge @!p1 [sflag:s8], $0x4000  }
0x42: {  	p2 =	sne.s32 s20, $0x1;
	s0 =	simm.s32 @!p1 $0x3;
	[sflag:s8] =	ssyncset.done @!p1 $0x0  }
.Ltmp3:
0x43: {  	[sflag:s8] =	ssyncadd.s32 @!p1 $0xFFFFC000;
	s8 =	simm.s32 @!p1 $0x6000;
	(pc) =	sbr.rel @!p2 .LBB2_4-.Ltmp3, $4  }
0x44: {  	[spmem:s2] =	stream.indirect.scatter.add.f32 @!p1 [tilespmem:s8], [sflag:$0x3], $0x80, s1, s6, $0xb8;
	[tilespmem:$0x1E000] =	vst v63  }
0x45: {  	_ =	swait.ge @!p1 [sflag:s0], $0x4000  }
0x46: {  	s31 =	simm.s32 $0x1;
	s3 =	simm.s32 $0x180;
	[sflag:s0] =	ssyncset.done @!p1 $0x0  }
0x47: {  	s1 =	simm.s32 $0x1180;
	[sflag:s0] =	ssyncadd.s32 @!p1 $0xFFFFC000;
	s0 =	simm.s32 $0x280  }
.LBB2_3:
0x48: {  	[tilespmem:s8], [sflag:$0x2] =	stream.indirect.gather @!p1 [hbm4b:s5+s6], $0x80, s3, s6, $0xb8;
	[tilespmem:$0x1E000] =	vst v63  }
0x49: {  	s6 =	smov.u32 s31;
	s31 =	sadd.s32 $0x1, s31;
	_ =	swait.ge [sflag:s28], $0x4000  }
0x4a: {  	s3 =	smov.u32 s0;
	p2 =	sne.s32 s20, s31;
	[sflag:s28] =	ssyncset.done $0x0  }
0x4b: {  	s8 =	sadd.s32 $0xFFFFFF80, s1;
	[sflag:s28] =	ssyncadd.s32 $0xFFFFC000  }
0x4c: {  	[spmem:s2] =	stream.indirect.scatter.add.f32 [tilespmem:s25], [sflag:$0x3], $0x80, s8, s24, $0xb8;
	[tilespmem:$0x1E000] =	vst v63  }
0x4d: {  	_ =	swait.ge [sflag:s22], $0x4000  }
0x4e: {  	p1 =	sge.s32 s6, s10;
	[sflag:s22] =	ssyncset.done $0x0  }
0x4f: {  	s6 =	simm.s32 @p1 $0x2;
	[sflag:s22] =	ssyncadd.s32 $0xFFFFC000  }
0x50: {  	_ =	swait.ge @p1 [sflag:s6], $0x4000  }
0x51: {  	s8 =	simm.s32 @p1 $0x3;
	[sflag:s6] =	ssyncset.done @p1 $0x0  }
0x52: {  	s9 =	simm.s32 @p1 $0x6000;
	[sflag:s6] =	ssyncadd.s32 @p1 $0xFFFFC000;
	s6 =	simm.s32 @p1 $0x80  }
0x53: {  	[spmem:s2] =	stream.indirect.scatter.add.f32 @p1 [tilespmem:s9], [sflag:$0x3], $0x80, s1, s6, $0xb8;
	[tilespmem:$0x1E000] =	vst v63  }
0x54: {  	_ =	swait.ge @p1 [sflag:s8], $0x4000  }
0x55: {  	s11 =	simm.s32 @!p1 $0x2;
	s9 =	simm.s32 @!p1 $0x2000;
	[sflag:s8] =	ssyncset.done @p1 $0x0  }
0x56: {  	s6 =	simm.s32 @!p1 $0x80;
	[sflag:s8] =	ssyncadd.s32 @p1 $0xFFFFC000;
	s8 =	sadd.s32 @!p1 $0xFFFFFF80, s0  }
0x57: {  	[tilespmem:s9], [sflag:$0x1] =	stream.indirect.gather @!p1 [hbm4b:s5+s6], $0x80, s8, s6, $0xb8;
	[tilespmem:$0x1E000] =	vst v63  }
0x58: {  	_ =	swait.ge @!p1 [sflag:s11], $0x4000  }
0x59: {  	s9 =	simm.s32 @!p1 $0x3;
	[sflag:s11] =	ssyncset.done @!p1 $0x0  }
.Ltmp4:
0x5a: {  	s8 =	simm.s32 @!p1 $0x6000;
	[sflag:s11] =	ssyncadd.s32 @!p1 $0xFFFFC000;
	(pc) =	sbr.rel @p2 .LBB2_3-.Ltmp4, $4  }
0x5b: {  	[spmem:s2] =	stream.indirect.scatter.add.f32 @!p1 [tilespmem:s8], [sflag:$0x3], $0x80, s1, s6, $0xb8;
	[tilespmem:$0x1E000] =	vst v63  }
0x5c: {  	_ =	swait.ge @!p1 [sflag:s9], $0x4000  }
0x5d: {  	[sflag:s9] =	ssyncset.done @!p1 $0x0  }
0x5e: {  	s0 =	sadd.s32 $0x100, s0;
	s1 =	sadd.s32 $0x100, s1;
	[sflag:s9] =	ssyncadd.s32 @!p1 $0xFFFFC000  }
.LBB2_4:
0x5f: {  	[tilespmem:s8], [sflag:$0x2] =	stream.indirect.gather @!p1 [hbm4b:s5+s6], $0x80, s3, s6, $0xb8;
	[tilespmem:$0x1E000] =	vst v63  }
.LBB2_5:
0x60: {  	s0 =	rddreg [dreg:$0x7]  }
0x61: {  	[tilespmem:s4], [sflag:$0x3] =	stream.linear.gather [hbm4b:s0+s4], $0x1000, $0x38;
	[tilespmem:$0x1E000] =	vst v63  }
0x62: {  	_ =	swait.ge [sflag:s22], $0x1000  }
0x63: {  	[sflag:s22] =	ssyncset.done $0x0  }
.Ltmp5:
0x64: {  	[sflag:s22] =	ssyncadd.s32 $0xFFFFF000;
	(pc) =	sbr.rel @p0 .LBB2_9-.Ltmp5, $4  }
0x65: {  	[tilespmem:s23], [sflag:$0x3] =	stream.linear.gather [hbm4b:s12+s4], $0x1000, $0x38;
	[tilespmem:$0x1E000] =	vst v63  }
0x66: {  	_ =	swait.ge [sflag:s22], $0x1000  }
0x67: {  	[sflag:s22] =	ssyncset.done $0x0  }
0x68: {  	[sflag:s22] =	ssyncadd.s32 $0xFFFFF000  }
0x69: {  	s0 =	simm.s32 $0x0  }
0x6a: {  	[tilespmem:s25], [sflag:$0x1] =	stream.indirect.gather [hbm4b:s5+s24], $0x80, s0, s24, $0xb8;
	[tilespmem:$0x1E000] =	vst v63  }
0x6b: {  	_ = 	snop  }
0x6c: {  	[tilespmem:s26], [sflag:$0x2] =	stream.indirect.gather [hbm4b:s5+s24], $0x80, s24, s24, $0xb8;
	[tilespmem:$0x1E000] =	vst v63  }
0x6d: {  	_ =	swait.ge [sflag:s28], $0x4000  }
0x6e: {  	[sflag:s28] =	ssyncset.done $0x0  }
0x6f: {  	s11 =	simm.s32 $0x1000;
	[sflag:s28] =	ssyncadd.s32 $0xFFFFC000  }
0x70: {  	[spmem:s2] =	stream.indirect.scatter.add.f32 [tilespmem:s25], [sflag:$0x3], $0x80, s11, s24, $0xb8;
	[tilespmem:$0x1E000] =	vst v63  }
0x71: {  	_ =	swait.ge [sflag:s22], $0x4000  }
0x72: {  	p1 =	sle.s32 s10, $0x0;
	[sflag:s22] =	ssyncset.done $0x0  }
0x73: {  	s0 =	simm.s32 @p1 $0x2;
	[sflag:s22] =	ssyncadd.s32 $0xFFFFC000  }
0x74: {  	_ =	swait.ge @p1 [sflag:s0], $0x4000  }
0x75: {  	s1 =	simm.s32 $0x1080;
	s3 =	simm.s32 @p1 $0x3;
	[sflag:s0] =	ssyncset.done @p1 $0x0  }
0x76: {  	s6 =	simm.s32 @p1 $0x6000;
	[sflag:s0] =	ssyncadd.s32 @p1 $0xFFFFC000;
	s0 =	simm.s32 @p1 $0x80  }
0x77: {  	[spmem:s2] =	stream.indirect.scatter.add.f32 @p1 [tilespmem:s6], [sflag:$0x3], $0x80, s1, s0, $0xb8;
	[tilespmem:$0x1E000] =	vst v63  }
0x78: {  	_ =	swait.ge @p1 [sflag:s3], $0x4000  }
0x79: {  	s8 =	simm.s32 @!p1 $0x2;
	s0 =	simm.s32 @!p1 $0x2000;
	[sflag:s3] =	ssyncset.done @p1 $0x0  }
0x7a: {  	s6 =	simm.s32 @!p1 $0x80;
	[sflag:s3] =	ssyncadd.s32 @p1 $0xFFFFC000;
	s3 =	simm.s32 @!p1 $0x100  }
0x7b: {  	[tilespmem:s0], [sflag:$0x1] =	stream.indirect.gather @!p1 [hbm4b:s5+s6], $0x80, s3, s6, $0xb8;
	[tilespmem:$0x1E000] =	vst v63  }
0x7c: {  	_ =	swait.ge @!p1 [sflag:s8], $0x4000  }
0x7d: {  	p2 =	sne.s32 s20, $0x1;
	s0 =	simm.s32 @!p1 $0x3;
	[sflag:s8] =	ssyncset.done @!p1 $0x0  }
.Ltmp6:
0x7e: {  	[sflag:s8] =	ssyncadd.s32 @!p1 $0xFFFFC000;
	s8 =	simm.s32 @!p1 $0x6000;
	(pc) =	sbr.rel @!p2 .LBB2_8-.Ltmp6, $4  }
0x7f: {  	[spmem:s2] =	stream.indirect.scatter.add.f32 @!p1 [tilespmem:s8], [sflag:$0x3], $0x80, s1, s6, $0xb8;
	[tilespmem:$0x1E000] =	vst v63  }
0x80: {  	_ =	swait.ge @!p1 [sflag:s0], $0x4000  }
0x81: {  	s31 =	simm.s32 $0x1;
	s3 =	simm.s32 $0x180;
	[sflag:s0] =	ssyncset.done @!p1 $0x0  }
0x82: {  	s1 =	simm.s32 $0x1180;
	[sflag:s0] =	ssyncadd.s32 @!p1 $0xFFFFC000;
	s0 =	simm.s32 $0x280  }
.LBB2_7:
0x83: {  	[tilespmem:s8], [sflag:$0x2] =	stream.indirect.gather @!p1 [hbm4b:s5+s6], $0x80, s3, s6, $0xb8;
	[tilespmem:$0x1E000] =	vst v63  }
0x84: {  	s6 =	smov.u32 s31;
	s31 =	sadd.s32 $0x1, s31;
	_ =	swait.ge [sflag:s28], $0x4000  }
0x85: {  	s3 =	smov.u32 s0;
	p2 =	sne.s32 s20, s31;
	[sflag:s28] =	ssyncset.done $0x0  }
0x86: {  	s8 =	sadd.s32 $0xFFFFFF80, s1;
	[sflag:s28] =	ssyncadd.s32 $0xFFFFC000  }
0x87: {  	[spmem:s2] =	stream.indirect.scatter.add.f32 [tilespmem:s25], [sflag:$0x3], $0x80, s8, s24, $0xb8;
	[tilespmem:$0x1E000] =	vst v63  }
0x88: {  	_ =	swait.ge [sflag:s22], $0x4000  }
0x89: {  	p1 =	sge.s32 s6, s10;
	[sflag:s22] =	ssyncset.done $0x0  }
0x8a: {  	s6 =	simm.s32 @p1 $0x2;
	[sflag:s22] =	ssyncadd.s32 $0xFFFFC000  }
0x8b: {  	_ =	swait.ge @p1 [sflag:s6], $0x4000  }
0x8c: {  	s8 =	simm.s32 @p1 $0x3;
	[sflag:s6] =	ssyncset.done @p1 $0x0  }
0x8d: {  	s9 =	simm.s32 @p1 $0x6000;
	[sflag:s6] =	ssyncadd.s32 @p1 $0xFFFFC000;
	s6 =	simm.s32 @p1 $0x80  }
0x8e: {  	[spmem:s2] =	stream.indirect.scatter.add.f32 @p1 [tilespmem:s9], [sflag:$0x3], $0x80, s1, s6, $0xb8;
	[tilespmem:$0x1E000] =	vst v63  }
0x8f: {  	_ =	swait.ge @p1 [sflag:s8], $0x4000  }
0x90: {  	s11 =	simm.s32 @!p1 $0x2;
	s9 =	simm.s32 @!p1 $0x2000;
	[sflag:s8] =	ssyncset.done @p1 $0x0  }
0x91: {  	s6 =	simm.s32 @!p1 $0x80;
	[sflag:s8] =	ssyncadd.s32 @p1 $0xFFFFC000;
	s8 =	sadd.s32 @!p1 $0xFFFFFF80, s0  }
0x92: {  	[tilespmem:s9], [sflag:$0x1] =	stream.indirect.gather @!p1 [hbm4b:s5+s6], $0x80, s8, s6, $0xb8;
	[tilespmem:$0x1E000] =	vst v63  }
0x93: {  	_ =	swait.ge @!p1 [sflag:s11], $0x4000  }
0x94: {  	s9 =	simm.s32 @!p1 $0x3;
	[sflag:s11] =	ssyncset.done @!p1 $0x0  }
.Ltmp7:
0x95: {  	s8 =	simm.s32 @!p1 $0x6000;
	[sflag:s11] =	ssyncadd.s32 @!p1 $0xFFFFC000;
	(pc) =	sbr.rel @p2 .LBB2_7-.Ltmp7, $4  }
0x96: {  	[spmem:s2] =	stream.indirect.scatter.add.f32 @!p1 [tilespmem:s8], [sflag:$0x3], $0x80, s1, s6, $0xb8;
	[tilespmem:$0x1E000] =	vst v63  }
0x97: {  	_ =	swait.ge @!p1 [sflag:s9], $0x4000  }
0x98: {  	[sflag:s9] =	ssyncset.done @!p1 $0x0  }
0x99: {  	s0 =	sadd.s32 $0x100, s0;
	s1 =	sadd.s32 $0x100, s1;
	[sflag:s9] =	ssyncadd.s32 @!p1 $0xFFFFC000  }
.LBB2_8:
0x9a: {  	[tilespmem:s8], [sflag:$0x2] =	stream.indirect.gather @!p1 [hbm4b:s5+s6], $0x80, s3, s6, $0xb8;
	[tilespmem:$0x1E000] =	vst v63  }
.LBB2_9:
0x9b: {  	[tilespmem:s4], [sflag:$0x3] =	stream.linear.gather [hbm4b:s13+s4], $0x1000, $0x38;
	[tilespmem:$0x1E000] =	vst v63  }
0x9c: {  	_ =	swait.ge [sflag:s22], $0x1000  }
0x9d: {  	[sflag:s22] =	ssyncset.done $0x0  }
.Ltmp8:
0x9e: {  	[sflag:s22] =	ssyncadd.s32 $0xFFFFF000;
	(pc) =	sbr.rel @p0 .LBB2_13-.Ltmp8, $4  }
0x9f: {  	[tilespmem:s23], [sflag:$0x3] =	stream.linear.gather [hbm4b:s14+s4], $0x1000, $0x38;
	[tilespmem:$0x1E000] =	vst v63  }
0xa0: {  	_ =	swait.ge [sflag:s22], $0x1000  }
0xa1: {  	[sflag:s22] =	ssyncset.done $0x0  }
0xa2: {  	[sflag:s22] =	ssyncadd.s32 $0xFFFFF000  }
0xa3: {  	s0 =	simm.s32 $0x0  }
0xa4: {  	[tilespmem:s25], [sflag:$0x1] =	stream.indirect.gather [hbm4b:s5+s24], $0x80, s0, s24, $0xb8;
	[tilespmem:$0x1E000] =	vst v63  }
0xa5: {  	_ = 	snop  }
0xa6: {  	[tilespmem:s26], [sflag:$0x2] =	stream.indirect.gather [hbm4b:s5+s24], $0x80, s24, s24, $0xb8;
	[tilespmem:$0x1E000] =	vst v63  }
0xa7: {  	_ =	swait.ge [sflag:s28], $0x4000  }
0xa8: {  	[sflag:s28] =	ssyncset.done $0x0  }
0xa9: {  	s11 =	simm.s32 $0x1000;
	[sflag:s28] =	ssyncadd.s32 $0xFFFFC000  }
0xaa: {  	[spmem:s2] =	stream.indirect.scatter.add.f32 [tilespmem:s25], [sflag:$0x3], $0x80, s11, s24, $0xb8;
	[tilespmem:$0x1E000] =	vst v63  }
0xab: {  	_ =	swait.ge [sflag:s22], $0x4000  }
0xac: {  	p1 =	sle.s32 s10, $0x0;
	[sflag:s22] =	ssyncset.done $0x0  }
0xad: {  	s0 =	simm.s32 @p1 $0x2;
	[sflag:s22] =	ssyncadd.s32 $0xFFFFC000  }
0xae: {  	_ =	swait.ge @p1 [sflag:s0], $0x4000  }
0xaf: {  	s1 =	simm.s32 $0x1080;
	s3 =	simm.s32 @p1 $0x3;
	[sflag:s0] =	ssyncset.done @p1 $0x0  }
0xb0: {  	s6 =	simm.s32 @p1 $0x6000;
	[sflag:s0] =	ssyncadd.s32 @p1 $0xFFFFC000;
	s0 =	simm.s32 @p1 $0x80  }
0xb1: {  	[spmem:s2] =	stream.indirect.scatter.add.f32 @p1 [tilespmem:s6], [sflag:$0x3], $0x80, s1, s0, $0xb8;
	[tilespmem:$0x1E000] =	vst v63  }
0xb2: {  	_ =	swait.ge @p1 [sflag:s3], $0x4000  }
0xb3: {  	s8 =	simm.s32 @!p1 $0x2;
	s0 =	simm.s32 @!p1 $0x2000;
	[sflag:s3] =	ssyncset.done @p1 $0x0  }
0xb4: {  	s6 =	simm.s32 @!p1 $0x80;
	[sflag:s3] =	ssyncadd.s32 @p1 $0xFFFFC000;
	s3 =	simm.s32 @!p1 $0x100  }
0xb5: {  	[tilespmem:s0], [sflag:$0x1] =	stream.indirect.gather @!p1 [hbm4b:s5+s6], $0x80, s3, s6, $0xb8;
	[tilespmem:$0x1E000] =	vst v63  }
0xb6: {  	_ =	swait.ge @!p1 [sflag:s8], $0x4000  }
0xb7: {  	p2 =	sne.s32 s20, $0x1;
	s0 =	simm.s32 @!p1 $0x3;
	[sflag:s8] =	ssyncset.done @!p1 $0x0  }
.Ltmp9:
0xb8: {  	[sflag:s8] =	ssyncadd.s32 @!p1 $0xFFFFC000;
	s8 =	simm.s32 @!p1 $0x6000;
	(pc) =	sbr.rel @!p2 .LBB2_12-.Ltmp9, $4  }
0xb9: {  	[spmem:s2] =	stream.indirect.scatter.add.f32 @!p1 [tilespmem:s8], [sflag:$0x3], $0x80, s1, s6, $0xb8;
	[tilespmem:$0x1E000] =	vst v63  }
0xba: {  	_ =	swait.ge @!p1 [sflag:s0], $0x4000  }
0xbb: {  	s31 =	simm.s32 $0x1;
	s3 =	simm.s32 $0x180;
	[sflag:s0] =	ssyncset.done @!p1 $0x0  }
0xbc: {  	s1 =	simm.s32 $0x1180;
	[sflag:s0] =	ssyncadd.s32 @!p1 $0xFFFFC000;
	s0 =	simm.s32 $0x280  }
.LBB2_11:
0xbd: {  	[tilespmem:s8], [sflag:$0x2] =	stream.indirect.gather @!p1 [hbm4b:s5+s6], $0x80, s3, s6, $0xb8;
	[tilespmem:$0x1E000] =	vst v63  }
0xbe: {  	s6 =	smov.u32 s31;
	s31 =	sadd.s32 $0x1, s31;
	_ =	swait.ge [sflag:s28], $0x4000  }
0xbf: {  	s3 =	smov.u32 s0;
	p2 =	sne.s32 s20, s31;
	[sflag:s28] =	ssyncset.done $0x0  }
0xc0: {  	s8 =	sadd.s32 $0xFFFFFF80, s1;
	[sflag:s28] =	ssyncadd.s32 $0xFFFFC000  }
0xc1: {  	[spmem:s2] =	stream.indirect.scatter.add.f32 [tilespmem:s25], [sflag:$0x3], $0x80, s8, s24, $0xb8;
	[tilespmem:$0x1E000] =	vst v63  }
0xc2: {  	_ =	swait.ge [sflag:s22], $0x4000  }
0xc3: {  	p1 =	sge.s32 s6, s10;
	[sflag:s22] =	ssyncset.done $0x0  }
0xc4: {  	s6 =	simm.s32 @p1 $0x2;
	[sflag:s22] =	ssyncadd.s32 $0xFFFFC000  }
0xc5: {  	_ =	swait.ge @p1 [sflag:s6], $0x4000  }
0xc6: {  	s8 =	simm.s32 @p1 $0x3;
	[sflag:s6] =	ssyncset.done @p1 $0x0  }
0xc7: {  	s9 =	simm.s32 @p1 $0x6000;
	[sflag:s6] =	ssyncadd.s32 @p1 $0xFFFFC000;
	s6 =	simm.s32 @p1 $0x80  }
0xc8: {  	[spmem:s2] =	stream.indirect.scatter.add.f32 @p1 [tilespmem:s9], [sflag:$0x3], $0x80, s1, s6, $0xb8;
	[tilespmem:$0x1E000] =	vst v63  }
0xc9: {  	_ =	swait.ge @p1 [sflag:s8], $0x4000  }
0xca: {  	s11 =	simm.s32 @!p1 $0x2;
	s9 =	simm.s32 @!p1 $0x2000;
	[sflag:s8] =	ssyncset.done @p1 $0x0  }
0xcb: {  	s6 =	simm.s32 @!p1 $0x80;
	[sflag:s8] =	ssyncadd.s32 @p1 $0xFFFFC000;
	s8 =	sadd.s32 @!p1 $0xFFFFFF80, s0  }
0xcc: {  	[tilespmem:s9], [sflag:$0x1] =	stream.indirect.gather @!p1 [hbm4b:s5+s6], $0x80, s8, s6, $0xb8;
	[tilespmem:$0x1E000] =	vst v63  }
0xcd: {  	_ =	swait.ge @!p1 [sflag:s11], $0x4000  }
0xce: {  	s9 =	simm.s32 @!p1 $0x3;
	[sflag:s11] =	ssyncset.done @!p1 $0x0  }
.Ltmp10:
0xcf: {  	s8 =	simm.s32 @!p1 $0x6000;
	[sflag:s11] =	ssyncadd.s32 @!p1 $0xFFFFC000;
	(pc) =	sbr.rel @p2 .LBB2_11-.Ltmp10, $4  }
0xd0: {  	[spmem:s2] =	stream.indirect.scatter.add.f32 @!p1 [tilespmem:s8], [sflag:$0x3], $0x80, s1, s6, $0xb8;
	[tilespmem:$0x1E000] =	vst v63  }
0xd1: {  	_ =	swait.ge @!p1 [sflag:s9], $0x4000  }
0xd2: {  	[sflag:s9] =	ssyncset.done @!p1 $0x0  }
0xd3: {  	s0 =	sadd.s32 $0x100, s0;
	s1 =	sadd.s32 $0x100, s1;
	[sflag:s9] =	ssyncadd.s32 @!p1 $0xFFFFC000  }
.LBB2_12:
0xd4: {  	[tilespmem:s8], [sflag:$0x2] =	stream.indirect.gather @!p1 [hbm4b:s5+s6], $0x80, s3, s6, $0xb8;
	[tilespmem:$0x1E000] =	vst v63  }
.LBB2_13:
0xd5: {  	[tilespmem:s4], [sflag:$0x3] =	stream.linear.gather [hbm4b:s15+s4], $0x1000, $0x38;
	[tilespmem:$0x1E000] =	vst v63  }
0xd6: {  	_ =	swait.ge [sflag:s22], $0x1000  }
0xd7: {  	[sflag:s22] =	ssyncset.done $0x0  }
.Ltmp11:
0xd8: {  	[sflag:s22] =	ssyncadd.s32 $0xFFFFF000;
	(pc) =	sbr.rel @p0 .LBB2_17-.Ltmp11, $4  }
0xd9: {  	[tilespmem:s23], [sflag:$0x3] =	stream.linear.gather [hbm4b:s16+s4], $0x1000, $0x38;
	[tilespmem:$0x1E000] =	vst v63  }
0xda: {  	_ =	swait.ge [sflag:s22], $0x1000  }
0xdb: {  	[sflag:s22] =	ssyncset.done $0x0  }
0xdc: {  	[sflag:s22] =	ssyncadd.s32 $0xFFFFF000  }
0xdd: {  	s0 =	simm.s32 $0x0  }
0xde: {  	[tilespmem:s25], [sflag:$0x1] =	stream.indirect.gather [hbm4b:s5+s24], $0x80, s0, s24, $0xb8;
	[tilespmem:$0x1E000] =	vst v63  }
0xdf: {  	_ = 	snop  }
0xe0: {  	[tilespmem:s26], [sflag:$0x2] =	stream.indirect.gather [hbm4b:s5+s24], $0x80, s24, s24, $0xb8;
	[tilespmem:$0x1E000] =	vst v63  }
0xe1: {  	_ =	swait.ge [sflag:s28], $0x4000  }
0xe2: {  	[sflag:s28] =	ssyncset.done $0x0  }
0xe3: {  	s11 =	simm.s32 $0x1000;
	[sflag:s28] =	ssyncadd.s32 $0xFFFFC000  }
0xe4: {  	[spmem:s2] =	stream.indirect.scatter.add.f32 [tilespmem:s25], [sflag:$0x3], $0x80, s11, s24, $0xb8;
	[tilespmem:$0x1E000] =	vst v63  }
0xe5: {  	_ =	swait.ge [sflag:s22], $0x4000  }
0xe6: {  	p1 =	sle.s32 s10, $0x0;
	[sflag:s22] =	ssyncset.done $0x0  }
0xe7: {  	s0 =	simm.s32 @p1 $0x2;
	[sflag:s22] =	ssyncadd.s32 $0xFFFFC000  }
0xe8: {  	_ =	swait.ge @p1 [sflag:s0], $0x4000  }
0xe9: {  	s1 =	simm.s32 $0x1080;
	s3 =	simm.s32 @p1 $0x3;
	[sflag:s0] =	ssyncset.done @p1 $0x0  }
0xea: {  	s6 =	simm.s32 @p1 $0x6000;
	[sflag:s0] =	ssyncadd.s32 @p1 $0xFFFFC000;
	s0 =	simm.s32 @p1 $0x80  }
0xeb: {  	[spmem:s2] =	stream.indirect.scatter.add.f32 @p1 [tilespmem:s6], [sflag:$0x3], $0x80, s1, s0, $0xb8;
	[tilespmem:$0x1E000] =	vst v63  }
0xec: {  	_ =	swait.ge @p1 [sflag:s3], $0x4000  }
0xed: {  	s8 =	simm.s32 @!p1 $0x2;
	s0 =	simm.s32 @!p1 $0x2000;
	[sflag:s3] =	ssyncset.done @p1 $0x0  }
0xee: {  	s6 =	simm.s32 @!p1 $0x80;
	[sflag:s3] =	ssyncadd.s32 @p1 $0xFFFFC000;
	s3 =	simm.s32 @!p1 $0x100  }
0xef: {  	[tilespmem:s0], [sflag:$0x1] =	stream.indirect.gather @!p1 [hbm4b:s5+s6], $0x80, s3, s6, $0xb8;
	[tilespmem:$0x1E000] =	vst v63  }
0xf0: {  	_ =	swait.ge @!p1 [sflag:s8], $0x4000  }
0xf1: {  	p2 =	sne.s32 s20, $0x1;
	s0 =	simm.s32 @!p1 $0x3;
	[sflag:s8] =	ssyncset.done @!p1 $0x0  }
.Ltmp12:
0xf2: {  	[sflag:s8] =	ssyncadd.s32 @!p1 $0xFFFFC000;
	s8 =	simm.s32 @!p1 $0x6000;
	(pc) =	sbr.rel @!p2 .LBB2_16-.Ltmp12, $4  }
0xf3: {  	[spmem:s2] =	stream.indirect.scatter.add.f32 @!p1 [tilespmem:s8], [sflag:$0x3], $0x80, s1, s6, $0xb8;
	[tilespmem:$0x1E000] =	vst v63  }
0xf4: {  	_ =	swait.ge @!p1 [sflag:s0], $0x4000  }
0xf5: {  	s31 =	simm.s32 $0x1;
	s3 =	simm.s32 $0x180;
	[sflag:s0] =	ssyncset.done @!p1 $0x0  }
0xf6: {  	s1 =	simm.s32 $0x1180;
	[sflag:s0] =	ssyncadd.s32 @!p1 $0xFFFFC000;
	s0 =	simm.s32 $0x280  }
.LBB2_15:
0xf7: {  	[tilespmem:s8], [sflag:$0x2] =	stream.indirect.gather @!p1 [hbm4b:s5+s6], $0x80, s3, s6, $0xb8;
	[tilespmem:$0x1E000] =	vst v63  }
0xf8: {  	s6 =	smov.u32 s31;
	s31 =	sadd.s32 $0x1, s31;
	_ =	swait.ge [sflag:s28], $0x4000  }
0xf9: {  	s3 =	smov.u32 s0;
	p2 =	sne.s32 s20, s31;
	[sflag:s28] =	ssyncset.done $0x0  }
0xfa: {  	s8 =	sadd.s32 $0xFFFFFF80, s1;
	[sflag:s28] =	ssyncadd.s32 $0xFFFFC000  }
0xfb: {  	[spmem:s2] =	stream.indirect.scatter.add.f32 [tilespmem:s25], [sflag:$0x3], $0x80, s8, s24, $0xb8;
	[tilespmem:$0x1E000] =	vst v63  }
0xfc: {  	_ =	swait.ge [sflag:s22], $0x4000  }
0xfd: {  	p1 =	sge.s32 s6, s10;
	[sflag:s22] =	ssyncset.done $0x0  }
0xfe: {  	s6 =	simm.s32 @p1 $0x2;
	[sflag:s22] =	ssyncadd.s32 $0xFFFFC000  }
0xff: {  	_ =	swait.ge @p1 [sflag:s6], $0x4000  }
0x100: {  	s8 =	simm.s32 @p1 $0x3;
	[sflag:s6] =	ssyncset.done @p1 $0x0  }
0x101: {  	s9 =	simm.s32 @p1 $0x6000;
	[sflag:s6] =	ssyncadd.s32 @p1 $0xFFFFC000;
	s6 =	simm.s32 @p1 $0x80  }
0x102: {  	[spmem:s2] =	stream.indirect.scatter.add.f32 @p1 [tilespmem:s9], [sflag:$0x3], $0x80, s1, s6, $0xb8;
	[tilespmem:$0x1E000] =	vst v63  }
0x103: {  	_ =	swait.ge @p1 [sflag:s8], $0x4000  }
0x104: {  	s11 =	simm.s32 @!p1 $0x2;
	s9 =	simm.s32 @!p1 $0x2000;
	[sflag:s8] =	ssyncset.done @p1 $0x0  }
0x105: {  	s6 =	simm.s32 @!p1 $0x80;
	[sflag:s8] =	ssyncadd.s32 @p1 $0xFFFFC000;
	s8 =	sadd.s32 @!p1 $0xFFFFFF80, s0  }
0x106: {  	[tilespmem:s9], [sflag:$0x1] =	stream.indirect.gather @!p1 [hbm4b:s5+s6], $0x80, s8, s6, $0xb8;
	[tilespmem:$0x1E000] =	vst v63  }
0x107: {  	_ =	swait.ge @!p1 [sflag:s11], $0x4000  }
0x108: {  	s9 =	simm.s32 @!p1 $0x3;
	[sflag:s11] =	ssyncset.done @!p1 $0x0  }
.Ltmp13:
0x109: {  	s8 =	simm.s32 @!p1 $0x6000;
	[sflag:s11] =	ssyncadd.s32 @!p1 $0xFFFFC000;
	(pc) =	sbr.rel @p2 .LBB2_15-.Ltmp13, $4  }
0x10a: {  	[spmem:s2] =	stream.indirect.scatter.add.f32 @!p1 [tilespmem:s8], [sflag:$0x3], $0x80, s1, s6, $0xb8;
	[tilespmem:$0x1E000] =	vst v63  }
0x10b: {  	_ =	swait.ge @!p1 [sflag:s9], $0x4000  }
0x10c: {  	[sflag:s9] =	ssyncset.done @!p1 $0x0  }
0x10d: {  	s0 =	sadd.s32 $0x100, s0;
	s1 =	sadd.s32 $0x100, s1;
	[sflag:s9] =	ssyncadd.s32 @!p1 $0xFFFFC000  }
.LBB2_16:
0x10e: {  	[tilespmem:s8], [sflag:$0x2] =	stream.indirect.gather @!p1 [hbm4b:s5+s6], $0x80, s3, s6, $0xb8;
	[tilespmem:$0x1E000] =	vst v63  }
.LBB2_17:
0x10f: {  	[tilespmem:s4], [sflag:$0x3] =	stream.linear.gather [hbm4b:s17+s4], $0x1000, $0x38;
	[tilespmem:$0x1E000] =	vst v63  }
0x110: {  	_ =	swait.ge [sflag:s22], $0x1000  }
0x111: {  	[sflag:s22] =	ssyncset.done $0x0  }
.Ltmp14:
0x112: {  	[sflag:s22] =	ssyncadd.s32 $0xFFFFF000;
	(pc) =	sbr.rel @p0 .LBB2_21-.Ltmp14, $4  }
0x113: {  	[tilespmem:s23], [sflag:$0x3] =	stream.linear.gather [hbm4b:s18+s4], $0x1000, $0x38;
	[tilespmem:$0x1E000] =	vst v63  }
0x114: {  	_ =	swait.ge [sflag:s22], $0x1000  }
0x115: {  	[sflag:s22] =	ssyncset.done $0x0  }
0x116: {  	[sflag:s22] =	ssyncadd.s32 $0xFFFFF000  }
0x117: {  	s0 =	simm.s32 $0x0  }
0x118: {  	[tilespmem:s25], [sflag:$0x1] =	stream.indirect.gather [hbm4b:s5+s24], $0x80, s0, s24, $0xb8;
	[tilespmem:$0x1E000] =	vst v63  }
0x119: {  	_ = 	snop  }
0x11a: {  	[tilespmem:s26], [sflag:$0x2] =	stream.indirect.gather [hbm4b:s5+s24], $0x80, s24, s24, $0xb8;
	[tilespmem:$0x1E000] =	vst v63  }
0x11b: {  	_ =	swait.ge [sflag:s28], $0x4000  }
0x11c: {  	[sflag:s28] =	ssyncset.done $0x0  }
0x11d: {  	s11 =	simm.s32 $0x1000;
	[sflag:s28] =	ssyncadd.s32 $0xFFFFC000  }
0x11e: {  	[spmem:s2] =	stream.indirect.scatter.add.f32 [tilespmem:s25], [sflag:$0x3], $0x80, s11, s24, $0xb8;
	[tilespmem:$0x1E000] =	vst v63  }
0x11f: {  	_ =	swait.ge [sflag:s22], $0x4000  }
0x120: {  	p1 =	sle.s32 s10, $0x0;
	[sflag:s22] =	ssyncset.done $0x0  }
0x121: {  	s0 =	simm.s32 @p1 $0x2;
	[sflag:s22] =	ssyncadd.s32 $0xFFFFC000  }
0x122: {  	_ =	swait.ge @p1 [sflag:s0], $0x4000  }
0x123: {  	s1 =	simm.s32 $0x1080;
	s3 =	simm.s32 @p1 $0x3;
	[sflag:s0] =	ssyncset.done @p1 $0x0  }
0x124: {  	s6 =	simm.s32 @p1 $0x6000;
	[sflag:s0] =	ssyncadd.s32 @p1 $0xFFFFC000;
	s0 =	simm.s32 @p1 $0x80  }
0x125: {  	[spmem:s2] =	stream.indirect.scatter.add.f32 @p1 [tilespmem:s6], [sflag:$0x3], $0x80, s1, s0, $0xb8;
	[tilespmem:$0x1E000] =	vst v63  }
0x126: {  	_ =	swait.ge @p1 [sflag:s3], $0x4000  }
0x127: {  	s8 =	simm.s32 @!p1 $0x2;
	s0 =	simm.s32 @!p1 $0x2000;
	[sflag:s3] =	ssyncset.done @p1 $0x0  }
0x128: {  	s6 =	simm.s32 @!p1 $0x80;
	[sflag:s3] =	ssyncadd.s32 @p1 $0xFFFFC000;
	s3 =	simm.s32 @!p1 $0x100  }
0x129: {  	[tilespmem:s0], [sflag:$0x1] =	stream.indirect.gather @!p1 [hbm4b:s5+s6], $0x80, s3, s6, $0xb8;
	[tilespmem:$0x1E000] =	vst v63  }
0x12a: {  	_ =	swait.ge @!p1 [sflag:s8], $0x4000  }
0x12b: {  	p2 =	sne.s32 s20, $0x1;
	s0 =	simm.s32 @!p1 $0x3;
	[sflag:s8] =	ssyncset.done @!p1 $0x0  }
.Ltmp15:
0x12c: {  	[sflag:s8] =	ssyncadd.s32 @!p1 $0xFFFFC000;
	s8 =	simm.s32 @!p1 $0x6000;
	(pc) =	sbr.rel @!p2 .LBB2_20-.Ltmp15, $4  }
0x12d: {  	[spmem:s2] =	stream.indirect.scatter.add.f32 @!p1 [tilespmem:s8], [sflag:$0x3], $0x80, s1, s6, $0xb8;
	[tilespmem:$0x1E000] =	vst v63  }
0x12e: {  	_ =	swait.ge @!p1 [sflag:s0], $0x4000  }
0x12f: {  	s31 =	simm.s32 $0x1;
	s3 =	simm.s32 $0x180;
	[sflag:s0] =	ssyncset.done @!p1 $0x0  }
0x130: {  	s1 =	simm.s32 $0x1180;
	[sflag:s0] =	ssyncadd.s32 @!p1 $0xFFFFC000;
	s0 =	simm.s32 $0x280  }
.LBB2_19:
0x131: {  	[tilespmem:s8], [sflag:$0x2] =	stream.indirect.gather @!p1 [hbm4b:s5+s6], $0x80, s3, s6, $0xb8;
	[tilespmem:$0x1E000] =	vst v63  }
0x132: {  	s6 =	smov.u32 s31;
	s31 =	sadd.s32 $0x1, s31;
	_ =	swait.ge [sflag:s28], $0x4000  }
0x133: {  	s3 =	smov.u32 s0;
	p2 =	sne.s32 s20, s31;
	[sflag:s28] =	ssyncset.done $0x0  }
0x134: {  	s8 =	sadd.s32 $0xFFFFFF80, s1;
	[sflag:s28] =	ssyncadd.s32 $0xFFFFC000  }
0x135: {  	[spmem:s2] =	stream.indirect.scatter.add.f32 [tilespmem:s25], [sflag:$0x3], $0x80, s8, s24, $0xb8;
	[tilespmem:$0x1E000] =	vst v63  }
0x136: {  	_ =	swait.ge [sflag:s22], $0x4000  }
0x137: {  	p1 =	sge.s32 s6, s10;
	[sflag:s22] =	ssyncset.done $0x0  }
0x138: {  	s6 =	simm.s32 @p1 $0x2;
	[sflag:s22] =	ssyncadd.s32 $0xFFFFC000  }
0x139: {  	_ =	swait.ge @p1 [sflag:s6], $0x4000  }
0x13a: {  	s8 =	simm.s32 @p1 $0x3;
	[sflag:s6] =	ssyncset.done @p1 $0x0  }
0x13b: {  	s9 =	simm.s32 @p1 $0x6000;
	[sflag:s6] =	ssyncadd.s32 @p1 $0xFFFFC000;
	s6 =	simm.s32 @p1 $0x80  }
0x13c: {  	[spmem:s2] =	stream.indirect.scatter.add.f32 @p1 [tilespmem:s9], [sflag:$0x3], $0x80, s1, s6, $0xb8;
	[tilespmem:$0x1E000] =	vst v63  }
0x13d: {  	_ =	swait.ge @p1 [sflag:s8], $0x4000  }
0x13e: {  	s11 =	simm.s32 @!p1 $0x2;
	s9 =	simm.s32 @!p1 $0x2000;
	[sflag:s8] =	ssyncset.done @p1 $0x0  }
0x13f: {  	s6 =	simm.s32 @!p1 $0x80;
	[sflag:s8] =	ssyncadd.s32 @p1 $0xFFFFC000;
	s8 =	sadd.s32 @!p1 $0xFFFFFF80, s0  }
0x140: {  	[tilespmem:s9], [sflag:$0x1] =	stream.indirect.gather @!p1 [hbm4b:s5+s6], $0x80, s8, s6, $0xb8;
	[tilespmem:$0x1E000] =	vst v63  }
0x141: {  	_ =	swait.ge @!p1 [sflag:s11], $0x4000  }
0x142: {  	s9 =	simm.s32 @!p1 $0x3;
	[sflag:s11] =	ssyncset.done @!p1 $0x0  }
.Ltmp16:
0x143: {  	s8 =	simm.s32 @!p1 $0x6000;
	[sflag:s11] =	ssyncadd.s32 @!p1 $0xFFFFC000;
	(pc) =	sbr.rel @p2 .LBB2_19-.Ltmp16, $4  }
0x144: {  	[spmem:s2] =	stream.indirect.scatter.add.f32 @!p1 [tilespmem:s8], [sflag:$0x3], $0x80, s1, s6, $0xb8;
	[tilespmem:$0x1E000] =	vst v63  }
0x145: {  	_ =	swait.ge @!p1 [sflag:s9], $0x4000  }
0x146: {  	[sflag:s9] =	ssyncset.done @!p1 $0x0  }
0x147: {  	s0 =	sadd.s32 $0x100, s0;
	s1 =	sadd.s32 $0x100, s1;
	[sflag:s9] =	ssyncadd.s32 @!p1 $0xFFFFC000  }
.Ltmp17:
0x148: {  	_ = 	snop;
	(pc) =	sbr.rel .LBB2_20-.Ltmp17, $1  }
0x149: {  	_ =	sdelay $0x3  }
.LBB2_22:
0x14a: {  	_ =	sfence.sel $0x180000  }
0x14b: {  	[bflag:$0x0] =	sbarrier.arrive $0xFFFF  }
0x14c: {  	_ =	strace $0x9000004D  }
0x14d: {  	s0 =	stileid.u32;
	[bflag:$0x2] =	sbarrier.arrive $0xFFFF  }
0x14e: {  	p0 =	sne.s32 s0, $0x0;
	s0 =	rddreg [dreg:$0x3]  }
0x14f: {  	s0 =	sadd.s32 @!p0 $0x100000, s0  }
0x150: {  	[sflag:s0] =	ssyncadd.tile.s32 @!p0 $0x1;
	_ =	shalt  }
.Lfunc_end2:
_tile_overlayer_lowered:
.L_overlay_start_2:
0x151: {  	(tag) =	ssettag $0x2  }
0x152: {  	s0 =	rddreg [dreg:$0x0];
	s2 =	stileid.u32  }
0x153: {  	s1 =	rddreg [dreg:$0x1];
	p0 =	sne.s32 s2, $0x0  }
0x154: {  	s3 =	rddreg [dreg:$0x2];
	[bflag:$0x3] =	sbarrier.arrive $0xFFFF;
	s2 =	simm.s32 @!p0 $0x1C03  }
0x155: {  	[timem:s3], [sflag:s2] =	dma.local @!p0 [hbm:s0], s1  }
0x156: {  	s0 =	simm.s32 @!p0 $0x3  }
0x157: {  	_ =	swait.ge @!p0 [sflag:s0], s1  }
0x158: {  	s1 =	ssub.s32 @!p0 $0x0, s1;
	[sflag:s0] =	ssyncset.done @!p0 $0x0  }
0x159: {  	[sflag:s0] =	ssyncadd.s32 @!p0 s1  }
0x15a: {  	[bflag:$0x3] =	sbarrier.arrive $0xFFFF  }
0x15b: {  	_ =	shalt  }

// kernel: kernel.9.cloned.1.call-start
scs
__scs_entry_jumppad:
0x0: {  	(pc) =	sbr.rel $0x88, $3  }
0x1: {  	(tag) =	ssettag $0x0;
	lr =	simm.s32 $0x1  }
0x2: {  	[smem:$0x3F9B] =	sst lr;
	_ =	strace $0xD0000000  }
0x3: {  	_ = 	snop  }
0x4: {  	_ = 	snop  }
0x5: {  	_ = 	snop  }
0x6: {  	_ = 	snop  }
0x7: {  	_ = 	snop  }
__scs_overlays_trampoline_lowered:
0x8: {  	[smem:$0x3FAA] =	sst s0  }
0x9: {  	[smem:$0x3FAB] =	sst s1  }
0xa: {  	[smem:$0x3FAC] =	sst s2  }
0xb: {  	[smem:$0x3FAD] =	sst s3  }
0xc: {  	[smem:$0x3FAE] =	sst s4  }
0xd: {  	[smem:$0x3FAF] =	sst s5  }
0xe: {  	[smem:$0x3FB0] =	sst s6  }
0xf: {  	[smem:$0x3FB1] =	sst s7  }
0x10: {  	[smem:$0x3FB2] =	sst s8  }
0x11: {  	[smem:$0x3FB3] =	sst s9;
	s0 =	simm.s32 @!p0 $0x0  }
0x12: {  	s1 =	sld [smem:$0x3F99];
	s0 =	simm.s32 @p0 $0x1  }
0x13: {  	[smem:$0x3FB4] =	sst s0;
	s0 =	simm.s32 @!p1 $0x0  }
0x14: {  	s2 =	sld [smem:$0x3F98];
	s0 =	simm.s32 @p1 $0x1  }
0x15: {  	[smem:$0x3FB5] =	sst s0;
	s0 =	simm.s32 @!p2 $0x0  }
0x16: {  	s3 =	sld [smem:$0x3FDB];
	s0 =	simm.s32 @p2 $0x1  }
0x17: {  	s4 =	simm.s32 $0x1BF5;
	[smem:$0x3FB7] =	sst s0  }
0x18: {  	s0 =	sld [smem:$0x3F9A];
	_ =	swait.ge [sflag:s4], $0x0  }
0x19: {  	s7 =	sld [smem:$0x3F9B]  }
0x1a: {  	s8 =	sadd.s32 $0xFFFFE003, lr  }
0x1b: {  	s9 =	sadd.s32 $0xFFFFFEF7, lr;
	s5 =	simm.s32 $0xFFFFFFFF;
	p2 =	slt.u32 s8, $0xFFFFF086  }
0x1c: {  	p1 =	slt.u32 s9, $0xF7A;
	s5 =	simm.s32 @!p2 $0x0  }
0x1d: {  	s5 =	simm.s32 @p1 $0x1;
	p0 =	seq.s32 s7, s2  }
0x1e: {  	s7 =	smul.u32 @!p0 $0xF7A, s2;
	p2 =	seq.s32 @!p0 s5, $0x0  }
0x1f: {  	s9 =	smul.u32 $0xF7A, s1;
	s8 =	simm.s32 @!p0 $0x1BF5;
	p2 =	por !p2, p0  }
0x20: {  	[sflag:s8] =	ssyncset.s32 @!p0 $0xFFFFF086;
	s6 =	sadd.s32 @!p0 s3, s7;
	s7 =	simm.s32 @!p0 $0x108  }
0x21: {  	s3 =	sadd.s32 s3, s9;
	s6 =	sadd.s32 @!p0 $0x88, s6;
	s7 =	simm.s32 @p2 $0x1082  }
0x22: {  	[simem:s7], [sflag:s8] =	dma.local @!p0 [hbm:s6], $0xF7A  }
0x23: {  	s9 =	sor.u32 $0xD0000000, s2;
	s6 =	simm.s32 $0x108;
	_ =	swait.ge @!p0 [sflag:s8], $0x0  }
0x24: {  	s3 =	sadd.s32 $0x88, s3;
	s6 =	simm.s32 @!p1 $0x1082;
	[sflag:s4] =	ssyncset.s32 $0xFFFFF086  }
0x25: {  	[simem:s6], [sflag:s4] =	dma.local [hbm:s3], $0xF7A  }
0x26: {  	[smem:$0x3F9B] =	sst s1;
	(tag) =	ssettag s2;
	_ =	strace s9  }
0x27: {  	s1 =	sld [smem:$0x3FAB]  }
0x28: {  	s2 =	sld [smem:$0x3FAC]  }
0x29: {  	s4 =	sld [smem:$0x3FAE]  }
0x2a: {  	p0 =	seq.s32 s5, $0x0;
	s5 =	sld [smem:$0x3FAF]  }
0x2b: {  	s6 =	sld [smem:$0x3FB0]  }
0x2c: {  	s7 =	sld [smem:$0x3FB1]  }
0x2d: {  	s3 =	simm.s32 $0x108;
	s8 =	sld [smem:$0x3FB2]  }
0x2e: {  	s3 =	simm.s32 @!p0 $0x1082;
	s9 =	sld [smem:$0x3FB3]  }
0x2f: {  	lr =	sadd.s32 s0, s3;
	s0 =	sld [smem:$0x3FAA]  }
0x30: {  	s3 =	sld [smem:$0x3FAD]  }
0x31: {  	[smem:$0x3FB6] =	sst s10  }
0x32: {  	s10 =	sld [smem:$0x3FB4];
	_ =	sdelay $0x3  }
0x33: {  	p0 =	seq.s32 s10, $0x1;
	s10 =	sld [smem:$0x3FB6];
	_ =	sdelay $0x3  }
0x34: {  	[smem:$0x3FB6] =	sst s10  }
0x35: {  	s10 =	sld [smem:$0x3FB5];
	_ =	sdelay $0x3  }
0x36: {  	p1 =	seq.s32 s10, $0x1;
	s10 =	sld [smem:$0x3FB6];
	_ =	sdelay $0x3  }
0x37: {  	[smem:$0x3FB6] =	sst s10  }
0x38: {  	s10 =	sld [smem:$0x3FB7]  }
0x39: {  	_ = 	snop;
	(pc) =	sbr.ind lr, $3  }
0x3a: {  	_ = 	snop  }
0x3b: {  	_ = 	snop  }
0x3c: {  	p2 =	seq.s32 s10, $0x1;
	s10 =	sld [smem:$0x3FB6]  }
0x3d: {  	_ =	shalt  }
0x3e: {  	_ =	shalt  }
0x3f: {  	_ =	shalt  }
0x40: {  	_ =	shalt  }
0x41: {  	_ =	shalt  }
0x42: {  	_ =	shalt  }
0x43: {  	_ =	shalt  }
0x44: {  	_ =	shalt  }
0x45: {  	_ =	shalt  }
0x46: {  	_ =	shalt  }
0x47: {  	_ =	shalt  }
0x48: {  	_ =	shalt  }
0x49: {  	_ =	shalt  }
0x4a: {  	_ =	shalt  }
0x4b: {  	_ =	shalt  }
0x4c: {  	_ =	shalt  }
0x4d: {  	_ =	shalt  }
0x4e: {  	_ =	shalt  }
0x4f: {  	_ =	shalt  }
0x50: {  	_ =	shalt  }
0x51: {  	_ =	shalt  }
0x52: {  	_ =	shalt  }
0x53: {  	_ =	shalt  }
0x54: {  	_ =	shalt  }
0x55: {  	_ =	shalt  }
0x56: {  	_ =	shalt  }
0x57: {  	_ =	shalt  }
0x58: {  	_ =	shalt  }
0x59: {  	_ =	shalt  }
0x5a: {  	_ =	shalt  }
0x5b: {  	_ =	shalt  }
0x5c: {  	_ =	shalt  }
0x5d: {  	_ =	shalt  }
0x5e: {  	_ =	shalt  }
0x5f: {  	_ =	shalt  }
0x60: {  	_ =	shalt  }
0x61: {  	_ =	shalt  }
0x62: {  	_ =	shalt  }
0x63: {  	_ =	shalt  }
0x64: {  	_ =	shalt  }
0x65: {  	_ =	shalt  }
0x66: {  	_ =	shalt  }
0x67: {  	_ =	shalt  }
0x68: {  	_ =	shalt  }
0x69: {  	_ =	shalt  }
0x6a: {  	_ =	shalt  }
0x6b: {  	_ =	shalt  }
0x6c: {  	_ =	shalt  }
0x6d: {  	_ =	shalt  }
0x6e: {  	_ =	shalt  }
0x6f: {  	_ =	shalt  }
0x70: {  	_ =	shalt  }
0x71: {  	_ =	shalt  }
0x72: {  	_ =	shalt  }
0x73: {  	_ =	shalt  }
0x74: {  	_ =	shalt  }
0x75: {  	_ =	shalt  }
0x76: {  	_ =	shalt  }
0x77: {  	_ =	shalt  }
0x78: {  	_ =	shalt  }
0x79: {  	_ =	shalt  }
0x7a: {  	_ =	shalt  }
0x7b: {  	_ =	shalt  }
0x7c: {  	_ =	shalt  }
0x7d: {  	_ =	shalt  }
0x7e: {  	_ =	shalt  }
0x7f: {  	_ =	shalt  }
0x80: {  	_ =	shalt  }
0x81: {  	_ =	shalt  }
0x82: {  	_ =	shalt  }
0x83: {  	_ =	shalt  }
0x84: {  	_ =	shalt  }
0x85: {  	_ =	shalt  }
0x86: {  	_ =	shalt  }
0x87: {  	_ =	shalt  }
.Lfunc_end0:
.L_simem_size_0:
called_computation_lowered:
.L_overlay_start_0:
0x88: {  	s2 =	sld [smem:$0x3FD9]  }
0x89: {  	s3 =	sld [smem:$0x3FFE];
	_ =	sdelay $0x1  }
0x8a: {  	s1 =	srdreg.scid  }
0x8b: {  	s0 =	sand.u32 $0x1, s1  }
0x8c: {  	s17 =	sshll.u32 s0, $0xA;
	s2 =	sadd.s32 s3, s2  }
0x8d: {  	s2 =	sadd.s32 s2, s17  }
0x8e: {  	[smem:$0x3FC2] =	sst s2  }
0x8f: {  	_ = 	snop  }
0x90: {  	s2 =	sld [smem:$0x3FD0];
	(tm) =	ssettm $0x1  }
0x91: {  	s18 =	sld [smem:$0x3FFB];
	_ =	sdelay $0x3  }
0x92: {  	_ =	strace s18  }
0x93: {  	s3 =	sld [smem:$0x3FFC];
	_ =	sdelay $0x3  }
0x94: {  	_ =	strace s3  }
0x95: {  	s3 =	sld [smem:$0x3FFD];
	_ =	sdelay $0x3  }
0x96: {  	_ =	strace s3  }
0x97: {  	_ =	strace $0x8FFFFFFF  }
0x98: {  	s19 =	sld [smem:$0x3FDB];
	_ =	sdelay $0x1  }
0x99: {  	s4 =	simm.s32 $_scs_section_size  }
0x9a: {  	s5 =	simm.s32 $_size__tile_overlayer_lowered;
	s6 =	simm.s32 $_tile_overlayer_lowered  }
0x9b: {  	s22 =	simm.s32 $0x1BFF;
	s21 =	sshll.u32 s6, $0x1;
	s3 =	sadd.s32 s4, s19  }
0x9c: {  	s7 =	simm.s32 $0x0;
	s20 =	sshll.u32 s5, $0x1;
	s5 =	sadd.s32 s21, s3  }
0x9d: {  	[timem:s7], [sflag:s22] =	dma.local [hbm:s5], s20  }
0x9e: {  	_ =	swait.ge [sflag:s22], s20  }
0x9f: {  	s4 =	ssub.s32 $0x0, s20;
	[sflag:s22] =	ssyncset.done $0x0  }
0xa0: {  	[sflag:s22] =	ssyncadd.s32 s4;
	_ =	sdelay $0x1  }
0xa1: {  	s23 =	simm.s32 $0x1B8B  }
0xa2: {  	_ =	swait.ge [sflag:s23], $0x1  }
0xa3: {  	[sflag:s23] =	ssyncset.done $0x0  }
0xa4: {  	s25 =	simm.s32 $0x1B8E;
	s24 =	sld [smem:$0x3FFE];
	[sflag:s23] =	ssyncadd.s32 $0xFFFFFFFF  }
0xa5: {  	s26 =	simm.s32 $execute0_lowered;
	[smem:$0x3FD2] =	sst s25  }
0xa6: {  	s5 =	sshll.u32 s26, $0x1;
	_ =	strace $0x80000046;
	[dreg:$0x1] =	wrdreg $0xFFFFFFFF  }
0xa7: {  	s28 =	simm.s32 $_size_execute0_lowered;
	s3 =	sadd.s32 s3, s5;
	[dreg:$0x0] =	wrdreg $0x0  }
0xa8: {  	s5 =	sshll.u32 s28, $0x1;
	[dreg:$0x2] =	wrdreg s3  }
0xa9: {  	[dreg:$0x3] =	wrdreg s5  }
0xaa: {  	[dreg:$0x4] =	wrdreg $0xC0  }
0xab: {  	_ =	task [dreg:s7], $0x5FFFF  }
0xac: {  	[dreg:$0x1] =	wrdreg $0xFFFFFFFF  }
0xad: {  	[dreg:$0x0] =	wrdreg $0x60  }
0xae: {  	[dreg:$0x2] =	wrdreg s2  }
0xaf: {  	[dreg:$0x3] =	wrdreg s24  }
0xb0: {  	[dreg:$0x4] =	wrdreg $0x9  }
0xb1: {  	_ =	task.clear_ibuf [dreg:s7], $0x5FFFF;
	_ =	strace $0x90000046  }
0xb2: {  	s29 =	simm.s32 $0x9;
	_ =	strace $0x80000048  }
0xb3: {  	_ =	swait.ge [sflag:s29], $0x1  }
0xb4: {  	[sflag:s29] =	ssyncadd.s32 $0xFFFFFFFF  }
0xb5: {  	_ =	strace $0x90000048  }
0xb6: {  	_ =	sfence  }
0xb7: {  	s30 =	sld [smem:$0x0];
	_ =	sdelay $0x2  }
0xb8: {  	s31 =	sshll.u32 s1, $0xD;
	s1 =	sshrl.u32 s1, $0x2  }
0xb9: {  	s3 =	sand.u32 $0x4000, s31;
	s1 =	sadd.s32 s1, s30  }
0xba: {  	s0 =	sor.u32 s3, s0;
	s1 =	sshll.u32 s1, $0x11  }
0xbb: {  	s0 =	sor.u32 s1, s0  }
0xbc: {  	s0 =	sadd.s32 $0x8F2B, s0  }
0xbd: {  	[sflag:s0] =	ssyncadd.remote.s32 $0x1  }
0xbe: {  	_ =	sfence.sel $0xFFFF  }
0xbf: {  	[dreg:$0x0] =	wrdreg $0xFFFFFFFF;
	(pc) =	sbr.abs _section_cstart, $3  }
0xc0: {  	[dreg:$0x1] =	wrdreg $0xFFFFFFFF  }
0xc1: {  	_ =	task.clear_ibuf [dreg:s7], $0x2FFFF;
	_ =	strace $0x9FFFFFFF  }
0xc2: {  	(tm) =	ssettm $0x7FFFFFFF  }
0xc3: {  	_ =	shalt  }
tec
execute0_lowered:
.L_overlay_start_1:
0x0: {  	(tag) =	ssettag $0x1  }
0x1: {  	s3 =	rddreg [dreg:$0x0]  }
0x2: {  	s4 =	rddreg [dreg:$0x1];
	s1 =	srdreg.scid  }
0x3: {  	s0 =	stileid.u32;
	s9 =	simm.s32 $0x400;
	s10 =	simm.s32 $0x1  }
0x4: {  	s11 =	simm.s32 $0x2800;
	s12 =	simm.s32 $0x5000;
	s13 =	simm.s32 $0x7800  }
0x5: {  	s5 =	sand.u32 $0x1, s1;
	s30 =	sshrl.u32 s0, $0x2;
	s2 =	sshll.u32 s0, $0x8  }
0x6: {  	s6 =	smul.u32 $0x14000, s30;
	s7 =	sshll.u32 s5, $0x7;
	s2 =	sand.u32 $0x300, s2  }
0x7: {  	s14 =	simm.s32 $0x0;
	s1 =	rddreg [dreg:$0x2];
	s7 =	sor.u32 s7, s2  }
0x8: {  	s5 =	ssub.s32 $0x2, s5;
	s2 =	simm.s32 $0x0;
	s6 =	sor.u32 s6, s7  }
0x9: {  	s31 =	sshrl.u32 s5, $0x1;
	[smem:$0x7FF] =	sst s2;
	s6 =	sshrl.u32 s6, $0x3  }
0xa: {  	s7 =	ssub.s32 s5, s31;
	_ =	strace $0x80000047;
	s8 =	sadd.s32 s6, s4  }
0xb: {  	s7 =	smax.u32 s7, $0x1;
	s3 =	sadd.s32 s3, s6;
	s4 =	sadd.s32 $0x16800, s8  }
0xc: {  	v0 =	vimm.f32 $0.0e+00;
	v1 =	vimm.f32 $1.000000000e+00;
	s5 =	sadd.s32 $0x20800, s8;
	s6 =	sadd.s32 $0x2A800, s8;
	s8 =	simm.s32 $0x80  }
.LBB2_1:
0xd: {  	[tilespmem:s2], [sflag:$0x1] =	stream.strided.gather [hbm4b:s3+s8], $0x2800, s9, s8, $0x38;
	[tilespmem:$0xA000] =	vst v63  }
0xe: {  	_ =	swait.ge [sflag:s10], $0x2800  }
0xf: {  	[sflag:s10] =	ssyncset.done $0x0  }
0x10: {  	[sflag:s10] =	ssyncadd.s32 $0xFFFFD800  }
0x11: {  	[tilespmem:s11], [sflag:$0x1] =	stream.strided.gather [hbm4b:s4+s8], $0x2800, s9, s8, $0x38;
	[tilespmem:$0xA000] =	vst v63  }
0x12: {  	_ =	swait.ge [sflag:s10], $0x2800  }
0x13: {  	[sflag:s10] =	ssyncset.done $0x0  }
0x14: {  	s15 =	simm.s32 $0x0;
	[sflag:s10] =	ssyncadd.s32 $0xFFFFD800  }
.LBB2_2:
0x15: {  	p0 =	sne.s32 s15, $0x9FC0  }
.Ltmp0:
0x16: {  	_ = 	snop;
	(pc) =	sbr.rel @p0 .LBB2_2-.Ltmp0, $4  }
0x17: {  	_ = 	snop  }
0x18: {  	s16 =	sshra.s32 s15, $0x2  }
0x19: {  	[tilespmem:s16+$0x5000] =	vst v0  }
0x1a: {  	s15 =	sadd.s32 $0x40, s15;
	[tilespmem:s16+$0x7800] =	vst v0  }
0x1b: {  	s16 =	simm.s32 $0x0;
	s15 =	simm.s32 $0x40  }
.LBB2_4:
0x1c: {  	p0 =	sne.s32 s15, $0x9FC0;
	v2 =	vld [tilespmem:s16+$0x0];
	_ =	sdelay $0x7  }
0x1d: {  	[tilespmem:v2+s12+$0x0] =	vst.idx.add.f32.msk $0xffff, v1  }
0x1e: {  	v2 =	vld [tilespmem:s16+$0x2800];
	_ =	sdelay $0x3  }
.Ltmp1:
0x1f: {  	(pc) =	sbr.rel @p0 .LBB2_4-.Ltmp1, $2  }
0x20: {  	_ =	sdelay $0x2  }
0x21: {  	s16 =	sshra.s32 s15, $0x2;
	s15 =	sadd.s32 $0x40, s15;
	[tilespmem:v2+s13+$0x0] =	vst.idx.add.f32.msk $0xffff, v1  }
0x22: {  	v2 =	vld [tilespmem:s16+$0x0];
	_ =	sdelay $0x7  }
0x23: {  	[tilespmem:v2+s12+$0x0] =	vst.idx.add.f32.msk $0xffff, v1  }
0x24: {  	v2 =	vld [tilespmem:s16+$0x2800];
	_ =	sdelay $0x7  }
0x25: {  	[tilespmem:v2+s13+$0x0] =	vst.idx.add.f32.msk $0xffff, v1  }
0x26: {  	[hbm4b:s5+s8] =	stream.strided.scatter [tilespmem:s12], [sflag:$0x1], $0x2800, s9, s8, $0x38;
	[tilespmem:$0xA000] =	vst v63  }
0x27: {  	s14 =	sadd.s32 $0x1, s14;
	_ =	swait.ge [sflag:s10], $0x2800  }
0x28: {  	p0 =	sne.s32 s14, s7;
	[sflag:s10] =	ssyncset.done $0x0  }
.Ltmp2:
0x29: {  	[sflag:s10] =	ssyncadd.s32 $0xFFFFD800;
	(pc) =	sbr.rel @p0 .LBB2_1-.Ltmp2, $4  }
0x2a: {  	[hbm4b:s6+s8] =	stream.strided.scatter [tilespmem:s13], [sflag:$0x1], $0x2800, s9, s8, $0x38;
	[tilespmem:$0xA000] =	vst v63  }
0x2b: {  	_ =	swait.ge [sflag:s10], $0x2800  }
0x2c: {  	[sflag:s10] =	ssyncset.done $0x0  }
0x2d: {  	[sflag:s10] =	ssyncadd.s32 $0xFFFFD800  }
0x2e: {  	_ =	sfence.sel $0x180000  }
0x2f: {  	[bflag:$0x0] =	sbarrier.arrive $0xFFFF  }
0x30: {  	p0 =	sne.s32 s0, $0x0;
	_ =	strace $0x90000047  }
0x31: {  	s0 =	sadd.s32 @!p0 $0x100000, s1;
	[bflag:$0x2] =	sbarrier.arrive $0xFFFF  }
0x32: {  	[sflag:s0] =	ssyncadd.tile.s32 @!p0 $0x1;
	_ =	shalt  }
.Lfunc_end2:
_tile_overlayer_lowered:
.L_overlay_start_2:
0x33: {  	(tag) =	ssettag $0x2  }
0x34: {  	s0 =	rddreg [dreg:$0x0];
	s2 =	stileid.u32  }
0x35: {  	s1 =	rddreg [dreg:$0x1];
	p0 =	sne.s32 s2, $0x0  }
0x36: {  	s3 =	rddreg [dreg:$0x2];
	[bflag:$0x3] =	sbarrier.arrive $0xFFFF;
	s2 =	simm.s32 @!p0 $0x1C01  }
0x37: {  	[timem:s3], [sflag:s2] =	dma.local @!p0 [hbm:s0], s1  }
0x38: {  	s0 =	simm.s32 @!p0 $0x1  }
0x39: {  	_ =	swait.ge @!p0 [sflag:s0], s1  }
0x3a: {  	s1 =	ssub.s32 @!p0 $0x0, s1;
	[sflag:s0] =	ssyncset.done @!p0 $0x0  }
0x3b: {  	[sflag:s0] =	ssyncadd.s32 @!p0 s1  }
0x3c: {  	[bflag:$0x3] =	sbarrier.arrive $0xFFFF  }
0x3d: {  	_ =	shalt  }

</sc_bundles>
